<compile_context>
chip_gen: v7x
topology: tpu7x:2x2x1
jax: 0.10.2.dev20260603
libtpu: 0.0.44.dev20260713+nightly
codegen_flags: <defaults>
</compile_context>

<pallas_src>
import functools

import jax
import jax.numpy as jnp
from jax import lax
from jax.experimental import pallas as pl
from jax.experimental.pallas import tpu as pltpu
from jax.experimental.pallas import tpu_sc as plsc

N = 10000
NP = 10240
E = 320000
F = 128
G = 256
NC = 2
NS = 16
L = 16

CH = 125
NCHUNK = 160
NCHUNKD = 80
RPT = NP // NS
ZR = 128
DW = 16

_MESH = dict(core_axis_name="c", subcore_axis_name="s", num_cores=NC,
             num_subcores=NS)


def _fill_rows(ref, rows, width, value):
  vec = jnp.full((L,), value, jnp.float32)

  @pl.loop(0, rows)
  def _(i):
    for k in range(width // L):
      ref[i, pl.ds(k * L, L)] = vec


NB = 4


def _agg_main_loop(hs_hbm, acc, src_v, dst_v, gbs, gsems, ssems):

  def fire_g(j, b):
    pltpu.async_copy(hs_hbm.at[src_v.at[j]], gbs[b], gsems[b])

  def wait_g(j, b):
    pltpu.make_async_copy(hs_hbm.at[src_v.at[j]], gbs[b], gsems[b]).wait()

  def fire_s(j, b):
    pltpu.async_copy(gbs[b], acc.at[dst_v.at[j]], ssems[b], add=True)

  def wait_s(b):
    pltpu.make_async_copy(gbs[b], acc.at[dst_v.at[0]], ssems[b]).wait()

  for b in range(NB - 1):
    fire_g(b, b)

  @pl.loop(0, NCHUNK // NB)
  def _(jj):
    for k in range(NB):
      j = NB * jj + k
      wait_g(j, k)
      fire_s(j, k)
      nb = (k + NB - 1) % NB
      jn = j + NB - 1

      @pl.when(jn < NCHUNK)
      def _():
        if k == 0:
          @pl.when(jj >= 1)
          def _():
            wait_s(nb)
        else:
          wait_s(nb)
        fire_g(jn, nb)

  for b in range(NB):
    wait_s(b)


def _make_edge_agg(dh):
  mesh = plsc.VectorSubcoreMesh(**_MESH)

  @functools.partial(
      pl.kernel,
      out_type=jax.ShapeDtypeStruct((2 * NP, dh), jnp.float32),
      mesh=mesh,
      compiler_params=pltpu.CompilerParams(use_tc_tiling_on_sc=False),
      scratch_types=[
          pltpu.VMEM((NCHUNK, CH), jnp.int32),
          pltpu.VMEM((NCHUNK, CH), jnp.int32),
          pltpu.VMEM((NB, CH, dh), jnp.float32),
          pltpu.VMEM((ZR, dh), jnp.float32),
          pltpu.VMEM_SHARED((NP, dh), jnp.float32),
      ] + [pltpu.SemaphoreType.DMA] * (2 * NB),
  )
  def agg(hs_hbm, src_hbm, dst_hbm, out_hbm, src_v, dst_v, gbr, zbuf,
          acc, *sems):
    c = lax.axis_index("c")
    s = lax.axis_index("s")
    _fill_rows(zbuf, ZR, dh, 0.0)

    @pl.loop(0, RPT // ZR)
    def _(r):
      pltpu.sync_copy(zbuf, acc.at[pl.ds(s * RPT + r * ZR, ZR)])

    pltpu.sync_copy(src_hbm.at[c * NS + s], src_v)
    pltpu.sync_copy(dst_hbm.at[s], dst_v)
    plsc.subcore_barrier()
    gbs = [gbr.at[b] for b in range(NB)]
    _agg_main_loop(hs_hbm, acc, src_v, dst_v, gbs, sems[:NB], sems[NB:])
    plsc.subcore_barrier()

    @pl.loop(0, RPT // ZR)
    def _(r):
      pltpu.sync_copy(acc.at[pl.ds(s * RPT + r * ZR, ZR)], zbuf)
      pltpu.sync_copy(zbuf, out_hbm.at[pl.ds(c * NP + s * RPT + r * ZR, ZR)])

  return agg


def _make_edge_agg3():
  mesh = plsc.VectorSubcoreMesh(**_MESH)
  qh = 64

  @functools.partial(
      pl.kernel,
      out_type=jax.ShapeDtypeStruct((4 * NP, qh), jnp.float32),
      mesh=mesh,
      compiler_params=pltpu.CompilerParams(use_tc_tiling_on_sc=False),
      scratch_types=[
          pltpu.VMEM((NCHUNK, CH), jnp.int32),
          pltpu.VMEM((NCHUNK, CH), jnp.int32),
          pltpu.VMEM((NB, CH, qh), jnp.float32),
          pltpu.VMEM((ZR, qh), jnp.float32),
          pltpu.VMEM_SHARED((NP, qh), jnp.float32),
      ] + [pltpu.SemaphoreType.DMA] * (2 * NB),
  )
  def agg3(hs_hbm, srcA_hbm, srcB_hbm, dst_hbm, out_hbm, src_v, dst_v,
           gbr, zbuf, acc, *sems):
    c = lax.axis_index("c")
    s = lax.axis_index("s")
    pltpu.sync_copy(dst_hbm.at[s], dst_v)
    gbs = [gbr.at[b] for b in range(NB)]

    for p, src_hbm in ((0, srcA_hbm), (1, srcB_hbm)):
      q = 2 * p + c
      _fill_rows(zbuf, ZR, qh, 0.0)

      @pl.loop(0, RPT // ZR)
      def _(r):
        pltpu.sync_copy(zbuf, acc.at[pl.ds(s * RPT + r * ZR, ZR)])

      pltpu.sync_copy(src_hbm.at[c * NS + s], src_v)
      plsc.subcore_barrier()
      _agg_main_loop(hs_hbm, acc, src_v, dst_v, gbs, sems[:NB], sems[NB:])
      plsc.subcore_barrier()

      @pl.loop(0, RPT // ZR)
      def _(r):
        pltpu.sync_copy(acc.at[pl.ds(s * RPT + r * ZR, ZR)], zbuf)
        pltpu.sync_copy(zbuf,
                        out_hbm.at[pl.ds(q * NP + s * RPT + r * ZR, ZR)])

  return agg3


def _make_deg():
  mesh = plsc.VectorSubcoreMesh(**_MESH)

  @functools.partial(
      pl.kernel,
      out_type=jax.ShapeDtypeStruct((2 * NP, DW), jnp.float32),
      mesh=mesh,
      compiler_params=pltpu.CompilerParams(use_tc_tiling_on_sc=False),
      scratch_types=[
          pltpu.VMEM((NCHUNKD, CH), jnp.int32),
          pltpu.VMEM((CH, DW), jnp.float32),
          pltpu.VMEM((ZR, DW), jnp.float32),
          pltpu.VMEM_SHARED((NP, DW), jnp.float32),
      ],
  )
  def deg(dst_hbm, out_hbm, idx_v, ones_b, zbuf, acc):
    c = lax.axis_index("c")
    s = lax.axis_index("s")
    wid = c * NS + s
    _fill_rows(ones_b, CH, DW, 1.0)
    _fill_rows(zbuf, ZR, DW, 0.0)

    @pl.loop(0, RPT // ZR)
    def _(r):
      pltpu.sync_copy(zbuf, acc.at[pl.ds(s * RPT + r * ZR, ZR)])

    pltpu.sync_copy(dst_hbm.at[wid], idx_v)
    plsc.subcore_barrier()

    @pl.loop(0, NCHUNKD)
    def _(j):
      pltpu.sync_copy(ones_b, acc.at[idx_v.at[j]], add=True)

    plsc.subcore_barrier()

    @pl.loop(0, RPT // ZR)
    def _(r):
      pltpu.sync_copy(acc.at[pl.ds(s * RPT + r * ZR, ZR)], zbuf)
      pltpu.sync_copy(zbuf, out_hbm.at[pl.ds(c * NP + s * RPT + r * ZR, ZR)])

  return deg


def _make_segmax():
  mesh = plsc.VectorSubcoreMesh(**_MESH)
  dh = 128

  @functools.partial(
      pl.kernel,
      out_type=jax.ShapeDtypeStruct((NC * NS * G, dh), jnp.float32),
      mesh=mesh,
      compiler_params=pltpu.CompilerParams(use_tc_tiling_on_sc=False),
      scratch_types=[
          pltpu.VMEM((RPT + L,), jnp.int32),
          pltpu.VMEM((RPT + L,), jnp.float32),
          pltpu.VMEM((ZR, 64), jnp.float32),
          pltpu.VMEM((ZR, 64), jnp.float32),
          pltpu.VMEM((ZR, dh), jnp.float32),
          pltpu.VMEM((G, dh), jnp.float32),
      ],
  )
  def smx(acc_hbm, selfc_hbm, dinv_hbm, batch_hbm, out_hbm,
          batch_v, dinv_v, ca, cb, csc, outp):
    c = lax.axis_index("c")
    s = lax.axis_index("s")
    wid = c * NS + s
    _fill_rows(outp, G, dh, -jnp.inf)
    pltpu.sync_copy(batch_hbm.at[s], batch_v.at[pl.ds(0, RPT)])
    pltpu.sync_copy(dinv_hbm.at[s], dinv_v.at[pl.ds(0, RPT)])

    @pl.loop(0, RPT // ZR)
    def _(r):
      base = s * RPT + r * ZR
      pltpu.sync_copy(acc_hbm.at[pl.ds(2 * c * NP + base, ZR)], ca)
      pltpu.sync_copy(acc_hbm.at[pl.ds((2 * c + 1) * NP + base, ZR)], cb)
      pltpu.sync_copy(selfc_hbm.at[pl.ds(c * NP + base, ZR)], csc)

      @pl.loop(0, ZR)
      def _(i):
        @pl.when(base + i < N)
        def _():
          b = batch_v[pl.ds(r * ZR + i, L)][0]
          d = dinv_v[pl.ds(r * ZR + i, L)][0]
          for k in range(dh // L):
            sl = pl.ds(k * L, L)
            if k < 4:
              a = ca[i, pl.ds(k * L, L)]
            else:
              a = cb[i, pl.ds((k - 4) * L, L)]
            h = jnp.maximum(d * a + csc[i, sl], 0.0)
            outp[b, sl] = jnp.maximum(outp[b, sl], h)

    pltpu.sync_copy(outp, out_hbm.at[pl.ds(wid * G, G)])

  return smx


_make_edge_agg = functools.cache(_make_edge_agg)
_make_edge_agg3 = functools.cache(_make_edge_agg3)
_make_deg = functools.cache(_make_deg)
_make_segmax = functools.cache(_make_segmax)




def _write_quarters(hs_ref, hs, qw, nq):
  zpad = jnp.zeros((NP - N, qw), jnp.float32)
  for q in range(nq):
    hs_ref[q * NP:q * NP + N, :] = hs[:, q * qw:(q + 1) * qw]
    hs_ref[q * NP + N:(q + 1) * NP, :] = zpad


def _tc1_body(x_ref, batch_ref, dacc_ref, gamma_ref, beta_ref, w1_ref, b1_ref,
              hs_ref, selfc_ref, dinv_ref):
  x = x_ref[...]
  deg = 1.0 + dacc_ref[0:N, 0] + dacc_ref[NP:NP + N, 0]
  dinv = lax.rsqrt(jnp.maximum(deg, 1.0))
  dinv_ref[...] = dinv

  batch = batch_ref[...]
  onehot = (batch[:, None] == lax.broadcasted_iota(jnp.int32, (N, G), 1))
  onehot = onehot.astype(jnp.float32)
  cnt = jnp.maximum(jnp.sum(onehot, axis=0), 1.0)
  s1 = lax.dot_general(onehot, x, (((0,), (0,)), ((), ())),
                       preferred_element_type=jnp.float32)
  s2 = lax.dot_general(onehot, x * x, (((0,), (0,)), ((), ())),
                       preferred_element_type=jnp.float32)
  mean = s1 / cnt[:, None]
  var = s2 / cnt[:, None] - mean * mean
  invstd = lax.rsqrt(var + 1e-5)
  ga = gamma_ref[0]
  a = invstd * ga
  b = beta_ref[0] - mean * a
  an = jnp.dot(onehot, a, preferred_element_type=jnp.float32)
  bn = jnp.dot(onehot, b, preferred_element_type=jnp.float32)
  xn = x * an + bn

  hw = jnp.dot(xn, w1_ref[...], preferred_element_type=jnp.float32)
  hs = hw * dinv[:, None]
  _write_quarters(hs_ref, hs, 32, 2)
  selfc_ref[...] = hw * (dinv * dinv)[:, None] + b1_ref[...][None, :]


def _tc_mid_body(dout, nq, split_selfc, acc_ref, selfc_ref, dinv_ref, w_ref,
                 b_ref, hs_ref, selfc2_ref):
  dinv = dinv_ref[...]
  accf = jnp.concatenate([acc_ref[0:N, :], acc_ref[NP:NP + N, :]], axis=1)
  h = jnp.maximum(dinv[:, None] * accf + selfc_ref[...], 0.0)
  hw = jnp.dot(h, w_ref[...], preferred_element_type=jnp.float32)
  hs = hw * dinv[:, None]
  _write_quarters(hs_ref, hs, dout // nq, nq)
  selfc2 = hw * (dinv * dinv)[:, None] + b_ref[...][None, :]
  if split_selfc:
    for hf in range(2):
      selfc2_ref[hf * NP:hf * NP + N, :] = (
          selfc2[:, hf * (dout // 2):(hf + 1) * (dout // 2)])
  else:
    selfc2_ref[...] = selfc2


def _tc5_body(seg_ref, lw1_ref, lb1_ref, lw2_ref, lb2_ref, out_ref):
  seg = seg_ref[...]
  g0 = jnp.max(seg[0:NS * G].reshape(NS, G, 128), axis=0)
  g1 = jnp.max(seg[NS * G:].reshape(NS, G, 128), axis=0)
  g = jnp.concatenate([g0, g1], axis=1)
  g = jnp.maximum(jnp.dot(g, lw1_ref[...], preferred_element_type=jnp.float32)
                  + lb1_ref[...][None, :], 0.0)
  out_ref[...] = (jnp.dot(g, lw2_ref[...], preferred_element_type=jnp.float32)
                  + lb2_ref[...][None, :])


def _f32(shape):
  return jax.ShapeDtypeStruct(shape, jnp.float32)


_TC_BIG = pltpu.CompilerParams(vmem_limit_bytes=100 * 1024 * 1024)


def kernel(x, edge_index, batch, gamma, beta, W1, b1, W2, b2, W3, b3,
           LW1, Lb1, LW2, Lb2):
  src = edge_index[0]
  dst = edge_index[1]
  s0 = src.reshape(NS, NCHUNK, CH)
  srcI = jnp.concatenate([s0, s0 + NP], axis=0)
  srcI3a = srcI
  srcI3b = jnp.concatenate([s0 + 2 * NP, s0 + 3 * NP], axis=0)
  dstI = dst.reshape(NS, NCHUNK, CH)
  dstId = dst.reshape(NC * NS, NCHUNKD, CH)
  batchI = jnp.concatenate(
      [batch, jnp.zeros((NP - N,), batch.dtype)]).reshape(NS, RPT)

  dacc = _make_deg()(dstId)

  hs1, selfc1, dinv = pl.pallas_call(
      _tc1_body,
      out_shape=[_f32((2 * NP, 32)), _f32((N, 64)), _f32((N,))],
  )(x, batch, dacc, gamma, beta, W1, b1)

  acc1 = _make_edge_agg(32)(hs1, srcI, dstI)

  hs2, selfc2 = pl.pallas_call(
      functools.partial(_tc_mid_body, 128, 2, False),
      out_shape=[_f32((2 * NP, 64)), _f32((N, 128))],
      compiler_params=_TC_BIG,
  )(acc1, selfc1, dinv, W2, b2)

  acc2 = _make_edge_agg(64)(hs2, srcI, dstI)

  hs3, selfc3 = pl.pallas_call(
      functools.partial(_tc_mid_body, 256, 4, True),
      out_shape=[_f32((4 * NP, 64)), _f32((2 * NP, 128))],
      compiler_params=_TC_BIG,
  )(acc2, selfc2, dinv, W3, b3)

  acc3 = _make_edge_agg3()(hs3, srcI3a, srcI3b, dstI)

  dinvI = jnp.concatenate(
      [dinv, jnp.zeros((NP - N,), jnp.float32)]).reshape(NS, RPT)
  segp = _make_segmax()(acc3, selfc3, dinvI, batchI)

  out = pl.pallas_call(
      _tc5_body,
      out_shape=_f32((G, 128)),
  )(segp, LW1, Lb1, LW2, Lb2)
  return out

# --- scband reference (transcript-rebuilt; emitter-appended) ---
"""Pipeline reference for scband-fingerprints-model-94489280783 (READ-ONLY COPY).

The authoritative reference and input builder live on the scoring server;
editing this copy changes nothing except your own understanding.
"""

import jax, jax.numpy as jnp
import numpy as np

N = 10000
E = 320000
F = 128
H = 64
G = 256
T = 128

def setup_inputs(seed: int = 0):
    key = jax.random.key(seed)
    ks = jax.random.split(key, 20)
    def w(k, shape, fan_in):
        return jax.random.normal(k, shape, jnp.float32) / np.sqrt(fan_in)
    inp = {}
    inp["x"] = jax.random.normal(ks[0], (N, F), jnp.float32)
    inp["edge_index"] = jax.random.randint(ks[1], (2, E), 0, N, dtype=jnp.int32)
    inp["batch"] = jnp.sort(jax.random.randint(ks[2], (N,), 0, G, dtype=jnp.int32))
    inp["gamma"] = jnp.ones((1,), jnp.float32)
    inp["beta"] = jnp.zeros((1,), jnp.float32)
    inp["W1"] = w(ks[3], (F, H), F)
    inp["b1"] = jnp.zeros((H,), jnp.float32)
    inp["W2"] = w(ks[4], (H, 2 * H), H)
    inp["b2"] = jnp.zeros((2 * H,), jnp.float32)
    inp["W3"] = w(ks[5], (2 * H, 4 * H), 2 * H)
    inp["b3"] = jnp.zeros((4 * H,), jnp.float32)
    inp["LW1"] = w(ks[6], (4 * H, 256), 4 * H)
    inp["Lb1"] = jnp.zeros((256,), jnp.float32)
    inp["LW2"] = w(ks[7], (256, T), 256)
    inp["Lb2"] = jnp.zeros((T,), jnp.float32)
    return inp

def _instance_norm(x, batch, gamma, beta):
    cnt = jax.ops.segment_sum(jnp.ones((x.shape[0],), x.dtype), batch, num_segments=G)
    cnt = jnp.maximum(cnt, 1.0)
    mean = jax.ops.segment_sum(x, batch, num_segments=G) / cnt[:, None]
    xc = x - mean[batch]
    var = jax.ops.segment_sum(xc * xc, batch, num_segments=G) / cnt[:, None]
    xn = xc / jnp.sqrt(var[batch] + 1e-5)
    return xn * gamma + beta

def _gcn_conv(x, W, b, src, dst, dinv):
    h = x @ W
    norm = dinv[src] * dinv[dst]
    msg = h[src] * norm[:, None]
    out = jax.ops.segment_sum(msg, dst, num_segments=x.shape[0])
    return out + b

def reference(x, edge_index, batch, gamma, beta, W1, b1, W2, b2, W3, b3, LW1, Lb1, LW2, Lb2):
    n = x.shape[0]
    loop = jnp.arange(n, dtype=edge_index.dtype)
    src = jnp.concatenate([edge_index[0], loop])
    dst = jnp.concatenate([edge_index[1], loop])
    deg = jax.ops.segment_sum(jnp.ones((src.shape[0],), jnp.float32), dst, num_segments=n)
    dinv = jax.lax.rsqrt(jnp.maximum(deg, 1.0))
    h = _instance_norm(x, batch, gamma, beta)
    h = jax.nn.relu(_gcn_conv(h, W1, b1, src, dst, dinv))
    h = jax.nn.relu(_gcn_conv(h, W2, b2, src, dst, dinv))
    h = jax.nn.relu(_gcn_conv(h, W3, b3, src, dst, dinv))
    g = jax.ops.segment_max(h, batch, num_segments=G)
    g = jax.nn.relu(g @ LW1 + Lb1)
    return g @ LW2 + Lb2

if __name__ == "__main__":
    import jax
    _d = setup_inputs()
    print(jax.jit(kernel)(*tuple(_d.values())))

</pallas_src>

<mosaic_0001>
#map = affine_map<(d0, d1) -> (0, 0)>
#map1 = affine_map<(d0, d1) -> (0, 0, 0)>
module attributes {stable_mosaic.version = 14 : i64} {
  func.func @agg(%arg0: i32, %arg1: i32, %arg2: memref<20480x64xf32, #tpu.memory_space<hbm>>, %arg3: memref<32x160x125xi32, #tpu.memory_space<hbm>>, %arg4: memref<16x160x125xi32, #tpu.memory_space<hbm>>, %arg5: memref<20480x64xf32, #tpu.memory_space<hbm>>, %arg6: memref<160x125xi32, #tpu.memory_space<vmem>>, %arg7: memref<160x125xi32, #tpu.memory_space<vmem>>, %arg8: memref<4x125x64xf32, #tpu.memory_space<vmem>>, %arg9: memref<128x64xf32, #tpu.memory_space<vmem>>, %arg10: memref<10240x64xf32, #tpu.memory_space<vmem_shared>>, %arg11: memref<!tpu.dma_semaphore, #tpu.memory_space<semaphore_mem>>, %arg12: memref<!tpu.dma_semaphore, #tpu.memory_space<semaphore_mem>>, %arg13: memref<!tpu.dma_semaphore, #tpu.memory_space<semaphore_mem>>, %arg14: memref<!tpu.dma_semaphore, #tpu.memory_space<semaphore_mem>>, %arg15: memref<!tpu.dma_semaphore, #tpu.memory_space<semaphore_mem>>, %arg16: memref<!tpu.dma_semaphore, #tpu.memory_space<semaphore_mem>>, %arg17: memref<!tpu.dma_semaphore, #tpu.memory_space<semaphore_mem>>, %arg18: memref<!tpu.dma_semaphore, #tpu.memory_space<semaphore_mem>>) attributes {dimension_semantics = [#tpu.dimension_semantics<core_parallel>, #tpu.dimension_semantics<subcore_parallel>], iteration_bounds = array<i64: 2, 16>, scalar_prefetch = 0 : i64, scratch_operands = 13 : i64, tpu.core_type = #tpu.core_type<sc_vector_subcore>, window_params = [{transform_indices = #map}, {transform_indices = #map1}, {transform_indices = #map1}, {transform_indices = #map}]} {
    %broadcast_in_dim3A = arith.constant 0.000000e+00 : f32
    %broadcast_in_dim3A_0 = vector.broadcast %broadcast_in_dim3A : f32 to vector<16xf32>
    %scan3A = arith.constant 0 : i32
    %scan3A_1 = arith.constant 128 : i32
    %scan3A_2 = arith.addi %scan3A, %scan3A_1 : i32
    %scan3A_3 = arith.constant 1 : i32
    scf.for %scan3A_108 = %scan3A to %scan3A_2 step %scan3A_3  : i32 {
      %mul3A_109 = arith.constant 1 : i32
      %mul3A_110 = arith.muli %scan3A_108, %mul3A_109 : i32
      %add3A_111 = arith.constant 0 : i32
      %add3A_112 = arith.addi %add3A_111, %mul3A_110 : i32
      %swap3A = arith.index_cast %add3A_112 : i32 to index
      %swap3A_113 = arith.constant 0 : index
      %swap3A_114 = tpu.vector_load %arg9[%swap3A, %swap3A_113] {strides = array<i32>} : memref<128x64xf32, #tpu.memory_space<vmem>>, vector<1x16xf32>,
      %swap3A_115 = vector.shape_cast %swap3A_114 : vector<1x16xf32> to vector<16xf32>
      %swap3A_116 = vector.shape_cast %broadcast_in_dim3A_0 : vector<16xf32> to vector<1x16xf32>
      tpu.vector_store %arg9[%swap3A, %swap3A_113], %swap3A_116 {strides = array<i32>} : memref<128x64xf32, #tpu.memory_space<vmem>>, vector<1x16xf32>,
      %swap3A_117 = arith.index_cast %add3A_112 : i32 to index
      %swap3A_118 = arith.constant 16 : index
      %swap3A_119 = tpu.vector_load %arg9[%swap3A_117, %swap3A_118] {strides = array<i32>} : memref<128x64xf32, #tpu.memory_space<vmem>>, vector<1x16xf32>,
      %swap3A_120 = vector.shape_cast %swap3A_119 : vector<1x16xf32> to vector<16xf32>
      %swap3A_121 = vector.shape_cast %broadcast_in_dim3A_0 : vector<16xf32> to vector<1x16xf32>
      tpu.vector_store %arg9[%swap3A_117, %swap3A_118], %swap3A_121 {strides = array<i32>} : memref<128x64xf32, #tpu.memory_space<vmem>>, vector<1x16xf32>,
      %swap3A_122 = arith.index_cast %add3A_112 : i32 to index
      %swap3A_123 = arith.constant 32 : index
      %swap3A_124 = tpu.vector_load %arg9[%swap3A_122, %swap3A_123] {strides = array<i32>} : memref<128x64xf32, #tpu.memory_space<vmem>>, vector<1x16xf32>,
      %swap3A_125 = vector.shape_cast %swap3A_124 : vector<1x16xf32> to vector<16xf32>
      %swap3A_126 = vector.shape_cast %broadcast_in_dim3A_0 : vector<16xf32> to vector<1x16xf32>
      tpu.vector_store %arg9[%swap3A_122, %swap3A_123], %swap3A_126 {strides = array<i32>} : memref<128x64xf32, #tpu.memory_space<vmem>>, vector<1x16xf32>,
      %swap3A_127 = arith.index_cast %add3A_112 : i32 to index
      %swap3A_128 = arith.constant 48 : index
      %swap3A_129 = tpu.vector_load %arg9[%swap3A_127, %swap3A_128] {strides = array<i32>} : memref<128x64xf32, #tpu.memory_space<vmem>>, vector<1x16xf32>,
      %swap3A_130 = vector.shape_cast %swap3A_129 : vector<1x16xf32> to vector<16xf32>
      %swap3A_131 = vector.shape_cast %broadcast_in_dim3A_0 : vector<16xf32> to vector<1x16xf32>
      tpu.vector_store %arg9[%swap3A_127, %swap3A_128], %swap3A_131 {strides = array<i32>} : memref<128x64xf32, #tpu.memory_space<vmem>>, vector<1x16xf32>,
    }
    %scan3A_4 = arith.constant 128 : i32
    %scan3A_5 = arith.constant 0 : i32
    %scan3A_6 = arith.constant 5 : i32
    %scan3A_7 = arith.addi %scan3A_5, %scan3A_6 : i32
    %scan3A_8 = arith.constant 1 : i32
    scf.for %scan3A_108 = %scan3A_5 to %scan3A_7 step %scan3A_8  : i32 {
      %mul3A_109 = arith.constant 1 : i32
      %mul3A_110 = arith.muli %scan3A_108, %mul3A_109 : i32
      %add3A_111 = arith.constant 0 : i32
      %add3A_112 = arith.addi %add3A_111, %mul3A_110 : i32
      %mul3A_113 = arith.constant 640 : i32
      %mul3A_114 = arith.muli %arg1, %mul3A_113 : i32
      %mul3A_115 = arith.constant 128 : i32
      %mul3A_116 = arith.muli %add3A_112, %mul3A_115 : i32
      %add3A_117 = arith.addi %mul3A_114, %mul3A_116 : i32
      "tpu.region"() ({
        %run_scoped3A = tpu.sem_alloc : memref<!tpu.dma_semaphore, #tpu.memory_space<semaphore_mem>>
        %dma_start3A_118 = arith.constant 0 : i32
        %dma_start3A_119 = tpu.memref_slice %arg10[%add3A_117, %dma_start3A_118] : memref<10240x64xf32, #tpu.memory_space<vmem_shared>> -> memref<128x64xf32, #tpu.memory_space<vmem_shared>>
        %dma_start3A_120 = arith.constant 0 : i32
        %dma_start3A_121 = tpu.memref_slice %arg10[%add3A_117, %dma_start3A_120] : memref<10240x64xf32, #tpu.memory_space<vmem_shared>> -> memref<128x64xf32, #tpu.memory_space<vmem_shared>>
        tpu.enqueue_dma source(%arg9 : memref<128x64xf32, #tpu.memory_space<vmem>>) target(%dma_start3A_121 : memref<128x64xf32, #tpu.memory_space<vmem_shared>>) target_semaphore(%run_scoped3A : memref<!tpu.dma_semaphore, #tpu.memory_space<semaphore_mem>>)
        %dma_wait3A_122 = arith.constant 0 : i32
        %dma_wait3A_123 = tpu.memref_slice %arg10[%add3A_117, %dma_wait3A_122] : memref<10240x64xf32, #tpu.memory_space<vmem_shared>> -> memref<128x64xf32, #tpu.memory_space<vmem_shared>>
        %dma_wait3A_124 = arith.constant 0 : i32
        %dma_wait3A_125 = tpu.memref_slice %arg10[%add3A_117, %dma_wait3A_124] : memref<10240x64xf32, #tpu.memory_space<vmem_shared>> -> memref<128x64xf32, #tpu.memory_space<vmem_shared>>
        tpu.wait_dma2 semaphore(%run_scoped3A : memref<!tpu.dma_semaphore, #tpu.memory_space<semaphore_mem>>) src(%arg9 : memref<128x64xf32, #tpu.memory_space<vmem>>) dst(%dma_wait3A_125 : memref<128x64xf32, #tpu.memory_space<vmem_shared>>)
        tpu.yield
      }) : () -> ()
    }
    %scan3A_9 = arith.constant 5 : i32
    %mul3A = arith.constant 16 : i32
    %mul3A_10 = arith.muli %arg0, %mul3A : i32
    %add3A = arith.addi %mul3A_10, %arg1 : i32
    "tpu.region"() ({
      %run_scoped3A = tpu.sem_alloc : memref<!tpu.dma_semaphore, #tpu.memory_space<semaphore_mem>>
      %dma_start3A_108 = arith.constant 0 : i32
      %dma_start3A_109 = arith.constant 0 : i32
      %dma_start3A_110 = tpu.memref_slice %arg3[%add3A, %dma_start3A_108, %dma_start3A_109] : memref<32x160x125xi32, #tpu.memory_space<hbm>> -> memref<1x160x125xi32, #tpu.memory_space<hbm>>
      %dma_start3A_111 = tpu.memref_squeeze %dma_start3A_110 : memref<1x160x125xi32, #tpu.memory_space<hbm>> -> memref<160x125xi32, #tpu.memory_space<hbm>>
      %dma_start3A_112 = arith.constant 0 : i32
      %dma_start3A_113 = arith.constant 0 : i32
      %dma_start3A_114 = tpu.memref_slice %arg3[%add3A, %dma_start3A_112, %dma_start3A_113] : memref<32x160x125xi32, #tpu.memory_space<hbm>> -> memref<1x160x125xi32, #tpu.memory_space<hbm>>
      %dma_start3A_115 = tpu.memref_squeeze %dma_start3A_114 : memref<1x160x125xi32, #tpu.memory_space<hbm>> -> memref<160x125xi32, #tpu.memory_space<hbm>>
      tpu.enqueue_dma source(%dma_start3A_115 : memref<160x125xi32, #tpu.memory_space<hbm>>) target(%arg6 : memref<160x125xi32, #tpu.memory_space<vmem>>) target_semaphore(%run_scoped3A : memref<!tpu.dma_semaphore, #tpu.memory_space<semaphore_mem>>)
      %dma_wait3A_116 = arith.constant 0 : i32
      %dma_wait3A_117 = arith.constant 0 : i32
      %dma_wait3A_118 = tpu.memref_slice %arg3[%add3A, %dma_wait3A_116, %dma_wait3A_117] : memref<32x160x125xi32, #tpu.memory_space<hbm>> -> memref<1x160x125xi32, #tpu.memory_space<hbm>>
      %dma_wait3A_119 = tpu.memref_squeeze %dma_wait3A_118 : memref<1x160x125xi32, #tpu.memory_space<hbm>> -> memref<160x125xi32, #tpu.memory_space<hbm>>
      %dma_wait3A_120 = arith.constant 0 : i32
      %dma_wait3A_121 = arith.constant 0 : i32
      %dma_wait3A_122 = tpu.memref_slice %arg3[%add3A, %dma_wait3A_120, %dma_wait3A_121] : memref<32x160x125xi32, #tpu.memory_space<hbm>> -> memref<1x160x125xi32, #tpu.memory_space<hbm>>
      %dma_wait3A_123 = tpu.memref_squeeze %dma_wait3A_122 : memref<1x160x125xi32, #tpu.memory_space<hbm>> -> memref<160x125xi32, #tpu.memory_space<hbm>>
      tpu.wait_dma2 semaphore(%run_scoped3A : memref<!tpu.dma_semaphore, #tpu.memory_space<semaphore_mem>>) src(%dma_wait3A_123 : memref<160x125xi32, #tpu.memory_space<hbm>>) dst(%arg6 : memref<160x125xi32, #tpu.memory_space<vmem>>)
      tpu.yield
    }) : () -> ()
    "tpu.region"() ({
      %run_scoped3A = tpu.sem_alloc : memref<!tpu.dma_semaphore, #tpu.memory_space<semaphore_mem>>
      %dma_start3A_108 = arith.constant 0 : i32
      %dma_start3A_109 = arith.constant 0 : i32
      %dma_start3A_110 = tpu.memref_slice %arg4[%arg1, %dma_start3A_108, %dma_start3A_109] : memref<16x160x125xi32, #tpu.memory_space<hbm>> -> memref<1x160x125xi32, #tpu.memory_space<hbm>>
      %dma_start3A_111 = tpu.memref_squeeze %dma_start3A_110 : memref<1x160x125xi32, #tpu.memory_space<hbm>> -> memref<160x125xi32, #tpu.memory_space<hbm>>
      %dma_start3A_112 = arith.constant 0 : i32
      %dma_start3A_113 = arith.constant 0 : i32
      %dma_start3A_114 = tpu.memref_slice %arg4[%arg1, %dma_start3A_112, %dma_start3A_113] : memref<16x160x125xi32, #tpu.memory_space<hbm>> -> memref<1x160x125xi32, #tpu.memory_space<hbm>>
      %dma_start3A_115 = tpu.memref_squeeze %dma_start3A_114 : memref<1x160x125xi32, #tpu.memory_space<hbm>> -> memref<160x125xi32, #tpu.memory_space<hbm>>
      tpu.enqueue_dma source(%dma_start3A_115 : memref<160x125xi32, #tpu.memory_space<hbm>>) target(%arg7 : memref<160x125xi32, #tpu.memory_space<vmem>>) target_semaphore(%run_scoped3A : memref<!tpu.dma_semaphore, #tpu.memory_space<semaphore_mem>>)
      %dma_wait3A_116 = arith.constant 0 : i32
      %dma_wait3A_117 = arith.constant 0 : i32
      %dma_wait3A_118 = tpu.memref_slice %arg4[%arg1, %dma_wait3A_116, %dma_wait3A_117] : memref<16x160x125xi32, #tpu.memory_space<hbm>> -> memref<1x160x125xi32, #tpu.memory_space<hbm>>
      %dma_wait3A_119 = tpu.memref_squeeze %dma_wait3A_118 : memref<1x160x125xi32, #tpu.memory_space<hbm>> -> memref<160x125xi32, #tpu.memory_space<hbm>>
      %dma_wait3A_120 = arith.constant 0 : i32
      %dma_wait3A_121 = arith.constant 0 : i32
      %dma_wait3A_122 = tpu.memref_slice %arg4[%arg1, %dma_wait3A_120, %dma_wait3A_121] : memref<16x160x125xi32, #tpu.memory_space<hbm>> -> memref<1x160x125xi32, #tpu.memory_space<hbm>>
      %dma_wait3A_123 = tpu.memref_squeeze %dma_wait3A_122 : memref<1x160x125xi32, #tpu.memory_space<hbm>> -> memref<160x125xi32, #tpu.memory_space<hbm>>
      tpu.wait_dma2 semaphore(%run_scoped3A : memref<!tpu.dma_semaphore, #tpu.memory_space<semaphore_mem>>) src(%dma_wait3A_123 : memref<160x125xi32, #tpu.memory_space<hbm>>) dst(%arg7 : memref<160x125xi32, #tpu.memory_space<vmem>>)
      tpu.yield
    }) : () -> ()
    %barrier3A = arith.constant 0 : index
    tpu.barrier barrier_id(%barrier3A)
    %dma_start3A = arith.constant 0 : i32
    %dma_start3A_11 = arith.constant 0 : i32
    %dma_start3A_12 = arith.constant 0 : i32
    %dma_start3A_13 = arith.constant 0 : i32
    %dma_start3A_14 = tpu.memref_slice %arg8[%dma_start3A_11, %dma_start3A_12, %dma_start3A_13] : memref<4x125x64xf32, #tpu.memory_space<vmem>> -> memref<1x125x64xf32, #tpu.memory_space<vmem>>
    %dma_start3A_15 = tpu.memref_squeeze %dma_start3A_14 : memref<1x125x64xf32, #tpu.memory_space<vmem>> -> memref<125x64xf32, #tpu.memory_space<vmem>>
    %dma_start3A_16 = arith.constant 0 : i32
    %dma_start3A_17 = tpu.memref_slice %arg6[%dma_start3A, %dma_start3A_16] : memref<160x125xi32, #tpu.memory_space<vmem>> -> memref<1x125xi32, #tpu.memory_space<vmem>>
    %dma_start3A_18 = tpu.memref_squeeze %dma_start3A_17 : memref<1x125xi32, #tpu.memory_space<vmem>> -> memref<125xi32, #tpu.memory_space<vmem>>
    %dma_start3A_19 = arith.constant 0 : i32
    %dma_start3A_20 = arith.constant 0 : i32
    %dma_start3A_21 = tpu.memref_slice %arg2[%dma_start3A_19, %dma_start3A_20] : memref<20480x64xf32, #tpu.memory_space<hbm>> -> memref<20480x64xf32, #tpu.memory_space<hbm>>
    tpu.enqueue_indirect_dma source(%dma_start3A_21 : memref<20480x64xf32, #tpu.memory_space<hbm>>) target(%dma_start3A_15 : memref<125x64xf32, #tpu.memory_space<vmem>>) offsets(%dma_start3A_18 : memref<125xi32, #tpu.memory_space<vmem>>) semaphore(%arg11 : memref<!tpu.dma_semaphore, #tpu.memory_space<semaphore_mem>>)
    %dma_start3A_22 = arith.constant 1 : i32
    %dma_start3A_23 = arith.constant 1 : i32
    %dma_start3A_24 = arith.constant 0 : i32
    %dma_start3A_25 = arith.constant 0 : i32
    %dma_start3A_26 = tpu.memref_slice %arg8[%dma_start3A_23, %dma_start3A_24, %dma_start3A_25] : memref<4x125x64xf32, #tpu.memory_space<vmem>> -> memref<1x125x64xf32, #tpu.memory_space<vmem>>
    %dma_start3A_27 = tpu.memref_squeeze %dma_start3A_26 : memref<1x125x64xf32, #tpu.memory_space<vmem>> -> memref<125x64xf32, #tpu.memory_space<vmem>>
    %dma_start3A_28 = arith.constant 0 : i32
    %dma_start3A_29 = tpu.memref_slice %arg6[%dma_start3A_22, %dma_start3A_28] : memref<160x125xi32, #tpu.memory_space<vmem>> -> memref<1x125xi32, #tpu.memory_space<vmem>>
    %dma_start3A_30 = tpu.memref_squeeze %dma_start3A_29 : memref<1x125xi32, #tpu.memory_space<vmem>> -> memref<125xi32, #tpu.memory_space<vmem>>
    %dma_start3A_31 = arith.constant 0 : i32
    %dma_start3A_32 = arith.constant 0 : i32
    %dma_start3A_33 = tpu.memref_slice %arg2[%dma_start3A_31, %dma_start3A_32] : memref<20480x64xf32, #tpu.memory_space<hbm>> -> memref<20480x64xf32, #tpu.memory_space<hbm>>
    tpu.enqueue_indirect_dma source(%dma_start3A_33 : memref<20480x64xf32, #tpu.memory_space<hbm>>) target(%dma_start3A_27 : memref<125x64xf32, #tpu.memory_space<vmem>>) offsets(%dma_start3A_30 : memref<125xi32, #tpu.memory_space<vmem>>) semaphore(%arg12 : memref<!tpu.dma_semaphore, #tpu.memory_space<semaphore_mem>>)
    %dma_start3A_34 = arith.constant 2 : i32
    %dma_start3A_35 = arith.constant 2 : i32
    %dma_start3A_36 = arith.constant 0 : i32
    %dma_start3A_37 = arith.constant 0 : i32
    %dma_start3A_38 = tpu.memref_slice %arg8[%dma_start3A_35, %dma_start3A_36, %dma_start3A_37] : memref<4x125x64xf32, #tpu.memory_space<vmem>> -> memref<1x125x64xf32, #tpu.memory_space<vmem>>
    %dma_start3A_39 = tpu.memref_squeeze %dma_start3A_38 : memref<1x125x64xf32, #tpu.memory_space<vmem>> -> memref<125x64xf32, #tpu.memory_space<vmem>>
    %dma_start3A_40 = arith.constant 0 : i32
    %dma_start3A_41 = tpu.memref_slice %arg6[%dma_start3A_34, %dma_start3A_40] : memref<160x125xi32, #tpu.memory_space<vmem>> -> memref<1x125xi32, #tpu.memory_space<vmem>>
    %dma_start3A_42 = tpu.memref_squeeze %dma_start3A_41 : memref<1x125xi32, #tpu.memory_space<vmem>> -> memref<125xi32, #tpu.memory_space<vmem>>
    %dma_start3A_43 = arith.constant 0 : i32
    %dma_start3A_44 = arith.constant 0 : i32
    %dma_start3A_45 = tpu.memref_slice %arg2[%dma_start3A_43, %dma_start3A_44] : memref<20480x64xf32, #tpu.memory_space<hbm>> -> memref<20480x64xf32, #tpu.memory_space<hbm>>
    tpu.enqueue_indirect_dma source(%dma_start3A_45 : memref<20480x64xf32, #tpu.memory_space<hbm>>) target(%dma_start3A_39 : memref<125x64xf32, #tpu.memory_space<vmem>>) offsets(%dma_start3A_42 : memref<125xi32, #tpu.memory_space<vmem>>) semaphore(%arg13 : memref<!tpu.dma_semaphore, #tpu.memory_space<semaphore_mem>>)
    %scan3A_46 = arith.constant 0 : i32
    %scan3A_47 = arith.constant 3 : i32
    %scan3A_48 = arith.constant 1 : i32
    %scan3A_49 = arith.constant 2 : i32
    %scan3A_50 = arith.constant 0 : i32
    %scan3A_51 = arith.constant 40 : i32
    %scan3A_52 = arith.addi %scan3A_50, %scan3A_51 : i32
    %scan3A_53 = arith.constant 1 : i32
    scf.for %scan3A_108 = %scan3A_50 to %scan3A_52 step %scan3A_53  : i32 {
      %mul3A_109 = arith.constant 1 : i32
      %mul3A_110 = arith.muli %scan3A_108, %mul3A_109 : i32
      %add3A_111 = arith.constant 0 : i32
      %add3A_112 = arith.addi %add3A_111, %mul3A_110 : i32
      %mul3A_113 = arith.constant 4 : i32
      %mul3A_114 = arith.muli %mul3A_113, %add3A_112 : i32
      %add3A_115 = arith.constant 0 : i32
      %add3A_116 = arith.addi %mul3A_114, %add3A_115 : i32
      %dma_wait3A_117 = arith.constant 0 : i32
      %dma_wait3A_118 = arith.constant 0 : i32
      %dma_wait3A_119 = tpu.memref_slice %arg8[%scan3A_46, %dma_wait3A_117, %dma_wait3A_118] : memref<4x125x64xf32, #tpu.memory_space<vmem>> -> memref<1x125x64xf32, #tpu.memory_space<vmem>>
      %dma_wait3A_120 = tpu.memref_squeeze %dma_wait3A_119 : memref<1x125x64xf32, #tpu.memory_space<vmem>> -> memref<125x64xf32, #tpu.memory_space<vmem>>
      %dma_wait3A_121 = arith.constant 0 : i32
      %dma_wait3A_122 = tpu.memref_slice %arg6[%add3A_116, %dma_wait3A_121] : memref<160x125xi32, #tpu.memory_space<vmem>> -> memref<1x125xi32, #tpu.memory_space<vmem>>
      %dma_wait3A_123 = tpu.memref_squeeze %dma_wait3A_122 : memref<1x125xi32, #tpu.memory_space<vmem>> -> memref<125xi32, #tpu.memory_space<vmem>>
      %dma_wait3A_124 = arith.constant 0 : i32
      %dma_wait3A_125 = arith.constant 0 : i32
      %dma_wait3A_126 = tpu.memref_slice %arg2[%dma_wait3A_124, %dma_wait3A_125] : memref<20480x64xf32, #tpu.memory_space<hbm>> -> memref<20480x64xf32, #tpu.memory_space<hbm>>
      tpu.wait_indirect_dma semaphore(%arg11 : memref<!tpu.dma_semaphore, #tpu.memory_space<semaphore_mem>>) src(%dma_wait3A_126 : memref<20480x64xf32, #tpu.memory_space<hbm>>) dst(%dma_wait3A_120 : memref<125x64xf32, #tpu.memory_space<vmem>>)
      %dma_start3A_127 = arith.constant 0 : i32
      %dma_start3A_128 = arith.constant 0 : i32
      %dma_start3A_129 = tpu.memref_slice %arg8[%scan3A_46, %dma_start3A_127, %dma_start3A_128] : memref<4x125x64xf32, #tpu.memory_space<vmem>> -> memref<1x125x64xf32, #tpu.memory_space<vmem>>
      %dma_start3A_130 = tpu.memref_squeeze %dma_start3A_129 : memref<1x125x64xf32, #tpu.memory_space<vmem>> -> memref<125x64xf32, #tpu.memory_space<vmem>>
      %dma_start3A_131 = arith.constant 0 : i32
      %dma_start3A_132 = tpu.memref_slice %arg7[%add3A_116, %dma_start3A_131] : memref<160x125xi32, #tpu.memory_space<vmem>> -> memref<1x125xi32, #tpu.memory_space<vmem>>
      %dma_start3A_133 = tpu.memref_squeeze %dma_start3A_132 : memref<1x125xi32, #tpu.memory_space<vmem>> -> memref<125xi32, #tpu.memory_space<vmem>>
      %dma_start3A_134 = arith.constant 0 : i32
      %dma_start3A_135 = arith.constant 0 : i32
      %dma_start3A_136 = tpu.memref_slice %arg10[%dma_start3A_134, %dma_start3A_135] : memref<10240x64xf32, #tpu.memory_space<vmem_shared>> -> memref<10240x64xf32, #tpu.memory_space<vmem_shared>>
      tpu.enqueue_indirect_dma source(%dma_start3A_130 : memref<125x64xf32, #tpu.memory_space<vmem>>) target(%dma_start3A_136 : memref<10240x64xf32, #tpu.memory_space<vmem_shared>>) offsets(%dma_start3A_133 : memref<125xi32, #tpu.memory_space<vmem>>) semaphore(%arg15 : memref<!tpu.dma_semaphore, #tpu.memory_space<semaphore_mem>>) {add = true}
      %add3A_137 = arith.constant 4 : i32
      %add3A_138 = arith.addi %add3A_116, %add3A_137 : i32
      %sub3A = arith.constant 1 : i32
      %sub3A_139 = arith.subi %add3A_138, %sub3A : i32
      %lt3A = arith.constant 160 : i32
      %lt3A_140 = arith.cmpi slt, %sub3A_139, %lt3A : i32
      %convert_element_type3A = arith.extui %lt3A_140 : i1 to i32
      %cond3A = arith.constant 0 : i32
      %cond3A_141 = arith.cmpi ne, %convert_element_type3A, %cond3A : i32
      scf.if %cond3A_141 {
        %ge3A = arith.constant 1 : i32
        %ge3A_241 = arith.cmpi sge, %add3A_112, %ge3A : i32
        %convert_element_type3A_242 = arith.extui %ge3A_241 : i1 to i32
        %cond3A_243 = arith.constant 0 : i32
        %cond3A_244 = arith.cmpi ne, %convert_element_type3A_242, %cond3A_243 : i32
        scf.if %cond3A_244 {
          %dma_wait3A_255 = arith.constant 0 : i32
          %dma_wait3A_256 = arith.constant 0 : i32
          %dma_wait3A_257 = arith.constant 0 : i32
          %dma_wait3A_258 = tpu.memref_slice %arg8[%scan3A_47, %dma_wait3A_256, %dma_wait3A_257] : memref<4x125x64xf32, #tpu.memory_space<vmem>> -> memref<1x125x64xf32, #tpu.memory_space<vmem>>
          %dma_wait3A_259 = tpu.memref_squeeze %dma_wait3A_258 : memref<1x125x64xf32, #tpu.memory_space<vmem>> -> memref<125x64xf32, #tpu.memory_space<vmem>>
          %dma_wait3A_260 = arith.constant 0 : i32
          %dma_wait3A_261 = tpu.memref_slice %arg7[%dma_wait3A_255, %dma_wait3A_260] : memref<160x125xi32, #tpu.memory_space<vmem>> -> memref<1x125xi32, #tpu.memory_space<vmem>>
          %dma_wait3A_262 = tpu.memref_squeeze %dma_wait3A_261 : memref<1x125xi32, #tpu.memory_space<vmem>> -> memref<125xi32, #tpu.memory_space<vmem>>
          %dma_wait3A_263 = arith.constant 0 : i32
          %dma_wait3A_264 = arith.constant 0 : i32
          %dma_wait3A_265 = tpu.memref_slice %arg10[%dma_wait3A_263, %dma_wait3A_264] : memref<10240x64xf32, #tpu.memory_space<vmem_shared>> -> memref<10240x64xf32, #tpu.memory_space<vmem_shared>>
          tpu.wait_indirect_dma semaphore(%arg18 : memref<!tpu.dma_semaphore, #tpu.memory_space<semaphore_mem>>) src(%dma_wait3A_259 : memref<125x64xf32, #tpu.memory_space<vmem>>) dst(%dma_wait3A_265 : memref<10240x64xf32, #tpu.memory_space<vmem_shared>>)
        } else {
        }
        %dma_start3A_245 = arith.constant 0 : i32
        %dma_start3A_246 = arith.constant 0 : i32
        %dma_start3A_247 = tpu.memref_slice %arg8[%scan3A_47, %dma_start3A_245, %dma_start3A_246] : memref<4x125x64xf32, #tpu.memory_space<vmem>> -> memref<1x125x64xf32, #tpu.memory_space<vmem>>
        %dma_start3A_248 = tpu.memref_squeeze %dma_start3A_247 : memref<1x125x64xf32, #tpu.memory_space<vmem>> -> memref<125x64xf32, #tpu.memory_space<vmem>>
        %dma_start3A_249 = arith.constant 0 : i32
        %dma_start3A_250 = tpu.memref_slice %arg6[%sub3A_139, %dma_start3A_249] : memref<160x125xi32, #tpu.memory_space<vmem>> -> memref<1x125xi32, #tpu.memory_space<vmem>>
        %dma_start3A_251 = tpu.memref_squeeze %dma_start3A_250 : memref<1x125xi32, #tpu.memory_space<vmem>> -> memref<125xi32, #tpu.memory_space<vmem>>
        %dma_start3A_252 = arith.constant 0 : i32
        %dma_start3A_253 = arith.constant 0 : i32
        %dma_start3A_254 = tpu.memref_slice %arg2[%dma_start3A_252, %dma_start3A_253] : memref<20480x64xf32, #tpu.memory_space<hbm>> -> memref<20480x64xf32, #tpu.memory_space<hbm>>
        tpu.enqueue_indirect_dma source(%dma_start3A_254 : memref<20480x64xf32, #tpu.memory_space<hbm>>) target(%dma_start3A_248 : memref<125x64xf32, #tpu.memory_space<vmem>>) offsets(%dma_start3A_251 : memref<125xi32, #tpu.memory_space<vmem>>) semaphore(%arg14 : memref<!tpu.dma_semaphore, #tpu.memory_space<semaphore_mem>>)
      } else {
      }
      %mul3A_142 = arith.constant 4 : i32
      %mul3A_143 = arith.muli %mul3A_142, %add3A_112 : i32
      %add3A_144 = arith.constant 1 : i32
      %add3A_145 = arith.addi %mul3A_143, %add3A_144 : i32
      %dma_wait3A_146 = arith.constant 0 : i32
      %dma_wait3A_147 = arith.constant 0 : i32
      %dma_wait3A_148 = tpu.memref_slice %arg8[%scan3A_48, %dma_wait3A_146, %dma_wait3A_147] : memref<4x125x64xf32, #tpu.memory_space<vmem>> -> memref<1x125x64xf32, #tpu.memory_space<vmem>>
      %dma_wait3A_149 = tpu.memref_squeeze %dma_wait3A_148 : memref<1x125x64xf32, #tpu.memory_space<vmem>> -> memref<125x64xf32, #tpu.memory_space<vmem>>
      %dma_wait3A_150 = arith.constant 0 : i32
      %dma_wait3A_151 = tpu.memref_slice %arg6[%add3A_145, %dma_wait3A_150] : memref<160x125xi32, #tpu.memory_space<vmem>> -> memref<1x125xi32, #tpu.memory_space<vmem>>
      %dma_wait3A_152 = tpu.memref_squeeze %dma_wait3A_151 : memref<1x125xi32, #tpu.memory_space<vmem>> -> memref<125xi32, #tpu.memory_space<vmem>>
      %dma_wait3A_153 = arith.constant 0 : i32
      %dma_wait3A_154 = arith.constant 0 : i32
      %dma_wait3A_155 = tpu.memref_slice %arg2[%dma_wait3A_153, %dma_wait3A_154] : memref<20480x64xf32, #tpu.memory_space<hbm>> -> memref<20480x64xf32, #tpu.memory_space<hbm>>
      tpu.wait_indirect_dma semaphore(%arg12 : memref<!tpu.dma_semaphore, #tpu.memory_space<semaphore_mem>>) src(%dma_wait3A_155 : memref<20480x64xf32, #tpu.memory_space<hbm>>) dst(%dma_wait3A_149 : memref<125x64xf32, #tpu.memory_space<vmem>>)
      %dma_start3A_156 = arith.constant 0 : i32
      %dma_start3A_157 = arith.constant 0 : i32
      %dma_start3A_158 = tpu.memref_slice %arg8[%scan3A_48, %dma_start3A_156, %dma_start3A_157] : memref<4x125x64xf32, #tpu.memory_space<vmem>> -> memref<1x125x64xf32, #tpu.memory_space<vmem>>
      %dma_start3A_159 = tpu.memref_squeeze %dma_start3A_158 : memref<1x125x64xf32, #tpu.memory_space<vmem>> -> memref<125x64xf32, #tpu.memory_space<vmem>>
      %dma_start3A_160 = arith.constant 0 : i32
      %dma_start3A_161 = tpu.memref_slice %arg7[%add3A_145, %dma_start3A_160] : memref<160x125xi32, #tpu.memory_space<vmem>> -> memref<1x125xi32, #tpu.memory_space<vmem>>
      %dma_start3A_162 = tpu.memref_squeeze %dma_start3A_161 : memref<1x125xi32, #tpu.memory_space<vmem>> -> memref<125xi32, #tpu.memory_space<vmem>>
      %dma_start3A_163 = arith.constant 0 : i32
      %dma_start3A_164 = arith.constant 0 : i32
      %dma_start3A_165 = tpu.memref_slice %arg10[%dma_start3A_163, %dma_start3A_164] : memref<10240x64xf32, #tpu.memory_space<vmem_shared>> -> memref<10240x64xf32, #tpu.memory_space<vmem_shared>>
      tpu.enqueue_indirect_dma source(%dma_start3A_159 : memref<125x64xf32, #tpu.memory_space<vmem>>) target(%dma_start3A_165 : memref<10240x64xf32, #tpu.memory_space<vmem_shared>>) offsets(%dma_start3A_162 : memref<125xi32, #tpu.memory_space<vmem>>) semaphore(%arg16 : memref<!tpu.dma_semaphore, #tpu.memory_space<semaphore_mem>>) {add = true}
      %add3A_166 = arith.constant 4 : i32
      %add3A_167 = arith.addi %add3A_145, %add3A_166 : i32
      %sub3A_168 = arith.constant 1 : i32
      %sub3A_169 = arith.subi %add3A_167, %sub3A_168 : i32
      %lt3A_170 = arith.constant 160 : i32
      %lt3A_171 = arith.cmpi slt, %sub3A_169, %lt3A_170 : i32
      %convert_element_type3A_172 = arith.extui %lt3A_171 : i1 to i32
      %cond3A_173 = arith.constant 0 : i32
      %cond3A_174 = arith.cmpi ne, %convert_element_type3A_172, %cond3A_173 : i32
      scf.if %cond3A_174 {
        %dma_wait3A_241 = arith.constant 0 : i32
        %dma_wait3A_242 = arith.constant 0 : i32
        %dma_wait3A_243 = arith.constant 0 : i32
        %dma_wait3A_244 = tpu.memref_slice %arg8[%scan3A_46, %dma_wait3A_242, %dma_wait3A_243] : memref<4x125x64xf32, #tpu.memory_space<vmem>> -> memref<1x125x64xf32, #tpu.memory_space<vmem>>
        %dma_wait3A_245 = tpu.memref_squeeze %dma_wait3A_244 : memref<1x125x64xf32, #tpu.memory_space<vmem>> -> memref<125x64xf32, #tpu.memory_space<vmem>>
        %dma_wait3A_246 = arith.constant 0 : i32
        %dma_wait3A_247 = tpu.memref_slice %arg7[%dma_wait3A_241, %dma_wait3A_246] : memref<160x125xi32, #tpu.memory_space<vmem>> -> memref<1x125xi32, #tpu.memory_space<vmem>>
        %dma_wait3A_248 = tpu.memref_squeeze %dma_wait3A_247 : memref<1x125xi32, #tpu.memory_space<vmem>> -> memref<125xi32, #tpu.memory_space<vmem>>
        %dma_wait3A_249 = arith.constant 0 : i32
        %dma_wait3A_250 = arith.constant 0 : i32
        %dma_wait3A_251 = tpu.memref_slice %arg10[%dma_wait3A_249, %dma_wait3A_250] : memref<10240x64xf32, #tpu.memory_space<vmem_shared>> -> memref<10240x64xf32, #tpu.memory_space<vmem_shared>>
        tpu.wait_indirect_dma semaphore(%arg15 : memref<!tpu.dma_semaphore, #tpu.memory_space<semaphore_mem>>) src(%dma_wait3A_245 : memref<125x64xf32, #tpu.memory_space<vmem>>) dst(%dma_wait3A_251 : memref<10240x64xf32, #tpu.memory_space<vmem_shared>>)
        %dma_start3A_252 = arith.constant 0 : i32
        %dma_start3A_253 = arith.constant 0 : i32
        %dma_start3A_254 = tpu.memref_slice %arg8[%scan3A_46, %dma_start3A_252, %dma_start3A_253] : memref<4x125x64xf32, #tpu.memory_space<vmem>> -> memref<1x125x64xf32, #tpu.memory_space<vmem>>
        %dma_start3A_255 = tpu.memref_squeeze %dma_start3A_254 : memref<1x125x64xf32, #tpu.memory_space<vmem>> -> memref<125x64xf32, #tpu.memory_space<vmem>>
        %dma_start3A_256 = arith.constant 0 : i32
        %dma_start3A_257 = tpu.memref_slice %arg6[%sub3A_169, %dma_start3A_256] : memref<160x125xi32, #tpu.memory_space<vmem>> -> memref<1x125xi32, #tpu.memory_space<vmem>>
        %dma_start3A_258 = tpu.memref_squeeze %dma_start3A_257 : memref<1x125xi32, #tpu.memory_space<vmem>> -> memref<125xi32, #tpu.memory_space<vmem>>
        %dma_start3A_259 = arith.constant 0 : i32
        %dma_start3A_260 = arith.constant 0 : i32
        %dma_start3A_261 = tpu.memref_slice %arg2[%dma_start3A_259, %dma_start3A_260] : memref<20480x64xf32, #tpu.memory_space<hbm>> -> memref<20480x64xf32, #tpu.memory_space<hbm>>
        tpu.enqueue_indirect_dma source(%dma_start3A_261 : memref<20480x64xf32, #tpu.memory_space<hbm>>) target(%dma_start3A_255 : memref<125x64xf32, #tpu.memory_space<vmem>>) offsets(%dma_start3A_258 : memref<125xi32, #tpu.memory_space<vmem>>) semaphore(%arg11 : memref<!tpu.dma_semaphore, #tpu.memory_space<semaphore_mem>>)
      } else {
      }
      %mul3A_175 = arith.constant 4 : i32
      %mul3A_176 = arith.muli %mul3A_175, %add3A_112 : i32
      %add3A_177 = arith.constant 2 : i32
      %add3A_178 = arith.addi %mul3A_176, %add3A_177 : i32
      %dma_wait3A_179 = arith.constant 0 : i32
      %dma_wait3A_180 = arith.constant 0 : i32
      %dma_wait3A_181 = tpu.memref_slice %arg8[%scan3A_49, %dma_wait3A_179, %dma_wait3A_180] : memref<4x125x64xf32, #tpu.memory_space<vmem>> -> memref<1x125x64xf32, #tpu.memory_space<vmem>>
      %dma_wait3A_182 = tpu.memref_squeeze %dma_wait3A_181 : memref<1x125x64xf32, #tpu.memory_space<vmem>> -> memref<125x64xf32, #tpu.memory_space<vmem>>
      %dma_wait3A_183 = arith.constant 0 : i32
      %dma_wait3A_184 = tpu.memref_slice %arg6[%add3A_178, %dma_wait3A_183] : memref<160x125xi32, #tpu.memory_space<vmem>> -> memref<1x125xi32, #tpu.memory_space<vmem>>
      %dma_wait3A_185 = tpu.memref_squeeze %dma_wait3A_184 : memref<1x125xi32, #tpu.memory_space<vmem>> -> memref<125xi32, #tpu.memory_space<vmem>>
      %dma_wait3A_186 = arith.constant 0 : i32
      %dma_wait3A_187 = arith.constant 0 : i32
      %dma_wait3A_188 = tpu.memref_slice %arg2[%dma_wait3A_186, %dma_wait3A_187] : memref<20480x64xf32, #tpu.memory_space<hbm>> -> memref<20480x64xf32, #tpu.memory_space<hbm>>
      tpu.wait_indirect_dma semaphore(%arg13 : memref<!tpu.dma_semaphore, #tpu.memory_space<semaphore_mem>>) src(%dma_wait3A_188 : memref<20480x64xf32, #tpu.memory_space<hbm>>) dst(%dma_wait3A_182 : memref<125x64xf32, #tpu.memory_space<vmem>>)
      %dma_start3A_189 = arith.constant 0 : i32
      %dma_start3A_190 = arith.constant 0 : i32
      %dma_start3A_191 = tpu.memref_slice %arg8[%scan3A_49, %dma_start3A_189, %dma_start3A_190] : memref<4x125x64xf32, #tpu.memory_space<vmem>> -> memref<1x125x64xf32, #tpu.memory_space<vmem>>
      %dma_start3A_192 = tpu.memref_squeeze %dma_start3A_191 : memref<1x125x64xf32, #tpu.memory_space<vmem>> -> memref<125x64xf32, #tpu.memory_space<vmem>>
      %dma_start3A_193 = arith.constant 0 : i32
      %dma_start3A_194 = tpu.memref_slice %arg7[%add3A_178, %dma_start3A_193] : memref<160x125xi32, #tpu.memory_space<vmem>> -> memref<1x125xi32, #tpu.memory_space<vmem>>
      %dma_start3A_195 = tpu.memref_squeeze %dma_start3A_194 : memref<1x125xi32, #tpu.memory_space<vmem>> -> memref<125xi32, #tpu.memory_space<vmem>>
      %dma_start3A_196 = arith.constant 0 : i32
      %dma_start3A_197 = arith.constant 0 : i32
      %dma_start3A_198 = tpu.memref_slice %arg10[%dma_start3A_196, %dma_start3A_197] : memref<10240x64xf32, #tpu.memory_space<vmem_shared>> -> memref<10240x64xf32, #tpu.memory_space<vmem_shared>>
      tpu.enqueue_indirect_dma source(%dma_start3A_192 : memref<125x64xf32, #tpu.memory_space<vmem>>) target(%dma_start3A_198 : memref<10240x64xf32, #tpu.memory_space<vmem_shared>>) offsets(%dma_start3A_195 : memref<125xi32, #tpu.memory_space<vmem>>) semaphore(%arg17 : memref<!tpu.dma_semaphore, #tpu.memory_space<semaphore_mem>>) {add = true}
      %add3A_199 = arith.constant 4 : i32
      %add3A_200 = arith.addi %add3A_178, %add3A_199 : i32
      %sub3A_201 = arith.constant 1 : i32
      %sub3A_202 = arith.subi %add3A_200, %sub3A_201 : i32
      %lt3A_203 = arith.constant 160 : i32
      %lt3A_204 = arith.cmpi slt, %sub3A_202, %lt3A_203 : i32
      %convert_element_type3A_205 = arith.extui %lt3A_204 : i1 to i32
      %cond3A_206 = arith.constant 0 : i32
      %cond3A_207 = arith.cmpi ne, %convert_element_type3A_205, %cond3A_206 : i32
      scf.if %cond3A_207 {
        %dma_wait3A_241 = arith.constant 0 : i32
        %dma_wait3A_242 = arith.constant 0 : i32
        %dma_wait3A_243 = arith.constant 0 : i32
        %dma_wait3A_244 = tpu.memref_slice %arg8[%scan3A_48, %dma_wait3A_242, %dma_wait3A_243] : memref<4x125x64xf32, #tpu.memory_space<vmem>> -> memref<1x125x64xf32, #tpu.memory_space<vmem>>
        %dma_wait3A_245 = tpu.memref_squeeze %dma_wait3A_244 : memref<1x125x64xf32, #tpu.memory_space<vmem>> -> memref<125x64xf32, #tpu.memory_space<vmem>>
        %dma_wait3A_246 = arith.constant 0 : i32
        %dma_wait3A_247 = tpu.memref_slice %arg7[%dma_wait3A_241, %dma_wait3A_246] : memref<160x125xi32, #tpu.memory_space<vmem>> -> memref<1x125xi32, #tpu.memory_space<vmem>>
        %dma_wait3A_248 = tpu.memref_squeeze %dma_wait3A_247 : memref<1x125xi32, #tpu.memory_space<vmem>> -> memref<125xi32, #tpu.memory_space<vmem>>
        %dma_wait3A_249 = arith.constant 0 : i32
        %dma_wait3A_250 = arith.constant 0 : i32
        %dma_wait3A_251 = tpu.memref_slice %arg10[%dma_wait3A_249, %dma_wait3A_250] : memref<10240x64xf32, #tpu.memory_space<vmem_shared>> -> memref<10240x64xf32, #tpu.memory_space<vmem_shared>>
        tpu.wait_indirect_dma semaphore(%arg16 : memref<!tpu.dma_semaphore, #tpu.memory_space<semaphore_mem>>) src(%dma_wait3A_245 : memref<125x64xf32, #tpu.memory_space<vmem>>) dst(%dma_wait3A_251 : memref<10240x64xf32, #tpu.memory_space<vmem_shared>>)
        %dma_start3A_252 = arith.constant 0 : i32
        %dma_start3A_253 = arith.constant 0 : i32
        %dma_start3A_254 = tpu.memref_slice %arg8[%scan3A_48, %dma_start3A_252, %dma_start3A_253] : memref<4x125x64xf32, #tpu.memory_space<vmem>> -> memref<1x125x64xf32, #tpu.memory_space<vmem>>
        %dma_start3A_255 = tpu.memref_squeeze %dma_start3A_254 : memref<1x125x64xf32, #tpu.memory_space<vmem>> -> memref<125x64xf32, #tpu.memory_space<vmem>>
        %dma_start3A_256 = arith.constant 0 : i32
        %dma_start3A_257 = tpu.memref_slice %arg6[%sub3A_202, %dma_start3A_256] : memref<160x125xi32, #tpu.memory_space<vmem>> -> memref<1x125xi32, #tpu.memory_space<vmem>>
        %dma_start3A_258 = tpu.memref_squeeze %dma_start3A_257 : memref<1x125xi32, #tpu.memory_space<vmem>> -> memref<125xi32, #tpu.memory_space<vmem>>
        %dma_start3A_259 = arith.constant 0 : i32
        %dma_start3A_260 = arith.constant 0 : i32
        %dma_start3A_261 = tpu.memref_slice %arg2[%dma_start3A_259, %dma_start3A_260] : memref<20480x64xf32, #tpu.memory_space<hbm>> -> memref<20480x64xf32, #tpu.memory_space<hbm>>
        tpu.enqueue_indirect_dma source(%dma_start3A_261 : memref<20480x64xf32, #tpu.memory_space<hbm>>) target(%dma_start3A_255 : memref<125x64xf32, #tpu.memory_space<vmem>>) offsets(%dma_start3A_258 : memref<125xi32, #tpu.memory_space<vmem>>) semaphore(%arg12 : memref<!tpu.dma_semaphore, #tpu.memory_space<semaphore_mem>>)
      } else {
      }
      %mul3A_208 = arith.constant 4 : i32
      %mul3A_209 = arith.muli %mul3A_208, %add3A_112 : i32
      %add3A_210 = arith.constant 3 : i32
      %add3A_211 = arith.addi %mul3A_209, %add3A_210 : i32
      %dma_wait3A_212 = arith.constant 0 : i32
      %dma_wait3A_213 = arith.constant 0 : i32
      %dma_wait3A_214 = tpu.memref_slice %arg8[%scan3A_47, %dma_wait3A_212, %dma_wait3A_213] : memref<4x125x64xf32, #tpu.memory_space<vmem>> -> memref<1x125x64xf32, #tpu.memory_space<vmem>>
      %dma_wait3A_215 = tpu.memref_squeeze %dma_wait3A_214 : memref<1x125x64xf32, #tpu.memory_space<vmem>> -> memref<125x64xf32, #tpu.memory_space<vmem>>
      %dma_wait3A_216 = arith.constant 0 : i32
      %dma_wait3A_217 = tpu.memref_slice %arg6[%add3A_211, %dma_wait3A_216] : memref<160x125xi32, #tpu.memory_space<vmem>> -> memref<1x125xi32, #tpu.memory_space<vmem>>
      %dma_wait3A_218 = tpu.memref_squeeze %dma_wait3A_217 : memref<1x125xi32, #tpu.memory_space<vmem>> -> memref<125xi32, #tpu.memory_space<vmem>>
      %dma_wait3A_219 = arith.constant 0 : i32
      %dma_wait3A_220 = arith.constant 0 : i32
      %dma_wait3A_221 = tpu.memref_slice %arg2[%dma_wait3A_219, %dma_wait3A_220] : memref<20480x64xf32, #tpu.memory_space<hbm>> -> memref<20480x64xf32, #tpu.memory_space<hbm>>
      tpu.wait_indirect_dma semaphore(%arg14 : memref<!tpu.dma_semaphore, #tpu.memory_space<semaphore_mem>>) src(%dma_wait3A_221 : memref<20480x64xf32, #tpu.memory_space<hbm>>) dst(%dma_wait3A_215 : memref<125x64xf32, #tpu.memory_space<vmem>>)
      %dma_start3A_222 = arith.constant 0 : i32
      %dma_start3A_223 = arith.constant 0 : i32
      %dma_start3A_224 = tpu.memref_slice %arg8[%scan3A_47, %dma_start3A_222, %dma_start3A_223] : memref<4x125x64xf32, #tpu.memory_space<vmem>> -> memref<1x125x64xf32, #tpu.memory_space<vmem>>
      %dma_start3A_225 = tpu.memref_squeeze %dma_start3A_224 : memref<1x125x64xf32, #tpu.memory_space<vmem>> -> memref<125x64xf32, #tpu.memory_space<vmem>>
      %dma_start3A_226 = arith.constant 0 : i32
      %dma_start3A_227 = tpu.memref_slice %arg7[%add3A_211, %dma_start3A_226] : memref<160x125xi32, #tpu.memory_space<vmem>> -> memref<1x125xi32, #tpu.memory_space<vmem>>
      %dma_start3A_228 = tpu.memref_squeeze %dma_start3A_227 : memref<1x125xi32, #tpu.memory_space<vmem>> -> memref<125xi32, #tpu.memory_space<vmem>>
      %dma_start3A_229 = arith.constant 0 : i32
      %dma_start3A_230 = arith.constant 0 : i32
      %dma_start3A_231 = tpu.memref_slice %arg10[%dma_start3A_229, %dma_start3A_230] : memref<10240x64xf32, #tpu.memory_space<vmem_shared>> -> memref<10240x64xf32, #tpu.memory_space<vmem_shared>>
      tpu.enqueue_indirect_dma source(%dma_start3A_225 : memref<125x64xf32, #tpu.memory_space<vmem>>) target(%dma_start3A_231 : memref<10240x64xf32, #tpu.memory_space<vmem_shared>>) offsets(%dma_start3A_228 : memref<125xi32, #tpu.memory_space<vmem>>) semaphore(%arg18 : memref<!tpu.dma_semaphore, #tpu.memory_space<semaphore_mem>>) {add = true}
      %add3A_232 = arith.constant 4 : i32
      %add3A_233 = arith.addi %add3A_211, %add3A_232 : i32
      %sub3A_234 = arith.constant 1 : i32
      %sub3A_235 = arith.subi %add3A_233, %sub3A_234 : i32
      %lt3A_236 = arith.constant 160 : i32
      %lt3A_237 = arith.cmpi slt, %sub3A_235, %lt3A_236 : i32
      %convert_element_type3A_238 = arith.extui %lt3A_237 : i1 to i32
      %cond3A_239 = arith.constant 0 : i32
      %cond3A_240 = arith.cmpi ne, %convert_element_type3A_238, %cond3A_239 : i32
      scf.if %cond3A_240 {
        %dma_wait3A_241 = arith.constant 0 : i32
        %dma_wait3A_242 = arith.constant 0 : i32
        %dma_wait3A_243 = arith.constant 0 : i32
        %dma_wait3A_244 = tpu.memref_slice %arg8[%scan3A_49, %dma_wait3A_242, %dma_wait3A_243] : memref<4x125x64xf32, #tpu.memory_space<vmem>> -> memref<1x125x64xf32, #tpu.memory_space<vmem>>
        %dma_wait3A_245 = tpu.memref_squeeze %dma_wait3A_244 : memref<1x125x64xf32, #tpu.memory_space<vmem>> -> memref<125x64xf32, #tpu.memory_space<vmem>>
        %dma_wait3A_246 = arith.constant 0 : i32
        %dma_wait3A_247 = tpu.memref_slice %arg7[%dma_wait3A_241, %dma_wait3A_246] : memref<160x125xi32, #tpu.memory_space<vmem>> -> memref<1x125xi32, #tpu.memory_space<vmem>>
        %dma_wait3A_248 = tpu.memref_squeeze %dma_wait3A_247 : memref<1x125xi32, #tpu.memory_space<vmem>> -> memref<125xi32, #tpu.memory_space<vmem>>
        %dma_wait3A_249 = arith.constant 0 : i32
        %dma_wait3A_250 = arith.constant 0 : i32
        %dma_wait3A_251 = tpu.memref_slice %arg10[%dma_wait3A_249, %dma_wait3A_250] : memref<10240x64xf32, #tpu.memory_space<vmem_shared>> -> memref<10240x64xf32, #tpu.memory_space<vmem_shared>>
        tpu.wait_indirect_dma semaphore(%arg17 : memref<!tpu.dma_semaphore, #tpu.memory_space<semaphore_mem>>) src(%dma_wait3A_245 : memref<125x64xf32, #tpu.memory_space<vmem>>) dst(%dma_wait3A_251 : memref<10240x64xf32, #tpu.memory_space<vmem_shared>>)
        %dma_start3A_252 = arith.constant 0 : i32
        %dma_start3A_253 = arith.constant 0 : i32
        %dma_start3A_254 = tpu.memref_slice %arg8[%scan3A_49, %dma_start3A_252, %dma_start3A_253] : memref<4x125x64xf32, #tpu.memory_space<vmem>> -> memref<1x125x64xf32, #tpu.memory_space<vmem>>
        %dma_start3A_255 = tpu.memref_squeeze %dma_start3A_254 : memref<1x125x64xf32, #tpu.memory_space<vmem>> -> memref<125x64xf32, #tpu.memory_space<vmem>>
        %dma_start3A_256 = arith.constant 0 : i32
        %dma_start3A_257 = tpu.memref_slice %arg6[%sub3A_235, %dma_start3A_256] : memref<160x125xi32, #tpu.memory_space<vmem>> -> memref<1x125xi32, #tpu.memory_space<vmem>>
        %dma_start3A_258 = tpu.memref_squeeze %dma_start3A_257 : memref<1x125xi32, #tpu.memory_space<vmem>> -> memref<125xi32, #tpu.memory_space<vmem>>
        %dma_start3A_259 = arith.constant 0 : i32
        %dma_start3A_260 = arith.constant 0 : i32
        %dma_start3A_261 = tpu.memref_slice %arg2[%dma_start3A_259, %dma_start3A_260] : memref<20480x64xf32, #tpu.memory_space<hbm>> -> memref<20480x64xf32, #tpu.memory_space<hbm>>
        tpu.enqueue_indirect_dma source(%dma_start3A_261 : memref<20480x64xf32, #tpu.memory_space<hbm>>) target(%dma_start3A_255 : memref<125x64xf32, #tpu.memory_space<vmem>>) offsets(%dma_start3A_258 : memref<125xi32, #tpu.memory_space<vmem>>) semaphore(%arg13 : memref<!tpu.dma_semaphore, #tpu.memory_space<semaphore_mem>>)
      } else {
      }
    }
    %scan3A_54 = arith.constant 40 : i32
    %dma_wait3A = arith.constant 0 : i32
    %dma_wait3A_55 = arith.constant 0 : i32
    %dma_wait3A_56 = arith.constant 0 : i32
    %dma_wait3A_57 = arith.constant 0 : i32
    %dma_wait3A_58 = tpu.memref_slice %arg8[%dma_wait3A, %dma_wait3A_56, %dma_wait3A_57] : memref<4x125x64xf32, #tpu.memory_space<vmem>> -> memref<1x125x64xf32, #tpu.memory_space<vmem>>
    %dma_wait3A_59 = tpu.memref_squeeze %dma_wait3A_58 : memref<1x125x64xf32, #tpu.memory_space<vmem>> -> memref<125x64xf32, #tpu.memory_space<vmem>>
    %dma_wait3A_60 = arith.constant 0 : i32
    %dma_wait3A_61 = tpu.memref_slice %arg7[%dma_wait3A_55, %dma_wait3A_60] : memref<160x125xi32, #tpu.memory_space<vmem>> -> memref<1x125xi32, #tpu.memory_space<vmem>>
    %dma_wait3A_62 = tpu.memref_squeeze %dma_wait3A_61 : memref<1x125xi32, #tpu.memory_space<vmem>> -> memref<125xi32, #tpu.memory_space<vmem>>
    %dma_wait3A_63 = arith.constant 0 : i32
    %dma_wait3A_64 = arith.constant 0 : i32
    %dma_wait3A_65 = tpu.memref_slice %arg10[%dma_wait3A_63, %dma_wait3A_64] : memref<10240x64xf32, #tpu.memory_space<vmem_shared>> -> memref<10240x64xf32, #tpu.memory_space<vmem_shared>>
    tpu.wait_indirect_dma semaphore(%arg15 : memref<!tpu.dma_semaphore, #tpu.memory_space<semaphore_mem>>) src(%dma_wait3A_59 : memref<125x64xf32, #tpu.memory_space<vmem>>) dst(%dma_wait3A_65 : memref<10240x64xf32, #tpu.memory_space<vmem_shared>>)
    %dma_wait3A_66 = arith.constant 1 : i32
    %dma_wait3A_67 = arith.constant 0 : i32
    %dma_wait3A_68 = arith.constant 0 : i32
    %dma_wait3A_69 = arith.constant 0 : i32
    %dma_wait3A_70 = tpu.memref_slice %arg8[%dma_wait3A_66, %dma_wait3A_68, %dma_wait3A_69] : memref<4x125x64xf32, #tpu.memory_space<vmem>> -> memref<1x125x64xf32, #tpu.memory_space<vmem>>
    %dma_wait3A_71 = tpu.memref_squeeze %dma_wait3A_70 : memref<1x125x64xf32, #tpu.memory_space<vmem>> -> memref<125x64xf32, #tpu.memory_space<vmem>>
    %dma_wait3A_72 = arith.constant 0 : i32
    %dma_wait3A_73 = tpu.memref_slice %arg7[%dma_wait3A_67, %dma_wait3A_72] : memref<160x125xi32, #tpu.memory_space<vmem>> -> memref<1x125xi32, #tpu.memory_space<vmem>>
    %dma_wait3A_74 = tpu.memref_squeeze %dma_wait3A_73 : memref<1x125xi32, #tpu.memory_space<vmem>> -> memref<125xi32, #tpu.memory_space<vmem>>
    %dma_wait3A_75 = arith.constant 0 : i32
    %dma_wait3A_76 = arith.constant 0 : i32
    %dma_wait3A_77 = tpu.memref_slice %arg10[%dma_wait3A_75, %dma_wait3A_76] : memref<10240x64xf32, #tpu.memory_space<vmem_shared>> -> memref<10240x64xf32, #tpu.memory_space<vmem_shared>>
    tpu.wait_indirect_dma semaphore(%arg16 : memref<!tpu.dma_semaphore, #tpu.memory_space<semaphore_mem>>) src(%dma_wait3A_71 : memref<125x64xf32, #tpu.memory_space<vmem>>) dst(%dma_wait3A_77 : memref<10240x64xf32, #tpu.memory_space<vmem_shared>>)
    %dma_wait3A_78 = arith.constant 2 : i32
    %dma_wait3A_79 = arith.constant 0 : i32
    %dma_wait3A_80 = arith.constant 0 : i32
    %dma_wait3A_81 = arith.constant 0 : i32
    %dma_wait3A_82 = tpu.memref_slice %arg8[%dma_wait3A_78, %dma_wait3A_80, %dma_wait3A_81] : memref<4x125x64xf32, #tpu.memory_space<vmem>> -> memref<1x125x64xf32, #tpu.memory_space<vmem>>
    %dma_wait3A_83 = tpu.memref_squeeze %dma_wait3A_82 : memref<1x125x64xf32, #tpu.memory_space<vmem>> -> memref<125x64xf32, #tpu.memory_space<vmem>>
    %dma_wait3A_84 = arith.constant 0 : i32
    %dma_wait3A_85 = tpu.memref_slice %arg7[%dma_wait3A_79, %dma_wait3A_84] : memref<160x125xi32, #tpu.memory_space<vmem>> -> memref<1x125xi32, #tpu.memory_space<vmem>>
    %dma_wait3A_86 = tpu.memref_squeeze %dma_wait3A_85 : memref<1x125xi32, #tpu.memory_space<vmem>> -> memref<125xi32, #tpu.memory_space<vmem>>
    %dma_wait3A_87 = arith.constant 0 : i32
    %dma_wait3A_88 = arith.constant 0 : i32
    %dma_wait3A_89 = tpu.memref_slice %arg10[%dma_wait3A_87, %dma_wait3A_88] : memref<10240x64xf32, #tpu.memory_space<vmem_shared>> -> memref<10240x64xf32, #tpu.memory_space<vmem_shared>>
    tpu.wait_indirect_dma semaphore(%arg17 : memref<!tpu.dma_semaphore, #tpu.memory_space<semaphore_mem>>) src(%dma_wait3A_83 : memref<125x64xf32, #tpu.memory_space<vmem>>) dst(%dma_wait3A_89 : memref<10240x64xf32, #tpu.memory_space<vmem_shared>>)
    %dma_wait3A_90 = arith.constant 3 : i32
    %dma_wait3A_91 = arith.constant 0 : i32
    %dma_wait3A_92 = arith.constant 0 : i32
    %dma_wait3A_93 = arith.constant 0 : i32
    %dma_wait3A_94 = tpu.memref_slice %arg8[%dma_wait3A_90, %dma_wait3A_92, %dma_wait3A_93] : memref<4x125x64xf32, #tpu.memory_space<vmem>> -> memref<1x125x64xf32, #tpu.memory_space<vmem>>
    %dma_wait3A_95 = tpu.memref_squeeze %dma_wait3A_94 : memref<1x125x64xf32, #tpu.memory_space<vmem>> -> memref<125x64xf32, #tpu.memory_space<vmem>>
    %dma_wait3A_96 = arith.constant 0 : i32
    %dma_wait3A_97 = tpu.memref_slice %arg7[%dma_wait3A_91, %dma_wait3A_96] : memref<160x125xi32, #tpu.memory_space<vmem>> -> memref<1x125xi32, #tpu.memory_space<vmem>>
    %dma_wait3A_98 = tpu.memref_squeeze %dma_wait3A_97 : memref<1x125xi32, #tpu.memory_space<vmem>> -> memref<125xi32, #tpu.memory_space<vmem>>
    %dma_wait3A_99 = arith.constant 0 : i32
    %dma_wait3A_100 = arith.constant 0 : i32
    %dma_wait3A_101 = tpu.memref_slice %arg10[%dma_wait3A_99, %dma_wait3A_100] : memref<10240x64xf32, #tpu.memory_space<vmem_shared>> -> memref<10240x64xf32, #tpu.memory_space<vmem_shared>>
    tpu.wait_indirect_dma semaphore(%arg18 : memref<!tpu.dma_semaphore, #tpu.memory_space<semaphore_mem>>) src(%dma_wait3A_95 : memref<125x64xf32, #tpu.memory_space<vmem>>) dst(%dma_wait3A_101 : memref<10240x64xf32, #tpu.memory_space<vmem_shared>>)
    %barrier3A_102 = arith.constant 0 : index
    tpu.barrier barrier_id(%barrier3A_102)
    %scan3A_103 = arith.constant 0 : i32
    %scan3A_104 = arith.constant 5 : i32
    %scan3A_105 = arith.addi %scan3A_103, %scan3A_104 : i32
    %scan3A_106 = arith.constant 1 : i32
    scf.for %scan3A_108 = %scan3A_103 to %scan3A_105 step %scan3A_106  : i32 {
      %mul3A_109 = arith.constant 1 : i32
      %mul3A_110 = arith.muli %scan3A_108, %mul3A_109 : i32
      %add3A_111 = arith.constant 0 : i32
      %add3A_112 = arith.addi %add3A_111, %mul3A_110 : i32
      %mul3A_113 = arith.constant 640 : i32
      %mul3A_114 = arith.muli %arg1, %mul3A_113 : i32
      %mul3A_115 = arith.constant 128 : i32
      %mul3A_116 = arith.muli %add3A_112, %mul3A_115 : i32
      %add3A_117 = arith.addi %mul3A_114, %mul3A_116 : i32
      "tpu.region"() ({
        %run_scoped3A = tpu.sem_alloc : memref<!tpu.dma_semaphore, #tpu.memory_space<semaphore_mem>>
        %dma_start3A_126 = arith.constant 0 : i32
        %dma_start3A_127 = tpu.memref_slice %arg10[%add3A_117, %dma_start3A_126] : memref<10240x64xf32, #tpu.memory_space<vmem_shared>> -> memref<128x64xf32, #tpu.memory_space<vmem_shared>>
        %dma_start3A_128 = arith.constant 0 : i32
        %dma_start3A_129 = tpu.memref_slice %arg10[%add3A_117, %dma_start3A_128] : memref<10240x64xf32, #tpu.memory_space<vmem_shared>> -> memref<128x64xf32, #tpu.memory_space<vmem_shared>>
        tpu.enqueue_dma source(%dma_start3A_129 : memref<128x64xf32, #tpu.memory_space<vmem_shared>>) target(%arg9 : memref<128x64xf32, #tpu.memory_space<vmem>>) target_semaphore(%run_scoped3A : memref<!tpu.dma_semaphore, #tpu.memory_space<semaphore_mem>>)
        %dma_wait3A_130 = arith.constant 0 : i32
        %dma_wait3A_131 = tpu.memref_slice %arg10[%add3A_117, %dma_wait3A_130] : memref<10240x64xf32, #tpu.memory_space<vmem_shared>> -> memref<128x64xf32, #tpu.memory_space<vmem_shared>>
        %dma_wait3A_132 = arith.constant 0 : i32
        %dma_wait3A_133 = tpu.memref_slice %arg10[%add3A_117, %dma_wait3A_132] : memref<10240x64xf32, #tpu.memory_space<vmem_shared>> -> memref<128x64xf32, #tpu.memory_space<vmem_shared>>
        tpu.wait_dma2 semaphore(%run_scoped3A : memref<!tpu.dma_semaphore, #tpu.memory_space<semaphore_mem>>) src(%dma_wait3A_133 : memref<128x64xf32, #tpu.memory_space<vmem_shared>>) dst(%arg9 : memref<128x64xf32, #tpu.memory_space<vmem>>)
        tpu.yield
      }) : () -> ()
      %mul3A_118 = arith.constant 10240 : i32
      %mul3A_119 = arith.muli %arg0, %mul3A_118 : i32
      %mul3A_120 = arith.constant 640 : i32
      %mul3A_121 = arith.muli %arg1, %mul3A_120 : i32
      %add3A_122 = arith.addi %mul3A_119, %mul3A_121 : i32
      %mul3A_123 = arith.constant 128 : i32
      %mul3A_124 = arith.muli %add3A_112, %mul3A_123 : i32
      %add3A_125 = arith.addi %add3A_122, %mul3A_124 : i32
      "tpu.region"() ({
        %run_scoped3A = tpu.sem_alloc : memref<!tpu.dma_semaphore, #tpu.memory_space<semaphore_mem>>
        %dma_start3A_126 = arith.constant 0 : i32
        %dma_start3A_127 = tpu.memref_slice %arg5[%add3A_125, %dma_start3A_126] : memref<20480x64xf32, #tpu.memory_space<hbm>> -> memref<128x64xf32, #tpu.memory_space<hbm>>
        %dma_start3A_128 = arith.constant 0 : i32
        %dma_start3A_129 = tpu.memref_slice %arg5[%add3A_125, %dma_start3A_128] : memref<20480x64xf32, #tpu.memory_space<hbm>> -> memref<128x64xf32, #tpu.memory_space<hbm>>
        tpu.enqueue_dma source(%arg9 : memref<128x64xf32, #tpu.memory_space<vmem>>) target(%dma_start3A_129 : memref<128x64xf32, #tpu.memory_space<hbm>>) target_semaphore(%run_scoped3A : memref<!tpu.dma_semaphore, #tpu.memory_space<semaphore_mem>>)
        %dma_wait3A_130 = arith.constant 0 : i32
        %dma_wait3A_131 = tpu.memref_slice %arg5[%add3A_125, %dma_wait3A_130] : memref<20480x64xf32, #tpu.memory_space<hbm>> -> memref<128x64xf32, #tpu.memory_space<hbm>>
        %dma_wait3A_132 = arith.constant 0 : i32
        %dma_wait3A_133 = tpu.memref_slice %arg5[%add3A_125, %dma_wait3A_132] : memref<20480x64xf32, #tpu.memory_space<hbm>> -> memref<128x64xf32, #tpu.memory_space<hbm>>
        tpu.wait_dma2 semaphore(%run_scoped3A : memref<!tpu.dma_semaphore, #tpu.memory_space<semaphore_mem>>) src(%arg9 : memref<128x64xf32, #tpu.memory_space<vmem>>) dst(%dma_wait3A_133 : memref<128x64xf32, #tpu.memory_space<hbm>>)
        tpu.yield
      }) : () -> ()
    }
    %scan3A_107 = arith.constant 5 : i32
    return
  }
}

#map = affine_map<(d0, d1) -> (0, 0, 0)>
#map1 = affine_map<(d0, d1) -> (0, 0)>
module attributes {stable_mosaic.version = 14 : i64} {
  func.func @deg(%arg0: i32, %arg1: i32, %arg2: memref<32x80x125xi32, #tpu.memory_space<hbm>>, %arg3: memref<20480x16xf32, #tpu.memory_space<hbm>>, %arg4: memref<80x125xi32, #tpu.memory_space<vmem>>, %arg5: memref<125x16xf32, #tpu.memory_space<vmem>>, %arg6: memref<128x16xf32, #tpu.memory_space<vmem>>, %arg7: memref<10240x16xf32, #tpu.memory_space<vmem_shared>>) attributes {dimension_semantics = [#tpu.dimension_semantics<core_parallel>, #tpu.dimension_semantics<subcore_parallel>], iteration_bounds = array<i64: 2, 16>, scalar_prefetch = 0 : i64, scratch_operands = 4 : i64, tpu.core_type = #tpu.core_type<sc_vector_subcore>, window_params = [{transform_indices = #map}, {transform_indices = #map1}]} {
    %mul3A = arith.constant 16 : i32
    %mul3A_0 = arith.muli %arg0, %mul3A : i32
    %add3A = arith.addi %mul3A_0, %arg1 : i32
    %broadcast_in_dim3A = arith.constant 1.000000e+00 : f32
    %broadcast_in_dim3A_1 = vector.broadcast %broadcast_in_dim3A : f32 to vector<16xf32>
    %scan3A = arith.constant 0 : i32
    %scan3A_2 = arith.constant 125 : i32
    %scan3A_3 = arith.addi %scan3A, %scan3A_2 : i32
    %scan3A_4 = arith.constant 1 : i32
    scf.for %scan3A_29 = %scan3A to %scan3A_3 step %scan3A_4  : i32 {
      %mul3A_30 = arith.constant 1 : i32
      %mul3A_31 = arith.muli %scan3A_29, %mul3A_30 : i32
      %add3A_32 = arith.constant 0 : i32
      %add3A_33 = arith.addi %add3A_32, %mul3A_31 : i32
      %swap3A = arith.index_cast %add3A_33 : i32 to index
      %swap3A_34 = arith.constant 0 : index
      %swap3A_35 = tpu.vector_load %arg5[%swap3A, %swap3A_34] {strides = array<i32>} : memref<125x16xf32, #tpu.memory_space<vmem>>, vector<1x16xf32>,
      %swap3A_36 = vector.shape_cast %swap3A_35 : vector<1x16xf32> to vector<16xf32>
      %swap3A_37 = vector.shape_cast %broadcast_in_dim3A_1 : vector<16xf32> to vector<1x16xf32>
      tpu.vector_store %arg5[%swap3A, %swap3A_34], %swap3A_37 {strides = array<i32>} : memref<125x16xf32, #tpu.memory_space<vmem>>, vector<1x16xf32>,
    }
    %scan3A_5 = arith.constant 125 : i32
    %broadcast_in_dim3A_6 = arith.constant 0.000000e+00 : f32
    %broadcast_in_dim3A_7 = vector.broadcast %broadcast_in_dim3A_6 : f32 to vector<16xf32>
    %scan3A_8 = arith.constant 0 : i32
    %scan3A_9 = arith.constant 128 : i32
    %scan3A_10 = arith.addi %scan3A_8, %scan3A_9 : i32
    %scan3A_11 = arith.constant 1 : i32
    scf.for %scan3A_29 = %scan3A_8 to %scan3A_10 step %scan3A_11  : i32 {
      %mul3A_30 = arith.constant 1 : i32
      %mul3A_31 = arith.muli %scan3A_29, %mul3A_30 : i32
      %add3A_32 = arith.constant 0 : i32
      %add3A_33 = arith.addi %add3A_32, %mul3A_31 : i32
      %swap3A = arith.index_cast %add3A_33 : i32 to index
      %swap3A_34 = arith.constant 0 : index
      %swap3A_35 = tpu.vector_load %arg6[%swap3A, %swap3A_34] {strides = array<i32>} : memref<128x16xf32, #tpu.memory_space<vmem>>, vector<1x16xf32>,
      %swap3A_36 = vector.shape_cast %swap3A_35 : vector<1x16xf32> to vector<16xf32>
      %swap3A_37 = vector.shape_cast %broadcast_in_dim3A_7 : vector<16xf32> to vector<1x16xf32>
      tpu.vector_store %arg6[%swap3A, %swap3A_34], %swap3A_37 {strides = array<i32>} : memref<128x16xf32, #tpu.memory_space<vmem>>, vector<1x16xf32>,
    }
    %scan3A_12 = arith.constant 128 : i32
    %scan3A_13 = arith.constant 0 : i32
    %scan3A_14 = arith.constant 5 : i32
    %scan3A_15 = arith.addi %scan3A_13, %scan3A_14 : i32
    %scan3A_16 = arith.constant 1 : i32
    scf.for %scan3A_29 = %scan3A_13 to %scan3A_15 step %scan3A_16  : i32 {
      %mul3A_30 = arith.constant 1 : i32
      %mul3A_31 = arith.muli %scan3A_29, %mul3A_30 : i32
      %add3A_32 = arith.constant 0 : i32
      %add3A_33 = arith.addi %add3A_32, %mul3A_31 : i32
      %mul3A_34 = arith.constant 640 : i32
      %mul3A_35 = arith.muli %arg1, %mul3A_34 : i32
      %mul3A_36 = arith.constant 128 : i32
      %mul3A_37 = arith.muli %add3A_33, %mul3A_36 : i32
      %add3A_38 = arith.addi %mul3A_35, %mul3A_37 : i32
      "tpu.region"() ({
        %run_scoped3A = tpu.sem_alloc : memref<!tpu.dma_semaphore, #tpu.memory_space<semaphore_mem>>
        %dma_start3A = arith.constant 0 : i32
        %dma_start3A_39 = tpu.memref_slice %arg7[%add3A_38, %dma_start3A] : memref<10240x16xf32, #tpu.memory_space<vmem_shared>> -> memref<128x16xf32, #tpu.memory_space<vmem_shared>>
        %dma_start3A_40 = arith.constant 0 : i32
        %dma_start3A_41 = tpu.memref_slice %arg7[%add3A_38, %dma_start3A_40] : memref<10240x16xf32, #tpu.memory_space<vmem_shared>> -> memref<128x16xf32, #tpu.memory_space<vmem_shared>>
        tpu.enqueue_dma source(%arg6 : memref<128x16xf32, #tpu.memory_space<vmem>>) target(%dma_start3A_41 : memref<128x16xf32, #tpu.memory_space<vmem_shared>>) target_semaphore(%run_scoped3A : memref<!tpu.dma_semaphore, #tpu.memory_space<semaphore_mem>>)
        %dma_wait3A = arith.constant 0 : i32
        %dma_wait3A_42 = tpu.memref_slice %arg7[%add3A_38, %dma_wait3A] : memref<10240x16xf32, #tpu.memory_space<vmem_shared>> -> memref<128x16xf32, #tpu.memory_space<vmem_shared>>
        %dma_wait3A_43 = arith.constant 0 : i32
        %dma_wait3A_44 = tpu.memref_slice %arg7[%add3A_38, %dma_wait3A_43] : memref<10240x16xf32, #tpu.memory_space<vmem_shared>> -> memref<128x16xf32, #tpu.memory_space<vmem_shared>>
        tpu.wait_dma2 semaphore(%run_scoped3A : memref<!tpu.dma_semaphore, #tpu.memory_space<semaphore_mem>>) src(%arg6 : memref<128x16xf32, #tpu.memory_space<vmem>>) dst(%dma_wait3A_44 : memref<128x16xf32, #tpu.memory_space<vmem_shared>>)
        tpu.yield
      }) : () -> ()
    }
    %scan3A_17 = arith.constant 5 : i32
    "tpu.region"() ({
      %run_scoped3A = tpu.sem_alloc : memref<!tpu.dma_semaphore, #tpu.memory_space<semaphore_mem>>
      %dma_start3A = arith.constant 0 : i32
      %dma_start3A_29 = arith.constant 0 : i32
      %dma_start3A_30 = tpu.memref_slice %arg2[%add3A, %dma_start3A, %dma_start3A_29] : memref<32x80x125xi32, #tpu.memory_space<hbm>> -> memref<1x80x125xi32, #tpu.memory_space<hbm>>
      %dma_start3A_31 = tpu.memref_squeeze %dma_start3A_30 : memref<1x80x125xi32, #tpu.memory_space<hbm>> -> memref<80x125xi32, #tpu.memory_space<hbm>>
      %dma_start3A_32 = arith.constant 0 : i32
      %dma_start3A_33 = arith.constant 0 : i32
      %dma_start3A_34 = tpu.memref_slice %arg2[%add3A, %dma_start3A_32, %dma_start3A_33] : memref<32x80x125xi32, #tpu.memory_space<hbm>> -> memref<1x80x125xi32, #tpu.memory_space<hbm>>
      %dma_start3A_35 = tpu.memref_squeeze %dma_start3A_34 : memref<1x80x125xi32, #tpu.memory_space<hbm>> -> memref<80x125xi32, #tpu.memory_space<hbm>>
      tpu.enqueue_dma source(%dma_start3A_35 : memref<80x125xi32, #tpu.memory_space<hbm>>) target(%arg4 : memref<80x125xi32, #tpu.memory_space<vmem>>) target_semaphore(%run_scoped3A : memref<!tpu.dma_semaphore, #tpu.memory_space<semaphore_mem>>)
      %dma_wait3A = arith.constant 0 : i32
      %dma_wait3A_36 = arith.constant 0 : i32
      %dma_wait3A_37 = tpu.memref_slice %arg2[%add3A, %dma_wait3A, %dma_wait3A_36] : memref<32x80x125xi32, #tpu.memory_space<hbm>> -> memref<1x80x125xi32, #tpu.memory_space<hbm>>
      %dma_wait3A_38 = tpu.memref_squeeze %dma_wait3A_37 : memref<1x80x125xi32, #tpu.memory_space<hbm>> -> memref<80x125xi32, #tpu.memory_space<hbm>>
      %dma_wait3A_39 = arith.constant 0 : i32
      %dma_wait3A_40 = arith.constant 0 : i32
      %dma_wait3A_41 = tpu.memref_slice %arg2[%add3A, %dma_wait3A_39, %dma_wait3A_40] : memref<32x80x125xi32, #tpu.memory_space<hbm>> -> memref<1x80x125xi32, #tpu.memory_space<hbm>>
      %dma_wait3A_42 = tpu.memref_squeeze %dma_wait3A_41 : memref<1x80x125xi32, #tpu.memory_space<hbm>> -> memref<80x125xi32, #tpu.memory_space<hbm>>
      tpu.wait_dma2 semaphore(%run_scoped3A : memref<!tpu.dma_semaphore, #tpu.memory_space<semaphore_mem>>) src(%dma_wait3A_42 : memref<80x125xi32, #tpu.memory_space<hbm>>) dst(%arg4 : memref<80x125xi32, #tpu.memory_space<vmem>>)
      tpu.yield
    }) : () -> ()
    %barrier3A = arith.constant 0 : index
    tpu.barrier barrier_id(%barrier3A)
    %scan3A_18 = arith.constant 0 : i32
    %scan3A_19 = arith.constant 80 : i32
    %scan3A_20 = arith.addi %scan3A_18, %scan3A_19 : i32
    %scan3A_21 = arith.constant 1 : i32
    scf.for %scan3A_29 = %scan3A_18 to %scan3A_20 step %scan3A_21  : i32 {
      %mul3A_30 = arith.constant 1 : i32
      %mul3A_31 = arith.muli %scan3A_29, %mul3A_30 : i32
      %add3A_32 = arith.constant 0 : i32
      %add3A_33 = arith.addi %add3A_32, %mul3A_31 : i32
      "tpu.region"() ({
        %run_scoped3A = tpu.sem_alloc : memref<!tpu.dma_semaphore, #tpu.memory_space<semaphore_mem>>
        %dma_start3A = arith.constant 0 : i32
        %dma_start3A_34 = tpu.memref_slice %arg4[%add3A_33, %dma_start3A] : memref<80x125xi32, #tpu.memory_space<vmem>> -> memref<1x125xi32, #tpu.memory_space<vmem>>
        %dma_start3A_35 = tpu.memref_squeeze %dma_start3A_34 : memref<1x125xi32, #tpu.memory_space<vmem>> -> memref<125xi32, #tpu.memory_space<vmem>>
        %dma_start3A_36 = arith.constant 0 : i32
        %dma_start3A_37 = arith.constant 0 : i32
        %dma_start3A_38 = tpu.memref_slice %arg7[%dma_start3A_36, %dma_start3A_37] : memref<10240x16xf32, #tpu.memory_space<vmem_shared>> -> memref<10240x16xf32, #tpu.memory_space<vmem_shared>>
        tpu.enqueue_indirect_dma source(%arg5 : memref<125x16xf32, #tpu.memory_space<vmem>>) target(%dma_start3A_38 : memref<10240x16xf32, #tpu.memory_space<vmem_shared>>) offsets(%dma_start3A_35 : memref<125xi32, #tpu.memory_space<vmem>>) semaphore(%run_scoped3A : memref<!tpu.dma_semaphore, #tpu.memory_space<semaphore_mem>>) {add = true}
        %dma_wait3A = arith.constant 0 : i32
        %dma_wait3A_39 = tpu.memref_slice %arg4[%add3A_33, %dma_wait3A] : memref<80x125xi32, #tpu.memory_space<vmem>> -> memref<1x125xi32, #tpu.memory_space<vmem>>
        %dma_wait3A_40 = tpu.memref_squeeze %dma_wait3A_39 : memref<1x125xi32, #tpu.memory_space<vmem>> -> memref<125xi32, #tpu.memory_space<vmem>>
        %dma_wait3A_41 = arith.constant 0 : i32
        %dma_wait3A_42 = arith.constant 0 : i32
        %dma_wait3A_43 = tpu.memref_slice %arg7[%dma_wait3A_41, %dma_wait3A_42] : memref<10240x16xf32, #tpu.memory_space<vmem_shared>> -> memref<10240x16xf32, #tpu.memory_space<vmem_shared>>
        tpu.wait_indirect_dma semaphore(%run_scoped3A : memref<!tpu.dma_semaphore, #tpu.memory_space<semaphore_mem>>) src(%arg5 : memref<125x16xf32, #tpu.memory_space<vmem>>) dst(%dma_wait3A_43 : memref<10240x16xf32, #tpu.memory_space<vmem_shared>>)
        tpu.yield
      }) : () -> ()
    }
    %scan3A_22 = arith.constant 80 : i32
    %barrier3A_23 = arith.constant 0 : index
    tpu.barrier barrier_id(%barrier3A_23)
    %scan3A_24 = arith.constant 0 : i32
    %scan3A_25 = arith.constant 5 : i32
    %scan3A_26 = arith.addi %scan3A_24, %scan3A_25 : i32
    %scan3A_27 = arith.constant 1 : i32
    scf.for %scan3A_29 = %scan3A_24 to %scan3A_26 step %scan3A_27  : i32 {
      %mul3A_30 = arith.constant 1 : i32
      %mul3A_31 = arith.muli %scan3A_29, %mul3A_30 : i32
      %add3A_32 = arith.constant 0 : i32
      %add3A_33 = arith.addi %add3A_32, %mul3A_31 : i32
      %mul3A_34 = arith.constant 640 : i32
      %mul3A_35 = arith.muli %arg1, %mul3A_34 : i32
      %mul3A_36 = arith.constant 128 : i32
      %mul3A_37 = arith.muli %add3A_33, %mul3A_36 : i32
      %add3A_38 = arith.addi %mul3A_35, %mul3A_37 : i32
      "tpu.region"() ({
        %run_scoped3A = tpu.sem_alloc : memref<!tpu.dma_semaphore, #tpu.memory_space<semaphore_mem>>
        %dma_start3A = arith.constant 0 : i32
        %dma_start3A_47 = tpu.memref_slice %arg7[%add3A_38, %dma_start3A] : memref<10240x16xf32, #tpu.memory_space<vmem_shared>> -> memref<128x16xf32, #tpu.memory_space<vmem_shared>>
        %dma_start3A_48 = arith.constant 0 : i32
        %dma_start3A_49 = tpu.memref_slice %arg7[%add3A_38, %dma_start3A_48] : memref<10240x16xf32, #tpu.memory_space<vmem_shared>> -> memref<128x16xf32, #tpu.memory_space<vmem_shared>>
        tpu.enqueue_dma source(%dma_start3A_49 : memref<128x16xf32, #tpu.memory_space<vmem_shared>>) target(%arg6 : memref<128x16xf32, #tpu.memory_space<vmem>>) target_semaphore(%run_scoped3A : memref<!tpu.dma_semaphore, #tpu.memory_space<semaphore_mem>>)
        %dma_wait3A = arith.constant 0 : i32
        %dma_wait3A_50 = tpu.memref_slice %arg7[%add3A_38, %dma_wait3A] : memref<10240x16xf32, #tpu.memory_space<vmem_shared>> -> memref<128x16xf32, #tpu.memory_space<vmem_shared>>
        %dma_wait3A_51 = arith.constant 0 : i32
        %dma_wait3A_52 = tpu.memref_slice %arg7[%add3A_38, %dma_wait3A_51] : memref<10240x16xf32, #tpu.memory_space<vmem_shared>> -> memref<128x16xf32, #tpu.memory_space<vmem_shared>>
        tpu.wait_dma2 semaphore(%run_scoped3A : memref<!tpu.dma_semaphore, #tpu.memory_space<semaphore_mem>>) src(%dma_wait3A_52 : memref<128x16xf32, #tpu.memory_space<vmem_shared>>) dst(%arg6 : memref<128x16xf32, #tpu.memory_space<vmem>>)
        tpu.yield
      }) : () -> ()
      %mul3A_39 = arith.constant 10240 : i32
      %mul3A_40 = arith.muli %arg0, %mul3A_39 : i32
      %mul3A_41 = arith.constant 640 : i32
      %mul3A_42 = arith.muli %arg1, %mul3A_41 : i32
      %add3A_43 = arith.addi %mul3A_40, %mul3A_42 : i32
      %mul3A_44 = arith.constant 128 : i32
      %mul3A_45 = arith.muli %add3A_33, %mul3A_44 : i32
      %add3A_46 = arith.addi %add3A_43, %mul3A_45 : i32
      "tpu.region"() ({
        %run_scoped3A = tpu.sem_alloc : memref<!tpu.dma_semaphore, #tpu.memory_space<semaphore_mem>>
        %dma_start3A = arith.constant 0 : i32
        %dma_start3A_47 = tpu.memref_slice %arg3[%add3A_46, %dma_start3A] : memref<20480x16xf32, #tpu.memory_space<hbm>> -> memref<128x16xf32, #tpu.memory_space<hbm>>
        %dma_start3A_48 = arith.constant 0 : i32
        %dma_start3A_49 = tpu.memref_slice %arg3[%add3A_46, %dma_start3A_48] : memref<20480x16xf32, #tpu.memory_space<hbm>> -> memref<128x16xf32, #tpu.memory_space<hbm>>
        tpu.enqueue_dma source(%arg6 : memref<128x16xf32, #tpu.memory_space<vmem>>) target(%dma_start3A_49 : memref<128x16xf32, #tpu.memory_space<hbm>>) target_semaphore(%run_scoped3A : memref<!tpu.dma_semaphore, #tpu.memory_space<semaphore_mem>>)
        %dma_wait3A = arith.constant 0 : i32
        %dma_wait3A_50 = tpu.memref_slice %arg3[%add3A_46, %dma_wait3A] : memref<20480x16xf32, #tpu.memory_space<hbm>> -> memref<128x16xf32, #tpu.memory_space<hbm>>
        %dma_wait3A_51 = arith.constant 0 : i32
        %dma_wait3A_52 = tpu.memref_slice %arg3[%add3A_46, %dma_wait3A_51] : memref<20480x16xf32, #tpu.memory_space<hbm>> -> memref<128x16xf32, #tpu.memory_space<hbm>>
        tpu.wait_dma2 semaphore(%run_scoped3A : memref<!tpu.dma_semaphore, #tpu.memory_space<semaphore_mem>>) src(%arg6 : memref<128x16xf32, #tpu.memory_space<vmem>>) dst(%dma_wait3A_52 : memref<128x16xf32, #tpu.memory_space<hbm>>)
        tpu.yield
      }) : () -> ()
    }
    %scan3A_28 = arith.constant 5 : i32
    return
  }
}

#map = affine_map<(d0, d1) -> (0, 0)>
#map1 = affine_map<(d0, d1) -> (0, 0, 0)>
module attributes {stable_mosaic.version = 14 : i64} {
  func.func @agg3(%arg0: i32, %arg1: i32, %arg2: memref<40960x64xf32, #tpu.memory_space<hbm>>, %arg3: memref<32x160x125xi32, #tpu.memory_space<hbm>>, %arg4: memref<32x160x125xi32, #tpu.memory_space<hbm>>, %arg5: memref<16x160x125xi32, #tpu.memory_space<hbm>>, %arg6: memref<40960x64xf32, #tpu.memory_space<hbm>>, %arg7: memref<160x125xi32, #tpu.memory_space<vmem>>, %arg8: memref<160x125xi32, #tpu.memory_space<vmem>>, %arg9: memref<4x125x64xf32, #tpu.memory_space<vmem>>, %arg10: memref<128x64xf32, #tpu.memory_space<vmem>>, %arg11: memref<10240x64xf32, #tpu.memory_space<vmem_shared>>, %arg12: memref<!tpu.dma_semaphore, #tpu.memory_space<semaphore_mem>>, %arg13: memref<!tpu.dma_semaphore, #tpu.memory_space<semaphore_mem>>, %arg14: memref<!tpu.dma_semaphore, #tpu.memory_space<semaphore_mem>>, %arg15: memref<!tpu.dma_semaphore, #tpu.memory_space<semaphore_mem>>, %arg16: memref<!tpu.dma_semaphore, #tpu.memory_space<semaphore_mem>>, %arg17: memref<!tpu.dma_semaphore, #tpu.memory_space<semaphore_mem>>, %arg18: memref<!tpu.dma_semaphore, #tpu.memory_space<semaphore_mem>>, %arg19: memref<!tpu.dma_semaphore, #tpu.memory_space<semaphore_mem>>) attributes {dimension_semantics = [#tpu.dimension_semantics<core_parallel>, #tpu.dimension_semantics<subcore_parallel>], iteration_bounds = array<i64: 2, 16>, scalar_prefetch = 0 : i64, scratch_operands = 13 : i64, tpu.core_type = #tpu.core_type<sc_vector_subcore>, window_params = [{transform_indices = #map}, {transform_indices = #map1}, {transform_indices = #map1}, {transform_indices = #map1}, {transform_indices = #map}]} {
    "tpu.region"() ({
      %run_scoped3A = tpu.sem_alloc : memref<!tpu.dma_semaphore, #tpu.memory_space<semaphore_mem>>
      %dma_start3A_227 = arith.constant 0 : i32
      %dma_start3A_228 = arith.constant 0 : i32
      %dma_start3A_229 = tpu.memref_slice %arg5[%arg1, %dma_start3A_227, %dma_start3A_228] : memref<16x160x125xi32, #tpu.memory_space<hbm>> -> memref<1x160x125xi32, #tpu.memory_space<hbm>>
      %dma_start3A_230 = tpu.memref_squeeze %dma_start3A_229 : memref<1x160x125xi32, #tpu.memory_space<hbm>> -> memref<160x125xi32, #tpu.memory_space<hbm>>
      %dma_start3A_231 = arith.constant 0 : i32
      %dma_start3A_232 = arith.constant 0 : i32
      %dma_start3A_233 = tpu.memref_slice %arg5[%arg1, %dma_start3A_231, %dma_start3A_232] : memref<16x160x125xi32, #tpu.memory_space<hbm>> -> memref<1x160x125xi32, #tpu.memory_space<hbm>>
      %dma_start3A_234 = tpu.memref_squeeze %dma_start3A_233 : memref<1x160x125xi32, #tpu.memory_space<hbm>> -> memref<160x125xi32, #tpu.memory_space<hbm>>
      tpu.enqueue_dma source(%dma_start3A_234 : memref<160x125xi32, #tpu.memory_space<hbm>>) target(%arg8 : memref<160x125xi32, #tpu.memory_space<vmem>>) target_semaphore(%run_scoped3A : memref<!tpu.dma_semaphore, #tpu.memory_space<semaphore_mem>>)
      %dma_wait3A_235 = arith.constant 0 : i32
      %dma_wait3A_236 = arith.constant 0 : i32
      %dma_wait3A_237 = tpu.memref_slice %arg5[%arg1, %dma_wait3A_235, %dma_wait3A_236] : memref<16x160x125xi32, #tpu.memory_space<hbm>> -> memref<1x160x125xi32, #tpu.memory_space<hbm>>
      %dma_wait3A_238 = tpu.memref_squeeze %dma_wait3A_237 : memref<1x160x125xi32, #tpu.memory_space<hbm>> -> memref<160x125xi32, #tpu.memory_space<hbm>>
      %dma_wait3A_239 = arith.constant 0 : i32
      %dma_wait3A_240 = arith.constant 0 : i32
      %dma_wait3A_241 = tpu.memref_slice %arg5[%arg1, %dma_wait3A_239, %dma_wait3A_240] : memref<16x160x125xi32, #tpu.memory_space<hbm>> -> memref<1x160x125xi32, #tpu.memory_space<hbm>>
      %dma_wait3A_242 = tpu.memref_squeeze %dma_wait3A_241 : memref<1x160x125xi32, #tpu.memory_space<hbm>> -> memref<160x125xi32, #tpu.memory_space<hbm>>
      tpu.wait_dma2 semaphore(%run_scoped3A : memref<!tpu.dma_semaphore, #tpu.memory_space<semaphore_mem>>) src(%dma_wait3A_242 : memref<160x125xi32, #tpu.memory_space<hbm>>) dst(%arg8 : memref<160x125xi32, #tpu.memory_space<vmem>>)
      tpu.yield
    }) : () -> ()
    %add3A = arith.constant 0 : i32
    %add3A_0 = arith.addi %add3A, %arg0 : i32
    %broadcast_in_dim3A = arith.constant 0.000000e+00 : f32
    %broadcast_in_dim3A_1 = vector.broadcast %broadcast_in_dim3A : f32 to vector<16xf32>
    %scan3A = arith.constant 0 : i32
    %scan3A_2 = arith.constant 128 : i32
    %scan3A_3 = arith.addi %scan3A, %scan3A_2 : i32
    %scan3A_4 = arith.constant 1 : i32
    scf.for %scan3A_227 = %scan3A to %scan3A_3 step %scan3A_4  : i32 {
      %mul3A_228 = arith.constant 1 : i32
      %mul3A_229 = arith.muli %scan3A_227, %mul3A_228 : i32
      %add3A_230 = arith.constant 0 : i32
      %add3A_231 = arith.addi %add3A_230, %mul3A_229 : i32
      %swap3A = arith.index_cast %add3A_231 : i32 to index
      %swap3A_232 = arith.constant 0 : index
      %swap3A_233 = tpu.vector_load %arg10[%swap3A, %swap3A_232] {strides = array<i32>} : memref<128x64xf32, #tpu.memory_space<vmem>>, vector<1x16xf32>,
      %swap3A_234 = vector.shape_cast %swap3A_233 : vector<1x16xf32> to vector<16xf32>
      %swap3A_235 = vector.shape_cast %broadcast_in_dim3A_1 : vector<16xf32> to vector<1x16xf32>
      tpu.vector_store %arg10[%swap3A, %swap3A_232], %swap3A_235 {strides = array<i32>} : memref<128x64xf32, #tpu.memory_space<vmem>>, vector<1x16xf32>,
      %swap3A_236 = arith.index_cast %add3A_231 : i32 to index
      %swap3A_237 = arith.constant 16 : index
      %swap3A_238 = tpu.vector_load %arg10[%swap3A_236, %swap3A_237] {strides = array<i32>} : memref<128x64xf32, #tpu.memory_space<vmem>>, vector<1x16xf32>,
      %swap3A_239 = vector.shape_cast %swap3A_238 : vector<1x16xf32> to vector<16xf32>
      %swap3A_240 = vector.shape_cast %broadcast_in_dim3A_1 : vector<16xf32> to vector<1x16xf32>
      tpu.vector_store %arg10[%swap3A_236, %swap3A_237], %swap3A_240 {strides = array<i32>} : memref<128x64xf32, #tpu.memory_space<vmem>>, vector<1x16xf32>,
      %swap3A_241 = arith.index_cast %add3A_231 : i32 to index
      %swap3A_242 = arith.constant 32 : index
      %swap3A_243 = tpu.vector_load %arg10[%swap3A_241, %swap3A_242] {strides = array<i32>} : memref<128x64xf32, #tpu.memory_space<vmem>>, vector<1x16xf32>,
      %swap3A_244 = vector.shape_cast %swap3A_243 : vector<1x16xf32> to vector<16xf32>
      %swap3A_245 = vector.shape_cast %broadcast_in_dim3A_1 : vector<16xf32> to vector<1x16xf32>
      tpu.vector_store %arg10[%swap3A_241, %swap3A_242], %swap3A_245 {strides = array<i32>} : memref<128x64xf32, #tpu.memory_space<vmem>>, vector<1x16xf32>,
      %swap3A_246 = arith.index_cast %add3A_231 : i32 to index
      %swap3A_247 = arith.constant 48 : index
      %swap3A_248 = tpu.vector_load %arg10[%swap3A_246, %swap3A_247] {strides = array<i32>} : memref<128x64xf32, #tpu.memory_space<vmem>>, vector<1x16xf32>,
      %swap3A_249 = vector.shape_cast %swap3A_248 : vector<1x16xf32> to vector<16xf32>
      %swap3A_250 = vector.shape_cast %broadcast_in_dim3A_1 : vector<16xf32> to vector<1x16xf32>
      tpu.vector_store %arg10[%swap3A_246, %swap3A_247], %swap3A_250 {strides = array<i32>} : memref<128x64xf32, #tpu.memory_space<vmem>>, vector<1x16xf32>,
    }
    %scan3A_5 = arith.constant 128 : i32
    %scan3A_6 = arith.constant 0 : i32
    %scan3A_7 = arith.constant 5 : i32
    %scan3A_8 = arith.addi %scan3A_6, %scan3A_7 : i32
    %scan3A_9 = arith.constant 1 : i32
    scf.for %scan3A_227 = %scan3A_6 to %scan3A_8 step %scan3A_9  : i32 {
      %mul3A_228 = arith.constant 1 : i32
      %mul3A_229 = arith.muli %scan3A_227, %mul3A_228 : i32
      %add3A_230 = arith.constant 0 : i32
      %add3A_231 = arith.addi %add3A_230, %mul3A_229 : i32
      %mul3A_232 = arith.constant 640 : i32
      %mul3A_233 = arith.muli %arg1, %mul3A_232 : i32
      %mul3A_234 = arith.constant 128 : i32
      %mul3A_235 = arith.muli %add3A_231, %mul3A_234 : i32
      %add3A_236 = arith.addi %mul3A_233, %mul3A_235 : i32
      "tpu.region"() ({
        %run_scoped3A = tpu.sem_alloc : memref<!tpu.dma_semaphore, #tpu.memory_space<semaphore_mem>>
        %dma_start3A_237 = arith.constant 0 : i32
        %dma_start3A_238 = tpu.memref_slice %arg11[%add3A_236, %dma_start3A_237] : memref<10240x64xf32, #tpu.memory_space<vmem_shared>> -> memref<128x64xf32, #tpu.memory_space<vmem_shared>>
        %dma_start3A_239 = arith.constant 0 : i32
        %dma_start3A_240 = tpu.memref_slice %arg11[%add3A_236, %dma_start3A_239] : memref<10240x64xf32, #tpu.memory_space<vmem_shared>> -> memref<128x64xf32, #tpu.memory_space<vmem_shared>>
        tpu.enqueue_dma source(%arg10 : memref<128x64xf32, #tpu.memory_space<vmem>>) target(%dma_start3A_240 : memref<128x64xf32, #tpu.memory_space<vmem_shared>>) target_semaphore(%run_scoped3A : memref<!tpu.dma_semaphore, #tpu.memory_space<semaphore_mem>>)
        %dma_wait3A_241 = arith.constant 0 : i32
        %dma_wait3A_242 = tpu.memref_slice %arg11[%add3A_236, %dma_wait3A_241] : memref<10240x64xf32, #tpu.memory_space<vmem_shared>> -> memref<128x64xf32, #tpu.memory_space<vmem_shared>>
        %dma_wait3A_243 = arith.constant 0 : i32
        %dma_wait3A_244 = tpu.memref_slice %arg11[%add3A_236, %dma_wait3A_243] : memref<10240x64xf32, #tpu.memory_space<vmem_shared>> -> memref<128x64xf32, #tpu.memory_space<vmem_shared>>
        tpu.wait_dma2 semaphore(%run_scoped3A : memref<!tpu.dma_semaphore, #tpu.memory_space<semaphore_mem>>) src(%arg10 : memref<128x64xf32, #tpu.memory_space<vmem>>) dst(%dma_wait3A_244 : memref<128x64xf32, #tpu.memory_space<vmem_shared>>)
        tpu.yield
      }) : () -> ()
    }
    %scan3A_10 = arith.constant 5 : i32
    %mul3A = arith.constant 16 : i32
    %mul3A_11 = arith.muli %arg0, %mul3A : i32
    %add3A_12 = arith.addi %mul3A_11, %arg1 : i32
    "tpu.region"() ({
      %run_scoped3A = tpu.sem_alloc : memref<!tpu.dma_semaphore, #tpu.memory_space<semaphore_mem>>
      %dma_start3A_227 = arith.constant 0 : i32
      %dma_start3A_228 = arith.constant 0 : i32
      %dma_start3A_229 = tpu.memref_slice %arg3[%add3A_12, %dma_start3A_227, %dma_start3A_228] : memref<32x160x125xi32, #tpu.memory_space<hbm>> -> memref<1x160x125xi32, #tpu.memory_space<hbm>>
      %dma_start3A_230 = tpu.memref_squeeze %dma_start3A_229 : memref<1x160x125xi32, #tpu.memory_space<hbm>> -> memref<160x125xi32, #tpu.memory_space<hbm>>
      %dma_start3A_231 = arith.constant 0 : i32
      %dma_start3A_232 = arith.constant 0 : i32
      %dma_start3A_233 = tpu.memref_slice %arg3[%add3A_12, %dma_start3A_231, %dma_start3A_232] : memref<32x160x125xi32, #tpu.memory_space<hbm>> -> memref<1x160x125xi32, #tpu.memory_space<hbm>>
      %dma_start3A_234 = tpu.memref_squeeze %dma_start3A_233 : memref<1x160x125xi32, #tpu.memory_space<hbm>> -> memref<160x125xi32, #tpu.memory_space<hbm>>
      tpu.enqueue_dma source(%dma_start3A_234 : memref<160x125xi32, #tpu.memory_space<hbm>>) target(%arg7 : memref<160x125xi32, #tpu.memory_space<vmem>>) target_semaphore(%run_scoped3A : memref<!tpu.dma_semaphore, #tpu.memory_space<semaphore_mem>>)
      %dma_wait3A_235 = arith.constant 0 : i32
      %dma_wait3A_236 = arith.constant 0 : i32
      %dma_wait3A_237 = tpu.memref_slice %arg3[%add3A_12, %dma_wait3A_235, %dma_wait3A_236] : memref<32x160x125xi32, #tpu.memory_space<hbm>> -> memref<1x160x125xi32, #tpu.memory_space<hbm>>
      %dma_wait3A_238 = tpu.memref_squeeze %dma_wait3A_237 : memref<1x160x125xi32, #tpu.memory_space<hbm>> -> memref<160x125xi32, #tpu.memory_space<hbm>>
      %dma_wait3A_239 = arith.constant 0 : i32
      %dma_wait3A_240 = arith.constant 0 : i32
      %dma_wait3A_241 = tpu.memref_slice %arg3[%add3A_12, %dma_wait3A_239, %dma_wait3A_240] : memref<32x160x125xi32, #tpu.memory_space<hbm>> -> memref<1x160x125xi32, #tpu.memory_space<hbm>>
      %dma_wait3A_242 = tpu.memref_squeeze %dma_wait3A_241 : memref<1x160x125xi32, #tpu.memory_space<hbm>> -> memref<160x125xi32, #tpu.memory_space<hbm>>
      tpu.wait_dma2 semaphore(%run_scoped3A : memref<!tpu.dma_semaphore, #tpu.memory_space<semaphore_mem>>) src(%dma_wait3A_242 : memref<160x125xi32, #tpu.memory_space<hbm>>) dst(%arg7 : memref<160x125xi32, #tpu.memory_space<vmem>>)
      tpu.yield
    }) : () -> ()
    %barrier3A = arith.constant 0 : index
    tpu.barrier barrier_id(%barrier3A)
    %dma_start3A = arith.constant 0 : i32
    %dma_start3A_13 = arith.constant 0 : i32
    %dma_start3A_14 = arith.constant 0 : i32
    %dma_start3A_15 = arith.constant 0 : i32
    %dma_start3A_16 = tpu.memref_slice %arg9[%dma_start3A_13, %dma_start3A_14, %dma_start3A_15] : memref<4x125x64xf32, #tpu.memory_space<vmem>> -> memref<1x125x64xf32, #tpu.memory_space<vmem>>
    %dma_start3A_17 = tpu.memref_squeeze %dma_start3A_16 : memref<1x125x64xf32, #tpu.memory_space<vmem>> -> memref<125x64xf32, #tpu.memory_space<vmem>>
    %dma_start3A_18 = arith.constant 0 : i32
    %dma_start3A_19 = tpu.memref_slice %arg7[%dma_start3A, %dma_start3A_18] : memref<160x125xi32, #tpu.memory_space<vmem>> -> memref<1x125xi32, #tpu.memory_space<vmem>>
    %dma_start3A_20 = tpu.memref_squeeze %dma_start3A_19 : memref<1x125xi32, #tpu.memory_space<vmem>> -> memref<125xi32, #tpu.memory_space<vmem>>
    %dma_start3A_21 = arith.constant 0 : i32
    %dma_start3A_22 = arith.constant 0 : i32
    %dma_start3A_23 = tpu.memref_slice %arg2[%dma_start3A_21, %dma_start3A_22] : memref<40960x64xf32, #tpu.memory_space<hbm>> -> memref<40960x64xf32, #tpu.memory_space<hbm>>
    tpu.enqueue_indirect_dma source(%dma_start3A_23 : memref<40960x64xf32, #tpu.memory_space<hbm>>) target(%dma_start3A_17 : memref<125x64xf32, #tpu.memory_space<vmem>>) offsets(%dma_start3A_20 : memref<125xi32, #tpu.memory_space<vmem>>) semaphore(%arg12 : memref<!tpu.dma_semaphore, #tpu.memory_space<semaphore_mem>>)
    %dma_start3A_24 = arith.constant 1 : i32
    %dma_start3A_25 = arith.constant 1 : i32
    %dma_start3A_26 = arith.constant 0 : i32
    %dma_start3A_27 = arith.constant 0 : i32
    %dma_start3A_28 = tpu.memref_slice %arg9[%dma_start3A_25, %dma_start3A_26, %dma_start3A_27] : memref<4x125x64xf32, #tpu.memory_space<vmem>> -> memref<1x125x64xf32, #tpu.memory_space<vmem>>
    %dma_start3A_29 = tpu.memref_squeeze %dma_start3A_28 : memref<1x125x64xf32, #tpu.memory_space<vmem>> -> memref<125x64xf32, #tpu.memory_space<vmem>>
    %dma_start3A_30 = arith.constant 0 : i32
    %dma_start3A_31 = tpu.memref_slice %arg7[%dma_start3A_24, %dma_start3A_30] : memref<160x125xi32, #tpu.memory_space<vmem>> -> memref<1x125xi32, #tpu.memory_space<vmem>>
    %dma_start3A_32 = tpu.memref_squeeze %dma_start3A_31 : memref<1x125xi32, #tpu.memory_space<vmem>> -> memref<125xi32, #tpu.memory_space<vmem>>
    %dma_start3A_33 = arith.constant 0 : i32
    %dma_start3A_34 = arith.constant 0 : i32
    %dma_start3A_35 = tpu.memref_slice %arg2[%dma_start3A_33, %dma_start3A_34] : memref<40960x64xf32, #tpu.memory_space<hbm>> -> memref<40960x64xf32, #tpu.memory_space<hbm>>
    tpu.enqueue_indirect_dma source(%dma_start3A_35 : memref<40960x64xf32, #tpu.memory_space<hbm>>) target(%dma_start3A_29 : memref<125x64xf32, #tpu.memory_space<vmem>>) offsets(%dma_start3A_32 : memref<125xi32, #tpu.memory_space<vmem>>) semaphore(%arg13 : memref<!tpu.dma_semaphore, #tpu.memory_space<semaphore_mem>>)
    %dma_start3A_36 = arith.constant 2 : i32
    %dma_start3A_37 = arith.constant 2 : i32
    %dma_start3A_38 = arith.constant 0 : i32
    %dma_start3A_39 = arith.constant 0 : i32
    %dma_start3A_40 = tpu.memref_slice %arg9[%dma_start3A_37, %dma_start3A_38, %dma_start3A_39] : memref<4x125x64xf32, #tpu.memory_space<vmem>> -> memref<1x125x64xf32, #tpu.memory_space<vmem>>
    %dma_start3A_41 = tpu.memref_squeeze %dma_start3A_40 : memref<1x125x64xf32, #tpu.memory_space<vmem>> -> memref<125x64xf32, #tpu.memory_space<vmem>>
    %dma_start3A_42 = arith.constant 0 : i32
    %dma_start3A_43 = tpu.memref_slice %arg7[%dma_start3A_36, %dma_start3A_42] : memref<160x125xi32, #tpu.memory_space<vmem>> -> memref<1x125xi32, #tpu.memory_space<vmem>>
    %dma_start3A_44 = tpu.memref_squeeze %dma_start3A_43 : memref<1x125xi32, #tpu.memory_space<vmem>> -> memref<125xi32, #tpu.memory_space<vmem>>
    %dma_start3A_45 = arith.constant 0 : i32
    %dma_start3A_46 = arith.constant 0 : i32
    %dma_start3A_47 = tpu.memref_slice %arg2[%dma_start3A_45, %dma_start3A_46] : memref<40960x64xf32, #tpu.memory_space<hbm>> -> memref<40960x64xf32, #tpu.memory_space<hbm>>
    tpu.enqueue_indirect_dma source(%dma_start3A_47 : memref<40960x64xf32, #tpu.memory_space<hbm>>) target(%dma_start3A_41 : memref<125x64xf32, #tpu.memory_space<vmem>>) offsets(%dma_start3A_44 : memref<125xi32, #tpu.memory_space<vmem>>) semaphore(%arg14 : memref<!tpu.dma_semaphore, #tpu.memory_space<semaphore_mem>>)
    %scan3A_48 = arith.constant 0 : i32
    %scan3A_49 = arith.constant 3 : i32
    %scan3A_50 = arith.constant 1 : i32
    %scan3A_51 = arith.constant 2 : i32
    %scan3A_52 = arith.constant 0 : i32
    %scan3A_53 = arith.constant 40 : i32
    %scan3A_54 = arith.addi %scan3A_52, %scan3A_53 : i32
    %scan3A_55 = arith.constant 1 : i32
    scf.for %scan3A_227 = %scan3A_52 to %scan3A_54 step %scan3A_55  : i32 {
      %mul3A_228 = arith.constant 1 : i32
      %mul3A_229 = arith.muli %scan3A_227, %mul3A_228 : i32
      %add3A_230 = arith.constant 0 : i32
      %add3A_231 = arith.addi %add3A_230, %mul3A_229 : i32
      %mul3A_232 = arith.constant 4 : i32
      %mul3A_233 = arith.muli %mul3A_232, %add3A_231 : i32
      %add3A_234 = arith.constant 0 : i32
      %add3A_235 = arith.addi %mul3A_233, %add3A_234 : i32
      %dma_wait3A_236 = arith.constant 0 : i32
      %dma_wait3A_237 = arith.constant 0 : i32
      %dma_wait3A_238 = tpu.memref_slice %arg9[%scan3A_48, %dma_wait3A_236, %dma_wait3A_237] : memref<4x125x64xf32, #tpu.memory_space<vmem>> -> memref<1x125x64xf32, #tpu.memory_space<vmem>>
      %dma_wait3A_239 = tpu.memref_squeeze %dma_wait3A_238 : memref<1x125x64xf32, #tpu.memory_space<vmem>> -> memref<125x64xf32, #tpu.memory_space<vmem>>
      %dma_wait3A_240 = arith.constant 0 : i32
      %dma_wait3A_241 = tpu.memref_slice %arg7[%add3A_235, %dma_wait3A_240] : memref<160x125xi32, #tpu.memory_space<vmem>> -> memref<1x125xi32, #tpu.memory_space<vmem>>
      %dma_wait3A_242 = tpu.memref_squeeze %dma_wait3A_241 : memref<1x125xi32, #tpu.memory_space<vmem>> -> memref<125xi32, #tpu.memory_space<vmem>>
      %dma_wait3A_243 = arith.constant 0 : i32
      %dma_wait3A_244 = arith.constant 0 : i32
      %dma_wait3A_245 = tpu.memref_slice %arg2[%dma_wait3A_243, %dma_wait3A_244] : memref<40960x64xf32, #tpu.memory_space<hbm>> -> memref<40960x64xf32, #tpu.memory_space<hbm>>
      tpu.wait_indirect_dma semaphore(%arg12 : memref<!tpu.dma_semaphore, #tpu.memory_space<semaphore_mem>>) src(%dma_wait3A_245 : memref<40960x64xf32, #tpu.memory_space<hbm>>) dst(%dma_wait3A_239 : memref<125x64xf32, #tpu.memory_space<vmem>>)
      %dma_start3A_246 = arith.constant 0 : i32
      %dma_start3A_247 = arith.constant 0 : i32
      %dma_start3A_248 = tpu.memref_slice %arg9[%scan3A_48, %dma_start3A_246, %dma_start3A_247] : memref<4x125x64xf32, #tpu.memory_space<vmem>> -> memref<1x125x64xf32, #tpu.memory_space<vmem>>
      %dma_start3A_249 = tpu.memref_squeeze %dma_start3A_248 : memref<1x125x64xf32, #tpu.memory_space<vmem>> -> memref<125x64xf32, #tpu.memory_space<vmem>>
      %dma_start3A_250 = arith.constant 0 : i32
      %dma_start3A_251 = tpu.memref_slice %arg8[%add3A_235, %dma_start3A_250] : memref<160x125xi32, #tpu.memory_space<vmem>> -> memref<1x125xi32, #tpu.memory_space<vmem>>
      %dma_start3A_252 = tpu.memref_squeeze %dma_start3A_251 : memref<1x125xi32, #tpu.memory_space<vmem>> -> memref<125xi32, #tpu.memory_space<vmem>>
      %dma_start3A_253 = arith.constant 0 : i32
      %dma_start3A_254 = arith.constant 0 : i32
      %dma_start3A_255 = tpu.memref_slice %arg11[%dma_start3A_253, %dma_start3A_254] : memref<10240x64xf32, #tpu.memory_space<vmem_shared>> -> memref<10240x64xf32, #tpu.memory_space<vmem_shared>>
      tpu.enqueue_indirect_dma source(%dma_start3A_249 : memref<125x64xf32, #tpu.memory_space<vmem>>) target(%dma_start3A_255 : memref<10240x64xf32, #tpu.memory_space<vmem_shared>>) offsets(%dma_start3A_252 : memref<125xi32, #tpu.memory_space<vmem>>) semaphore(%arg16 : memref<!tpu.dma_semaphore, #tpu.memory_space<semaphore_mem>>) {add = true}
      %add3A_256 = arith.constant 4 : i32
      %add3A_257 = arith.addi %add3A_235, %add3A_256 : i32
      %sub3A = arith.constant 1 : i32
      %sub3A_258 = arith.subi %add3A_257, %sub3A : i32
      %lt3A = arith.constant 160 : i32
      %lt3A_259 = arith.cmpi slt, %sub3A_258, %lt3A : i32
      %convert_element_type3A = arith.extui %lt3A_259 : i1 to i32
      %cond3A = arith.constant 0 : i32
      %cond3A_260 = arith.cmpi ne, %convert_element_type3A, %cond3A : i32
      scf.if %cond3A_260 {
        %ge3A = arith.constant 1 : i32
        %ge3A_360 = arith.cmpi sge, %add3A_231, %ge3A : i32
        %convert_element_type3A_361 = arith.extui %ge3A_360 : i1 to i32
        %cond3A_362 = arith.constant 0 : i32
        %cond3A_363 = arith.cmpi ne, %convert_element_type3A_361, %cond3A_362 : i32
        scf.if %cond3A_363 {
          %dma_wait3A_374 = arith.constant 0 : i32
          %dma_wait3A_375 = arith.constant 0 : i32
          %dma_wait3A_376 = arith.constant 0 : i32
          %dma_wait3A_377 = tpu.memref_slice %arg9[%scan3A_49, %dma_wait3A_375, %dma_wait3A_376] : memref<4x125x64xf32, #tpu.memory_space<vmem>> -> memref<1x125x64xf32, #tpu.memory_space<vmem>>
          %dma_wait3A_378 = tpu.memref_squeeze %dma_wait3A_377 : memref<1x125x64xf32, #tpu.memory_space<vmem>> -> memref<125x64xf32, #tpu.memory_space<vmem>>
          %dma_wait3A_379 = arith.constant 0 : i32
          %dma_wait3A_380 = tpu.memref_slice %arg8[%dma_wait3A_374, %dma_wait3A_379] : memref<160x125xi32, #tpu.memory_space<vmem>> -> memref<1x125xi32, #tpu.memory_space<vmem>>
          %dma_wait3A_381 = tpu.memref_squeeze %dma_wait3A_380 : memref<1x125xi32, #tpu.memory_space<vmem>> -> memref<125xi32, #tpu.memory_space<vmem>>
          %dma_wait3A_382 = arith.constant 0 : i32
          %dma_wait3A_383 = arith.constant 0 : i32
          %dma_wait3A_384 = tpu.memref_slice %arg11[%dma_wait3A_382, %dma_wait3A_383] : memref<10240x64xf32, #tpu.memory_space<vmem_shared>> -> memref<10240x64xf32, #tpu.memory_space<vmem_shared>>
          tpu.wait_indirect_dma semaphore(%arg19 : memref<!tpu.dma_semaphore, #tpu.memory_space<semaphore_mem>>) src(%dma_wait3A_378 : memref<125x64xf32, #tpu.memory_space<vmem>>) dst(%dma_wait3A_384 : memref<10240x64xf32, #tpu.memory_space<vmem_shared>>)
        } else {
        }
        %dma_start3A_364 = arith.constant 0 : i32
        %dma_start3A_365 = arith.constant 0 : i32
        %dma_start3A_366 = tpu.memref_slice %arg9[%scan3A_49, %dma_start3A_364, %dma_start3A_365] : memref<4x125x64xf32, #tpu.memory_space<vmem>> -> memref<1x125x64xf32, #tpu.memory_space<vmem>>
        %dma_start3A_367 = tpu.memref_squeeze %dma_start3A_366 : memref<1x125x64xf32, #tpu.memory_space<vmem>> -> memref<125x64xf32, #tpu.memory_space<vmem>>
        %dma_start3A_368 = arith.constant 0 : i32
        %dma_start3A_369 = tpu.memref_slice %arg7[%sub3A_258, %dma_start3A_368] : memref<160x125xi32, #tpu.memory_space<vmem>> -> memref<1x125xi32, #tpu.memory_space<vmem>>
        %dma_start3A_370 = tpu.memref_squeeze %dma_start3A_369 : memref<1x125xi32, #tpu.memory_space<vmem>> -> memref<125xi32, #tpu.memory_space<vmem>>
        %dma_start3A_371 = arith.constant 0 : i32
        %dma_start3A_372 = arith.constant 0 : i32
        %dma_start3A_373 = tpu.memref_slice %arg2[%dma_start3A_371, %dma_start3A_372] : memref<40960x64xf32, #tpu.memory_space<hbm>> -> memref<40960x64xf32, #tpu.memory_space<hbm>>
        tpu.enqueue_indirect_dma source(%dma_start3A_373 : memref<40960x64xf32, #tpu.memory_space<hbm>>) target(%dma_start3A_367 : memref<125x64xf32, #tpu.memory_space<vmem>>) offsets(%dma_start3A_370 : memref<125xi32, #tpu.memory_space<vmem>>) semaphore(%arg15 : memref<!tpu.dma_semaphore, #tpu.memory_space<semaphore_mem>>)
      } else {
      }
      %mul3A_261 = arith.constant 4 : i32
      %mul3A_262 = arith.muli %mul3A_261, %add3A_231 : i32
      %add3A_263 = arith.constant 1 : i32
      %add3A_264 = arith.addi %mul3A_262, %add3A_263 : i32
      %dma_wait3A_265 = arith.constant 0 : i32
      %dma_wait3A_266 = arith.constant 0 : i32
      %dma_wait3A_267 = tpu.memref_slice %arg9[%scan3A_50, %dma_wait3A_265, %dma_wait3A_266] : memref<4x125x64xf32, #tpu.memory_space<vmem>> -> memref<1x125x64xf32, #tpu.memory_space<vmem>>
      %dma_wait3A_268 = tpu.memref_squeeze %dma_wait3A_267 : memref<1x125x64xf32, #tpu.memory_space<vmem>> -> memref<125x64xf32, #tpu.memory_space<vmem>>
      %dma_wait3A_269 = arith.constant 0 : i32
      %dma_wait3A_270 = tpu.memref_slice %arg7[%add3A_264, %dma_wait3A_269] : memref<160x125xi32, #tpu.memory_space<vmem>> -> memref<1x125xi32, #tpu.memory_space<vmem>>
      %dma_wait3A_271 = tpu.memref_squeeze %dma_wait3A_270 : memref<1x125xi32, #tpu.memory_space<vmem>> -> memref<125xi32, #tpu.memory_space<vmem>>
      %dma_wait3A_272 = arith.constant 0 : i32
      %dma_wait3A_273 = arith.constant 0 : i32
      %dma_wait3A_274 = tpu.memref_slice %arg2[%dma_wait3A_272, %dma_wait3A_273] : memref<40960x64xf32, #tpu.memory_space<hbm>> -> memref<40960x64xf32, #tpu.memory_space<hbm>>
      tpu.wait_indirect_dma semaphore(%arg13 : memref<!tpu.dma_semaphore, #tpu.memory_space<semaphore_mem>>) src(%dma_wait3A_274 : memref<40960x64xf32, #tpu.memory_space<hbm>>) dst(%dma_wait3A_268 : memref<125x64xf32, #tpu.memory_space<vmem>>)
      %dma_start3A_275 = arith.constant 0 : i32
      %dma_start3A_276 = arith.constant 0 : i32
      %dma_start3A_277 = tpu.memref_slice %arg9[%scan3A_50, %dma_start3A_275, %dma_start3A_276] : memref<4x125x64xf32, #tpu.memory_space<vmem>> -> memref<1x125x64xf32, #tpu.memory_space<vmem>>
      %dma_start3A_278 = tpu.memref_squeeze %dma_start3A_277 : memref<1x125x64xf32, #tpu.memory_space<vmem>> -> memref<125x64xf32, #tpu.memory_space<vmem>>
      %dma_start3A_279 = arith.constant 0 : i32
      %dma_start3A_280 = tpu.memref_slice %arg8[%add3A_264, %dma_start3A_279] : memref<160x125xi32, #tpu.memory_space<vmem>> -> memref<1x125xi32, #tpu.memory_space<vmem>>
      %dma_start3A_281 = tpu.memref_squeeze %dma_start3A_280 : memref<1x125xi32, #tpu.memory_space<vmem>> -> memref<125xi32, #tpu.memory_space<vmem>>
      %dma_start3A_282 = arith.constant 0 : i32
      %dma_start3A_283 = arith.constant 0 : i32
      %dma_start3A_284 = tpu.memref_slice %arg11[%dma_start3A_282, %dma_start3A_283] : memref<10240x64xf32, #tpu.memory_space<vmem_shared>> -> memref<10240x64xf32, #tpu.memory_space<vmem_shared>>
      tpu.enqueue_indirect_dma source(%dma_start3A_278 : memref<125x64xf32, #tpu.memory_space<vmem>>) target(%dma_start3A_284 : memref<10240x64xf32, #tpu.memory_space<vmem_shared>>) offsets(%dma_start3A_281 : memref<125xi32, #tpu.memory_space<vmem>>) semaphore(%arg17 : memref<!tpu.dma_semaphore, #tpu.memory_space<semaphore_mem>>) {add = true}
      %add3A_285 = arith.constant 4 : i32
      %add3A_286 = arith.addi %add3A_264, %add3A_285 : i32
      %sub3A_287 = arith.constant 1 : i32
      %sub3A_288 = arith.subi %add3A_286, %sub3A_287 : i32
      %lt3A_289 = arith.constant 160 : i32
      %lt3A_290 = arith.cmpi slt, %sub3A_288, %lt3A_289 : i32
      %convert_element_type3A_291 = arith.extui %lt3A_290 : i1 to i32
      %cond3A_292 = arith.constant 0 : i32
      %cond3A_293 = arith.cmpi ne, %convert_element_type3A_291, %cond3A_292 : i32
      scf.if %cond3A_293 {
        %dma_wait3A_360 = arith.constant 0 : i32
        %dma_wait3A_361 = arith.constant 0 : i32
        %dma_wait3A_362 = arith.constant 0 : i32
        %dma_wait3A_363 = tpu.memref_slice %arg9[%scan3A_48, %dma_wait3A_361, %dma_wait3A_362] : memref<4x125x64xf32, #tpu.memory_space<vmem>> -> memref<1x125x64xf32, #tpu.memory_space<vmem>>
        %dma_wait3A_364 = tpu.memref_squeeze %dma_wait3A_363 : memref<1x125x64xf32, #tpu.memory_space<vmem>> -> memref<125x64xf32, #tpu.memory_space<vmem>>
        %dma_wait3A_365 = arith.constant 0 : i32
        %dma_wait3A_366 = tpu.memref_slice %arg8[%dma_wait3A_360, %dma_wait3A_365] : memref<160x125xi32, #tpu.memory_space<vmem>> -> memref<1x125xi32, #tpu.memory_space<vmem>>
        %dma_wait3A_367 = tpu.memref_squeeze %dma_wait3A_366 : memref<1x125xi32, #tpu.memory_space<vmem>> -> memref<125xi32, #tpu.memory_space<vmem>>
        %dma_wait3A_368 = arith.constant 0 : i32
        %dma_wait3A_369 = arith.constant 0 : i32
        %dma_wait3A_370 = tpu.memref_slice %arg11[%dma_wait3A_368, %dma_wait3A_369] : memref<10240x64xf32, #tpu.memory_space<vmem_shared>> -> memref<10240x64xf32, #tpu.memory_space<vmem_shared>>
        tpu.wait_indirect_dma semaphore(%arg16 : memref<!tpu.dma_semaphore, #tpu.memory_space<semaphore_mem>>) src(%dma_wait3A_364 : memref<125x64xf32, #tpu.memory_space<vmem>>) dst(%dma_wait3A_370 : memref<10240x64xf32, #tpu.memory_space<vmem_shared>>)
        %dma_start3A_371 = arith.constant 0 : i32
        %dma_start3A_372 = arith.constant 0 : i32
        %dma_start3A_373 = tpu.memref_slice %arg9[%scan3A_48, %dma_start3A_371, %dma_start3A_372] : memref<4x125x64xf32, #tpu.memory_space<vmem>> -> memref<1x125x64xf32, #tpu.memory_space<vmem>>
        %dma_start3A_374 = tpu.memref_squeeze %dma_start3A_373 : memref<1x125x64xf32, #tpu.memory_space<vmem>> -> memref<125x64xf32, #tpu.memory_space<vmem>>
        %dma_start3A_375 = arith.constant 0 : i32
        %dma_start3A_376 = tpu.memref_slice %arg7[%sub3A_288, %dma_start3A_375] : memref<160x125xi32, #tpu.memory_space<vmem>> -> memref<1x125xi32, #tpu.memory_space<vmem>>
        %dma_start3A_377 = tpu.memref_squeeze %dma_start3A_376 : memref<1x125xi32, #tpu.memory_space<vmem>> -> memref<125xi32, #tpu.memory_space<vmem>>
        %dma_start3A_378 = arith.constant 0 : i32
        %dma_start3A_379 = arith.constant 0 : i32
        %dma_start3A_380 = tpu.memref_slice %arg2[%dma_start3A_378, %dma_start3A_379] : memref<40960x64xf32, #tpu.memory_space<hbm>> -> memref<40960x64xf32, #tpu.memory_space<hbm>>
        tpu.enqueue_indirect_dma source(%dma_start3A_380 : memref<40960x64xf32, #tpu.memory_space<hbm>>) target(%dma_start3A_374 : memref<125x64xf32, #tpu.memory_space<vmem>>) offsets(%dma_start3A_377 : memref<125xi32, #tpu.memory_space<vmem>>) semaphore(%arg12 : memref<!tpu.dma_semaphore, #tpu.memory_space<semaphore_mem>>)
      } else {
      }
      %mul3A_294 = arith.constant 4 : i32
      %mul3A_295 = arith.muli %mul3A_294, %add3A_231 : i32
      %add3A_296 = arith.constant 2 : i32
      %add3A_297 = arith.addi %mul3A_295, %add3A_296 : i32
      %dma_wait3A_298 = arith.constant 0 : i32
      %dma_wait3A_299 = arith.constant 0 : i32
      %dma_wait3A_300 = tpu.memref_slice %arg9[%scan3A_51, %dma_wait3A_298, %dma_wait3A_299] : memref<4x125x64xf32, #tpu.memory_space<vmem>> -> memref<1x125x64xf32, #tpu.memory_space<vmem>>
      %dma_wait3A_301 = tpu.memref_squeeze %dma_wait3A_300 : memref<1x125x64xf32, #tpu.memory_space<vmem>> -> memref<125x64xf32, #tpu.memory_space<vmem>>
      %dma_wait3A_302 = arith.constant 0 : i32
      %dma_wait3A_303 = tpu.memref_slice %arg7[%add3A_297, %dma_wait3A_302] : memref<160x125xi32, #tpu.memory_space<vmem>> -> memref<1x125xi32, #tpu.memory_space<vmem>>
      %dma_wait3A_304 = tpu.memref_squeeze %dma_wait3A_303 : memref<1x125xi32, #tpu.memory_space<vmem>> -> memref<125xi32, #tpu.memory_space<vmem>>
      %dma_wait3A_305 = arith.constant 0 : i32
      %dma_wait3A_306 = arith.constant 0 : i32
      %dma_wait3A_307 = tpu.memref_slice %arg2[%dma_wait3A_305, %dma_wait3A_306] : memref<40960x64xf32, #tpu.memory_space<hbm>> -> memref<40960x64xf32, #tpu.memory_space<hbm>>
      tpu.wait_indirect_dma semaphore(%arg14 : memref<!tpu.dma_semaphore, #tpu.memory_space<semaphore_mem>>) src(%dma_wait3A_307 : memref<40960x64xf32, #tpu.memory_space<hbm>>) dst(%dma_wait3A_301 : memref<125x64xf32, #tpu.memory_space<vmem>>)
      %dma_start3A_308 = arith.constant 0 : i32
      %dma_start3A_309 = arith.constant 0 : i32
      %dma_start3A_310 = tpu.memref_slice %arg9[%scan3A_51, %dma_start3A_308, %dma_start3A_309] : memref<4x125x64xf32, #tpu.memory_space<vmem>> -> memref<1x125x64xf32, #tpu.memory_space<vmem>>
      %dma_start3A_311 = tpu.memref_squeeze %dma_start3A_310 : memref<1x125x64xf32, #tpu.memory_space<vmem>> -> memref<125x64xf32, #tpu.memory_space<vmem>>
      %dma_start3A_312 = arith.constant 0 : i32
      %dma_start3A_313 = tpu.memref_slice %arg8[%add3A_297, %dma_start3A_312] : memref<160x125xi32, #tpu.memory_space<vmem>> -> memref<1x125xi32, #tpu.memory_space<vmem>>
      %dma_start3A_314 = tpu.memref_squeeze %dma_start3A_313 : memref<1x125xi32, #tpu.memory_space<vmem>> -> memref<125xi32, #tpu.memory_space<vmem>>
      %dma_start3A_315 = arith.constant 0 : i32
      %dma_start3A_316 = arith.constant 0 : i32
      %dma_start3A_317 = tpu.memref_slice %arg11[%dma_start3A_315, %dma_start3A_316] : memref<10240x64xf32, #tpu.memory_space<vmem_shared>> -> memref<10240x64xf32, #tpu.memory_space<vmem_shared>>
      tpu.enqueue_indirect_dma source(%dma_start3A_311 : memref<125x64xf32, #tpu.memory_space<vmem>>) target(%dma_start3A_317 : memref<10240x64xf32, #tpu.memory_space<vmem_shared>>) offsets(%dma_start3A_314 : memref<125xi32, #tpu.memory_space<vmem>>) semaphore(%arg18 : memref<!tpu.dma_semaphore, #tpu.memory_space<semaphore_mem>>) {add = true}
      %add3A_318 = arith.constant 4 : i32
      %add3A_319 = arith.addi %add3A_297, %add3A_318 : i32
      %sub3A_320 = arith.constant 1 : i32
      %sub3A_321 = arith.subi %add3A_319, %sub3A_320 : i32
      %lt3A_322 = arith.constant 160 : i32
      %lt3A_323 = arith.cmpi slt, %sub3A_321, %lt3A_322 : i32
      %convert_element_type3A_324 = arith.extui %lt3A_323 : i1 to i32
      %cond3A_325 = arith.constant 0 : i32
      %cond3A_326 = arith.cmpi ne, %convert_element_type3A_324, %cond3A_325 : i32
      scf.if %cond3A_326 {
        %dma_wait3A_360 = arith.constant 0 : i32
        %dma_wait3A_361 = arith.constant 0 : i32
        %dma_wait3A_362 = arith.constant 0 : i32
        %dma_wait3A_363 = tpu.memref_slice %arg9[%scan3A_50, %dma_wait3A_361, %dma_wait3A_362] : memref<4x125x64xf32, #tpu.memory_space<vmem>> -> memref<1x125x64xf32, #tpu.memory_space<vmem>>
        %dma_wait3A_364 = tpu.memref_squeeze %dma_wait3A_363 : memref<1x125x64xf32, #tpu.memory_space<vmem>> -> memref<125x64xf32, #tpu.memory_space<vmem>>
        %dma_wait3A_365 = arith.constant 0 : i32
        %dma_wait3A_366 = tpu.memref_slice %arg8[%dma_wait3A_360, %dma_wait3A_365] : memref<160x125xi32, #tpu.memory_space<vmem>> -> memref<1x125xi32, #tpu.memory_space<vmem>>
        %dma_wait3A_367 = tpu.memref_squeeze %dma_wait3A_366 : memref<1x125xi32, #tpu.memory_space<vmem>> -> memref<125xi32, #tpu.memory_space<vmem>>
        %dma_wait3A_368 = arith.constant 0 : i32
        %dma_wait3A_369 = arith.constant 0 : i32
        %dma_wait3A_370 = tpu.memref_slice %arg11[%dma_wait3A_368, %dma_wait3A_369] : memref<10240x64xf32, #tpu.memory_space<vmem_shared>> -> memref<10240x64xf32, #tpu.memory_space<vmem_shared>>
        tpu.wait_indirect_dma semaphore(%arg17 : memref<!tpu.dma_semaphore, #tpu.memory_space<semaphore_mem>>) src(%dma_wait3A_364 : memref<125x64xf32, #tpu.memory_space<vmem>>) dst(%dma_wait3A_370 : memref<10240x64xf32, #tpu.memory_space<vmem_shared>>)
        %dma_start3A_371 = arith.constant 0 : i32
        %dma_start3A_372 = arith.constant 0 : i32
        %dma_start3A_373 = tpu.memref_slice %arg9[%scan3A_50, %dma_start3A_371, %dma_start3A_372] : memref<4x125x64xf32, #tpu.memory_space<vmem>> -> memref<1x125x64xf32, #tpu.memory_space<vmem>>
        %dma_start3A_374 = tpu.memref_squeeze %dma_start3A_373 : memref<1x125x64xf32, #tpu.memory_space<vmem>> -> memref<125x64xf32, #tpu.memory_space<vmem>>
        %dma_start3A_375 = arith.constant 0 : i32
        %dma_start3A_376 = tpu.memref_slice %arg7[%sub3A_321, %dma_start3A_375] : memref<160x125xi32, #tpu.memory_space<vmem>> -> memref<1x125xi32, #tpu.memory_space<vmem>>
        %dma_start3A_377 = tpu.memref_squeeze %dma_start3A_376 : memref<1x125xi32, #tpu.memory_space<vmem>> -> memref<125xi32, #tpu.memory_space<vmem>>
        %dma_start3A_378 = arith.constant 0 : i32
        %dma_start3A_379 = arith.constant 0 : i32
        %dma_start3A_380 = tpu.memref_slice %arg2[%dma_start3A_378, %dma_start3A_379] : memref<40960x64xf32, #tpu.memory_space<hbm>> -> memref<40960x64xf32, #tpu.memory_space<hbm>>
        tpu.enqueue_indirect_dma source(%dma_start3A_380 : memref<40960x64xf32, #tpu.memory_space<hbm>>) target(%dma_start3A_374 : memref<125x64xf32, #tpu.memory_space<vmem>>) offsets(%dma_start3A_377 : memref<125xi32, #tpu.memory_space<vmem>>) semaphore(%arg13 : memref<!tpu.dma_semaphore, #tpu.memory_space<semaphore_mem>>)
      } else {
      }
      %mul3A_327 = arith.constant 4 : i32
      %mul3A_328 = arith.muli %mul3A_327, %add3A_231 : i32
      %add3A_329 = arith.constant 3 : i32
      %add3A_330 = arith.addi %mul3A_328, %add3A_329 : i32
      %dma_wait3A_331 = arith.constant 0 : i32
      %dma_wait3A_332 = arith.constant 0 : i32
      %dma_wait3A_333 = tpu.memref_slice %arg9[%scan3A_49, %dma_wait3A_331, %dma_wait3A_332] : memref<4x125x64xf32, #tpu.memory_space<vmem>> -> memref<1x125x64xf32, #tpu.memory_space<vmem>>
      %dma_wait3A_334 = tpu.memref_squeeze %dma_wait3A_333 : memref<1x125x64xf32, #tpu.memory_space<vmem>> -> memref<125x64xf32, #tpu.memory_space<vmem>>
      %dma_wait3A_335 = arith.constant 0 : i32
      %dma_wait3A_336 = tpu.memref_slice %arg7[%add3A_330, %dma_wait3A_335] : memref<160x125xi32, #tpu.memory_space<vmem>> -> memref<1x125xi32, #tpu.memory_space<vmem>>
      %dma_wait3A_337 = tpu.memref_squeeze %dma_wait3A_336 : memref<1x125xi32, #tpu.memory_space<vmem>> -> memref<125xi32, #tpu.memory_space<vmem>>
      %dma_wait3A_338 = arith.constant 0 : i32
      %dma_wait3A_339 = arith.constant 0 : i32
      %dma_wait3A_340 = tpu.memref_slice %arg2[%dma_wait3A_338, %dma_wait3A_339] : memref<40960x64xf32, #tpu.memory_space<hbm>> -> memref<40960x64xf32, #tpu.memory_space<hbm>>
      tpu.wait_indirect_dma semaphore(%arg15 : memref<!tpu.dma_semaphore, #tpu.memory_space<semaphore_mem>>) src(%dma_wait3A_340 : memref<40960x64xf32, #tpu.memory_space<hbm>>) dst(%dma_wait3A_334 : memref<125x64xf32, #tpu.memory_space<vmem>>)
      %dma_start3A_341 = arith.constant 0 : i32
      %dma_start3A_342 = arith.constant 0 : i32
      %dma_start3A_343 = tpu.memref_slice %arg9[%scan3A_49, %dma_start3A_341, %dma_start3A_342] : memref<4x125x64xf32, #tpu.memory_space<vmem>> -> memref<1x125x64xf32, #tpu.memory_space<vmem>>
      %dma_start3A_344 = tpu.memref_squeeze %dma_start3A_343 : memref<1x125x64xf32, #tpu.memory_space<vmem>> -> memref<125x64xf32, #tpu.memory_space<vmem>>
      %dma_start3A_345 = arith.constant 0 : i32
      %dma_start3A_346 = tpu.memref_slice %arg8[%add3A_330, %dma_start3A_345] : memref<160x125xi32, #tpu.memory_space<vmem>> -> memref<1x125xi32, #tpu.memory_space<vmem>>
      %dma_start3A_347 = tpu.memref_squeeze %dma_start3A_346 : memref<1x125xi32, #tpu.memory_space<vmem>> -> memref<125xi32, #tpu.memory_space<vmem>>
      %dma_start3A_348 = arith.constant 0 : i32
      %dma_start3A_349 = arith.constant 0 : i32
      %dma_start3A_350 = tpu.memref_slice %arg11[%dma_start3A_348, %dma_start3A_349] : memref<10240x64xf32, #tpu.memory_space<vmem_shared>> -> memref<10240x64xf32, #tpu.memory_space<vmem_shared>>
      tpu.enqueue_indirect_dma source(%dma_start3A_344 : memref<125x64xf32, #tpu.memory_space<vmem>>) target(%dma_start3A_350 : memref<10240x64xf32, #tpu.memory_space<vmem_shared>>) offsets(%dma_start3A_347 : memref<125xi32, #tpu.memory_space<vmem>>) semaphore(%arg19 : memref<!tpu.dma_semaphore, #tpu.memory_space<semaphore_mem>>) {add = true}
      %add3A_351 = arith.constant 4 : i32
      %add3A_352 = arith.addi %add3A_330, %add3A_351 : i32
      %sub3A_353 = arith.constant 1 : i32
      %sub3A_354 = arith.subi %add3A_352, %sub3A_353 : i32
      %lt3A_355 = arith.constant 160 : i32
      %lt3A_356 = arith.cmpi slt, %sub3A_354, %lt3A_355 : i32
      %convert_element_type3A_357 = arith.extui %lt3A_356 : i1 to i32
      %cond3A_358 = arith.constant 0 : i32
      %cond3A_359 = arith.cmpi ne, %convert_element_type3A_357, %cond3A_358 : i32
      scf.if %cond3A_359 {
        %dma_wait3A_360 = arith.constant 0 : i32
        %dma_wait3A_361 = arith.constant 0 : i32
        %dma_wait3A_362 = arith.constant 0 : i32
        %dma_wait3A_363 = tpu.memref_slice %arg9[%scan3A_51, %dma_wait3A_361, %dma_wait3A_362] : memref<4x125x64xf32, #tpu.memory_space<vmem>> -> memref<1x125x64xf32, #tpu.memory_space<vmem>>
        %dma_wait3A_364 = tpu.memref_squeeze %dma_wait3A_363 : memref<1x125x64xf32, #tpu.memory_space<vmem>> -> memref<125x64xf32, #tpu.memory_space<vmem>>
        %dma_wait3A_365 = arith.constant 0 : i32
        %dma_wait3A_366 = tpu.memref_slice %arg8[%dma_wait3A_360, %dma_wait3A_365] : memref<160x125xi32, #tpu.memory_space<vmem>> -> memref<1x125xi32, #tpu.memory_space<vmem>>
        %dma_wait3A_367 = tpu.memref_squeeze %dma_wait3A_366 : memref<1x125xi32, #tpu.memory_space<vmem>> -> memref<125xi32, #tpu.memory_space<vmem>>
        %dma_wait3A_368 = arith.constant 0 : i32
        %dma_wait3A_369 = arith.constant 0 : i32
        %dma_wait3A_370 = tpu.memref_slice %arg11[%dma_wait3A_368, %dma_wait3A_369] : memref<10240x64xf32, #tpu.memory_space<vmem_shared>> -> memref<10240x64xf32, #tpu.memory_space<vmem_shared>>
        tpu.wait_indirect_dma semaphore(%arg18 : memref<!tpu.dma_semaphore, #tpu.memory_space<semaphore_mem>>) src(%dma_wait3A_364 : memref<125x64xf32, #tpu.memory_space<vmem>>) dst(%dma_wait3A_370 : memref<10240x64xf32, #tpu.memory_space<vmem_shared>>)
        %dma_start3A_371 = arith.constant 0 : i32
        %dma_start3A_372 = arith.constant 0 : i32
        %dma_start3A_373 = tpu.memref_slice %arg9[%scan3A_51, %dma_start3A_371, %dma_start3A_372] : memref<4x125x64xf32, #tpu.memory_space<vmem>> -> memref<1x125x64xf32, #tpu.memory_space<vmem>>
        %dma_start3A_374 = tpu.memref_squeeze %dma_start3A_373 : memref<1x125x64xf32, #tpu.memory_space<vmem>> -> memref<125x64xf32, #tpu.memory_space<vmem>>
        %dma_start3A_375 = arith.constant 0 : i32
        %dma_start3A_376 = tpu.memref_slice %arg7[%sub3A_354, %dma_start3A_375] : memref<160x125xi32, #tpu.memory_space<vmem>> -> memref<1x125xi32, #tpu.memory_space<vmem>>
        %dma_start3A_377 = tpu.memref_squeeze %dma_start3A_376 : memref<1x125xi32, #tpu.memory_space<vmem>> -> memref<125xi32, #tpu.memory_space<vmem>>
        %dma_start3A_378 = arith.constant 0 : i32
        %dma_start3A_379 = arith.constant 0 : i32
        %dma_start3A_380 = tpu.memref_slice %arg2[%dma_start3A_378, %dma_start3A_379] : memref<40960x64xf32, #tpu.memory_space<hbm>> -> memref<40960x64xf32, #tpu.memory_space<hbm>>
        tpu.enqueue_indirect_dma source(%dma_start3A_380 : memref<40960x64xf32, #tpu.memory_space<hbm>>) target(%dma_start3A_374 : memref<125x64xf32, #tpu.memory_space<vmem>>) offsets(%dma_start3A_377 : memref<125xi32, #tpu.memory_space<vmem>>) semaphore(%arg14 : memref<!tpu.dma_semaphore, #tpu.memory_space<semaphore_mem>>)
      } else {
      }
    }
    %scan3A_56 = arith.constant 40 : i32
    %dma_wait3A = arith.constant 0 : i32
    %dma_wait3A_57 = arith.constant 0 : i32
    %dma_wait3A_58 = arith.constant 0 : i32
    %dma_wait3A_59 = arith.constant 0 : i32
    %dma_wait3A_60 = tpu.memref_slice %arg9[%dma_wait3A, %dma_wait3A_58, %dma_wait3A_59] : memref<4x125x64xf32, #tpu.memory_space<vmem>> -> memref<1x125x64xf32, #tpu.memory_space<vmem>>
    %dma_wait3A_61 = tpu.memref_squeeze %dma_wait3A_60 : memref<1x125x64xf32, #tpu.memory_space<vmem>> -> memref<125x64xf32, #tpu.memory_space<vmem>>
    %dma_wait3A_62 = arith.constant 0 : i32
    %dma_wait3A_63 = tpu.memref_slice %arg8[%dma_wait3A_57, %dma_wait3A_62] : memref<160x125xi32, #tpu.memory_space<vmem>> -> memref<1x125xi32, #tpu.memory_space<vmem>>
    %dma_wait3A_64 = tpu.memref_squeeze %dma_wait3A_63 : memref<1x125xi32, #tpu.memory_space<vmem>> -> memref<125xi32, #tpu.memory_space<vmem>>
    %dma_wait3A_65 = arith.constant 0 : i32
    %dma_wait3A_66 = arith.constant 0 : i32
    %dma_wait3A_67 = tpu.memref_slice %arg11[%dma_wait3A_65, %dma_wait3A_66] : memref<10240x64xf32, #tpu.memory_space<vmem_shared>> -> memref<10240x64xf32, #tpu.memory_space<vmem_shared>>
    tpu.wait_indirect_dma semaphore(%arg16 : memref<!tpu.dma_semaphore, #tpu.memory_space<semaphore_mem>>) src(%dma_wait3A_61 : memref<125x64xf32, #tpu.memory_space<vmem>>) dst(%dma_wait3A_67 : memref<10240x64xf32, #tpu.memory_space<vmem_shared>>)
    %dma_wait3A_68 = arith.constant 1 : i32
    %dma_wait3A_69 = arith.constant 0 : i32
    %dma_wait3A_70 = arith.constant 0 : i32
    %dma_wait3A_71 = arith.constant 0 : i32
    %dma_wait3A_72 = tpu.memref_slice %arg9[%dma_wait3A_68, %dma_wait3A_70, %dma_wait3A_71] : memref<4x125x64xf32, #tpu.memory_space<vmem>> -> memref<1x125x64xf32, #tpu.memory_space<vmem>>
    %dma_wait3A_73 = tpu.memref_squeeze %dma_wait3A_72 : memref<1x125x64xf32, #tpu.memory_space<vmem>> -> memref<125x64xf32, #tpu.memory_space<vmem>>
    %dma_wait3A_74 = arith.constant 0 : i32
    %dma_wait3A_75 = tpu.memref_slice %arg8[%dma_wait3A_69, %dma_wait3A_74] : memref<160x125xi32, #tpu.memory_space<vmem>> -> memref<1x125xi32, #tpu.memory_space<vmem>>
    %dma_wait3A_76 = tpu.memref_squeeze %dma_wait3A_75 : memref<1x125xi32, #tpu.memory_space<vmem>> -> memref<125xi32, #tpu.memory_space<vmem>>
    %dma_wait3A_77 = arith.constant 0 : i32
    %dma_wait3A_78 = arith.constant 0 : i32
    %dma_wait3A_79 = tpu.memref_slice %arg11[%dma_wait3A_77, %dma_wait3A_78] : memref<10240x64xf32, #tpu.memory_space<vmem_shared>> -> memref<10240x64xf32, #tpu.memory_space<vmem_shared>>
    tpu.wait_indirect_dma semaphore(%arg17 : memref<!tpu.dma_semaphore, #tpu.memory_space<semaphore_mem>>) src(%dma_wait3A_73 : memref<125x64xf32, #tpu.memory_space<vmem>>) dst(%dma_wait3A_79 : memref<10240x64xf32, #tpu.memory_space<vmem_shared>>)
    %dma_wait3A_80 = arith.constant 2 : i32
    %dma_wait3A_81 = arith.constant 0 : i32
    %dma_wait3A_82 = arith.constant 0 : i32
    %dma_wait3A_83 = arith.constant 0 : i32
    %dma_wait3A_84 = tpu.memref_slice %arg9[%dma_wait3A_80, %dma_wait3A_82, %dma_wait3A_83] : memref<4x125x64xf32, #tpu.memory_space<vmem>> -> memref<1x125x64xf32, #tpu.memory_space<vmem>>
    %dma_wait3A_85 = tpu.memref_squeeze %dma_wait3A_84 : memref<1x125x64xf32, #tpu.memory_space<vmem>> -> memref<125x64xf32, #tpu.memory_space<vmem>>
    %dma_wait3A_86 = arith.constant 0 : i32
    %dma_wait3A_87 = tpu.memref_slice %arg8[%dma_wait3A_81, %dma_wait3A_86] : memref<160x125xi32, #tpu.memory_space<vmem>> -> memref<1x125xi32, #tpu.memory_space<vmem>>
    %dma_wait3A_88 = tpu.memref_squeeze %dma_wait3A_87 : memref<1x125xi32, #tpu.memory_space<vmem>> -> memref<125xi32, #tpu.memory_space<vmem>>
    %dma_wait3A_89 = arith.constant 0 : i32
    %dma_wait3A_90 = arith.constant 0 : i32
    %dma_wait3A_91 = tpu.memref_slice %arg11[%dma_wait3A_89, %dma_wait3A_90] : memref<10240x64xf32, #tpu.memory_space<vmem_shared>> -> memref<10240x64xf32, #tpu.memory_space<vmem_shared>>
    tpu.wait_indirect_dma semaphore(%arg18 : memref<!tpu.dma_semaphore, #tpu.memory_space<semaphore_mem>>) src(%dma_wait3A_85 : memref<125x64xf32, #tpu.memory_space<vmem>>) dst(%dma_wait3A_91 : memref<10240x64xf32, #tpu.memory_space<vmem_shared>>)
    %dma_wait3A_92 = arith.constant 3 : i32
    %dma_wait3A_93 = arith.constant 0 : i32
    %dma_wait3A_94 = arith.constant 0 : i32
    %dma_wait3A_95 = arith.constant 0 : i32
    %dma_wait3A_96 = tpu.memref_slice %arg9[%dma_wait3A_92, %dma_wait3A_94, %dma_wait3A_95] : memref<4x125x64xf32, #tpu.memory_space<vmem>> -> memref<1x125x64xf32, #tpu.memory_space<vmem>>
    %dma_wait3A_97 = tpu.memref_squeeze %dma_wait3A_96 : memref<1x125x64xf32, #tpu.memory_space<vmem>> -> memref<125x64xf32, #tpu.memory_space<vmem>>
    %dma_wait3A_98 = arith.constant 0 : i32
    %dma_wait3A_99 = tpu.memref_slice %arg8[%dma_wait3A_93, %dma_wait3A_98] : memref<160x125xi32, #tpu.memory_space<vmem>> -> memref<1x125xi32, #tpu.memory_space<vmem>>
    %dma_wait3A_100 = tpu.memref_squeeze %dma_wait3A_99 : memref<1x125xi32, #tpu.memory_space<vmem>> -> memref<125xi32, #tpu.memory_space<vmem>>
    %dma_wait3A_101 = arith.constant 0 : i32
    %dma_wait3A_102 = arith.constant 0 : i32
    %dma_wait3A_103 = tpu.memref_slice %arg11[%dma_wait3A_101, %dma_wait3A_102] : memref<10240x64xf32, #tpu.memory_space<vmem_shared>> -> memref<10240x64xf32, #tpu.memory_space<vmem_shared>>
    tpu.wait_indirect_dma semaphore(%arg19 : memref<!tpu.dma_semaphore, #tpu.memory_space<semaphore_mem>>) src(%dma_wait3A_97 : memref<125x64xf32, #tpu.memory_space<vmem>>) dst(%dma_wait3A_103 : memref<10240x64xf32, #tpu.memory_space<vmem_shared>>)
    %barrier3A_104 = arith.constant 0 : index
    tpu.barrier barrier_id(%barrier3A_104)
    %scan3A_105 = arith.constant 0 : i32
    %scan3A_106 = arith.constant 5 : i32
    %scan3A_107 = arith.addi %scan3A_105, %scan3A_106 : i32
    %scan3A_108 = arith.constant 1 : i32
    scf.for %scan3A_227 = %scan3A_105 to %scan3A_107 step %scan3A_108  : i32 {
      %mul3A_228 = arith.constant 1 : i32
      %mul3A_229 = arith.muli %scan3A_227, %mul3A_228 : i32
      %add3A_230 = arith.constant 0 : i32
      %add3A_231 = arith.addi %add3A_230, %mul3A_229 : i32
      %mul3A_232 = arith.constant 640 : i32
      %mul3A_233 = arith.muli %arg1, %mul3A_232 : i32
      %mul3A_234 = arith.constant 128 : i32
      %mul3A_235 = arith.muli %add3A_231, %mul3A_234 : i32
      %add3A_236 = arith.addi %mul3A_233, %mul3A_235 : i32
      "tpu.region"() ({
        %run_scoped3A = tpu.sem_alloc : memref<!tpu.dma_semaphore, #tpu.memory_space<semaphore_mem>>
        %dma_start3A_245 = arith.constant 0 : i32
        %dma_start3A_246 = tpu.memref_slice %arg11[%add3A_236, %dma_start3A_245] : memref<10240x64xf32, #tpu.memory_space<vmem_shared>> -> memref<128x64xf32, #tpu.memory_space<vmem_shared>>
        %dma_start3A_247 = arith.constant 0 : i32
        %dma_start3A_248 = tpu.memref_slice %arg11[%add3A_236, %dma_start3A_247] : memref<10240x64xf32, #tpu.memory_space<vmem_shared>> -> memref<128x64xf32, #tpu.memory_space<vmem_shared>>
        tpu.enqueue_dma source(%dma_start3A_248 : memref<128x64xf32, #tpu.memory_space<vmem_shared>>) target(%arg10 : memref<128x64xf32, #tpu.memory_space<vmem>>) target_semaphore(%run_scoped3A : memref<!tpu.dma_semaphore, #tpu.memory_space<semaphore_mem>>)
        %dma_wait3A_249 = arith.constant 0 : i32
        %dma_wait3A_250 = tpu.memref_slice %arg11[%add3A_236, %dma_wait3A_249] : memref<10240x64xf32, #tpu.memory_space<vmem_shared>> -> memref<128x64xf32, #tpu.memory_space<vmem_shared>>
        %dma_wait3A_251 = arith.constant 0 : i32
        %dma_wait3A_252 = tpu.memref_slice %arg11[%add3A_236, %dma_wait3A_251] : memref<10240x64xf32, #tpu.memory_space<vmem_shared>> -> memref<128x64xf32, #tpu.memory_space<vmem_shared>>
        tpu.wait_dma2 semaphore(%run_scoped3A : memref<!tpu.dma_semaphore, #tpu.memory_space<semaphore_mem>>) src(%dma_wait3A_252 : memref<128x64xf32, #tpu.memory_space<vmem_shared>>) dst(%arg10 : memref<128x64xf32, #tpu.memory_space<vmem>>)
        tpu.yield
      }) : () -> ()
      %mul3A_237 = arith.constant 10240 : i32
      %mul3A_238 = arith.muli %add3A_0, %mul3A_237 : i32
      %mul3A_239 = arith.constant 640 : i32
      %mul3A_240 = arith.muli %arg1, %mul3A_239 : i32
      %add3A_241 = arith.addi %mul3A_238, %mul3A_240 : i32
      %mul3A_242 = arith.constant 128 : i32
      %mul3A_243 = arith.muli %add3A_231, %mul3A_242 : i32
      %add3A_244 = arith.addi %add3A_241, %mul3A_243 : i32
      "tpu.region"() ({
        %run_scoped3A = tpu.sem_alloc : memref<!tpu.dma_semaphore, #tpu.memory_space<semaphore_mem>>
        %dma_start3A_245 = arith.constant 0 : i32
        %dma_start3A_246 = tpu.memref_slice %arg6[%add3A_244, %dma_start3A_245] : memref<40960x64xf32, #tpu.memory_space<hbm>> -> memref<128x64xf32, #tpu.memory_space<hbm>>
        %dma_start3A_247 = arith.constant 0 : i32
        %dma_start3A_248 = tpu.memref_slice %arg6[%add3A_244, %dma_start3A_247] : memref<40960x64xf32, #tpu.memory_space<hbm>> -> memref<128x64xf32, #tpu.memory_space<hbm>>
        tpu.enqueue_dma source(%arg10 : memref<128x64xf32, #tpu.memory_space<vmem>>) target(%dma_start3A_248 : memref<128x64xf32, #tpu.memory_space<hbm>>) target_semaphore(%run_scoped3A : memref<!tpu.dma_semaphore, #tpu.memory_space<semaphore_mem>>)
        %dma_wait3A_249 = arith.constant 0 : i32
        %dma_wait3A_250 = tpu.memref_slice %arg6[%add3A_244, %dma_wait3A_249] : memref<40960x64xf32, #tpu.memory_space<hbm>> -> memref<128x64xf32, #tpu.memory_space<hbm>>
        %dma_wait3A_251 = arith.constant 0 : i32
        %dma_wait3A_252 = tpu.memref_slice %arg6[%add3A_244, %dma_wait3A_251] : memref<40960x64xf32, #tpu.memory_space<hbm>> -> memref<128x64xf32, #tpu.memory_space<hbm>>
        tpu.wait_dma2 semaphore(%run_scoped3A : memref<!tpu.dma_semaphore, #tpu.memory_space<semaphore_mem>>) src(%arg10 : memref<128x64xf32, #tpu.memory_space<vmem>>) dst(%dma_wait3A_252 : memref<128x64xf32, #tpu.memory_space<hbm>>)
        tpu.yield
      }) : () -> ()
    }
    %scan3A_109 = arith.constant 5 : i32
    %add3A_110 = arith.constant 2 : i32
    %add3A_111 = arith.addi %add3A_110, %arg0 : i32
    %broadcast_in_dim3A_112 = arith.constant 0.000000e+00 : f32
    %broadcast_in_dim3A_113 = vector.broadcast %broadcast_in_dim3A_112 : f32 to vector<16xf32>
    %scan3A_114 = arith.constant 0 : i32
    %scan3A_115 = arith.constant 128 : i32
    %scan3A_116 = arith.addi %scan3A_114, %scan3A_115 : i32
    %scan3A_117 = arith.constant 1 : i32
    scf.for %scan3A_227 = %scan3A_114 to %scan3A_116 step %scan3A_117  : i32 {
      %mul3A_228 = arith.constant 1 : i32
      %mul3A_229 = arith.muli %scan3A_227, %mul3A_228 : i32
      %add3A_230 = arith.constant 0 : i32
      %add3A_231 = arith.addi %add3A_230, %mul3A_229 : i32
      %swap3A = arith.index_cast %add3A_231 : i32 to index
      %swap3A_232 = arith.constant 0 : index
      %swap3A_233 = tpu.vector_load %arg10[%swap3A, %swap3A_232] {strides = array<i32>} : memref<128x64xf32, #tpu.memory_space<vmem>>, vector<1x16xf32>,
      %swap3A_234 = vector.shape_cast %swap3A_233 : vector<1x16xf32> to vector<16xf32>
      %swap3A_235 = vector.shape_cast %broadcast_in_dim3A_113 : vector<16xf32> to vector<1x16xf32>
      tpu.vector_store %arg10[%swap3A, %swap3A_232], %swap3A_235 {strides = array<i32>} : memref<128x64xf32, #tpu.memory_space<vmem>>, vector<1x16xf32>,
      %swap3A_236 = arith.index_cast %add3A_231 : i32 to index
      %swap3A_237 = arith.constant 16 : index
      %swap3A_238 = tpu.vector_load %arg10[%swap3A_236, %swap3A_237] {strides = array<i32>} : memref<128x64xf32, #tpu.memory_space<vmem>>, vector<1x16xf32>,
      %swap3A_239 = vector.shape_cast %swap3A_238 : vector<1x16xf32> to vector<16xf32>
      %swap3A_240 = vector.shape_cast %broadcast_in_dim3A_113 : vector<16xf32> to vector<1x16xf32>
      tpu.vector_store %arg10[%swap3A_236, %swap3A_237], %swap3A_240 {strides = array<i32>} : memref<128x64xf32, #tpu.memory_space<vmem>>, vector<1x16xf32>,
      %swap3A_241 = arith.index_cast %add3A_231 : i32 to index
      %swap3A_242 = arith.constant 32 : index
      %swap3A_243 = tpu.vector_load %arg10[%swap3A_241, %swap3A_242] {strides = array<i32>} : memref<128x64xf32, #tpu.memory_space<vmem>>, vector<1x16xf32>,
      %swap3A_244 = vector.shape_cast %swap3A_243 : vector<1x16xf32> to vector<16xf32>
      %swap3A_245 = vector.shape_cast %broadcast_in_dim3A_113 : vector<16xf32> to vector<1x16xf32>
      tpu.vector_store %arg10[%swap3A_241, %swap3A_242], %swap3A_245 {strides = array<i32>} : memref<128x64xf32, #tpu.memory_space<vmem>>, vector<1x16xf32>,
      %swap3A_246 = arith.index_cast %add3A_231 : i32 to index
      %swap3A_247 = arith.constant 48 : index
      %swap3A_248 = tpu.vector_load %arg10[%swap3A_246, %swap3A_247] {strides = array<i32>} : memref<128x64xf32, #tpu.memory_space<vmem>>, vector<1x16xf32>,
      %swap3A_249 = vector.shape_cast %swap3A_248 : vector<1x16xf32> to vector<16xf32>
      %swap3A_250 = vector.shape_cast %broadcast_in_dim3A_113 : vector<16xf32> to vector<1x16xf32>
      tpu.vector_store %arg10[%swap3A_246, %swap3A_247], %swap3A_250 {strides = array<i32>} : memref<128x64xf32, #tpu.memory_space<vmem>>, vector<1x16xf32>,
    }
    %scan3A_118 = arith.constant 128 : i32
    %scan3A_119 = arith.constant 0 : i32
    %scan3A_120 = arith.constant 5 : i32
    %scan3A_121 = arith.addi %scan3A_119, %scan3A_120 : i32
    %scan3A_122 = arith.constant 1 : i32
    scf.for %scan3A_227 = %scan3A_119 to %scan3A_121 step %scan3A_122  : i32 {
      %mul3A_228 = arith.constant 1 : i32
      %mul3A_229 = arith.muli %scan3A_227, %mul3A_228 : i32
      %add3A_230 = arith.constant 0 : i32
      %add3A_231 = arith.addi %add3A_230, %mul3A_229 : i32
      %mul3A_232 = arith.constant 640 : i32
      %mul3A_233 = arith.muli %arg1, %mul3A_232 : i32
      %mul3A_234 = arith.constant 128 : i32
      %mul3A_235 = arith.muli %add3A_231, %mul3A_234 : i32
      %add3A_236 = arith.addi %mul3A_233, %mul3A_235 : i32
      "tpu.region"() ({
        %run_scoped3A = tpu.sem_alloc : memref<!tpu.dma_semaphore, #tpu.memory_space<semaphore_mem>>
        %dma_start3A_237 = arith.constant 0 : i32
        %dma_start3A_238 = tpu.memref_slice %arg11[%add3A_236, %dma_start3A_237] : memref<10240x64xf32, #tpu.memory_space<vmem_shared>> -> memref<128x64xf32, #tpu.memory_space<vmem_shared>>
        %dma_start3A_239 = arith.constant 0 : i32
        %dma_start3A_240 = tpu.memref_slice %arg11[%add3A_236, %dma_start3A_239] : memref<10240x64xf32, #tpu.memory_space<vmem_shared>> -> memref<128x64xf32, #tpu.memory_space<vmem_shared>>
        tpu.enqueue_dma source(%arg10 : memref<128x64xf32, #tpu.memory_space<vmem>>) target(%dma_start3A_240 : memref<128x64xf32, #tpu.memory_space<vmem_shared>>) target_semaphore(%run_scoped3A : memref<!tpu.dma_semaphore, #tpu.memory_space<semaphore_mem>>)
        %dma_wait3A_241 = arith.constant 0 : i32
        %dma_wait3A_242 = tpu.memref_slice %arg11[%add3A_236, %dma_wait3A_241] : memref<10240x64xf32, #tpu.memory_space<vmem_shared>> -> memref<128x64xf32, #tpu.memory_space<vmem_shared>>
        %dma_wait3A_243 = arith.constant 0 : i32
        %dma_wait3A_244 = tpu.memref_slice %arg11[%add3A_236, %dma_wait3A_243] : memref<10240x64xf32, #tpu.memory_space<vmem_shared>> -> memref<128x64xf32, #tpu.memory_space<vmem_shared>>
        tpu.wait_dma2 semaphore(%run_scoped3A : memref<!tpu.dma_semaphore, #tpu.memory_space<semaphore_mem>>) src(%arg10 : memref<128x64xf32, #tpu.memory_space<vmem>>) dst(%dma_wait3A_244 : memref<128x64xf32, #tpu.memory_space<vmem_shared>>)
        tpu.yield
      }) : () -> ()
    }
    %scan3A_123 = arith.constant 5 : i32
    %mul3A_124 = arith.constant 16 : i32
    %mul3A_125 = arith.muli %arg0, %mul3A_124 : i32
    %add3A_126 = arith.addi %mul3A_125, %arg1 : i32
    "tpu.region"() ({
      %run_scoped3A = tpu.sem_alloc : memref<!tpu.dma_semaphore, #tpu.memory_space<semaphore_mem>>
      %dma_start3A_227 = arith.constant 0 : i32
      %dma_start3A_228 = arith.constant 0 : i32
      %dma_start3A_229 = tpu.memref_slice %arg4[%add3A_126, %dma_start3A_227, %dma_start3A_228] : memref<32x160x125xi32, #tpu.memory_space<hbm>> -> memref<1x160x125xi32, #tpu.memory_space<hbm>>
      %dma_start3A_230 = tpu.memref_squeeze %dma_start3A_229 : memref<1x160x125xi32, #tpu.memory_space<hbm>> -> memref<160x125xi32, #tpu.memory_space<hbm>>
      %dma_start3A_231 = arith.constant 0 : i32
      %dma_start3A_232 = arith.constant 0 : i32
      %dma_start3A_233 = tpu.memref_slice %arg4[%add3A_126, %dma_start3A_231, %dma_start3A_232] : memref<32x160x125xi32, #tpu.memory_space<hbm>> -> memref<1x160x125xi32, #tpu.memory_space<hbm>>
      %dma_start3A_234 = tpu.memref_squeeze %dma_start3A_233 : memref<1x160x125xi32, #tpu.memory_space<hbm>> -> memref<160x125xi32, #tpu.memory_space<hbm>>
      tpu.enqueue_dma source(%dma_start3A_234 : memref<160x125xi32, #tpu.memory_space<hbm>>) target(%arg7 : memref<160x125xi32, #tpu.memory_space<vmem>>) target_semaphore(%run_scoped3A : memref<!tpu.dma_semaphore, #tpu.memory_space<semaphore_mem>>)
      %dma_wait3A_235 = arith.constant 0 : i32
      %dma_wait3A_236 = arith.constant 0 : i32
      %dma_wait3A_237 = tpu.memref_slice %arg4[%add3A_126, %dma_wait3A_235, %dma_wait3A_236] : memref<32x160x125xi32, #tpu.memory_space<hbm>> -> memref<1x160x125xi32, #tpu.memory_space<hbm>>
      %dma_wait3A_238 = tpu.memref_squeeze %dma_wait3A_237 : memref<1x160x125xi32, #tpu.memory_space<hbm>> -> memref<160x125xi32, #tpu.memory_space<hbm>>
      %dma_wait3A_239 = arith.constant 0 : i32
      %dma_wait3A_240 = arith.constant 0 : i32
      %dma_wait3A_241 = tpu.memref_slice %arg4[%add3A_126, %dma_wait3A_239, %dma_wait3A_240] : memref<32x160x125xi32, #tpu.memory_space<hbm>> -> memref<1x160x125xi32, #tpu.memory_space<hbm>>
      %dma_wait3A_242 = tpu.memref_squeeze %dma_wait3A_241 : memref<1x160x125xi32, #tpu.memory_space<hbm>> -> memref<160x125xi32, #tpu.memory_space<hbm>>
      tpu.wait_dma2 semaphore(%run_scoped3A : memref<!tpu.dma_semaphore, #tpu.memory_space<semaphore_mem>>) src(%dma_wait3A_242 : memref<160x125xi32, #tpu.memory_space<hbm>>) dst(%arg7 : memref<160x125xi32, #tpu.memory_space<vmem>>)
      tpu.yield
    }) : () -> ()
    %barrier3A_127 = arith.constant 0 : index
    tpu.barrier barrier_id(%barrier3A_127)
    %dma_start3A_128 = arith.constant 0 : i32
    %dma_start3A_129 = arith.constant 0 : i32
    %dma_start3A_130 = arith.constant 0 : i32
    %dma_start3A_131 = arith.constant 0 : i32
    %dma_start3A_132 = tpu.memref_slice %arg9[%dma_start3A_129, %dma_start3A_130, %dma_start3A_131] : memref<4x125x64xf32, #tpu.memory_space<vmem>> -> memref<1x125x64xf32, #tpu.memory_space<vmem>>
    %dma_start3A_133 = tpu.memref_squeeze %dma_start3A_132 : memref<1x125x64xf32, #tpu.memory_space<vmem>> -> memref<125x64xf32, #tpu.memory_space<vmem>>
    %dma_start3A_134 = arith.constant 0 : i32
    %dma_start3A_135 = tpu.memref_slice %arg7[%dma_start3A_128, %dma_start3A_134] : memref<160x125xi32, #tpu.memory_space<vmem>> -> memref<1x125xi32, #tpu.memory_space<vmem>>
    %dma_start3A_136 = tpu.memref_squeeze %dma_start3A_135 : memref<1x125xi32, #tpu.memory_space<vmem>> -> memref<125xi32, #tpu.memory_space<vmem>>
    %dma_start3A_137 = arith.constant 0 : i32
    %dma_start3A_138 = arith.constant 0 : i32
    %dma_start3A_139 = tpu.memref_slice %arg2[%dma_start3A_137, %dma_start3A_138] : memref<40960x64xf32, #tpu.memory_space<hbm>> -> memref<40960x64xf32, #tpu.memory_space<hbm>>
    tpu.enqueue_indirect_dma source(%dma_start3A_139 : memref<40960x64xf32, #tpu.memory_space<hbm>>) target(%dma_start3A_133 : memref<125x64xf32, #tpu.memory_space<vmem>>) offsets(%dma_start3A_136 : memref<125xi32, #tpu.memory_space<vmem>>) semaphore(%arg12 : memref<!tpu.dma_semaphore, #tpu.memory_space<semaphore_mem>>)
    %dma_start3A_140 = arith.constant 1 : i32
    %dma_start3A_141 = arith.constant 1 : i32
    %dma_start3A_142 = arith.constant 0 : i32
    %dma_start3A_143 = arith.constant 0 : i32
    %dma_start3A_144 = tpu.memref_slice %arg9[%dma_start3A_141, %dma_start3A_142, %dma_start3A_143] : memref<4x125x64xf32, #tpu.memory_space<vmem>> -> memref<1x125x64xf32, #tpu.memory_space<vmem>>
    %dma_start3A_145 = tpu.memref_squeeze %dma_start3A_144 : memref<1x125x64xf32, #tpu.memory_space<vmem>> -> memref<125x64xf32, #tpu.memory_space<vmem>>
    %dma_start3A_146 = arith.constant 0 : i32
    %dma_start3A_147 = tpu.memref_slice %arg7[%dma_start3A_140, %dma_start3A_146] : memref<160x125xi32, #tpu.memory_space<vmem>> -> memref<1x125xi32, #tpu.memory_space<vmem>>
    %dma_start3A_148 = tpu.memref_squeeze %dma_start3A_147 : memref<1x125xi32, #tpu.memory_space<vmem>> -> memref<125xi32, #tpu.memory_space<vmem>>
    %dma_start3A_149 = arith.constant 0 : i32
    %dma_start3A_150 = arith.constant 0 : i32
    %dma_start3A_151 = tpu.memref_slice %arg2[%dma_start3A_149, %dma_start3A_150] : memref<40960x64xf32, #tpu.memory_space<hbm>> -> memref<40960x64xf32, #tpu.memory_space<hbm>>
    tpu.enqueue_indirect_dma source(%dma_start3A_151 : memref<40960x64xf32, #tpu.memory_space<hbm>>) target(%dma_start3A_145 : memref<125x64xf32, #tpu.memory_space<vmem>>) offsets(%dma_start3A_148 : memref<125xi32, #tpu.memory_space<vmem>>) semaphore(%arg13 : memref<!tpu.dma_semaphore, #tpu.memory_space<semaphore_mem>>)
    %dma_start3A_152 = arith.constant 2 : i32
    %dma_start3A_153 = arith.constant 2 : i32
    %dma_start3A_154 = arith.constant 0 : i32
    %dma_start3A_155 = arith.constant 0 : i32
    %dma_start3A_156 = tpu.memref_slice %arg9[%dma_start3A_153, %dma_start3A_154, %dma_start3A_155] : memref<4x125x64xf32, #tpu.memory_space<vmem>> -> memref<1x125x64xf32, #tpu.memory_space<vmem>>
    %dma_start3A_157 = tpu.memref_squeeze %dma_start3A_156 : memref<1x125x64xf32, #tpu.memory_space<vmem>> -> memref<125x64xf32, #tpu.memory_space<vmem>>
    %dma_start3A_158 = arith.constant 0 : i32
    %dma_start3A_159 = tpu.memref_slice %arg7[%dma_start3A_152, %dma_start3A_158] : memref<160x125xi32, #tpu.memory_space<vmem>> -> memref<1x125xi32, #tpu.memory_space<vmem>>
    %dma_start3A_160 = tpu.memref_squeeze %dma_start3A_159 : memref<1x125xi32, #tpu.memory_space<vmem>> -> memref<125xi32, #tpu.memory_space<vmem>>
    %dma_start3A_161 = arith.constant 0 : i32
    %dma_start3A_162 = arith.constant 0 : i32
    %dma_start3A_163 = tpu.memref_slice %arg2[%dma_start3A_161, %dma_start3A_162] : memref<40960x64xf32, #tpu.memory_space<hbm>> -> memref<40960x64xf32, #tpu.memory_space<hbm>>
    tpu.enqueue_indirect_dma source(%dma_start3A_163 : memref<40960x64xf32, #tpu.memory_space<hbm>>) target(%dma_start3A_157 : memref<125x64xf32, #tpu.memory_space<vmem>>) offsets(%dma_start3A_160 : memref<125xi32, #tpu.memory_space<vmem>>) semaphore(%arg14 : memref<!tpu.dma_semaphore, #tpu.memory_space<semaphore_mem>>)
    %scan3A_164 = arith.constant 0 : i32
    %scan3A_165 = arith.constant 3 : i32
    %scan3A_166 = arith.constant 1 : i32
    %scan3A_167 = arith.constant 2 : i32
    %scan3A_168 = arith.constant 0 : i32
    %scan3A_169 = arith.constant 40 : i32
    %scan3A_170 = arith.addi %scan3A_168, %scan3A_169 : i32
    %scan3A_171 = arith.constant 1 : i32
    scf.for %scan3A_227 = %scan3A_168 to %scan3A_170 step %scan3A_171  : i32 {
      %mul3A_228 = arith.constant 1 : i32
      %mul3A_229 = arith.muli %scan3A_227, %mul3A_228 : i32
      %add3A_230 = arith.constant 0 : i32
      %add3A_231 = arith.addi %add3A_230, %mul3A_229 : i32
      %mul3A_232 = arith.constant 4 : i32
      %mul3A_233 = arith.muli %mul3A_232, %add3A_231 : i32
      %add3A_234 = arith.constant 0 : i32
      %add3A_235 = arith.addi %mul3A_233, %add3A_234 : i32
      %dma_wait3A_236 = arith.constant 0 : i32
      %dma_wait3A_237 = arith.constant 0 : i32
      %dma_wait3A_238 = tpu.memref_slice %arg9[%scan3A_164, %dma_wait3A_236, %dma_wait3A_237] : memref<4x125x64xf32, #tpu.memory_space<vmem>> -> memref<1x125x64xf32, #tpu.memory_space<vmem>>
      %dma_wait3A_239 = tpu.memref_squeeze %dma_wait3A_238 : memref<1x125x64xf32, #tpu.memory_space<vmem>> -> memref<125x64xf32, #tpu.memory_space<vmem>>
      %dma_wait3A_240 = arith.constant 0 : i32
      %dma_wait3A_241 = tpu.memref_slice %arg7[%add3A_235, %dma_wait3A_240] : memref<160x125xi32, #tpu.memory_space<vmem>> -> memref<1x125xi32, #tpu.memory_space<vmem>>
      %dma_wait3A_242 = tpu.memref_squeeze %dma_wait3A_241 : memref<1x125xi32, #tpu.memory_space<vmem>> -> memref<125xi32, #tpu.memory_space<vmem>>
      %dma_wait3A_243 = arith.constant 0 : i32
      %dma_wait3A_244 = arith.constant 0 : i32
      %dma_wait3A_245 = tpu.memref_slice %arg2[%dma_wait3A_243, %dma_wait3A_244] : memref<40960x64xf32, #tpu.memory_space<hbm>> -> memref<40960x64xf32, #tpu.memory_space<hbm>>
      tpu.wait_indirect_dma semaphore(%arg12 : memref<!tpu.dma_semaphore, #tpu.memory_space<semaphore_mem>>) src(%dma_wait3A_245 : memref<40960x64xf32, #tpu.memory_space<hbm>>) dst(%dma_wait3A_239 : memref<125x64xf32, #tpu.memory_space<vmem>>)
      %dma_start3A_246 = arith.constant 0 : i32
      %dma_start3A_247 = arith.constant 0 : i32
      %dma_start3A_248 = tpu.memref_slice %arg9[%scan3A_164, %dma_start3A_246, %dma_start3A_247] : memref<4x125x64xf32, #tpu.memory_space<vmem>> -> memref<1x125x64xf32, #tpu.memory_space<vmem>>
      %dma_start3A_249 = tpu.memref_squeeze %dma_start3A_248 : memref<1x125x64xf32, #tpu.memory_space<vmem>> -> memref<125x64xf32, #tpu.memory_space<vmem>>
      %dma_start3A_250 = arith.constant 0 : i32
      %dma_start3A_251 = tpu.memref_slice %arg8[%add3A_235, %dma_start3A_250] : memref<160x125xi32, #tpu.memory_space<vmem>> -> memref<1x125xi32, #tpu.memory_space<vmem>>
      %dma_start3A_252 = tpu.memref_squeeze %dma_start3A_251 : memref<1x125xi32, #tpu.memory_space<vmem>> -> memref<125xi32, #tpu.memory_space<vmem>>
      %dma_start3A_253 = arith.constant 0 : i32
      %dma_start3A_254 = arith.constant 0 : i32
      %dma_start3A_255 = tpu.memref_slice %arg11[%dma_start3A_253, %dma_start3A_254] : memref<10240x64xf32, #tpu.memory_space<vmem_shared>> -> memref<10240x64xf32, #tpu.memory_space<vmem_shared>>
      tpu.enqueue_indirect_dma source(%dma_start3A_249 : memref<125x64xf32, #tpu.memory_space<vmem>>) target(%dma_start3A_255 : memref<10240x64xf32, #tpu.memory_space<vmem_shared>>) offsets(%dma_start3A_252 : memref<125xi32, #tpu.memory_space<vmem>>) semaphore(%arg16 : memref<!tpu.dma_semaphore, #tpu.memory_space<semaphore_mem>>) {add = true}
      %add3A_256 = arith.constant 4 : i32
      %add3A_257 = arith.addi %add3A_235, %add3A_256 : i32
      %sub3A = arith.constant 1 : i32
      %sub3A_258 = arith.subi %add3A_257, %sub3A : i32
      %lt3A = arith.constant 160 : i32
      %lt3A_259 = arith.cmpi slt, %sub3A_258, %lt3A : i32
      %convert_element_type3A = arith.extui %lt3A_259 : i1 to i32
      %cond3A = arith.constant 0 : i32
      %cond3A_260 = arith.cmpi ne, %convert_element_type3A, %cond3A : i32
      scf.if %cond3A_260 {
        %ge3A = arith.constant 1 : i32
        %ge3A_360 = arith.cmpi sge, %add3A_231, %ge3A : i32
        %convert_element_type3A_361 = arith.extui %ge3A_360 : i1 to i32
        %cond3A_362 = arith.constant 0 : i32
        %cond3A_363 = arith.cmpi ne, %convert_element_type3A_361, %cond3A_362 : i32
        scf.if %cond3A_363 {
          %dma_wait3A_374 = arith.constant 0 : i32
          %dma_wait3A_375 = arith.constant 0 : i32
          %dma_wait3A_376 = arith.constant 0 : i32
          %dma_wait3A_377 = tpu.memref_slice %arg9[%scan3A_165, %dma_wait3A_375, %dma_wait3A_376] : memref<4x125x64xf32, #tpu.memory_space<vmem>> -> memref<1x125x64xf32, #tpu.memory_space<vmem>>
          %dma_wait3A_378 = tpu.memref_squeeze %dma_wait3A_377 : memref<1x125x64xf32, #tpu.memory_space<vmem>> -> memref<125x64xf32, #tpu.memory_space<vmem>>
          %dma_wait3A_379 = arith.constant 0 : i32
          %dma_wait3A_380 = tpu.memref_slice %arg8[%dma_wait3A_374, %dma_wait3A_379] : memref<160x125xi32, #tpu.memory_space<vmem>> -> memref<1x125xi32, #tpu.memory_space<vmem>>
          %dma_wait3A_381 = tpu.memref_squeeze %dma_wait3A_380 : memref<1x125xi32, #tpu.memory_space<vmem>> -> memref<125xi32, #tpu.memory_space<vmem>>
          %dma_wait3A_382 = arith.constant 0 : i32
          %dma_wait3A_383 = arith.constant 0 : i32
          %dma_wait3A_384 = tpu.memref_slice %arg11[%dma_wait3A_382, %dma_wait3A_383] : memref<10240x64xf32, #tpu.memory_space<vmem_shared>> -> memref<10240x64xf32, #tpu.memory_space<vmem_shared>>
          tpu.wait_indirect_dma semaphore(%arg19 : memref<!tpu.dma_semaphore, #tpu.memory_space<semaphore_mem>>) src(%dma_wait3A_378 : memref<125x64xf32, #tpu.memory_space<vmem>>) dst(%dma_wait3A_384 : memref<10240x64xf32, #tpu.memory_space<vmem_shared>>)
        } else {
        }
        %dma_start3A_364 = arith.constant 0 : i32
        %dma_start3A_365 = arith.constant 0 : i32
        %dma_start3A_366 = tpu.memref_slice %arg9[%scan3A_165, %dma_start3A_364, %dma_start3A_365] : memref<4x125x64xf32, #tpu.memory_space<vmem>> -> memref<1x125x64xf32, #tpu.memory_space<vmem>>
        %dma_start3A_367 = tpu.memref_squeeze %dma_start3A_366 : memref<1x125x64xf32, #tpu.memory_space<vmem>> -> memref<125x64xf32, #tpu.memory_space<vmem>>
        %dma_start3A_368 = arith.constant 0 : i32
        %dma_start3A_369 = tpu.memref_slice %arg7[%sub3A_258, %dma_start3A_368] : memref<160x125xi32, #tpu.memory_space<vmem>> -> memref<1x125xi32, #tpu.memory_space<vmem>>
        %dma_start3A_370 = tpu.memref_squeeze %dma_start3A_369 : memref<1x125xi32, #tpu.memory_space<vmem>> -> memref<125xi32, #tpu.memory_space<vmem>>
        %dma_start3A_371 = arith.constant 0 : i32
        %dma_start3A_372 = arith.constant 0 : i32
        %dma_start3A_373 = tpu.memref_slice %arg2[%dma_start3A_371, %dma_start3A_372] : memref<40960x64xf32, #tpu.memory_space<hbm>> -> memref<40960x64xf32, #tpu.memory_space<hbm>>
        tpu.enqueue_indirect_dma source(%dma_start3A_373 : memref<40960x64xf32, #tpu.memory_space<hbm>>) target(%dma_start3A_367 : memref<125x64xf32, #tpu.memory_space<vmem>>) offsets(%dma_start3A_370 : memref<125xi32, #tpu.memory_space<vmem>>) semaphore(%arg15 : memref<!tpu.dma_semaphore, #tpu.memory_space<semaphore_mem>>)
      } else {
      }
      %mul3A_261 = arith.constant 4 : i32
      %mul3A_262 = arith.muli %mul3A_261, %add3A_231 : i32
      %add3A_263 = arith.constant 1 : i32
      %add3A_264 = arith.addi %mul3A_262, %add3A_263 : i32
      %dma_wait3A_265 = arith.constant 0 : i32
      %dma_wait3A_266 = arith.constant 0 : i32
      %dma_wait3A_267 = tpu.memref_slice %arg9[%scan3A_166, %dma_wait3A_265, %dma_wait3A_266] : memref<4x125x64xf32, #tpu.memory_space<vmem>> -> memref<1x125x64xf32, #tpu.memory_space<vmem>>
      %dma_wait3A_268 = tpu.memref_squeeze %dma_wait3A_267 : memref<1x125x64xf32, #tpu.memory_space<vmem>> -> memref<125x64xf32, #tpu.memory_space<vmem>>
      %dma_wait3A_269 = arith.constant 0 : i32
      %dma_wait3A_270 = tpu.memref_slice %arg7[%add3A_264, %dma_wait3A_269] : memref<160x125xi32, #tpu.memory_space<vmem>> -> memref<1x125xi32, #tpu.memory_space<vmem>>
      %dma_wait3A_271 = tpu.memref_squeeze %dma_wait3A_270 : memref<1x125xi32, #tpu.memory_space<vmem>> -> memref<125xi32, #tpu.memory_space<vmem>>
      %dma_wait3A_272 = arith.constant 0 : i32
      %dma_wait3A_273 = arith.constant 0 : i32
      %dma_wait3A_274 = tpu.memref_slice %arg2[%dma_wait3A_272, %dma_wait3A_273] : memref<40960x64xf32, #tpu.memory_space<hbm>> -> memref<40960x64xf32, #tpu.memory_space<hbm>>
      tpu.wait_indirect_dma semaphore(%arg13 : memref<!tpu.dma_semaphore, #tpu.memory_space<semaphore_mem>>) src(%dma_wait3A_274 : memref<40960x64xf32, #tpu.memory_space<hbm>>) dst(%dma_wait3A_268 : memref<125x64xf32, #tpu.memory_space<vmem>>)
      %dma_start3A_275 = arith.constant 0 : i32
      %dma_start3A_276 = arith.constant 0 : i32
      %dma_start3A_277 = tpu.memref_slice %arg9[%scan3A_166, %dma_start3A_275, %dma_start3A_276] : memref<4x125x64xf32, #tpu.memory_space<vmem>> -> memref<1x125x64xf32, #tpu.memory_space<vmem>>
      %dma_start3A_278 = tpu.memref_squeeze %dma_start3A_277 : memref<1x125x64xf32, #tpu.memory_space<vmem>> -> memref<125x64xf32, #tpu.memory_space<vmem>>
      %dma_start3A_279 = arith.constant 0 : i32
      %dma_start3A_280 = tpu.memref_slice %arg8[%add3A_264, %dma_start3A_279] : memref<160x125xi32, #tpu.memory_space<vmem>> -> memref<1x125xi32, #tpu.memory_space<vmem>>
      %dma_start3A_281 = tpu.memref_squeeze %dma_start3A_280 : memref<1x125xi32, #tpu.memory_space<vmem>> -> memref<125xi32, #tpu.memory_space<vmem>>
      %dma_start3A_282 = arith.constant 0 : i32
      %dma_start3A_283 = arith.constant 0 : i32
      %dma_start3A_284 = tpu.memref_slice %arg11[%dma_start3A_282, %dma_start3A_283] : memref<10240x64xf32, #tpu.memory_space<vmem_shared>> -> memref<10240x64xf32, #tpu.memory_space<vmem_shared>>
      tpu.enqueue_indirect_dma source(%dma_start3A_278 : memref<125x64xf32, #tpu.memory_space<vmem>>) target(%dma_start3A_284 : memref<10240x64xf32, #tpu.memory_space<vmem_shared>>) offsets(%dma_start3A_281 : memref<125xi32, #tpu.memory_space<vmem>>) semaphore(%arg17 : memref<!tpu.dma_semaphore, #tpu.memory_space<semaphore_mem>>) {add = true}
      %add3A_285 = arith.constant 4 : i32
      %add3A_286 = arith.addi %add3A_264, %add3A_285 : i32
      %sub3A_287 = arith.constant 1 : i32
      %sub3A_288 = arith.subi %add3A_286, %sub3A_287 : i32
      %lt3A_289 = arith.constant 160 : i32
      %lt3A_290 = arith.cmpi slt, %sub3A_288, %lt3A_289 : i32
      %convert_element_type3A_291 = arith.extui %lt3A_290 : i1 to i32
      %cond3A_292 = arith.constant 0 : i32
      %cond3A_293 = arith.cmpi ne, %convert_element_type3A_291, %cond3A_292 : i32
      scf.if %cond3A_293 {
        %dma_wait3A_360 = arith.constant 0 : i32
        %dma_wait3A_361 = arith.constant 0 : i32
        %dma_wait3A_362 = arith.constant 0 : i32
        %dma_wait3A_363 = tpu.memref_slice %arg9[%scan3A_164, %dma_wait3A_361, %dma_wait3A_362] : memref<4x125x64xf32, #tpu.memory_space<vmem>> -> memref<1x125x64xf32, #tpu.memory_space<vmem>>
        %dma_wait3A_364 = tpu.memref_squeeze %dma_wait3A_363 : memref<1x125x64xf32, #tpu.memory_space<vmem>> -> memref<125x64xf32, #tpu.memory_space<vmem>>
        %dma_wait3A_365 = arith.constant 0 : i32
        %dma_wait3A_366 = tpu.memref_slice %arg8[%dma_wait3A_360, %dma_wait3A_365] : memref<160x125xi32, #tpu.memory_space<vmem>> -> memref<1x125xi32, #tpu.memory_space<vmem>>
        %dma_wait3A_367 = tpu.memref_squeeze %dma_wait3A_366 : memref<1x125xi32, #tpu.memory_space<vmem>> -> memref<125xi32, #tpu.memory_space<vmem>>
        %dma_wait3A_368 = arith.constant 0 : i32
        %dma_wait3A_369 = arith.constant 0 : i32
        %dma_wait3A_370 = tpu.memref_slice %arg11[%dma_wait3A_368, %dma_wait3A_369] : memref<10240x64xf32, #tpu.memory_space<vmem_shared>> -> memref<10240x64xf32, #tpu.memory_space<vmem_shared>>
        tpu.wait_indirect_dma semaphore(%arg16 : memref<!tpu.dma_semaphore, #tpu.memory_space<semaphore_mem>>) src(%dma_wait3A_364 : memref<125x64xf32, #tpu.memory_space<vmem>>) dst(%dma_wait3A_370 : memref<10240x64xf32, #tpu.memory_space<vmem_shared>>)
        %dma_start3A_371 = arith.constant 0 : i32
        %dma_start3A_372 = arith.constant 0 : i32
        %dma_start3A_373 = tpu.memref_slice %arg9[%scan3A_164, %dma_start3A_371, %dma_start3A_372] : memref<4x125x64xf32, #tpu.memory_space<vmem>> -> memref<1x125x64xf32, #tpu.memory_space<vmem>>
        %dma_start3A_374 = tpu.memref_squeeze %dma_start3A_373 : memref<1x125x64xf32, #tpu.memory_space<vmem>> -> memref<125x64xf32, #tpu.memory_space<vmem>>
        %dma_start3A_375 = arith.constant 0 : i32
        %dma_start3A_376 = tpu.memref_slice %arg7[%sub3A_288, %dma_start3A_375] : memref<160x125xi32, #tpu.memory_space<vmem>> -> memref<1x125xi32, #tpu.memory_space<vmem>>
        %dma_start3A_377 = tpu.memref_squeeze %dma_start3A_376 : memref<1x125xi32, #tpu.memory_space<vmem>> -> memref<125xi32, #tpu.memory_space<vmem>>
        %dma_start3A_378 = arith.constant 0 : i32
        %dma_start3A_379 = arith.constant 0 : i32
        %dma_start3A_380 = tpu.memref_slice %arg2[%dma_start3A_378, %dma_start3A_379] : memref<40960x64xf32, #tpu.memory_space<hbm>> -> memref<40960x64xf32, #tpu.memory_space<hbm>>
        tpu.enqueue_indirect_dma source(%dma_start3A_380 : memref<40960x64xf32, #tpu.memory_space<hbm>>) target(%dma_start3A_374 : memref<125x64xf32, #tpu.memory_space<vmem>>) offsets(%dma_start3A_377 : memref<125xi32, #tpu.memory_space<vmem>>) semaphore(%arg12 : memref<!tpu.dma_semaphore, #tpu.memory_space<semaphore_mem>>)
      } else {
      }
      %mul3A_294 = arith.constant 4 : i32
      %mul3A_295 = arith.muli %mul3A_294, %add3A_231 : i32
      %add3A_296 = arith.constant 2 : i32
      %add3A_297 = arith.addi %mul3A_295, %add3A_296 : i32
      %dma_wait3A_298 = arith.constant 0 : i32
      %dma_wait3A_299 = arith.constant 0 : i32
      %dma_wait3A_300 = tpu.memref_slice %arg9[%scan3A_167, %dma_wait3A_298, %dma_wait3A_299] : memref<4x125x64xf32, #tpu.memory_space<vmem>> -> memref<1x125x64xf32, #tpu.memory_space<vmem>>
      %dma_wait3A_301 = tpu.memref_squeeze %dma_wait3A_300 : memref<1x125x64xf32, #tpu.memory_space<vmem>> -> memref<125x64xf32, #tpu.memory_space<vmem>>
      %dma_wait3A_302 = arith.constant 0 : i32
      %dma_wait3A_303 = tpu.memref_slice %arg7[%add3A_297, %dma_wait3A_302] : memref<160x125xi32, #tpu.memory_space<vmem>> -> memref<1x125xi32, #tpu.memory_space<vmem>>
      %dma_wait3A_304 = tpu.memref_squeeze %dma_wait3A_303 : memref<1x125xi32, #tpu.memory_space<vmem>> -> memref<125xi32, #tpu.memory_space<vmem>>
      %dma_wait3A_305 = arith.constant 0 : i32
      %dma_wait3A_306 = arith.constant 0 : i32
      %dma_wait3A_307 = tpu.memref_slice %arg2[%dma_wait3A_305, %dma_wait3A_306] : memref<40960x64xf32, #tpu.memory_space<hbm>> -> memref<40960x64xf32, #tpu.memory_space<hbm>>
      tpu.wait_indirect_dma semaphore(%arg14 : memref<!tpu.dma_semaphore, #tpu.memory_space<semaphore_mem>>) src(%dma_wait3A_307 : memref<40960x64xf32, #tpu.memory_space<hbm>>) dst(%dma_wait3A_301 : memref<125x64xf32, #tpu.memory_space<vmem>>)
      %dma_start3A_308 = arith.constant 0 : i32
      %dma_start3A_309 = arith.constant 0 : i32
      %dma_start3A_310 = tpu.memref_slice %arg9[%scan3A_167, %dma_start3A_308, %dma_start3A_309] : memref<4x125x64xf32, #tpu.memory_space<vmem>> -> memref<1x125x64xf32, #tpu.memory_space<vmem>>
      %dma_start3A_311 = tpu.memref_squeeze %dma_start3A_310 : memref<1x125x64xf32, #tpu.memory_space<vmem>> -> memref<125x64xf32, #tpu.memory_space<vmem>>
      %dma_start3A_312 = arith.constant 0 : i32
      %dma_start3A_313 = tpu.memref_slice %arg8[%add3A_297, %dma_start3A_312] : memref<160x125xi32, #tpu.memory_space<vmem>> -> memref<1x125xi32, #tpu.memory_space<vmem>>
      %dma_start3A_314 = tpu.memref_squeeze %dma_start3A_313 : memref<1x125xi32, #tpu.memory_space<vmem>> -> memref<125xi32, #tpu.memory_space<vmem>>
      %dma_start3A_315 = arith.constant 0 : i32
      %dma_start3A_316 = arith.constant 0 : i32
      %dma_start3A_317 = tpu.memref_slice %arg11[%dma_start3A_315, %dma_start3A_316] : memref<10240x64xf32, #tpu.memory_space<vmem_shared>> -> memref<10240x64xf32, #tpu.memory_space<vmem_shared>>
      tpu.enqueue_indirect_dma source(%dma_start3A_311 : memref<125x64xf32, #tpu.memory_space<vmem>>) target(%dma_start3A_317 : memref<10240x64xf32, #tpu.memory_space<vmem_shared>>) offsets(%dma_start3A_314 : memref<125xi32, #tpu.memory_space<vmem>>) semaphore(%arg18 : memref<!tpu.dma_semaphore, #tpu.memory_space<semaphore_mem>>) {add = true}
      %add3A_318 = arith.constant 4 : i32
      %add3A_319 = arith.addi %add3A_297, %add3A_318 : i32
      %sub3A_320 = arith.constant 1 : i32
      %sub3A_321 = arith.subi %add3A_319, %sub3A_320 : i32
      %lt3A_322 = arith.constant 160 : i32
      %lt3A_323 = arith.cmpi slt, %sub3A_321, %lt3A_322 : i32
      %convert_element_type3A_324 = arith.extui %lt3A_323 : i1 to i32
      %cond3A_325 = arith.constant 0 : i32
      %cond3A_326 = arith.cmpi ne, %convert_element_type3A_324, %cond3A_325 : i32
      scf.if %cond3A_326 {
        %dma_wait3A_360 = arith.constant 0 : i32
        %dma_wait3A_361 = arith.constant 0 : i32
        %dma_wait3A_362 = arith.constant 0 : i32
        %dma_wait3A_363 = tpu.memref_slice %arg9[%scan3A_166, %dma_wait3A_361, %dma_wait3A_362] : memref<4x125x64xf32, #tpu.memory_space<vmem>> -> memref<1x125x64xf32, #tpu.memory_space<vmem>>
        %dma_wait3A_364 = tpu.memref_squeeze %dma_wait3A_363 : memref<1x125x64xf32, #tpu.memory_space<vmem>> -> memref<125x64xf32, #tpu.memory_space<vmem>>
        %dma_wait3A_365 = arith.constant 0 : i32
        %dma_wait3A_366 = tpu.memref_slice %arg8[%dma_wait3A_360, %dma_wait3A_365] : memref<160x125xi32, #tpu.memory_space<vmem>> -> memref<1x125xi32, #tpu.memory_space<vmem>>
        %dma_wait3A_367 = tpu.memref_squeeze %dma_wait3A_366 : memref<1x125xi32, #tpu.memory_space<vmem>> -> memref<125xi32, #tpu.memory_space<vmem>>
        %dma_wait3A_368 = arith.constant 0 : i32
        %dma_wait3A_369 = arith.constant 0 : i32
        %dma_wait3A_370 = tpu.memref_slice %arg11[%dma_wait3A_368, %dma_wait3A_369] : memref<10240x64xf32, #tpu.memory_space<vmem_shared>> -> memref<10240x64xf32, #tpu.memory_space<vmem_shared>>
        tpu.wait_indirect_dma semaphore(%arg17 : memref<!tpu.dma_semaphore, #tpu.memory_space<semaphore_mem>>) src(%dma_wait3A_364 : memref<125x64xf32, #tpu.memory_space<vmem>>) dst(%dma_wait3A_370 : memref<10240x64xf32, #tpu.memory_space<vmem_shared>>)
        %dma_start3A_371 = arith.constant 0 : i32
        %dma_start3A_372 = arith.constant 0 : i32
        %dma_start3A_373 = tpu.memref_slice %arg9[%scan3A_166, %dma_start3A_371, %dma_start3A_372] : memref<4x125x64xf32, #tpu.memory_space<vmem>> -> memref<1x125x64xf32, #tpu.memory_space<vmem>>
        %dma_start3A_374 = tpu.memref_squeeze %dma_start3A_373 : memref<1x125x64xf32, #tpu.memory_space<vmem>> -> memref<125x64xf32, #tpu.memory_space<vmem>>
        %dma_start3A_375 = arith.constant 0 : i32
        %dma_start3A_376 = tpu.memref_slice %arg7[%sub3A_321, %dma_start3A_375] : memref<160x125xi32, #tpu.memory_space<vmem>> -> memref<1x125xi32, #tpu.memory_space<vmem>>
        %dma_start3A_377 = tpu.memref_squeeze %dma_start3A_376 : memref<1x125xi32, #tpu.memory_space<vmem>> -> memref<125xi32, #tpu.memory_space<vmem>>
        %dma_start3A_378 = arith.constant 0 : i32
        %dma_start3A_379 = arith.constant 0 : i32
        %dma_start3A_380 = tpu.memref_slice %arg2[%dma_start3A_378, %dma_start3A_379] : memref<40960x64xf32, #tpu.memory_space<hbm>> -> memref<40960x64xf32, #tpu.memory_space<hbm>>
        tpu.enqueue_indirect_dma source(%dma_start3A_380 : memref<40960x64xf32, #tpu.memory_space<hbm>>) target(%dma_start3A_374 : memref<125x64xf32, #tpu.memory_space<vmem>>) offsets(%dma_start3A_377 : memref<125xi32, #tpu.memory_space<vmem>>) semaphore(%arg13 : memref<!tpu.dma_semaphore, #tpu.memory_space<semaphore_mem>>)
      } else {
      }
      %mul3A_327 = arith.constant 4 : i32
      %mul3A_328 = arith.muli %mul3A_327, %add3A_231 : i32
      %add3A_329 = arith.constant 3 : i32
      %add3A_330 = arith.addi %mul3A_328, %add3A_329 : i32
      %dma_wait3A_331 = arith.constant 0 : i32
      %dma_wait3A_332 = arith.constant 0 : i32
      %dma_wait3A_333 = tpu.memref_slice %arg9[%scan3A_165, %dma_wait3A_331, %dma_wait3A_332] : memref<4x125x64xf32, #tpu.memory_space<vmem>> -> memref<1x125x64xf32, #tpu.memory_space<vmem>>
      %dma_wait3A_334 = tpu.memref_squeeze %dma_wait3A_333 : memref<1x125x64xf32, #tpu.memory_space<vmem>> -> memref<125x64xf32, #tpu.memory_space<vmem>>
      %dma_wait3A_335 = arith.constant 0 : i32
      %dma_wait3A_336 = tpu.memref_slice %arg7[%add3A_330, %dma_wait3A_335] : memref<160x125xi32, #tpu.memory_space<vmem>> -> memref<1x125xi32, #tpu.memory_space<vmem>>
      %dma_wait3A_337 = tpu.memref_squeeze %dma_wait3A_336 : memref<1x125xi32, #tpu.memory_space<vmem>> -> memref<125xi32, #tpu.memory_space<vmem>>
      %dma_wait3A_338 = arith.constant 0 : i32
      %dma_wait3A_339 = arith.constant 0 : i32
      %dma_wait3A_340 = tpu.memref_slice %arg2[%dma_wait3A_338, %dma_wait3A_339] : memref<40960x64xf32, #tpu.memory_space<hbm>> -> memref<40960x64xf32, #tpu.memory_space<hbm>>
      tpu.wait_indirect_dma semaphore(%arg15 : memref<!tpu.dma_semaphore, #tpu.memory_space<semaphore_mem>>) src(%dma_wait3A_340 : memref<40960x64xf32, #tpu.memory_space<hbm>>) dst(%dma_wait3A_334 : memref<125x64xf32, #tpu.memory_space<vmem>>)
      %dma_start3A_341 = arith.constant 0 : i32
      %dma_start3A_342 = arith.constant 0 : i32
      %dma_start3A_343 = tpu.memref_slice %arg9[%scan3A_165, %dma_start3A_341, %dma_start3A_342] : memref<4x125x64xf32, #tpu.memory_space<vmem>> -> memref<1x125x64xf32, #tpu.memory_space<vmem>>
      %dma_start3A_344 = tpu.memref_squeeze %dma_start3A_343 : memref<1x125x64xf32, #tpu.memory_space<vmem>> -> memref<125x64xf32, #tpu.memory_space<vmem>>
      %dma_start3A_345 = arith.constant 0 : i32
      %dma_start3A_346 = tpu.memref_slice %arg8[%add3A_330, %dma_start3A_345] : memref<160x125xi32, #tpu.memory_space<vmem>> -> memref<1x125xi32, #tpu.memory_space<vmem>>
      %dma_start3A_347 = tpu.memref_squeeze %dma_start3A_346 : memref<1x125xi32, #tpu.memory_space<vmem>> -> memref<125xi32, #tpu.memory_space<vmem>>
      %dma_start3A_348 = arith.constant 0 : i32
      %dma_start3A_349 = arith.constant 0 : i32
      %dma_start3A_350 = tpu.memref_slice %arg11[%dma_start3A_348, %dma_start3A_349] : memref<10240x64xf32, #tpu.memory_space<vmem_shared>> -> memref<10240x64xf32, #tpu.memory_space<vmem_shared>>
      tpu.enqueue_indirect_dma source(%dma_start3A_344 : memref<125x64xf32, #tpu.memory_space<vmem>>) target(%dma_start3A_350 : memref<10240x64xf32, #tpu.memory_space<vmem_shared>>) offsets(%dma_start3A_347 : memref<125xi32, #tpu.memory_space<vmem>>) semaphore(%arg19 : memref<!tpu.dma_semaphore, #tpu.memory_space<semaphore_mem>>) {add = true}
      %add3A_351 = arith.constant 4 : i32
      %add3A_352 = arith.addi %add3A_330, %add3A_351 : i32
      %sub3A_353 = arith.constant 1 : i32
      %sub3A_354 = arith.subi %add3A_352, %sub3A_353 : i32
      %lt3A_355 = arith.constant 160 : i32
      %lt3A_356 = arith.cmpi slt, %sub3A_354, %lt3A_355 : i32
      %convert_element_type3A_357 = arith.extui %lt3A_356 : i1 to i32
      %cond3A_358 = arith.constant 0 : i32
      %cond3A_359 = arith.cmpi ne, %convert_element_type3A_357, %cond3A_358 : i32
      scf.if %cond3A_359 {
        %dma_wait3A_360 = arith.constant 0 : i32
        %dma_wait3A_361 = arith.constant 0 : i32
        %dma_wait3A_362 = arith.constant 0 : i32
        %dma_wait3A_363 = tpu.memref_slice %arg9[%scan3A_167, %dma_wait3A_361, %dma_wait3A_362] : memref<4x125x64xf32, #tpu.memory_space<vmem>> -> memref<1x125x64xf32, #tpu.memory_space<vmem>>
        %dma_wait3A_364 = tpu.memref_squeeze %dma_wait3A_363 : memref<1x125x64xf32, #tpu.memory_space<vmem>> -> memref<125x64xf32, #tpu.memory_space<vmem>>
        %dma_wait3A_365 = arith.constant 0 : i32
        %dma_wait3A_366 = tpu.memref_slice %arg8[%dma_wait3A_360, %dma_wait3A_365] : memref<160x125xi32, #tpu.memory_space<vmem>> -> memref<1x125xi32, #tpu.memory_space<vmem>>
        %dma_wait3A_367 = tpu.memref_squeeze %dma_wait3A_366 : memref<1x125xi32, #tpu.memory_space<vmem>> -> memref<125xi32, #tpu.memory_space<vmem>>
        %dma_wait3A_368 = arith.constant 0 : i32
        %dma_wait3A_369 = arith.constant 0 : i32
        %dma_wait3A_370 = tpu.memref_slice %arg11[%dma_wait3A_368, %dma_wait3A_369] : memref<10240x64xf32, #tpu.memory_space<vmem_shared>> -> memref<10240x64xf32, #tpu.memory_space<vmem_shared>>
        tpu.wait_indirect_dma semaphore(%arg18 : memref<!tpu.dma_semaphore, #tpu.memory_space<semaphore_mem>>) src(%dma_wait3A_364 : memref<125x64xf32, #tpu.memory_space<vmem>>) dst(%dma_wait3A_370 : memref<10240x64xf32, #tpu.memory_space<vmem_shared>>)
        %dma_start3A_371 = arith.constant 0 : i32
        %dma_start3A_372 = arith.constant 0 : i32
        %dma_start3A_373 = tpu.memref_slice %arg9[%scan3A_167, %dma_start3A_371, %dma_start3A_372] : memref<4x125x64xf32, #tpu.memory_space<vmem>> -> memref<1x125x64xf32, #tpu.memory_space<vmem>>
        %dma_start3A_374 = tpu.memref_squeeze %dma_start3A_373 : memref<1x125x64xf32, #tpu.memory_space<vmem>> -> memref<125x64xf32, #tpu.memory_space<vmem>>
        %dma_start3A_375 = arith.constant 0 : i32
        %dma_start3A_376 = tpu.memref_slice %arg7[%sub3A_354, %dma_start3A_375] : memref<160x125xi32, #tpu.memory_space<vmem>> -> memref<1x125xi32, #tpu.memory_space<vmem>>
        %dma_start3A_377 = tpu.memref_squeeze %dma_start3A_376 : memref<1x125xi32, #tpu.memory_space<vmem>> -> memref<125xi32, #tpu.memory_space<vmem>>
        %dma_start3A_378 = arith.constant 0 : i32
        %dma_start3A_379 = arith.constant 0 : i32
        %dma_start3A_380 = tpu.memref_slice %arg2[%dma_start3A_378, %dma_start3A_379] : memref<40960x64xf32, #tpu.memory_space<hbm>> -> memref<40960x64xf32, #tpu.memory_space<hbm>>
        tpu.enqueue_indirect_dma source(%dma_start3A_380 : memref<40960x64xf32, #tpu.memory_space<hbm>>) target(%dma_start3A_374 : memref<125x64xf32, #tpu.memory_space<vmem>>) offsets(%dma_start3A_377 : memref<125xi32, #tpu.memory_space<vmem>>) semaphore(%arg14 : memref<!tpu.dma_semaphore, #tpu.memory_space<semaphore_mem>>)
      } else {
      }
    }
    %scan3A_172 = arith.constant 40 : i32
    %dma_wait3A_173 = arith.constant 0 : i32
    %dma_wait3A_174 = arith.constant 0 : i32
    %dma_wait3A_175 = arith.constant 0 : i32
    %dma_wait3A_176 = arith.constant 0 : i32
    %dma_wait3A_177 = tpu.memref_slice %arg9[%dma_wait3A_173, %dma_wait3A_175, %dma_wait3A_176] : memref<4x125x64xf32, #tpu.memory_space<vmem>> -> memref<1x125x64xf32, #tpu.memory_space<vmem>>
    %dma_wait3A_178 = tpu.memref_squeeze %dma_wait3A_177 : memref<1x125x64xf32, #tpu.memory_space<vmem>> -> memref<125x64xf32, #tpu.memory_space<vmem>>
    %dma_wait3A_179 = arith.constant 0 : i32
    %dma_wait3A_180 = tpu.memref_slice %arg8[%dma_wait3A_174, %dma_wait3A_179] : memref<160x125xi32, #tpu.memory_space<vmem>> -> memref<1x125xi32, #tpu.memory_space<vmem>>
    %dma_wait3A_181 = tpu.memref_squeeze %dma_wait3A_180 : memref<1x125xi32, #tpu.memory_space<vmem>> -> memref<125xi32, #tpu.memory_space<vmem>>
    %dma_wait3A_182 = arith.constant 0 : i32
    %dma_wait3A_183 = arith.constant 0 : i32
    %dma_wait3A_184 = tpu.memref_slice %arg11[%dma_wait3A_182, %dma_wait3A_183] : memref<10240x64xf32, #tpu.memory_space<vmem_shared>> -> memref<10240x64xf32, #tpu.memory_space<vmem_shared>>
    tpu.wait_indirect_dma semaphore(%arg16 : memref<!tpu.dma_semaphore, #tpu.memory_space<semaphore_mem>>) src(%dma_wait3A_178 : memref<125x64xf32, #tpu.memory_space<vmem>>) dst(%dma_wait3A_184 : memref<10240x64xf32, #tpu.memory_space<vmem_shared>>)
    %dma_wait3A_185 = arith.constant 1 : i32
    %dma_wait3A_186 = arith.constant 0 : i32
    %dma_wait3A_187 = arith.constant 0 : i32
    %dma_wait3A_188 = arith.constant 0 : i32
    %dma_wait3A_189 = tpu.memref_slice %arg9[%dma_wait3A_185, %dma_wait3A_187, %dma_wait3A_188] : memref<4x125x64xf32, #tpu.memory_space<vmem>> -> memref<1x125x64xf32, #tpu.memory_space<vmem>>
    %dma_wait3A_190 = tpu.memref_squeeze %dma_wait3A_189 : memref<1x125x64xf32, #tpu.memory_space<vmem>> -> memref<125x64xf32, #tpu.memory_space<vmem>>
    %dma_wait3A_191 = arith.constant 0 : i32
    %dma_wait3A_192 = tpu.memref_slice %arg8[%dma_wait3A_186, %dma_wait3A_191] : memref<160x125xi32, #tpu.memory_space<vmem>> -> memref<1x125xi32, #tpu.memory_space<vmem>>
    %dma_wait3A_193 = tpu.memref_squeeze %dma_wait3A_192 : memref<1x125xi32, #tpu.memory_space<vmem>> -> memref<125xi32, #tpu.memory_space<vmem>>
    %dma_wait3A_194 = arith.constant 0 : i32
    %dma_wait3A_195 = arith.constant 0 : i32
    %dma_wait3A_196 = tpu.memref_slice %arg11[%dma_wait3A_194, %dma_wait3A_195] : memref<10240x64xf32, #tpu.memory_space<vmem_shared>> -> memref<10240x64xf32, #tpu.memory_space<vmem_shared>>
    tpu.wait_indirect_dma semaphore(%arg17 : memref<!tpu.dma_semaphore, #tpu.memory_space<semaphore_mem>>) src(%dma_wait3A_190 : memref<125x64xf32, #tpu.memory_space<vmem>>) dst(%dma_wait3A_196 : memref<10240x64xf32, #tpu.memory_space<vmem_shared>>)
    %dma_wait3A_197 = arith.constant 2 : i32
    %dma_wait3A_198 = arith.constant 0 : i32
    %dma_wait3A_199 = arith.constant 0 : i32
    %dma_wait3A_200 = arith.constant 0 : i32
    %dma_wait3A_201 = tpu.memref_slice %arg9[%dma_wait3A_197, %dma_wait3A_199, %dma_wait3A_200] : memref<4x125x64xf32, #tpu.memory_space<vmem>> -> memref<1x125x64xf32, #tpu.memory_space<vmem>>
    %dma_wait3A_202 = tpu.memref_squeeze %dma_wait3A_201 : memref<1x125x64xf32, #tpu.memory_space<vmem>> -> memref<125x64xf32, #tpu.memory_space<vmem>>
    %dma_wait3A_203 = arith.constant 0 : i32
    %dma_wait3A_204 = tpu.memref_slice %arg8[%dma_wait3A_198, %dma_wait3A_203] : memref<160x125xi32, #tpu.memory_space<vmem>> -> memref<1x125xi32, #tpu.memory_space<vmem>>
    %dma_wait3A_205 = tpu.memref_squeeze %dma_wait3A_204 : memref<1x125xi32, #tpu.memory_space<vmem>> -> memref<125xi32, #tpu.memory_space<vmem>>
    %dma_wait3A_206 = arith.constant 0 : i32
    %dma_wait3A_207 = arith.constant 0 : i32
    %dma_wait3A_208 = tpu.memref_slice %arg11[%dma_wait3A_206, %dma_wait3A_207] : memref<10240x64xf32, #tpu.memory_space<vmem_shared>> -> memref<10240x64xf32, #tpu.memory_space<vmem_shared>>
    tpu.wait_indirect_dma semaphore(%arg18 : memref<!tpu.dma_semaphore, #tpu.memory_space<semaphore_mem>>) src(%dma_wait3A_202 : memref<125x64xf32, #tpu.memory_space<vmem>>) dst(%dma_wait3A_208 : memref<10240x64xf32, #tpu.memory_space<vmem_shared>>)
    %dma_wait3A_209 = arith.constant 3 : i32
    %dma_wait3A_210 = arith.constant 0 : i32
    %dma_wait3A_211 = arith.constant 0 : i32
    %dma_wait3A_212 = arith.constant 0 : i32
    %dma_wait3A_213 = tpu.memref_slice %arg9[%dma_wait3A_209, %dma_wait3A_211, %dma_wait3A_212] : memref<4x125x64xf32, #tpu.memory_space<vmem>> -> memref<1x125x64xf32, #tpu.memory_space<vmem>>
    %dma_wait3A_214 = tpu.memref_squeeze %dma_wait3A_213 : memref<1x125x64xf32, #tpu.memory_space<vmem>> -> memref<125x64xf32, #tpu.memory_space<vmem>>
    %dma_wait3A_215 = arith.constant 0 : i32
    %dma_wait3A_216 = tpu.memref_slice %arg8[%dma_wait3A_210, %dma_wait3A_215] : memref<160x125xi32, #tpu.memory_space<vmem>> -> memref<1x125xi32, #tpu.memory_space<vmem>>
    %dma_wait3A_217 = tpu.memref_squeeze %dma_wait3A_216 : memref<1x125xi32, #tpu.memory_space<vmem>> -> memref<125xi32, #tpu.memory_space<vmem>>
    %dma_wait3A_218 = arith.constant 0 : i32
    %dma_wait3A_219 = arith.constant 0 : i32
    %dma_wait3A_220 = tpu.memref_slice %arg11[%dma_wait3A_218, %dma_wait3A_219] : memref<10240x64xf32, #tpu.memory_space<vmem_shared>> -> memref<10240x64xf32, #tpu.memory_space<vmem_shared>>
    tpu.wait_indirect_dma semaphore(%arg19 : memref<!tpu.dma_semaphore, #tpu.memory_space<semaphore_mem>>) src(%dma_wait3A_214 : memref<125x64xf32, #tpu.memory_space<vmem>>) dst(%dma_wait3A_220 : memref<10240x64xf32, #tpu.memory_space<vmem_shared>>)
    %barrier3A_221 = arith.constant 0 : index
    tpu.barrier barrier_id(%barrier3A_221)
    %scan3A_222 = arith.constant 0 : i32
    %scan3A_223 = arith.constant 5 : i32
    %scan3A_224 = arith.addi %scan3A_222, %scan3A_223 : i32
    %scan3A_225 = arith.constant 1 : i32
    scf.for %scan3A_227 = %scan3A_222 to %scan3A_224 step %scan3A_225  : i32 {
      %mul3A_228 = arith.constant 1 : i32
      %mul3A_229 = arith.muli %scan3A_227, %mul3A_228 : i32
      %add3A_230 = arith.constant 0 : i32
      %add3A_231 = arith.addi %add3A_230, %mul3A_229 : i32
      %mul3A_232 = arith.constant 640 : i32
      %mul3A_233 = arith.muli %arg1, %mul3A_232 : i32
      %mul3A_234 = arith.constant 128 : i32
      %mul3A_235 = arith.muli %add3A_231, %mul3A_234 : i32
      %add3A_236 = arith.addi %mul3A_233, %mul3A_235 : i32
      "tpu.region"() ({
        %run_scoped3A = tpu.sem_alloc : memref<!tpu.dma_semaphore, #tpu.memory_space<semaphore_mem>>
        %dma_start3A_245 = arith.constant 0 : i32
        %dma_start3A_246 = tpu.memref_slice %arg11[%add3A_236, %dma_start3A_245] : memref<10240x64xf32, #tpu.memory_space<vmem_shared>> -> memref<128x64xf32, #tpu.memory_space<vmem_shared>>
        %dma_start3A_247 = arith.constant 0 : i32
        %dma_start3A_248 = tpu.memref_slice %arg11[%add3A_236, %dma_start3A_247] : memref<10240x64xf32, #tpu.memory_space<vmem_shared>> -> memref<128x64xf32, #tpu.memory_space<vmem_shared>>
        tpu.enqueue_dma source(%dma_start3A_248 : memref<128x64xf32, #tpu.memory_space<vmem_shared>>) target(%arg10 : memref<128x64xf32, #tpu.memory_space<vmem>>) target_semaphore(%run_scoped3A : memref<!tpu.dma_semaphore, #tpu.memory_space<semaphore_mem>>)
        %dma_wait3A_249 = arith.constant 0 : i32
        %dma_wait3A_250 = tpu.memref_slice %arg11[%add3A_236, %dma_wait3A_249] : memref<10240x64xf32, #tpu.memory_space<vmem_shared>> -> memref<128x64xf32, #tpu.memory_space<vmem_shared>>
        %dma_wait3A_251 = arith.constant 0 : i32
        %dma_wait3A_252 = tpu.memref_slice %arg11[%add3A_236, %dma_wait3A_251] : memref<10240x64xf32, #tpu.memory_space<vmem_shared>> -> memref<128x64xf32, #tpu.memory_space<vmem_shared>>
        tpu.wait_dma2 semaphore(%run_scoped3A : memref<!tpu.dma_semaphore, #tpu.memory_space<semaphore_mem>>) src(%dma_wait3A_252 : memref<128x64xf32, #tpu.memory_space<vmem_shared>>) dst(%arg10 : memref<128x64xf32, #tpu.memory_space<vmem>>)
        tpu.yield
      }) : () -> ()
      %mul3A_237 = arith.constant 10240 : i32
      %mul3A_238 = arith.muli %add3A_111, %mul3A_237 : i32
      %mul3A_239 = arith.constant 640 : i32
      %mul3A_240 = arith.muli %arg1, %mul3A_239 : i32
      %add3A_241 = arith.addi %mul3A_238, %mul3A_240 : i32
      %mul3A_242 = arith.constant 128 : i32
      %mul3A_243 = arith.muli %add3A_231, %mul3A_242 : i32
      %add3A_244 = arith.addi %add3A_241, %mul3A_243 : i32
      "tpu.region"() ({
        %run_scoped3A = tpu.sem_alloc : memref<!tpu.dma_semaphore, #tpu.memory_space<semaphore_mem>>
        %dma_start3A_245 = arith.constant 0 : i32
        %dma_start3A_246 = tpu.memref_slice %arg6[%add3A_244, %dma_start3A_245] : memref<40960x64xf32, #tpu.memory_space<hbm>> -> memref<128x64xf32, #tpu.memory_space<hbm>>
        %dma_start3A_247 = arith.constant 0 : i32
        %dma_start3A_248 = tpu.memref_slice %arg6[%add3A_244, %dma_start3A_247] : memref<40960x64xf32, #tpu.memory_space<hbm>> -> memref<128x64xf32, #tpu.memory_space<hbm>>
        tpu.enqueue_dma source(%arg10 : memref<128x64xf32, #tpu.memory_space<vmem>>) target(%dma_start3A_248 : memref<128x64xf32, #tpu.memory_space<hbm>>) target_semaphore(%run_scoped3A : memref<!tpu.dma_semaphore, #tpu.memory_space<semaphore_mem>>)
        %dma_wait3A_249 = arith.constant 0 : i32
        %dma_wait3A_250 = tpu.memref_slice %arg6[%add3A_244, %dma_wait3A_249] : memref<40960x64xf32, #tpu.memory_space<hbm>> -> memref<128x64xf32, #tpu.memory_space<hbm>>
        %dma_wait3A_251 = arith.constant 0 : i32
        %dma_wait3A_252 = tpu.memref_slice %arg6[%add3A_244, %dma_wait3A_251] : memref<40960x64xf32, #tpu.memory_space<hbm>> -> memref<128x64xf32, #tpu.memory_space<hbm>>
        tpu.wait_dma2 semaphore(%run_scoped3A : memref<!tpu.dma_semaphore, #tpu.memory_space<semaphore_mem>>) src(%arg10 : memref<128x64xf32, #tpu.memory_space<vmem>>) dst(%dma_wait3A_252 : memref<128x64xf32, #tpu.memory_space<hbm>>)
        tpu.yield
      }) : () -> ()
    }
    %scan3A_226 = arith.constant 5 : i32
    return
  }
}

#map = affine_map<(d0, d1) -> (0, 0)>
#map1 = affine_map<(d0, d1) -> (0, 0, 0)>
module attributes {stable_mosaic.version = 14 : i64} {
  func.func @agg(%arg0: i32, %arg1: i32, %arg2: memref<20480x32xf32, #tpu.memory_space<hbm>>, %arg3: memref<32x160x125xi32, #tpu.memory_space<hbm>>, %arg4: memref<16x160x125xi32, #tpu.memory_space<hbm>>, %arg5: memref<20480x32xf32, #tpu.memory_space<hbm>>, %arg6: memref<160x125xi32, #tpu.memory_space<vmem>>, %arg7: memref<160x125xi32, #tpu.memory_space<vmem>>, %arg8: memref<4x125x32xf32, #tpu.memory_space<vmem>>, %arg9: memref<128x32xf32, #tpu.memory_space<vmem>>, %arg10: memref<10240x32xf32, #tpu.memory_space<vmem_shared>>, %arg11: memref<!tpu.dma_semaphore, #tpu.memory_space<semaphore_mem>>, %arg12: memref<!tpu.dma_semaphore, #tpu.memory_space<semaphore_mem>>, %arg13: memref<!tpu.dma_semaphore, #tpu.memory_space<semaphore_mem>>, %arg14: memref<!tpu.dma_semaphore, #tpu.memory_space<semaphore_mem>>, %arg15: memref<!tpu.dma_semaphore, #tpu.memory_space<semaphore_mem>>, %arg16: memref<!tpu.dma_semaphore, #tpu.memory_space<semaphore_mem>>, %arg17: memref<!tpu.dma_semaphore, #tpu.memory_space<semaphore_mem>>, %arg18: memref<!tpu.dma_semaphore, #tpu.memory_space<semaphore_mem>>) attributes {dimension_semantics = [#tpu.dimension_semantics<core_parallel>, #tpu.dimension_semantics<subcore_parallel>], iteration_bounds = array<i64: 2, 16>, scalar_prefetch = 0 : i64, scratch_operands = 13 : i64, tpu.core_type = #tpu.core_type<sc_vector_subcore>, window_params = [{transform_indices = #map}, {transform_indices = #map1}, {transform_indices = #map1}, {transform_indices = #map}]} {
    %broadcast_in_dim3A = arith.constant 0.000000e+00 : f32
    %broadcast_in_dim3A_0 = vector.broadcast %broadcast_in_dim3A : f32 to vector<16xf32>
    %scan3A = arith.constant 0 : i32
    %scan3A_1 = arith.constant 128 : i32
    %scan3A_2 = arith.addi %scan3A, %scan3A_1 : i32
    %scan3A_3 = arith.constant 1 : i32
    scf.for %scan3A_108 = %scan3A to %scan3A_2 step %scan3A_3  : i32 {
      %mul3A_109 = arith.constant 1 : i32
      %mul3A_110 = arith.muli %scan3A_108, %mul3A_109 : i32
      %add3A_111 = arith.constant 0 : i32
      %add3A_112 = arith.addi %add3A_111, %mul3A_110 : i32
      %swap3A = arith.index_cast %add3A_112 : i32 to index
      %swap3A_113 = arith.constant 0 : index
      %swap3A_114 = tpu.vector_load %arg9[%swap3A, %swap3A_113] {strides = array<i32>} : memref<128x32xf32, #tpu.memory_space<vmem>>, vector<1x16xf32>,
      %swap3A_115 = vector.shape_cast %swap3A_114 : vector<1x16xf32> to vector<16xf32>
      %swap3A_116 = vector.shape_cast %broadcast_in_dim3A_0 : vector<16xf32> to vector<1x16xf32>
      tpu.vector_store %arg9[%swap3A, %swap3A_113], %swap3A_116 {strides = array<i32>} : memref<128x32xf32, #tpu.memory_space<vmem>>, vector<1x16xf32>,
      %swap3A_117 = arith.index_cast %add3A_112 : i32 to index
      %swap3A_118 = arith.constant 16 : index
      %swap3A_119 = tpu.vector_load %arg9[%swap3A_117, %swap3A_118] {strides = array<i32>} : memref<128x32xf32, #tpu.memory_space<vmem>>, vector<1x16xf32>,
      %swap3A_120 = vector.shape_cast %swap3A_119 : vector<1x16xf32> to vector<16xf32>
      %swap3A_121 = vector.shape_cast %broadcast_in_dim3A_0 : vector<16xf32> to vector<1x16xf32>
      tpu.vector_store %arg9[%swap3A_117, %swap3A_118], %swap3A_121 {strides = array<i32>} : memref<128x32xf32, #tpu.memory_space<vmem>>, vector<1x16xf32>,
    }
    %scan3A_4 = arith.constant 128 : i32
    %scan3A_5 = arith.constant 0 : i32
    %scan3A_6 = arith.constant 5 : i32
    %scan3A_7 = arith.addi %scan3A_5, %scan3A_6 : i32
    %scan3A_8 = arith.constant 1 : i32
    scf.for %scan3A_108 = %scan3A_5 to %scan3A_7 step %scan3A_8  : i32 {
      %mul3A_109 = arith.constant 1 : i32
      %mul3A_110 = arith.muli %scan3A_108, %mul3A_109 : i32
      %add3A_111 = arith.constant 0 : i32
      %add3A_112 = arith.addi %add3A_111, %mul3A_110 : i32
      %mul3A_113 = arith.constant 640 : i32
      %mul3A_114 = arith.muli %arg1, %mul3A_113 : i32
      %mul3A_115 = arith.constant 128 : i32
      %mul3A_116 = arith.muli %add3A_112, %mul3A_115 : i32
      %add3A_117 = arith.addi %mul3A_114, %mul3A_116 : i32
      "tpu.region"() ({
        %run_scoped3A = tpu.sem_alloc : memref<!tpu.dma_semaphore, #tpu.memory_space<semaphore_mem>>
        %dma_start3A_118 = arith.constant 0 : i32
        %dma_start3A_119 = tpu.memref_slice %arg10[%add3A_117, %dma_start3A_118] : memref<10240x32xf32, #tpu.memory_space<vmem_shared>> -> memref<128x32xf32, #tpu.memory_space<vmem_shared>>
        %dma_start3A_120 = arith.constant 0 : i32
        %dma_start3A_121 = tpu.memref_slice %arg10[%add3A_117, %dma_start3A_120] : memref<10240x32xf32, #tpu.memory_space<vmem_shared>> -> memref<128x32xf32, #tpu.memory_space<vmem_shared>>
        tpu.enqueue_dma source(%arg9 : memref<128x32xf32, #tpu.memory_space<vmem>>) target(%dma_start3A_121 : memref<128x32xf32, #tpu.memory_space<vmem_shared>>) target_semaphore(%run_scoped3A : memref<!tpu.dma_semaphore, #tpu.memory_space<semaphore_mem>>)
        %dma_wait3A_122 = arith.constant 0 : i32
        %dma_wait3A_123 = tpu.memref_slice %arg10[%add3A_117, %dma_wait3A_122] : memref<10240x32xf32, #tpu.memory_space<vmem_shared>> -> memref<128x32xf32, #tpu.memory_space<vmem_shared>>
        %dma_wait3A_124 = arith.constant 0 : i32
        %dma_wait3A_125 = tpu.memref_slice %arg10[%add3A_117, %dma_wait3A_124] : memref<10240x32xf32, #tpu.memory_space<vmem_shared>> -> memref<128x32xf32, #tpu.memory_space<vmem_shared>>
        tpu.wait_dma2 semaphore(%run_scoped3A : memref<!tpu.dma_semaphore, #tpu.memory_space<semaphore_mem>>) src(%arg9 : memref<128x32xf32, #tpu.memory_space<vmem>>) dst(%dma_wait3A_125 : memref<128x32xf32, #tpu.memory_space<vmem_shared>>)
        tpu.yield
      }) : () -> ()
    }
    %scan3A_9 = arith.constant 5 : i32
    %mul3A = arith.constant 16 : i32
    %mul3A_10 = arith.muli %arg0, %mul3A : i32
    %add3A = arith.addi %mul3A_10, %arg1 : i32
    "tpu.region"() ({
      %run_scoped3A = tpu.sem_alloc : memref<!tpu.dma_semaphore, #tpu.memory_space<semaphore_mem>>
      %dma_start3A_108 = arith.constant 0 : i32
      %dma_start3A_109 = arith.constant 0 : i32
      %dma_start3A_110 = tpu.memref_slice %arg3[%add3A, %dma_start3A_108, %dma_start3A_109] : memref<32x160x125xi32, #tpu.memory_space<hbm>> -> memref<1x160x125xi32, #tpu.memory_space<hbm>>
      %dma_start3A_111 = tpu.memref_squeeze %dma_start3A_110 : memref<1x160x125xi32, #tpu.memory_space<hbm>> -> memref<160x125xi32, #tpu.memory_space<hbm>>
      %dma_start3A_112 = arith.constant 0 : i32
      %dma_start3A_113 = arith.constant 0 : i32
      %dma_start3A_114 = tpu.memref_slice %arg3[%add3A, %dma_start3A_112, %dma_start3A_113] : memref<32x160x125xi32, #tpu.memory_space<hbm>> -> memref<1x160x125xi32, #tpu.memory_space<hbm>>
      %dma_start3A_115 = tpu.memref_squeeze %dma_start3A_114 : memref<1x160x125xi32, #tpu.memory_space<hbm>> -> memref<160x125xi32, #tpu.memory_space<hbm>>
      tpu.enqueue_dma source(%dma_start3A_115 : memref<160x125xi32, #tpu.memory_space<hbm>>) target(%arg6 : memref<160x125xi32, #tpu.memory_space<vmem>>) target_semaphore(%run_scoped3A : memref<!tpu.dma_semaphore, #tpu.memory_space<semaphore_mem>>)
      %dma_wait3A_116 = arith.constant 0 : i32
      %dma_wait3A_117 = arith.constant 0 : i32
      %dma_wait3A_118 = tpu.memref_slice %arg3[%add3A, %dma_wait3A_116, %dma_wait3A_117] : memref<32x160x125xi32, #tpu.memory_space<hbm>> -> memref<1x160x125xi32, #tpu.memory_space<hbm>>
      %dma_wait3A_119 = tpu.memref_squeeze %dma_wait3A_118 : memref<1x160x125xi32, #tpu.memory_space<hbm>> -> memref<160x125xi32, #tpu.memory_space<hbm>>
      %dma_wait3A_120 = arith.constant 0 : i32
      %dma_wait3A_121 = arith.constant 0 : i32
      %dma_wait3A_122 = tpu.memref_slice %arg3[%add3A, %dma_wait3A_120, %dma_wait3A_121] : memref<32x160x125xi32, #tpu.memory_space<hbm>> -> memref<1x160x125xi32, #tpu.memory_space<hbm>>
      %dma_wait3A_123 = tpu.memref_squeeze %dma_wait3A_122 : memref<1x160x125xi32, #tpu.memory_space<hbm>> -> memref<160x125xi32, #tpu.memory_space<hbm>>
      tpu.wait_dma2 semaphore(%run_scoped3A : memref<!tpu.dma_semaphore, #tpu.memory_space<semaphore_mem>>) src(%dma_wait3A_123 : memref<160x125xi32, #tpu.memory_space<hbm>>) dst(%arg6 : memref<160x125xi32, #tpu.memory_space<vmem>>)
      tpu.yield
    }) : () -> ()
    "tpu.region"() ({
      %run_scoped3A = tpu.sem_alloc : memref<!tpu.dma_semaphore, #tpu.memory_space<semaphore_mem>>
      %dma_start3A_108 = arith.constant 0 : i32
      %dma_start3A_109 = arith.constant 0 : i32
      %dma_start3A_110 = tpu.memref_slice %arg4[%arg1, %dma_start3A_108, %dma_start3A_109] : memref<16x160x125xi32, #tpu.memory_space<hbm>> -> memref<1x160x125xi32, #tpu.memory_space<hbm>>
      %dma_start3A_111 = tpu.memref_squeeze %dma_start3A_110 : memref<1x160x125xi32, #tpu.memory_space<hbm>> -> memref<160x125xi32, #tpu.memory_space<hbm>>
      %dma_start3A_112 = arith.constant 0 : i32
      %dma_start3A_113 = arith.constant 0 : i32
      %dma_start3A_114 = tpu.memref_slice %arg4[%arg1, %dma_start3A_112, %dma_start3A_113] : memref<16x160x125xi32, #tpu.memory_space<hbm>> -> memref<1x160x125xi32, #tpu.memory_space<hbm>>
      %dma_start3A_115 = tpu.memref_squeeze %dma_start3A_114 : memref<1x160x125xi32, #tpu.memory_space<hbm>> -> memref<160x125xi32, #tpu.memory_space<hbm>>
      tpu.enqueue_dma source(%dma_start3A_115 : memref<160x125xi32, #tpu.memory_space<hbm>>) target(%arg7 : memref<160x125xi32, #tpu.memory_space<vmem>>) target_semaphore(%run_scoped3A : memref<!tpu.dma_semaphore, #tpu.memory_space<semaphore_mem>>)
      %dma_wait3A_116 = arith.constant 0 : i32
      %dma_wait3A_117 = arith.constant 0 : i32
      %dma_wait3A_118 = tpu.memref_slice %arg4[%arg1, %dma_wait3A_116, %dma_wait3A_117] : memref<16x160x125xi32, #tpu.memory_space<hbm>> -> memref<1x160x125xi32, #tpu.memory_space<hbm>>
      %dma_wait3A_119 = tpu.memref_squeeze %dma_wait3A_118 : memref<1x160x125xi32, #tpu.memory_space<hbm>> -> memref<160x125xi32, #tpu.memory_space<hbm>>
      %dma_wait3A_120 = arith.constant 0 : i32
      %dma_wait3A_121 = arith.constant 0 : i32
      %dma_wait3A_122 = tpu.memref_slice %arg4[%arg1, %dma_wait3A_120, %dma_wait3A_121] : memref<16x160x125xi32, #tpu.memory_space<hbm>> -> memref<1x160x125xi32, #tpu.memory_space<hbm>>
      %dma_wait3A_123 = tpu.memref_squeeze %dma_wait3A_122 : memref<1x160x125xi32, #tpu.memory_space<hbm>> -> memref<160x125xi32, #tpu.memory_space<hbm>>
      tpu.wait_dma2 semaphore(%run_scoped3A : memref<!tpu.dma_semaphore, #tpu.memory_space<semaphore_mem>>) src(%dma_wait3A_123 : memref<160x125xi32, #tpu.memory_space<hbm>>) dst(%arg7 : memref<160x125xi32, #tpu.memory_space<vmem>>)
      tpu.yield
    }) : () -> ()
    %barrier3A = arith.constant 0 : index
    tpu.barrier barrier_id(%barrier3A)
    %dma_start3A = arith.constant 0 : i32
    %dma_start3A_11 = arith.constant 0 : i32
    %dma_start3A_12 = arith.constant 0 : i32
    %dma_start3A_13 = arith.constant 0 : i32
    %dma_start3A_14 = tpu.memref_slice %arg8[%dma_start3A_11, %dma_start3A_12, %dma_start3A_13] : memref<4x125x32xf32, #tpu.memory_space<vmem>> -> memref<1x125x32xf32, #tpu.memory_space<vmem>>
    %dma_start3A_15 = tpu.memref_squeeze %dma_start3A_14 : memref<1x125x32xf32, #tpu.memory_space<vmem>> -> memref<125x32xf32, #tpu.memory_space<vmem>>
    %dma_start3A_16 = arith.constant 0 : i32
    %dma_start3A_17 = tpu.memref_slice %arg6[%dma_start3A, %dma_start3A_16] : memref<160x125xi32, #tpu.memory_space<vmem>> -> memref<1x125xi32, #tpu.memory_space<vmem>>
    %dma_start3A_18 = tpu.memref_squeeze %dma_start3A_17 : memref<1x125xi32, #tpu.memory_space<vmem>> -> memref<125xi32, #tpu.memory_space<vmem>>
    %dma_start3A_19 = arith.constant 0 : i32
    %dma_start3A_20 = arith.constant 0 : i32
    %dma_start3A_21 = tpu.memref_slice %arg2[%dma_start3A_19, %dma_start3A_20] : memref<20480x32xf32, #tpu.memory_space<hbm>> -> memref<20480x32xf32, #tpu.memory_space<hbm>>
    tpu.enqueue_indirect_dma source(%dma_start3A_21 : memref<20480x32xf32, #tpu.memory_space<hbm>>) target(%dma_start3A_15 : memref<125x32xf32, #tpu.memory_space<vmem>>) offsets(%dma_start3A_18 : memref<125xi32, #tpu.memory_space<vmem>>) semaphore(%arg11 : memref<!tpu.dma_semaphore, #tpu.memory_space<semaphore_mem>>)
    %dma_start3A_22 = arith.constant 1 : i32
    %dma_start3A_23 = arith.constant 1 : i32
    %dma_start3A_24 = arith.constant 0 : i32
    %dma_start3A_25 = arith.constant 0 : i32
    %dma_start3A_26 = tpu.memref_slice %arg8[%dma_start3A_23, %dma_start3A_24, %dma_start3A_25] : memref<4x125x32xf32, #tpu.memory_space<vmem>> -> memref<1x125x32xf32, #tpu.memory_space<vmem>>
    %dma_start3A_27 = tpu.memref_squeeze %dma_start3A_26 : memref<1x125x32xf32, #tpu.memory_space<vmem>> -> memref<125x32xf32, #tpu.memory_space<vmem>>
    %dma_start3A_28 = arith.constant 0 : i32
    %dma_start3A_29 = tpu.memref_slice %arg6[%dma_start3A_22, %dma_start3A_28] : memref<160x125xi32, #tpu.memory_space<vmem>> -> memref<1x125xi32, #tpu.memory_space<vmem>>
    %dma_start3A_30 = tpu.memref_squeeze %dma_start3A_29 : memref<1x125xi32, #tpu.memory_space<vmem>> -> memref<125xi32, #tpu.memory_space<vmem>>
    %dma_start3A_31 = arith.constant 0 : i32
    %dma_start3A_32 = arith.constant 0 : i32
    %dma_start3A_33 = tpu.memref_slice %arg2[%dma_start3A_31, %dma_start3A_32] : memref<20480x32xf32, #tpu.memory_space<hbm>> -> memref<20480x32xf32, #tpu.memory_space<hbm>>
    tpu.enqueue_indirect_dma source(%dma_start3A_33 : memref<20480x32xf32, #tpu.memory_space<hbm>>) target(%dma_start3A_27 : memref<125x32xf32, #tpu.memory_space<vmem>>) offsets(%dma_start3A_30 : memref<125xi32, #tpu.memory_space<vmem>>) semaphore(%arg12 : memref<!tpu.dma_semaphore, #tpu.memory_space<semaphore_mem>>)
    %dma_start3A_34 = arith.constant 2 : i32
    %dma_start3A_35 = arith.constant 2 : i32
    %dma_start3A_36 = arith.constant 0 : i32
    %dma_start3A_37 = arith.constant 0 : i32
    %dma_start3A_38 = tpu.memref_slice %arg8[%dma_start3A_35, %dma_start3A_36, %dma_start3A_37] : memref<4x125x32xf32, #tpu.memory_space<vmem>> -> memref<1x125x32xf32, #tpu.memory_space<vmem>>
    %dma_start3A_39 = tpu.memref_squeeze %dma_start3A_38 : memref<1x125x32xf32, #tpu.memory_space<vmem>> -> memref<125x32xf32, #tpu.memory_space<vmem>>
    %dma_start3A_40 = arith.constant 0 : i32
    %dma_start3A_41 = tpu.memref_slice %arg6[%dma_start3A_34, %dma_start3A_40] : memref<160x125xi32, #tpu.memory_space<vmem>> -> memref<1x125xi32, #tpu.memory_space<vmem>>
    %dma_start3A_42 = tpu.memref_squeeze %dma_start3A_41 : memref<1x125xi32, #tpu.memory_space<vmem>> -> memref<125xi32, #tpu.memory_space<vmem>>
    %dma_start3A_43 = arith.constant 0 : i32
    %dma_start3A_44 = arith.constant 0 : i32
    %dma_start3A_45 = tpu.memref_slice %arg2[%dma_start3A_43, %dma_start3A_44] : memref<20480x32xf32, #tpu.memory_space<hbm>> -> memref<20480x32xf32, #tpu.memory_space<hbm>>
    tpu.enqueue_indirect_dma source(%dma_start3A_45 : memref<20480x32xf32, #tpu.memory_space<hbm>>) target(%dma_start3A_39 : memref<125x32xf32, #tpu.memory_space<vmem>>) offsets(%dma_start3A_42 : memref<125xi32, #tpu.memory_space<vmem>>) semaphore(%arg13 : memref<!tpu.dma_semaphore, #tpu.memory_space<semaphore_mem>>)
    %scan3A_46 = arith.constant 0 : i32
    %scan3A_47 = arith.constant 3 : i32
    %scan3A_48 = arith.constant 1 : i32
    %scan3A_49 = arith.constant 2 : i32
    %scan3A_50 = arith.constant 0 : i32
    %scan3A_51 = arith.constant 40 : i32
    %scan3A_52 = arith.addi %scan3A_50, %scan3A_51 : i32
    %scan3A_53 = arith.constant 1 : i32
    scf.for %scan3A_108 = %scan3A_50 to %scan3A_52 step %scan3A_53  : i32 {
      %mul3A_109 = arith.constant 1 : i32
      %mul3A_110 = arith.muli %scan3A_108, %mul3A_109 : i32
      %add3A_111 = arith.constant 0 : i32
      %add3A_112 = arith.addi %add3A_111, %mul3A_110 : i32
      %mul3A_113 = arith.constant 4 : i32
      %mul3A_114 = arith.muli %mul3A_113, %add3A_112 : i32
      %add3A_115 = arith.constant 0 : i32
      %add3A_116 = arith.addi %mul3A_114, %add3A_115 : i32
      %dma_wait3A_117 = arith.constant 0 : i32
      %dma_wait3A_118 = arith.constant 0 : i32
      %dma_wait3A_119 = tpu.memref_slice %arg8[%scan3A_46, %dma_wait3A_117, %dma_wait3A_118] : memref<4x125x32xf32, #tpu.memory_space<vmem>> -> memref<1x125x32xf32, #tpu.memory_space<vmem>>
      %dma_wait3A_120 = tpu.memref_squeeze %dma_wait3A_119 : memref<1x125x32xf32, #tpu.memory_space<vmem>> -> memref<125x32xf32, #tpu.memory_space<vmem>>
      %dma_wait3A_121 = arith.constant 0 : i32
      %dma_wait3A_122 = tpu.memref_slice %arg6[%add3A_116, %dma_wait3A_121] : memref<160x125xi32, #tpu.memory_space<vmem>> -> memref<1x125xi32, #tpu.memory_space<vmem>>
      %dma_wait3A_123 = tpu.memref_squeeze %dma_wait3A_122 : memref<1x125xi32, #tpu.memory_space<vmem>> -> memref<125xi32, #tpu.memory_space<vmem>>
      %dma_wait3A_124 = arith.constant 0 : i32
      %dma_wait3A_125 = arith.constant 0 : i32
      %dma_wait3A_126 = tpu.memref_slice %arg2[%dma_wait3A_124, %dma_wait3A_125] : memref<20480x32xf32, #tpu.memory_space<hbm>> -> memref<20480x32xf32, #tpu.memory_space<hbm>>
      tpu.wait_indirect_dma semaphore(%arg11 : memref<!tpu.dma_semaphore, #tpu.memory_space<semaphore_mem>>) src(%dma_wait3A_126 : memref<20480x32xf32, #tpu.memory_space<hbm>>) dst(%dma_wait3A_120 : memref<125x32xf32, #tpu.memory_space<vmem>>)
      %dma_start3A_127 = arith.constant 0 : i32
      %dma_start3A_128 = arith.constant 0 : i32
      %dma_start3A_129 = tpu.memref_slice %arg8[%scan3A_46, %dma_start3A_127, %dma_start3A_128] : memref<4x125x32xf32, #tpu.memory_space<vmem>> -> memref<1x125x32xf32, #tpu.memory_space<vmem>>
      %dma_start3A_130 = tpu.memref_squeeze %dma_start3A_129 : memref<1x125x32xf32, #tpu.memory_space<vmem>> -> memref<125x32xf32, #tpu.memory_space<vmem>>
      %dma_start3A_131 = arith.constant 0 : i32
      %dma_start3A_132 = tpu.memref_slice %arg7[%add3A_116, %dma_start3A_131] : memref<160x125xi32, #tpu.memory_space<vmem>> -> memref<1x125xi32, #tpu.memory_space<vmem>>
      %dma_start3A_133 = tpu.memref_squeeze %dma_start3A_132 : memref<1x125xi32, #tpu.memory_space<vmem>> -> memref<125xi32, #tpu.memory_space<vmem>>
      %dma_start3A_134 = arith.constant 0 : i32
      %dma_start3A_135 = arith.constant 0 : i32
      %dma_start3A_136 = tpu.memref_slice %arg10[%dma_start3A_134, %dma_start3A_135] : memref<10240x32xf32, #tpu.memory_space<vmem_shared>> -> memref<10240x32xf32, #tpu.memory_space<vmem_shared>>
      tpu.enqueue_indirect_dma source(%dma_start3A_130 : memref<125x32xf32, #tpu.memory_space<vmem>>) target(%dma_start3A_136 : memref<10240x32xf32, #tpu.memory_space<vmem_shared>>) offsets(%dma_start3A_133 : memref<125xi32, #tpu.memory_space<vmem>>) semaphore(%arg15 : memref<!tpu.dma_semaphore, #tpu.memory_space<semaphore_mem>>) {add = true}
      %add3A_137 = arith.constant 4 : i32
      %add3A_138 = arith.addi %add3A_116, %add3A_137 : i32
      %sub3A = arith.constant 1 : i32
      %sub3A_139 = arith.subi %add3A_138, %sub3A : i32
      %lt3A = arith.constant 160 : i32
      %lt3A_140 = arith.cmpi slt, %sub3A_139, %lt3A : i32
      %convert_element_type3A = arith.extui %lt3A_140 : i1 to i32
      %cond3A = arith.constant 0 : i32
      %cond3A_141 = arith.cmpi ne, %convert_element_type3A, %cond3A : i32
      scf.if %cond3A_141 {
        %ge3A = arith.constant 1 : i32
        %ge3A_241 = arith.cmpi sge, %add3A_112, %ge3A : i32
        %convert_element_type3A_242 = arith.extui %ge3A_241 : i1 to i32
        %cond3A_243 = arith.constant 0 : i32
        %cond3A_244 = arith.cmpi ne, %convert_element_type3A_242, %cond3A_243 : i32
        scf.if %cond3A_244 {
          %dma_wait3A_255 = arith.constant 0 : i32
          %dma_wait3A_256 = arith.constant 0 : i32
          %dma_wait3A_257 = arith.constant 0 : i32
          %dma_wait3A_258 = tpu.memref_slice %arg8[%scan3A_47, %dma_wait3A_256, %dma_wait3A_257] : memref<4x125x32xf32, #tpu.memory_space<vmem>> -> memref<1x125x32xf32, #tpu.memory_space<vmem>>
          %dma_wait3A_259 = tpu.memref_squeeze %dma_wait3A_258 : memref<1x125x32xf32, #tpu.memory_space<vmem>> -> memref<125x32xf32, #tpu.memory_space<vmem>>
          %dma_wait3A_260 = arith.constant 0 : i32
          %dma_wait3A_261 = tpu.memref_slice %arg7[%dma_wait3A_255, %dma_wait3A_260] : memref<160x125xi32, #tpu.memory_space<vmem>> -> memref<1x125xi32, #tpu.memory_space<vmem>>
          %dma_wait3A_262 = tpu.memref_squeeze %dma_wait3A_261 : memref<1x125xi32, #tpu.memory_space<vmem>> -> memref<125xi32, #tpu.memory_space<vmem>>
          %dma_wait3A_263 = arith.constant 0 : i32
          %dma_wait3A_264 = arith.constant 0 : i32
          %dma_wait3A_265 = tpu.memref_slice %arg10[%dma_wait3A_263, %dma_wait3A_264] : memref<10240x32xf32, #tpu.memory_space<vmem_shared>> -> memref<10240x32xf32, #tpu.memory_space<vmem_shared>>
          tpu.wait_indirect_dma semaphore(%arg18 : memref<!tpu.dma_semaphore, #tpu.memory_space<semaphore_mem>>) src(%dma_wait3A_259 : memref<125x32xf32, #tpu.memory_space<vmem>>) dst(%dma_wait3A_265 : memref<10240x32xf32, #tpu.memory_space<vmem_shared>>)
        } else {
        }
        %dma_start3A_245 = arith.constant 0 : i32
        %dma_start3A_246 = arith.constant 0 : i32
        %dma_start3A_247 = tpu.memref_slice %arg8[%scan3A_47, %dma_start3A_245, %dma_start3A_246] : memref<4x125x32xf32, #tpu.memory_space<vmem>> -> memref<1x125x32xf32, #tpu.memory_space<vmem>>
        %dma_start3A_248 = tpu.memref_squeeze %dma_start3A_247 : memref<1x125x32xf32, #tpu.memory_space<vmem>> -> memref<125x32xf32, #tpu.memory_space<vmem>>
        %dma_start3A_249 = arith.constant 0 : i32
        %dma_start3A_250 = tpu.memref_slice %arg6[%sub3A_139, %dma_start3A_249] : memref<160x125xi32, #tpu.memory_space<vmem>> -> memref<1x125xi32, #tpu.memory_space<vmem>>
        %dma_start3A_251 = tpu.memref_squeeze %dma_start3A_250 : memref<1x125xi32, #tpu.memory_space<vmem>> -> memref<125xi32, #tpu.memory_space<vmem>>
        %dma_start3A_252 = arith.constant 0 : i32
        %dma_start3A_253 = arith.constant 0 : i32
        %dma_start3A_254 = tpu.memref_slice %arg2[%dma_start3A_252, %dma_start3A_253] : memref<20480x32xf32, #tpu.memory_space<hbm>> -> memref<20480x32xf32, #tpu.memory_space<hbm>>
        tpu.enqueue_indirect_dma source(%dma_start3A_254 : memref<20480x32xf32, #tpu.memory_space<hbm>>) target(%dma_start3A_248 : memref<125x32xf32, #tpu.memory_space<vmem>>) offsets(%dma_start3A_251 : memref<125xi32, #tpu.memory_space<vmem>>) semaphore(%arg14 : memref<!tpu.dma_semaphore, #tpu.memory_space<semaphore_mem>>)
      } else {
      }
      %mul3A_142 = arith.constant 4 : i32
      %mul3A_143 = arith.muli %mul3A_142, %add3A_112 : i32
      %add3A_144 = arith.constant 1 : i32
      %add3A_145 = arith.addi %mul3A_143, %add3A_144 : i32
      %dma_wait3A_146 = arith.constant 0 : i32
      %dma_wait3A_147 = arith.constant 0 : i32
      %dma_wait3A_148 = tpu.memref_slice %arg8[%scan3A_48, %dma_wait3A_146, %dma_wait3A_147] : memref<4x125x32xf32, #tpu.memory_space<vmem>> -> memref<1x125x32xf32, #tpu.memory_space<vmem>>
      %dma_wait3A_149 = tpu.memref_squeeze %dma_wait3A_148 : memref<1x125x32xf32, #tpu.memory_space<vmem>> -> memref<125x32xf32, #tpu.memory_space<vmem>>
      %dma_wait3A_150 = arith.constant 0 : i32
      %dma_wait3A_151 = tpu.memref_slice %arg6[%add3A_145, %dma_wait3A_150] : memref<160x125xi32, #tpu.memory_space<vmem>> -> memref<1x125xi32, #tpu.memory_space<vmem>>
      %dma_wait3A_152 = tpu.memref_squeeze %dma_wait3A_151 : memref<1x125xi32, #tpu.memory_space<vmem>> -> memref<125xi32, #tpu.memory_space<vmem>>
      %dma_wait3A_153 = arith.constant 0 : i32
      %dma_wait3A_154 = arith.constant 0 : i32
      %dma_wait3A_155 = tpu.memref_slice %arg2[%dma_wait3A_153, %dma_wait3A_154] : memref<20480x32xf32, #tpu.memory_space<hbm>> -> memref<20480x32xf32, #tpu.memory_space<hbm>>
      tpu.wait_indirect_dma semaphore(%arg12 : memref<!tpu.dma_semaphore, #tpu.memory_space<semaphore_mem>>) src(%dma_wait3A_155 : memref<20480x32xf32, #tpu.memory_space<hbm>>) dst(%dma_wait3A_149 : memref<125x32xf32, #tpu.memory_space<vmem>>)
      %dma_start3A_156 = arith.constant 0 : i32
      %dma_start3A_157 = arith.constant 0 : i32
      %dma_start3A_158 = tpu.memref_slice %arg8[%scan3A_48, %dma_start3A_156, %dma_start3A_157] : memref<4x125x32xf32, #tpu.memory_space<vmem>> -> memref<1x125x32xf32, #tpu.memory_space<vmem>>
      %dma_start3A_159 = tpu.memref_squeeze %dma_start3A_158 : memref<1x125x32xf32, #tpu.memory_space<vmem>> -> memref<125x32xf32, #tpu.memory_space<vmem>>
      %dma_start3A_160 = arith.constant 0 : i32
      %dma_start3A_161 = tpu.memref_slice %arg7[%add3A_145, %dma_start3A_160] : memref<160x125xi32, #tpu.memory_space<vmem>> -> memref<1x125xi32, #tpu.memory_space<vmem>>
      %dma_start3A_162 = tpu.memref_squeeze %dma_start3A_161 : memref<1x125xi32, #tpu.memory_space<vmem>> -> memref<125xi32, #tpu.memory_space<vmem>>
      %dma_start3A_163 = arith.constant 0 : i32
      %dma_start3A_164 = arith.constant 0 : i32
      %dma_start3A_165 = tpu.memref_slice %arg10[%dma_start3A_163, %dma_start3A_164] : memref<10240x32xf32, #tpu.memory_space<vmem_shared>> -> memref<10240x32xf32, #tpu.memory_space<vmem_shared>>
      tpu.enqueue_indirect_dma source(%dma_start3A_159 : memref<125x32xf32, #tpu.memory_space<vmem>>) target(%dma_start3A_165 : memref<10240x32xf32, #tpu.memory_space<vmem_shared>>) offsets(%dma_start3A_162 : memref<125xi32, #tpu.memory_space<vmem>>) semaphore(%arg16 : memref<!tpu.dma_semaphore, #tpu.memory_space<semaphore_mem>>) {add = true}
      %add3A_166 = arith.constant 4 : i32
      %add3A_167 = arith.addi %add3A_145, %add3A_166 : i32
      %sub3A_168 = arith.constant 1 : i32
      %sub3A_169 = arith.subi %add3A_167, %sub3A_168 : i32
      %lt3A_170 = arith.constant 160 : i32
      %lt3A_171 = arith.cmpi slt, %sub3A_169, %lt3A_170 : i32
      %convert_element_type3A_172 = arith.extui %lt3A_171 : i1 to i32
      %cond3A_173 = arith.constant 0 : i32
      %cond3A_174 = arith.cmpi ne, %convert_element_type3A_172, %cond3A_173 : i32
      scf.if %cond3A_174 {
        %dma_wait3A_241 = arith.constant 0 : i32
        %dma_wait3A_242 = arith.constant 0 : i32
        %dma_wait3A_243 = arith.constant 0 : i32
        %dma_wait3A_244 = tpu.memref_slice %arg8[%scan3A_46, %dma_wait3A_242, %dma_wait3A_243] : memref<4x125x32xf32, #tpu.memory_space<vmem>> -> memref<1x125x32xf32, #tpu.memory_space<vmem>>
        %dma_wait3A_245 = tpu.memref_squeeze %dma_wait3A_244 : memref<1x125x32xf32, #tpu.memory_space<vmem>> -> memref<125x32xf32, #tpu.memory_space<vmem>>
        %dma_wait3A_246 = arith.constant 0 : i32
        %dma_wait3A_247 = tpu.memref_slice %arg7[%dma_wait3A_241, %dma_wait3A_246] : memref<160x125xi32, #tpu.memory_space<vmem>> -> memref<1x125xi32, #tpu.memory_space<vmem>>
        %dma_wait3A_248 = tpu.memref_squeeze %dma_wait3A_247 : memref<1x125xi32, #tpu.memory_space<vmem>> -> memref<125xi32, #tpu.memory_space<vmem>>
        %dma_wait3A_249 = arith.constant 0 : i32
        %dma_wait3A_250 = arith.constant 0 : i32
        %dma_wait3A_251 = tpu.memref_slice %arg10[%dma_wait3A_249, %dma_wait3A_250] : memref<10240x32xf32, #tpu.memory_space<vmem_shared>> -> memref<10240x32xf32, #tpu.memory_space<vmem_shared>>
        tpu.wait_indirect_dma semaphore(%arg15 : memref<!tpu.dma_semaphore, #tpu.memory_space<semaphore_mem>>) src(%dma_wait3A_245 : memref<125x32xf32, #tpu.memory_space<vmem>>) dst(%dma_wait3A_251 : memref<10240x32xf32, #tpu.memory_space<vmem_shared>>)
        %dma_start3A_252 = arith.constant 0 : i32
        %dma_start3A_253 = arith.constant 0 : i32
        %dma_start3A_254 = tpu.memref_slice %arg8[%scan3A_46, %dma_start3A_252, %dma_start3A_253] : memref<4x125x32xf32, #tpu.memory_space<vmem>> -> memref<1x125x32xf32, #tpu.memory_space<vmem>>
        %dma_start3A_255 = tpu.memref_squeeze %dma_start3A_254 : memref<1x125x32xf32, #tpu.memory_space<vmem>> -> memref<125x32xf32, #tpu.memory_space<vmem>>
        %dma_start3A_256 = arith.constant 0 : i32
        %dma_start3A_257 = tpu.memref_slice %arg6[%sub3A_169, %dma_start3A_256] : memref<160x125xi32, #tpu.memory_space<vmem>> -> memref<1x125xi32, #tpu.memory_space<vmem>>
        %dma_start3A_258 = tpu.memref_squeeze %dma_start3A_257 : memref<1x125xi32, #tpu.memory_space<vmem>> -> memref<125xi32, #tpu.memory_space<vmem>>
        %dma_start3A_259 = arith.constant 0 : i32
        %dma_start3A_260 = arith.constant 0 : i32
        %dma_start3A_261 = tpu.memref_slice %arg2[%dma_start3A_259, %dma_start3A_260] : memref<20480x32xf32, #tpu.memory_space<hbm>> -> memref<20480x32xf32, #tpu.memory_space<hbm>>
        tpu.enqueue_indirect_dma source(%dma_start3A_261 : memref<20480x32xf32, #tpu.memory_space<hbm>>) target(%dma_start3A_255 : memref<125x32xf32, #tpu.memory_space<vmem>>) offsets(%dma_start3A_258 : memref<125xi32, #tpu.memory_space<vmem>>) semaphore(%arg11 : memref<!tpu.dma_semaphore, #tpu.memory_space<semaphore_mem>>)
      } else {
      }
      %mul3A_175 = arith.constant 4 : i32
      %mul3A_176 = arith.muli %mul3A_175, %add3A_112 : i32
      %add3A_177 = arith.constant 2 : i32
      %add3A_178 = arith.addi %mul3A_176, %add3A_177 : i32
      %dma_wait3A_179 = arith.constant 0 : i32
      %dma_wait3A_180 = arith.constant 0 : i32
      %dma_wait3A_181 = tpu.memref_slice %arg8[%scan3A_49, %dma_wait3A_179, %dma_wait3A_180] : memref<4x125x32xf32, #tpu.memory_space<vmem>> -> memref<1x125x32xf32, #tpu.memory_space<vmem>>
      %dma_wait3A_182 = tpu.memref_squeeze %dma_wait3A_181 : memref<1x125x32xf32, #tpu.memory_space<vmem>> -> memref<125x32xf32, #tpu.memory_space<vmem>>
      %dma_wait3A_183 = arith.constant 0 : i32
      %dma_wait3A_184 = tpu.memref_slice %arg6[%add3A_178, %dma_wait3A_183] : memref<160x125xi32, #tpu.memory_space<vmem>> -> memref<1x125xi32, #tpu.memory_space<vmem>>
      %dma_wait3A_185 = tpu.memref_squeeze %dma_wait3A_184 : memref<1x125xi32, #tpu.memory_space<vmem>> -> memref<125xi32, #tpu.memory_space<vmem>>
      %dma_wait3A_186 = arith.constant 0 : i32
      %dma_wait3A_187 = arith.constant 0 : i32
      %dma_wait3A_188 = tpu.memref_slice %arg2[%dma_wait3A_186, %dma_wait3A_187] : memref<20480x32xf32, #tpu.memory_space<hbm>> -> memref<20480x32xf32, #tpu.memory_space<hbm>>
      tpu.wait_indirect_dma semaphore(%arg13 : memref<!tpu.dma_semaphore, #tpu.memory_space<semaphore_mem>>) src(%dma_wait3A_188 : memref<20480x32xf32, #tpu.memory_space<hbm>>) dst(%dma_wait3A_182 : memref<125x32xf32, #tpu.memory_space<vmem>>)
      %dma_start3A_189 = arith.constant 0 : i32
      %dma_start3A_190 = arith.constant 0 : i32
      %dma_start3A_191 = tpu.memref_slice %arg8[%scan3A_49, %dma_start3A_189, %dma_start3A_190] : memref<4x125x32xf32, #tpu.memory_space<vmem>> -> memref<1x125x32xf32, #tpu.memory_space<vmem>>
      %dma_start3A_192 = tpu.memref_squeeze %dma_start3A_191 : memref<1x125x32xf32, #tpu.memory_space<vmem>> -> memref<125x32xf32, #tpu.memory_space<vmem>>
      %dma_start3A_193 = arith.constant 0 : i32
      %dma_start3A_194 = tpu.memref_slice %arg7[%add3A_178, %dma_start3A_193] : memref<160x125xi32, #tpu.memory_space<vmem>> -> memref<1x125xi32, #tpu.memory_space<vmem>>
      %dma_start3A_195 = tpu.memref_squeeze %dma_start3A_194 : memref<1x125xi32, #tpu.memory_space<vmem>> -> memref<125xi32, #tpu.memory_space<vmem>>
      %dma_start3A_196 = arith.constant 0 : i32
      %dma_start3A_197 = arith.constant 0 : i32
      %dma_start3A_198 = tpu.memref_slice %arg10[%dma_start3A_196, %dma_start3A_197] : memref<10240x32xf32, #tpu.memory_space<vmem_shared>> -> memref<10240x32xf32, #tpu.memory_space<vmem_shared>>
      tpu.enqueue_indirect_dma source(%dma_start3A_192 : memref<125x32xf32, #tpu.memory_space<vmem>>) target(%dma_start3A_198 : memref<10240x32xf32, #tpu.memory_space<vmem_shared>>) offsets(%dma_start3A_195 : memref<125xi32, #tpu.memory_space<vmem>>) semaphore(%arg17 : memref<!tpu.dma_semaphore, #tpu.memory_space<semaphore_mem>>) {add = true}
      %add3A_199 = arith.constant 4 : i32
      %add3A_200 = arith.addi %add3A_178, %add3A_199 : i32
      %sub3A_201 = arith.constant 1 : i32
      %sub3A_202 = arith.subi %add3A_200, %sub3A_201 : i32
      %lt3A_203 = arith.constant 160 : i32
      %lt3A_204 = arith.cmpi slt, %sub3A_202, %lt3A_203 : i32
      %convert_element_type3A_205 = arith.extui %lt3A_204 : i1 to i32
      %cond3A_206 = arith.constant 0 : i32
      %cond3A_207 = arith.cmpi ne, %convert_element_type3A_205, %cond3A_206 : i32
      scf.if %cond3A_207 {
        %dma_wait3A_241 = arith.constant 0 : i32
        %dma_wait3A_242 = arith.constant 0 : i32
        %dma_wait3A_243 = arith.constant 0 : i32
        %dma_wait3A_244 = tpu.memref_slice %arg8[%scan3A_48, %dma_wait3A_242, %dma_wait3A_243] : memref<4x125x32xf32, #tpu.memory_space<vmem>> -> memref<1x125x32xf32, #tpu.memory_space<vmem>>
        %dma_wait3A_245 = tpu.memref_squeeze %dma_wait3A_244 : memref<1x125x32xf32, #tpu.memory_space<vmem>> -> memref<125x32xf32, #tpu.memory_space<vmem>>
        %dma_wait3A_246 = arith.constant 0 : i32
        %dma_wait3A_247 = tpu.memref_slice %arg7[%dma_wait3A_241, %dma_wait3A_246] : memref<160x125xi32, #tpu.memory_space<vmem>> -> memref<1x125xi32, #tpu.memory_space<vmem>>
        %dma_wait3A_248 = tpu.memref_squeeze %dma_wait3A_247 : memref<1x125xi32, #tpu.memory_space<vmem>> -> memref<125xi32, #tpu.memory_space<vmem>>
        %dma_wait3A_249 = arith.constant 0 : i32
        %dma_wait3A_250 = arith.constant 0 : i32
        %dma_wait3A_251 = tpu.memref_slice %arg10[%dma_wait3A_249, %dma_wait3A_250] : memref<10240x32xf32, #tpu.memory_space<vmem_shared>> -> memref<10240x32xf32, #tpu.memory_space<vmem_shared>>
        tpu.wait_indirect_dma semaphore(%arg16 : memref<!tpu.dma_semaphore, #tpu.memory_space<semaphore_mem>>) src(%dma_wait3A_245 : memref<125x32xf32, #tpu.memory_space<vmem>>) dst(%dma_wait3A_251 : memref<10240x32xf32, #tpu.memory_space<vmem_shared>>)
        %dma_start3A_252 = arith.constant 0 : i32
        %dma_start3A_253 = arith.constant 0 : i32
        %dma_start3A_254 = tpu.memref_slice %arg8[%scan3A_48, %dma_start3A_252, %dma_start3A_253] : memref<4x125x32xf32, #tpu.memory_space<vmem>> -> memref<1x125x32xf32, #tpu.memory_space<vmem>>
        %dma_start3A_255 = tpu.memref_squeeze %dma_start3A_254 : memref<1x125x32xf32, #tpu.memory_space<vmem>> -> memref<125x32xf32, #tpu.memory_space<vmem>>
        %dma_start3A_256 = arith.constant 0 : i32
        %dma_start3A_257 = tpu.memref_slice %arg6[%sub3A_202, %dma_start3A_256] : memref<160x125xi32, #tpu.memory_space<vmem>> -> memref<1x125xi32, #tpu.memory_space<vmem>>
        %dma_start3A_258 = tpu.memref_squeeze %dma_start3A_257 : memref<1x125xi32, #tpu.memory_space<vmem>> -> memref<125xi32, #tpu.memory_space<vmem>>
        %dma_start3A_259 = arith.constant 0 : i32
        %dma_start3A_260 = arith.constant 0 : i32
        %dma_start3A_261 = tpu.memref_slice %arg2[%dma_start3A_259, %dma_start3A_260] : memref<20480x32xf32, #tpu.memory_space<hbm>> -> memref<20480x32xf32, #tpu.memory_space<hbm>>
        tpu.enqueue_indirect_dma source(%dma_start3A_261 : memref<20480x32xf32, #tpu.memory_space<hbm>>) target(%dma_start3A_255 : memref<125x32xf32, #tpu.memory_space<vmem>>) offsets(%dma_start3A_258 : memref<125xi32, #tpu.memory_space<vmem>>) semaphore(%arg12 : memref<!tpu.dma_semaphore, #tpu.memory_space<semaphore_mem>>)
      } else {
      }
      %mul3A_208 = arith.constant 4 : i32
      %mul3A_209 = arith.muli %mul3A_208, %add3A_112 : i32
      %add3A_210 = arith.constant 3 : i32
      %add3A_211 = arith.addi %mul3A_209, %add3A_210 : i32
      %dma_wait3A_212 = arith.constant 0 : i32
      %dma_wait3A_213 = arith.constant 0 : i32
      %dma_wait3A_214 = tpu.memref_slice %arg8[%scan3A_47, %dma_wait3A_212, %dma_wait3A_213] : memref<4x125x32xf32, #tpu.memory_space<vmem>> -> memref<1x125x32xf32, #tpu.memory_space<vmem>>
      %dma_wait3A_215 = tpu.memref_squeeze %dma_wait3A_214 : memref<1x125x32xf32, #tpu.memory_space<vmem>> -> memref<125x32xf32, #tpu.memory_space<vmem>>
      %dma_wait3A_216 = arith.constant 0 : i32
      %dma_wait3A_217 = tpu.memref_slice %arg6[%add3A_211, %dma_wait3A_216] : memref<160x125xi32, #tpu.memory_space<vmem>> -> memref<1x125xi32, #tpu.memory_space<vmem>>
      %dma_wait3A_218 = tpu.memref_squeeze %dma_wait3A_217 : memref<1x125xi32, #tpu.memory_space<vmem>> -> memref<125xi32, #tpu.memory_space<vmem>>
      %dma_wait3A_219 = arith.constant 0 : i32
      %dma_wait3A_220 = arith.constant 0 : i32
      %dma_wait3A_221 = tpu.memref_slice %arg2[%dma_wait3A_219, %dma_wait3A_220] : memref<20480x32xf32, #tpu.memory_space<hbm>> -> memref<20480x32xf32, #tpu.memory_space<hbm>>
      tpu.wait_indirect_dma semaphore(%arg14 : memref<!tpu.dma_semaphore, #tpu.memory_space<semaphore_mem>>) src(%dma_wait3A_221 : memref<20480x32xf32, #tpu.memory_space<hbm>>) dst(%dma_wait3A_215 : memref<125x32xf32, #tpu.memory_space<vmem>>)
      %dma_start3A_222 = arith.constant 0 : i32
      %dma_start3A_223 = arith.constant 0 : i32
      %dma_start3A_224 = tpu.memref_slice %arg8[%scan3A_47, %dma_start3A_222, %dma_start3A_223] : memref<4x125x32xf32, #tpu.memory_space<vmem>> -> memref<1x125x32xf32, #tpu.memory_space<vmem>>
      %dma_start3A_225 = tpu.memref_squeeze %dma_start3A_224 : memref<1x125x32xf32, #tpu.memory_space<vmem>> -> memref<125x32xf32, #tpu.memory_space<vmem>>
      %dma_start3A_226 = arith.constant 0 : i32
      %dma_start3A_227 = tpu.memref_slice %arg7[%add3A_211, %dma_start3A_226] : memref<160x125xi32, #tpu.memory_space<vmem>> -> memref<1x125xi32, #tpu.memory_space<vmem>>
      %dma_start3A_228 = tpu.memref_squeeze %dma_start3A_227 : memref<1x125xi32, #tpu.memory_space<vmem>> -> memref<125xi32, #tpu.memory_space<vmem>>
      %dma_start3A_229 = arith.constant 0 : i32
      %dma_start3A_230 = arith.constant 0 : i32
      %dma_start3A_231 = tpu.memref_slice %arg10[%dma_start3A_229, %dma_start3A_230] : memref<10240x32xf32, #tpu.memory_space<vmem_shared>> -> memref<10240x32xf32, #tpu.memory_space<vmem_shared>>
      tpu.enqueue_indirect_dma source(%dma_start3A_225 : memref<125x32xf32, #tpu.memory_space<vmem>>) target(%dma_start3A_231 : memref<10240x32xf32, #tpu.memory_space<vmem_shared>>) offsets(%dma_start3A_228 : memref<125xi32, #tpu.memory_space<vmem>>) semaphore(%arg18 : memref<!tpu.dma_semaphore, #tpu.memory_space<semaphore_mem>>) {add = true}
      %add3A_232 = arith.constant 4 : i32
      %add3A_233 = arith.addi %add3A_211, %add3A_232 : i32
      %sub3A_234 = arith.constant 1 : i32
      %sub3A_235 = arith.subi %add3A_233, %sub3A_234 : i32
      %lt3A_236 = arith.constant 160 : i32
      %lt3A_237 = arith.cmpi slt, %sub3A_235, %lt3A_236 : i32
      %convert_element_type3A_238 = arith.extui %lt3A_237 : i1 to i32
      %cond3A_239 = arith.constant 0 : i32
      %cond3A_240 = arith.cmpi ne, %convert_element_type3A_238, %cond3A_239 : i32
      scf.if %cond3A_240 {
        %dma_wait3A_241 = arith.constant 0 : i32
        %dma_wait3A_242 = arith.constant 0 : i32
        %dma_wait3A_243 = arith.constant 0 : i32
        %dma_wait3A_244 = tpu.memref_slice %arg8[%scan3A_49, %dma_wait3A_242, %dma_wait3A_243] : memref<4x125x32xf32, #tpu.memory_space<vmem>> -> memref<1x125x32xf32, #tpu.memory_space<vmem>>
        %dma_wait3A_245 = tpu.memref_squeeze %dma_wait3A_244 : memref<1x125x32xf32, #tpu.memory_space<vmem>> -> memref<125x32xf32, #tpu.memory_space<vmem>>
        %dma_wait3A_246 = arith.constant 0 : i32
        %dma_wait3A_247 = tpu.memref_slice %arg7[%dma_wait3A_241, %dma_wait3A_246] : memref<160x125xi32, #tpu.memory_space<vmem>> -> memref<1x125xi32, #tpu.memory_space<vmem>>
        %dma_wait3A_248 = tpu.memref_squeeze %dma_wait3A_247 : memref<1x125xi32, #tpu.memory_space<vmem>> -> memref<125xi32, #tpu.memory_space<vmem>>
        %dma_wait3A_249 = arith.constant 0 : i32
        %dma_wait3A_250 = arith.constant 0 : i32
        %dma_wait3A_251 = tpu.memref_slice %arg10[%dma_wait3A_249, %dma_wait3A_250] : memref<10240x32xf32, #tpu.memory_space<vmem_shared>> -> memref<10240x32xf32, #tpu.memory_space<vmem_shared>>
        tpu.wait_indirect_dma semaphore(%arg17 : memref<!tpu.dma_semaphore, #tpu.memory_space<semaphore_mem>>) src(%dma_wait3A_245 : memref<125x32xf32, #tpu.memory_space<vmem>>) dst(%dma_wait3A_251 : memref<10240x32xf32, #tpu.memory_space<vmem_shared>>)
        %dma_start3A_252 = arith.constant 0 : i32
        %dma_start3A_253 = arith.constant 0 : i32
        %dma_start3A_254 = tpu.memref_slice %arg8[%scan3A_49, %dma_start3A_252, %dma_start3A_253] : memref<4x125x32xf32, #tpu.memory_space<vmem>> -> memref<1x125x32xf32, #tpu.memory_space<vmem>>
        %dma_start3A_255 = tpu.memref_squeeze %dma_start3A_254 : memref<1x125x32xf32, #tpu.memory_space<vmem>> -> memref<125x32xf32, #tpu.memory_space<vmem>>
        %dma_start3A_256 = arith.constant 0 : i32
        %dma_start3A_257 = tpu.memref_slice %arg6[%sub3A_235, %dma_start3A_256] : memref<160x125xi32, #tpu.memory_space<vmem>> -> memref<1x125xi32, #tpu.memory_space<vmem>>
        %dma_start3A_258 = tpu.memref_squeeze %dma_start3A_257 : memref<1x125xi32, #tpu.memory_space<vmem>> -> memref<125xi32, #tpu.memory_space<vmem>>
        %dma_start3A_259 = arith.constant 0 : i32
        %dma_start3A_260 = arith.constant 0 : i32
        %dma_start3A_261 = tpu.memref_slice %arg2[%dma_start3A_259, %dma_start3A_260] : memref<20480x32xf32, #tpu.memory_space<hbm>> -> memref<20480x32xf32, #tpu.memory_space<hbm>>
        tpu.enqueue_indirect_dma source(%dma_start3A_261 : memref<20480x32xf32, #tpu.memory_space<hbm>>) target(%dma_start3A_255 : memref<125x32xf32, #tpu.memory_space<vmem>>) offsets(%dma_start3A_258 : memref<125xi32, #tpu.memory_space<vmem>>) semaphore(%arg13 : memref<!tpu.dma_semaphore, #tpu.memory_space<semaphore_mem>>)
      } else {
      }
    }
    %scan3A_54 = arith.constant 40 : i32
    %dma_wait3A = arith.constant 0 : i32
    %dma_wait3A_55 = arith.constant 0 : i32
    %dma_wait3A_56 = arith.constant 0 : i32
    %dma_wait3A_57 = arith.constant 0 : i32
    %dma_wait3A_58 = tpu.memref_slice %arg8[%dma_wait3A, %dma_wait3A_56, %dma_wait3A_57] : memref<4x125x32xf32, #tpu.memory_space<vmem>> -> memref<1x125x32xf32, #tpu.memory_space<vmem>>
    %dma_wait3A_59 = tpu.memref_squeeze %dma_wait3A_58 : memref<1x125x32xf32, #tpu.memory_space<vmem>> -> memref<125x32xf32, #tpu.memory_space<vmem>>
    %dma_wait3A_60 = arith.constant 0 : i32
    %dma_wait3A_61 = tpu.memref_slice %arg7[%dma_wait3A_55, %dma_wait3A_60] : memref<160x125xi32, #tpu.memory_space<vmem>> -> memref<1x125xi32, #tpu.memory_space<vmem>>
    %dma_wait3A_62 = tpu.memref_squeeze %dma_wait3A_61 : memref<1x125xi32, #tpu.memory_space<vmem>> -> memref<125xi32, #tpu.memory_space<vmem>>
    %dma_wait3A_63 = arith.constant 0 : i32
    %dma_wait3A_64 = arith.constant 0 : i32
    %dma_wait3A_65 = tpu.memref_slice %arg10[%dma_wait3A_63, %dma_wait3A_64] : memref<10240x32xf32, #tpu.memory_space<vmem_shared>> -> memref<10240x32xf32, #tpu.memory_space<vmem_shared>>
    tpu.wait_indirect_dma semaphore(%arg15 : memref<!tpu.dma_semaphore, #tpu.memory_space<semaphore_mem>>) src(%dma_wait3A_59 : memref<125x32xf32, #tpu.memory_space<vmem>>) dst(%dma_wait3A_65 : memref<10240x32xf32, #tpu.memory_space<vmem_shared>>)
    %dma_wait3A_66 = arith.constant 1 : i32
    %dma_wait3A_67 = arith.constant 0 : i32
    %dma_wait3A_68 = arith.constant 0 : i32
    %dma_wait3A_69 = arith.constant 0 : i32
    %dma_wait3A_70 = tpu.memref_slice %arg8[%dma_wait3A_66, %dma_wait3A_68, %dma_wait3A_69] : memref<4x125x32xf32, #tpu.memory_space<vmem>> -> memref<1x125x32xf32, #tpu.memory_space<vmem>>
    %dma_wait3A_71 = tpu.memref_squeeze %dma_wait3A_70 : memref<1x125x32xf32, #tpu.memory_space<vmem>> -> memref<125x32xf32, #tpu.memory_space<vmem>>
    %dma_wait3A_72 = arith.constant 0 : i32
    %dma_wait3A_73 = tpu.memref_slice %arg7[%dma_wait3A_67, %dma_wait3A_72] : memref<160x125xi32, #tpu.memory_space<vmem>> -> memref<1x125xi32, #tpu.memory_space<vmem>>
    %dma_wait3A_74 = tpu.memref_squeeze %dma_wait3A_73 : memref<1x125xi32, #tpu.memory_space<vmem>> -> memref<125xi32, #tpu.memory_space<vmem>>
    %dma_wait3A_75 = arith.constant 0 : i32
    %dma_wait3A_76 = arith.constant 0 : i32
    %dma_wait3A_77 = tpu.memref_slice %arg10[%dma_wait3A_75, %dma_wait3A_76] : memref<10240x32xf32, #tpu.memory_space<vmem_shared>> -> memref<10240x32xf32, #tpu.memory_space<vmem_shared>>
    tpu.wait_indirect_dma semaphore(%arg16 : memref<!tpu.dma_semaphore, #tpu.memory_space<semaphore_mem>>) src(%dma_wait3A_71 : memref<125x32xf32, #tpu.memory_space<vmem>>) dst(%dma_wait3A_77 : memref<10240x32xf32, #tpu.memory_space<vmem_shared>>)
    %dma_wait3A_78 = arith.constant 2 : i32
    %dma_wait3A_79 = arith.constant 0 : i32
    %dma_wait3A_80 = arith.constant 0 : i32
    %dma_wait3A_81 = arith.constant 0 : i32
    %dma_wait3A_82 = tpu.memref_slice %arg8[%dma_wait3A_78, %dma_wait3A_80, %dma_wait3A_81] : memref<4x125x32xf32, #tpu.memory_space<vmem>> -> memref<1x125x32xf32, #tpu.memory_space<vmem>>
    %dma_wait3A_83 = tpu.memref_squeeze %dma_wait3A_82 : memref<1x125x32xf32, #tpu.memory_space<vmem>> -> memref<125x32xf32, #tpu.memory_space<vmem>>
    %dma_wait3A_84 = arith.constant 0 : i32
    %dma_wait3A_85 = tpu.memref_slice %arg7[%dma_wait3A_79, %dma_wait3A_84] : memref<160x125xi32, #tpu.memory_space<vmem>> -> memref<1x125xi32, #tpu.memory_space<vmem>>
    %dma_wait3A_86 = tpu.memref_squeeze %dma_wait3A_85 : memref<1x125xi32, #tpu.memory_space<vmem>> -> memref<125xi32, #tpu.memory_space<vmem>>
    %dma_wait3A_87 = arith.constant 0 : i32
    %dma_wait3A_88 = arith.constant 0 : i32
    %dma_wait3A_89 = tpu.memref_slice %arg10[%dma_wait3A_87, %dma_wait3A_88] : memref<10240x32xf32, #tpu.memory_space<vmem_shared>> -> memref<10240x32xf32, #tpu.memory_space<vmem_shared>>
    tpu.wait_indirect_dma semaphore(%arg17 : memref<!tpu.dma_semaphore, #tpu.memory_space<semaphore_mem>>) src(%dma_wait3A_83 : memref<125x32xf32, #tpu.memory_space<vmem>>) dst(%dma_wait3A_89 : memref<10240x32xf32, #tpu.memory_space<vmem_shared>>)
    %dma_wait3A_90 = arith.constant 3 : i32
    %dma_wait3A_91 = arith.constant 0 : i32
    %dma_wait3A_92 = arith.constant 0 : i32
    %dma_wait3A_93 = arith.constant 0 : i32
    %dma_wait3A_94 = tpu.memref_slice %arg8[%dma_wait3A_90, %dma_wait3A_92, %dma_wait3A_93] : memref<4x125x32xf32, #tpu.memory_space<vmem>> -> memref<1x125x32xf32, #tpu.memory_space<vmem>>
    %dma_wait3A_95 = tpu.memref_squeeze %dma_wait3A_94 : memref<1x125x32xf32, #tpu.memory_space<vmem>> -> memref<125x32xf32, #tpu.memory_space<vmem>>
    %dma_wait3A_96 = arith.constant 0 : i32
    %dma_wait3A_97 = tpu.memref_slice %arg7[%dma_wait3A_91, %dma_wait3A_96] : memref<160x125xi32, #tpu.memory_space<vmem>> -> memref<1x125xi32, #tpu.memory_space<vmem>>
    %dma_wait3A_98 = tpu.memref_squeeze %dma_wait3A_97 : memref<1x125xi32, #tpu.memory_space<vmem>> -> memref<125xi32, #tpu.memory_space<vmem>>
    %dma_wait3A_99 = arith.constant 0 : i32
    %dma_wait3A_100 = arith.constant 0 : i32
    %dma_wait3A_101 = tpu.memref_slice %arg10[%dma_wait3A_99, %dma_wait3A_100] : memref<10240x32xf32, #tpu.memory_space<vmem_shared>> -> memref<10240x32xf32, #tpu.memory_space<vmem_shared>>
    tpu.wait_indirect_dma semaphore(%arg18 : memref<!tpu.dma_semaphore, #tpu.memory_space<semaphore_mem>>) src(%dma_wait3A_95 : memref<125x32xf32, #tpu.memory_space<vmem>>) dst(%dma_wait3A_101 : memref<10240x32xf32, #tpu.memory_space<vmem_shared>>)
    %barrier3A_102 = arith.constant 0 : index
    tpu.barrier barrier_id(%barrier3A_102)
    %scan3A_103 = arith.constant 0 : i32
    %scan3A_104 = arith.constant 5 : i32
    %scan3A_105 = arith.addi %scan3A_103, %scan3A_104 : i32
    %scan3A_106 = arith.constant 1 : i32
    scf.for %scan3A_108 = %scan3A_103 to %scan3A_105 step %scan3A_106  : i32 {
      %mul3A_109 = arith.constant 1 : i32
      %mul3A_110 = arith.muli %scan3A_108, %mul3A_109 : i32
      %add3A_111 = arith.constant 0 : i32
      %add3A_112 = arith.addi %add3A_111, %mul3A_110 : i32
      %mul3A_113 = arith.constant 640 : i32
      %mul3A_114 = arith.muli %arg1, %mul3A_113 : i32
      %mul3A_115 = arith.constant 128 : i32
      %mul3A_116 = arith.muli %add3A_112, %mul3A_115 : i32
      %add3A_117 = arith.addi %mul3A_114, %mul3A_116 : i32
      "tpu.region"() ({
        %run_scoped3A = tpu.sem_alloc : memref<!tpu.dma_semaphore, #tpu.memory_space<semaphore_mem>>
        %dma_start3A_126 = arith.constant 0 : i32
        %dma_start3A_127 = tpu.memref_slice %arg10[%add3A_117, %dma_start3A_126] : memref<10240x32xf32, #tpu.memory_space<vmem_shared>> -> memref<128x32xf32, #tpu.memory_space<vmem_shared>>
        %dma_start3A_128 = arith.constant 0 : i32
        %dma_start3A_129 = tpu.memref_slice %arg10[%add3A_117, %dma_start3A_128] : memref<10240x32xf32, #tpu.memory_space<vmem_shared>> -> memref<128x32xf32, #tpu.memory_space<vmem_shared>>
        tpu.enqueue_dma source(%dma_start3A_129 : memref<128x32xf32, #tpu.memory_space<vmem_shared>>) target(%arg9 : memref<128x32xf32, #tpu.memory_space<vmem>>) target_semaphore(%run_scoped3A : memref<!tpu.dma_semaphore, #tpu.memory_space<semaphore_mem>>)
        %dma_wait3A_130 = arith.constant 0 : i32
        %dma_wait3A_131 = tpu.memref_slice %arg10[%add3A_117, %dma_wait3A_130] : memref<10240x32xf32, #tpu.memory_space<vmem_shared>> -> memref<128x32xf32, #tpu.memory_space<vmem_shared>>
        %dma_wait3A_132 = arith.constant 0 : i32
        %dma_wait3A_133 = tpu.memref_slice %arg10[%add3A_117, %dma_wait3A_132] : memref<10240x32xf32, #tpu.memory_space<vmem_shared>> -> memref<128x32xf32, #tpu.memory_space<vmem_shared>>
        tpu.wait_dma2 semaphore(%run_scoped3A : memref<!tpu.dma_semaphore, #tpu.memory_space<semaphore_mem>>) src(%dma_wait3A_133 : memref<128x32xf32, #tpu.memory_space<vmem_shared>>) dst(%arg9 : memref<128x32xf32, #tpu.memory_space<vmem>>)
        tpu.yield
      }) : () -> ()
      %mul3A_118 = arith.constant 10240 : i32
      %mul3A_119 = arith.muli %arg0, %mul3A_118 : i32
      %mul3A_120 = arith.constant 640 : i32
      %mul3A_121 = arith.muli %arg1, %mul3A_120 : i32
      %add3A_122 = arith.addi %mul3A_119, %mul3A_121 : i32
      %mul3A_123 = arith.constant 128 : i32
      %mul3A_124 = arith.muli %add3A_112, %mul3A_123 : i32
      %add3A_125 = arith.addi %add3A_122, %mul3A_124 : i32
      "tpu.region"() ({
        %run_scoped3A = tpu.sem_alloc : memref<!tpu.dma_semaphore, #tpu.memory_space<semaphore_mem>>
        %dma_start3A_126 = arith.constant 0 : i32
        %dma_start3A_127 = tpu.memref_slice %arg5[%add3A_125, %dma_start3A_126] : memref<20480x32xf32, #tpu.memory_space<hbm>> -> memref<128x32xf32, #tpu.memory_space<hbm>>
        %dma_start3A_128 = arith.constant 0 : i32
        %dma_start3A_129 = tpu.memref_slice %arg5[%add3A_125, %dma_start3A_128] : memref<20480x32xf32, #tpu.memory_space<hbm>> -> memref<128x32xf32, #tpu.memory_space<hbm>>
        tpu.enqueue_dma source(%arg9 : memref<128x32xf32, #tpu.memory_space<vmem>>) target(%dma_start3A_129 : memref<128x32xf32, #tpu.memory_space<hbm>>) target_semaphore(%run_scoped3A : memref<!tpu.dma_semaphore, #tpu.memory_space<semaphore_mem>>)
        %dma_wait3A_130 = arith.constant 0 : i32
        %dma_wait3A_131 = tpu.memref_slice %arg5[%add3A_125, %dma_wait3A_130] : memref<20480x32xf32, #tpu.memory_space<hbm>> -> memref<128x32xf32, #tpu.memory_space<hbm>>
        %dma_wait3A_132 = arith.constant 0 : i32
        %dma_wait3A_133 = tpu.memref_slice %arg5[%add3A_125, %dma_wait3A_132] : memref<20480x32xf32, #tpu.memory_space<hbm>> -> memref<128x32xf32, #tpu.memory_space<hbm>>
        tpu.wait_dma2 semaphore(%run_scoped3A : memref<!tpu.dma_semaphore, #tpu.memory_space<semaphore_mem>>) src(%arg9 : memref<128x32xf32, #tpu.memory_space<vmem>>) dst(%dma_wait3A_133 : memref<128x32xf32, #tpu.memory_space<hbm>>)
        tpu.yield
      }) : () -> ()
    }
    %scan3A_107 = arith.constant 5 : i32
    return
  }
}

#map = affine_map<(d0, d1) -> (0, 0)>
module attributes {stable_mosaic.version = 14 : i64} {
  func.func @smx(%arg0: i32, %arg1: i32, %arg2: memref<40960x64xf32, #tpu.memory_space<hbm>>, %arg3: memref<20480x128xf32, #tpu.memory_space<hbm>>, %arg4: memref<16x640xf32, #tpu.memory_space<hbm>>, %arg5: memref<16x640xi32, #tpu.memory_space<hbm>>, %arg6: memref<8192x128xf32, #tpu.memory_space<hbm>>, %arg7: memref<656xi32, #tpu.memory_space<vmem>>, %arg8: memref<656xf32, #tpu.memory_space<vmem>>, %arg9: memref<128x64xf32, #tpu.memory_space<vmem>>, %arg10: memref<128x64xf32, #tpu.memory_space<vmem>>, %arg11: memref<128x128xf32, #tpu.memory_space<vmem>>, %arg12: memref<256x128xf32, #tpu.memory_space<vmem>>) attributes {dimension_semantics = [#tpu.dimension_semantics<core_parallel>, #tpu.dimension_semantics<subcore_parallel>], iteration_bounds = array<i64: 2, 16>, scalar_prefetch = 0 : i64, scratch_operands = 6 : i64, tpu.core_type = #tpu.core_type<sc_vector_subcore>, window_params = [{transform_indices = #map}, {transform_indices = #map}, {transform_indices = #map}, {transform_indices = #map}, {transform_indices = #map}]} {
    %mul3A = arith.constant 16 : i32
    %mul3A_0 = arith.muli %arg0, %mul3A : i32
    %add3A = arith.addi %mul3A_0, %arg1 : i32
    %broadcast_in_dim3A = arith.constant 0xFF800000 : f32
    %broadcast_in_dim3A_1 = vector.broadcast %broadcast_in_dim3A : f32 to vector<16xf32>
    %scan3A = arith.constant 0 : i32
    %scan3A_2 = arith.constant 256 : i32
    %scan3A_3 = arith.addi %scan3A, %scan3A_2 : i32
    %scan3A_4 = arith.constant 1 : i32
    scf.for %scan3A_13 = %scan3A to %scan3A_3 step %scan3A_4  : i32 {
      %mul3A_14 = arith.constant 1 : i32
      %mul3A_15 = arith.muli %scan3A_13, %mul3A_14 : i32
      %add3A_16 = arith.constant 0 : i32
      %add3A_17 = arith.addi %add3A_16, %mul3A_15 : i32
      %swap3A = arith.index_cast %add3A_17 : i32 to index
      %swap3A_18 = arith.constant 0 : index
      %swap3A_19 = tpu.vector_load %arg12[%swap3A, %swap3A_18] {strides = array<i32>} : memref<256x128xf32, #tpu.memory_space<vmem>>, vector<1x16xf32>,
      %swap3A_20 = vector.shape_cast %swap3A_19 : vector<1x16xf32> to vector<16xf32>
      %swap3A_21 = vector.shape_cast %broadcast_in_dim3A_1 : vector<16xf32> to vector<1x16xf32>
      tpu.vector_store %arg12[%swap3A, %swap3A_18], %swap3A_21 {strides = array<i32>} : memref<256x128xf32, #tpu.memory_space<vmem>>, vector<1x16xf32>,
      %swap3A_22 = arith.index_cast %add3A_17 : i32 to index
      %swap3A_23 = arith.constant 16 : index
      %swap3A_24 = tpu.vector_load %arg12[%swap3A_22, %swap3A_23] {strides = array<i32>} : memref<256x128xf32, #tpu.memory_space<vmem>>, vector<1x16xf32>,
      %swap3A_25 = vector.shape_cast %swap3A_24 : vector<1x16xf32> to vector<16xf32>
      %swap3A_26 = vector.shape_cast %broadcast_in_dim3A_1 : vector<16xf32> to vector<1x16xf32>
      tpu.vector_store %arg12[%swap3A_22, %swap3A_23], %swap3A_26 {strides = array<i32>} : memref<256x128xf32, #tpu.memory_space<vmem>>, vector<1x16xf32>,
      %swap3A_27 = arith.index_cast %add3A_17 : i32 to index
      %swap3A_28 = arith.constant 32 : index
      %swap3A_29 = tpu.vector_load %arg12[%swap3A_27, %swap3A_28] {strides = array<i32>} : memref<256x128xf32, #tpu.memory_space<vmem>>, vector<1x16xf32>,
      %swap3A_30 = vector.shape_cast %swap3A_29 : vector<1x16xf32> to vector<16xf32>
      %swap3A_31 = vector.shape_cast %broadcast_in_dim3A_1 : vector<16xf32> to vector<1x16xf32>
      tpu.vector_store %arg12[%swap3A_27, %swap3A_28], %swap3A_31 {strides = array<i32>} : memref<256x128xf32, #tpu.memory_space<vmem>>, vector<1x16xf32>,
      %swap3A_32 = arith.index_cast %add3A_17 : i32 to index
      %swap3A_33 = arith.constant 48 : index
      %swap3A_34 = tpu.vector_load %arg12[%swap3A_32, %swap3A_33] {strides = array<i32>} : memref<256x128xf32, #tpu.memory_space<vmem>>, vector<1x16xf32>,
      %swap3A_35 = vector.shape_cast %swap3A_34 : vector<1x16xf32> to vector<16xf32>
      %swap3A_36 = vector.shape_cast %broadcast_in_dim3A_1 : vector<16xf32> to vector<1x16xf32>
      tpu.vector_store %arg12[%swap3A_32, %swap3A_33], %swap3A_36 {strides = array<i32>} : memref<256x128xf32, #tpu.memory_space<vmem>>, vector<1x16xf32>,
      %swap3A_37 = arith.index_cast %add3A_17 : i32 to index
      %swap3A_38 = arith.constant 64 : index
      %swap3A_39 = tpu.vector_load %arg12[%swap3A_37, %swap3A_38] {strides = array<i32>} : memref<256x128xf32, #tpu.memory_space<vmem>>, vector<1x16xf32>,
      %swap3A_40 = vector.shape_cast %swap3A_39 : vector<1x16xf32> to vector<16xf32>
      %swap3A_41 = vector.shape_cast %broadcast_in_dim3A_1 : vector<16xf32> to vector<1x16xf32>
      tpu.vector_store %arg12[%swap3A_37, %swap3A_38], %swap3A_41 {strides = array<i32>} : memref<256x128xf32, #tpu.memory_space<vmem>>, vector<1x16xf32>,
      %swap3A_42 = arith.index_cast %add3A_17 : i32 to index
      %swap3A_43 = arith.constant 80 : index
      %swap3A_44 = tpu.vector_load %arg12[%swap3A_42, %swap3A_43] {strides = array<i32>} : memref<256x128xf32, #tpu.memory_space<vmem>>, vector<1x16xf32>,
      %swap3A_45 = vector.shape_cast %swap3A_44 : vector<1x16xf32> to vector<16xf32>
      %swap3A_46 = vector.shape_cast %broadcast_in_dim3A_1 : vector<16xf32> to vector<1x16xf32>
      tpu.vector_store %arg12[%swap3A_42, %swap3A_43], %swap3A_46 {strides = array<i32>} : memref<256x128xf32, #tpu.memory_space<vmem>>, vector<1x16xf32>,
      %swap3A_47 = arith.index_cast %add3A_17 : i32 to index
      %swap3A_48 = arith.constant 96 : index
      %swap3A_49 = tpu.vector_load %arg12[%swap3A_47, %swap3A_48] {strides = array<i32>} : memref<256x128xf32, #tpu.memory_space<vmem>>, vector<1x16xf32>,
      %swap3A_50 = vector.shape_cast %swap3A_49 : vector<1x16xf32> to vector<16xf32>
      %swap3A_51 = vector.shape_cast %broadcast_in_dim3A_1 : vector<16xf32> to vector<1x16xf32>
      tpu.vector_store %arg12[%swap3A_47, %swap3A_48], %swap3A_51 {strides = array<i32>} : memref<256x128xf32, #tpu.memory_space<vmem>>, vector<1x16xf32>,
      %swap3A_52 = arith.index_cast %add3A_17 : i32 to index
      %swap3A_53 = arith.constant 112 : index
      %swap3A_54 = tpu.vector_load %arg12[%swap3A_52, %swap3A_53] {strides = array<i32>} : memref<256x128xf32, #tpu.memory_space<vmem>>, vector<1x16xf32>,
      %swap3A_55 = vector.shape_cast %swap3A_54 : vector<1x16xf32> to vector<16xf32>
      %swap3A_56 = vector.shape_cast %broadcast_in_dim3A_1 : vector<16xf32> to vector<1x16xf32>
      tpu.vector_store %arg12[%swap3A_52, %swap3A_53], %swap3A_56 {strides = array<i32>} : memref<256x128xf32, #tpu.memory_space<vmem>>, vector<1x16xf32>,
    }
    %scan3A_5 = arith.constant 256 : i32
    "tpu.region"() ({
      %run_scoped3A = tpu.sem_alloc : memref<!tpu.dma_semaphore, #tpu.memory_space<semaphore_mem>>
      %dma_start3A = arith.constant 0 : i32
      %dma_start3A_13 = tpu.memref_slice %arg7[%dma_start3A] : memref<656xi32, #tpu.memory_space<vmem>> -> memref<640xi32, #tpu.memory_space<vmem>>
      %dma_start3A_14 = arith.constant 0 : i32
      %dma_start3A_15 = tpu.memref_slice %arg5[%arg1, %dma_start3A_14] : memref<16x640xi32, #tpu.memory_space<hbm>> -> memref<1x640xi32, #tpu.memory_space<hbm>>
      %dma_start3A_16 = tpu.memref_squeeze %dma_start3A_15 : memref<1x640xi32, #tpu.memory_space<hbm>> -> memref<640xi32, #tpu.memory_space<hbm>>
      %dma_start3A_17 = arith.constant 0 : i32
      %dma_start3A_18 = tpu.memref_slice %arg7[%dma_start3A_17] : memref<656xi32, #tpu.memory_space<vmem>> -> memref<640xi32, #tpu.memory_space<vmem>>
      %dma_start3A_19 = arith.constant 0 : i32
      %dma_start3A_20 = tpu.memref_slice %arg5[%arg1, %dma_start3A_19] : memref<16x640xi32, #tpu.memory_space<hbm>> -> memref<1x640xi32, #tpu.memory_space<hbm>>
      %dma_start3A_21 = tpu.memref_squeeze %dma_start3A_20 : memref<1x640xi32, #tpu.memory_space<hbm>> -> memref<640xi32, #tpu.memory_space<hbm>>
      tpu.enqueue_dma source(%dma_start3A_21 : memref<640xi32, #tpu.memory_space<hbm>>) target(%dma_start3A_18 : memref<640xi32, #tpu.memory_space<vmem>>) target_semaphore(%run_scoped3A : memref<!tpu.dma_semaphore, #tpu.memory_space<semaphore_mem>>)
      %dma_wait3A = arith.constant 0 : i32
      %dma_wait3A_22 = tpu.memref_slice %arg7[%dma_wait3A] : memref<656xi32, #tpu.memory_space<vmem>> -> memref<640xi32, #tpu.memory_space<vmem>>
      %dma_wait3A_23 = arith.constant 0 : i32
      %dma_wait3A_24 = tpu.memref_slice %arg5[%arg1, %dma_wait3A_23] : memref<16x640xi32, #tpu.memory_space<hbm>> -> memref<1x640xi32, #tpu.memory_space<hbm>>
      %dma_wait3A_25 = tpu.memref_squeeze %dma_wait3A_24 : memref<1x640xi32, #tpu.memory_space<hbm>> -> memref<640xi32, #tpu.memory_space<hbm>>
      %dma_wait3A_26 = arith.constant 0 : i32
      %dma_wait3A_27 = tpu.memref_slice %arg7[%dma_wait3A_26] : memref<656xi32, #tpu.memory_space<vmem>> -> memref<640xi32, #tpu.memory_space<vmem>>
      %dma_wait3A_28 = arith.constant 0 : i32
      %dma_wait3A_29 = tpu.memref_slice %arg5[%arg1, %dma_wait3A_28] : memref<16x640xi32, #tpu.memory_space<hbm>> -> memref<1x640xi32, #tpu.memory_space<hbm>>
      %dma_wait3A_30 = tpu.memref_squeeze %dma_wait3A_29 : memref<1x640xi32, #tpu.memory_space<hbm>> -> memref<640xi32, #tpu.memory_space<hbm>>
      tpu.wait_dma2 semaphore(%run_scoped3A : memref<!tpu.dma_semaphore, #tpu.memory_space<semaphore_mem>>) src(%dma_wait3A_30 : memref<640xi32, #tpu.memory_space<hbm>>) dst(%dma_wait3A_27 : memref<640xi32, #tpu.memory_space<vmem>>)
      tpu.yield
    }) : () -> ()
    "tpu.region"() ({
      %run_scoped3A = tpu.sem_alloc : memref<!tpu.dma_semaphore, #tpu.memory_space<semaphore_mem>>
      %dma_start3A = arith.constant 0 : i32
      %dma_start3A_13 = tpu.memref_slice %arg8[%dma_start3A] : memref<656xf32, #tpu.memory_space<vmem>> -> memref<640xf32, #tpu.memory_space<vmem>>
      %dma_start3A_14 = arith.constant 0 : i32
      %dma_start3A_15 = tpu.memref_slice %arg4[%arg1, %dma_start3A_14] : memref<16x640xf32, #tpu.memory_space<hbm>> -> memref<1x640xf32, #tpu.memory_space<hbm>>
      %dma_start3A_16 = tpu.memref_squeeze %dma_start3A_15 : memref<1x640xf32, #tpu.memory_space<hbm>> -> memref<640xf32, #tpu.memory_space<hbm>>
      %dma_start3A_17 = arith.constant 0 : i32
      %dma_start3A_18 = tpu.memref_slice %arg8[%dma_start3A_17] : memref<656xf32, #tpu.memory_space<vmem>> -> memref<640xf32, #tpu.memory_space<vmem>>
      %dma_start3A_19 = arith.constant 0 : i32
      %dma_start3A_20 = tpu.memref_slice %arg4[%arg1, %dma_start3A_19] : memref<16x640xf32, #tpu.memory_space<hbm>> -> memref<1x640xf32, #tpu.memory_space<hbm>>
      %dma_start3A_21 = tpu.memref_squeeze %dma_start3A_20 : memref<1x640xf32, #tpu.memory_space<hbm>> -> memref<640xf32, #tpu.memory_space<hbm>>
      tpu.enqueue_dma source(%dma_start3A_21 : memref<640xf32, #tpu.memory_space<hbm>>) target(%dma_start3A_18 : memref<640xf32, #tpu.memory_space<vmem>>) target_semaphore(%run_scoped3A : memref<!tpu.dma_semaphore, #tpu.memory_space<semaphore_mem>>)
      %dma_wait3A = arith.constant 0 : i32
      %dma_wait3A_22 = tpu.memref_slice %arg8[%dma_wait3A] : memref<656xf32, #tpu.memory_space<vmem>> -> memref<640xf32, #tpu.memory_space<vmem>>
      %dma_wait3A_23 = arith.constant 0 : i32
      %dma_wait3A_24 = tpu.memref_slice %arg4[%arg1, %dma_wait3A_23] : memref<16x640xf32, #tpu.memory_space<hbm>> -> memref<1x640xf32, #tpu.memory_space<hbm>>
      %dma_wait3A_25 = tpu.memref_squeeze %dma_wait3A_24 : memref<1x640xf32, #tpu.memory_space<hbm>> -> memref<640xf32, #tpu.memory_space<hbm>>
      %dma_wait3A_26 = arith.constant 0 : i32
      %dma_wait3A_27 = tpu.memref_slice %arg8[%dma_wait3A_26] : memref<656xf32, #tpu.memory_space<vmem>> -> memref<640xf32, #tpu.memory_space<vmem>>
      %dma_wait3A_28 = arith.constant 0 : i32
      %dma_wait3A_29 = tpu.memref_slice %arg4[%arg1, %dma_wait3A_28] : memref<16x640xf32, #tpu.memory_space<hbm>> -> memref<1x640xf32, #tpu.memory_space<hbm>>
      %dma_wait3A_30 = tpu.memref_squeeze %dma_wait3A_29 : memref<1x640xf32, #tpu.memory_space<hbm>> -> memref<640xf32, #tpu.memory_space<hbm>>
      tpu.wait_dma2 semaphore(%run_scoped3A : memref<!tpu.dma_semaphore, #tpu.memory_space<semaphore_mem>>) src(%dma_wait3A_30 : memref<640xf32, #tpu.memory_space<hbm>>) dst(%dma_wait3A_27 : memref<640xf32, #tpu.memory_space<vmem>>)
      tpu.yield
    }) : () -> ()
    %scan3A_6 = arith.constant 0 : i32
    %scan3A_7 = arith.constant 5 : i32
    %scan3A_8 = arith.addi %scan3A_6, %scan3A_7 : i32
    %scan3A_9 = arith.constant 1 : i32
    scf.for %scan3A_13 = %scan3A_6 to %scan3A_8 step %scan3A_9  : i32 {
      %mul3A_14 = arith.constant 1 : i32
      %mul3A_15 = arith.muli %scan3A_13, %mul3A_14 : i32
      %add3A_16 = arith.constant 0 : i32
      %add3A_17 = arith.addi %add3A_16, %mul3A_15 : i32
      %mul3A_18 = arith.constant 640 : i32
      %mul3A_19 = arith.muli %arg1, %mul3A_18 : i32
      %mul3A_20 = arith.constant 128 : i32
      %mul3A_21 = arith.muli %add3A_17, %mul3A_20 : i32
      %add3A_22 = arith.addi %mul3A_19, %mul3A_21 : i32
      %mul3A_23 = arith.constant 2 : i32
      %mul3A_24 = arith.muli %mul3A_23, %arg0 : i32
      %mul3A_25 = arith.constant 10240 : i32
      %mul3A_26 = arith.muli %mul3A_24, %mul3A_25 : i32
      %add3A_27 = arith.addi %mul3A_26, %add3A_22 : i32
      "tpu.region"() ({
        %run_scoped3A = tpu.sem_alloc : memref<!tpu.dma_semaphore, #tpu.memory_space<semaphore_mem>>
        %dma_start3A = arith.constant 0 : i32
        %dma_start3A_43 = tpu.memref_slice %arg2[%add3A_27, %dma_start3A] : memref<40960x64xf32, #tpu.memory_space<hbm>> -> memref<128x64xf32, #tpu.memory_space<hbm>>
        %dma_start3A_44 = arith.constant 0 : i32
        %dma_start3A_45 = tpu.memref_slice %arg2[%add3A_27, %dma_start3A_44] : memref<40960x64xf32, #tpu.memory_space<hbm>> -> memref<128x64xf32, #tpu.memory_space<hbm>>
        tpu.enqueue_dma source(%dma_start3A_45 : memref<128x64xf32, #tpu.memory_space<hbm>>) target(%arg9 : memref<128x64xf32, #tpu.memory_space<vmem>>) target_semaphore(%run_scoped3A : memref<!tpu.dma_semaphore, #tpu.memory_space<semaphore_mem>>)
        %dma_wait3A = arith.constant 0 : i32
        %dma_wait3A_46 = tpu.memref_slice %arg2[%add3A_27, %dma_wait3A] : memref<40960x64xf32, #tpu.memory_space<hbm>> -> memref<128x64xf32, #tpu.memory_space<hbm>>
        %dma_wait3A_47 = arith.constant 0 : i32
        %dma_wait3A_48 = tpu.memref_slice %arg2[%add3A_27, %dma_wait3A_47] : memref<40960x64xf32, #tpu.memory_space<hbm>> -> memref<128x64xf32, #tpu.memory_space<hbm>>
        tpu.wait_dma2 semaphore(%run_scoped3A : memref<!tpu.dma_semaphore, #tpu.memory_space<semaphore_mem>>) src(%dma_wait3A_48 : memref<128x64xf32, #tpu.memory_space<hbm>>) dst(%arg9 : memref<128x64xf32, #tpu.memory_space<vmem>>)
        tpu.yield
      }) : () -> ()
      %mul3A_28 = arith.constant 2 : i32
      %mul3A_29 = arith.muli %mul3A_28, %arg0 : i32
      %add3A_30 = arith.constant 1 : i32
      %add3A_31 = arith.addi %mul3A_29, %add3A_30 : i32
      %mul3A_32 = arith.constant 10240 : i32
      %mul3A_33 = arith.muli %add3A_31, %mul3A_32 : i32
      %add3A_34 = arith.addi %mul3A_33, %add3A_22 : i32
      "tpu.region"() ({
        %run_scoped3A = tpu.sem_alloc : memref<!tpu.dma_semaphore, #tpu.memory_space<semaphore_mem>>
        %dma_start3A = arith.constant 0 : i32
        %dma_start3A_43 = tpu.memref_slice %arg2[%add3A_34, %dma_start3A] : memref<40960x64xf32, #tpu.memory_space<hbm>> -> memref<128x64xf32, #tpu.memory_space<hbm>>
        %dma_start3A_44 = arith.constant 0 : i32
        %dma_start3A_45 = tpu.memref_slice %arg2[%add3A_34, %dma_start3A_44] : memref<40960x64xf32, #tpu.memory_space<hbm>> -> memref<128x64xf32, #tpu.memory_space<hbm>>
        tpu.enqueue_dma source(%dma_start3A_45 : memref<128x64xf32, #tpu.memory_space<hbm>>) target(%arg10 : memref<128x64xf32, #tpu.memory_space<vmem>>) target_semaphore(%run_scoped3A : memref<!tpu.dma_semaphore, #tpu.memory_space<semaphore_mem>>)
        %dma_wait3A = arith.constant 0 : i32
        %dma_wait3A_46 = tpu.memref_slice %arg2[%add3A_34, %dma_wait3A] : memref<40960x64xf32, #tpu.memory_space<hbm>> -> memref<128x64xf32, #tpu.memory_space<hbm>>
        %dma_wait3A_47 = arith.constant 0 : i32
        %dma_wait3A_48 = tpu.memref_slice %arg2[%add3A_34, %dma_wait3A_47] : memref<40960x64xf32, #tpu.memory_space<hbm>> -> memref<128x64xf32, #tpu.memory_space<hbm>>
        tpu.wait_dma2 semaphore(%run_scoped3A : memref<!tpu.dma_semaphore, #tpu.memory_space<semaphore_mem>>) src(%dma_wait3A_48 : memref<128x64xf32, #tpu.memory_space<hbm>>) dst(%arg10 : memref<128x64xf32, #tpu.memory_space<vmem>>)
        tpu.yield
      }) : () -> ()
      %mul3A_35 = arith.constant 10240 : i32
      %mul3A_36 = arith.muli %arg0, %mul3A_35 : i32
      %add3A_37 = arith.addi %mul3A_36, %add3A_22 : i32
      "tpu.region"() ({
        %run_scoped3A = tpu.sem_alloc : memref<!tpu.dma_semaphore, #tpu.memory_space<semaphore_mem>>
        %dma_start3A = arith.constant 0 : i32
        %dma_start3A_43 = tpu.memref_slice %arg3[%add3A_37, %dma_start3A] : memref<20480x128xf32, #tpu.memory_space<hbm>> -> memref<128x128xf32, #tpu.memory_space<hbm>>
        %dma_start3A_44 = arith.constant 0 : i32
        %dma_start3A_45 = tpu.memref_slice %arg3[%add3A_37, %dma_start3A_44] : memref<20480x128xf32, #tpu.memory_space<hbm>> -> memref<128x128xf32, #tpu.memory_space<hbm>>
        tpu.enqueue_dma source(%dma_start3A_45 : memref<128x128xf32, #tpu.memory_space<hbm>>) target(%arg11 : memref<128x128xf32, #tpu.memory_space<vmem>>) target_semaphore(%run_scoped3A : memref<!tpu.dma_semaphore, #tpu.memory_space<semaphore_mem>>)
        %dma_wait3A = arith.constant 0 : i32
        %dma_wait3A_46 = tpu.memref_slice %arg3[%add3A_37, %dma_wait3A] : memref<20480x128xf32, #tpu.memory_space<hbm>> -> memref<128x128xf32, #tpu.memory_space<hbm>>
        %dma_wait3A_47 = arith.constant 0 : i32
        %dma_wait3A_48 = tpu.memref_slice %arg3[%add3A_37, %dma_wait3A_47] : memref<20480x128xf32, #tpu.memory_space<hbm>> -> memref<128x128xf32, #tpu.memory_space<hbm>>
        tpu.wait_dma2 semaphore(%run_scoped3A : memref<!tpu.dma_semaphore, #tpu.memory_space<semaphore_mem>>) src(%dma_wait3A_48 : memref<128x128xf32, #tpu.memory_space<hbm>>) dst(%arg11 : memref<128x128xf32, #tpu.memory_space<vmem>>)
        tpu.yield
      }) : () -> ()
      %scan3A_38 = arith.constant 0 : i32
      %scan3A_39 = arith.constant 128 : i32
      %scan3A_40 = arith.addi %scan3A_38, %scan3A_39 : i32
      %scan3A_41 = arith.constant 1 : i32
      scf.for %scan3A_43 = %scan3A_38 to %scan3A_40 step %scan3A_41  : i32 {
        %mul3A_44 = arith.constant 1 : i32
        %mul3A_45 = arith.muli %scan3A_43, %mul3A_44 : i32
        %add3A_46 = arith.constant 0 : i32
        %add3A_47 = arith.addi %add3A_46, %mul3A_45 : i32
        %add3A_48 = arith.addi %add3A_22, %add3A_47 : i32
        %lt3A = arith.constant 10000 : i32
        %lt3A_49 = arith.cmpi slt, %add3A_48, %lt3A : i32
        %convert_element_type3A = arith.extui %lt3A_49 : i1 to i32
        %cond3A = arith.constant 0 : i32
        %cond3A_50 = arith.cmpi ne, %convert_element_type3A, %cond3A : i32
        scf.if %cond3A_50 {
          %mul3A_51 = arith.constant 128 : i32
          %mul3A_52 = arith.muli %add3A_17, %mul3A_51 : i32
          %add3A_53 = arith.addi %mul3A_52, %add3A_47 : i32
          %get3A = arith.index_cast %add3A_53 : i32 to index
          %get3A_54 = tpu.vector_load %arg7[%get3A] {strides = array<i32>} : memref<656xi32, #tpu.memory_space<vmem>>, vector<16xi32>,
          %get3A_55 = vector.shape_cast %get3A_54 : vector<16xi32> to vector<16xi32>
          %slice3A = vector.extract_strided_slice %get3A_55 {offsets = [0], sizes = [1], strides = [1]} : vector<16xi32> to vector<1xi32>
          %squeeze3A = vector.extract %slice3A[0] : i32 from vector<1xi32>
          %mul3A_56 = arith.constant 128 : i32
          %mul3A_57 = arith.muli %add3A_17, %mul3A_56 : i32
          %add3A_58 = arith.addi %mul3A_57, %add3A_47 : i32
          %get3A_59 = arith.index_cast %add3A_58 : i32 to index
          %get3A_60 = tpu.vector_load %arg8[%get3A_59] {strides = array<i32>} : memref<656xf32, #tpu.memory_space<vmem>>, vector<16xf32>,
          %get3A_61 = vector.shape_cast %get3A_60 : vector<16xf32> to vector<16xf32>
          %slice3A_62 = vector.extract_strided_slice %get3A_61 {offsets = [0], sizes = [1], strides = [1]} : vector<16xf32> to vector<1xf32>
          %squeeze3A_63 = vector.extract %slice3A_62[0] : f32 from vector<1xf32>
          %get3A_64 = arith.index_cast %add3A_47 : i32 to index
          %get3A_65 = arith.constant 0 : index
          %get3A_66 = tpu.vector_load %arg9[%get3A_64, %get3A_65] {strides = array<i32>} : memref<128x64xf32, #tpu.memory_space<vmem>>, vector<1x16xf32>,
          %get3A_67 = vector.shape_cast %get3A_66 : vector<1x16xf32> to vector<16xf32>
          %mul3A_68 = vector.broadcast %squeeze3A_63 : f32 to vector<16xf32>
          %mul3A_69 = arith.mulf %mul3A_68, %get3A_67 : vector<16xf32>
          %get3A_70 = arith.index_cast %add3A_47 : i32 to index
          %get3A_71 = arith.constant 0 : index
          %get3A_72 = tpu.vector_load %arg11[%get3A_70, %get3A_71] {strides = array<i32>} : memref<128x128xf32, #tpu.memory_space<vmem>>, vector<1x16xf32>,
          %get3A_73 = vector.shape_cast %get3A_72 : vector<1x16xf32> to vector<16xf32>
          %add3A_74 = arith.addf %mul3A_69, %get3A_73 : vector<16xf32>
          %max3A = arith.constant 0.000000e+00 : f32
          %max3A_75 = vector.broadcast %max3A : f32 to vector<16xf32>
          %max3A_76 = arith.maximumf %add3A_74, %max3A_75 : vector<16xf32>
          %get3A_77 = arith.index_cast %squeeze3A : i32 to index
          %get3A_78 = arith.constant 0 : index
          %get3A_79 = tpu.vector_load %arg12[%get3A_77, %get3A_78] {strides = array<i32>} : memref<256x128xf32, #tpu.memory_space<vmem>>, vector<1x16xf32>,
          %get3A_80 = vector.shape_cast %get3A_79 : vector<1x16xf32> to vector<16xf32>
          %max3A_81 = arith.maximumf %get3A_80, %max3A_76 : vector<16xf32>
          %swap3A = arith.index_cast %squeeze3A : i32 to index
          %swap3A_82 = arith.constant 0 : index
          %swap3A_83 = tpu.vector_load %arg12[%swap3A, %swap3A_82] {strides = array<i32>} : memref<256x128xf32, #tpu.memory_space<vmem>>, vector<1x16xf32>,
          %swap3A_84 = vector.shape_cast %swap3A_83 : vector<1x16xf32> to vector<16xf32>
          %swap3A_85 = vector.shape_cast %max3A_81 : vector<16xf32> to vector<1x16xf32>
          tpu.vector_store %arg12[%swap3A, %swap3A_82], %swap3A_85 {strides = array<i32>} : memref<256x128xf32, #tpu.memory_space<vmem>>, vector<1x16xf32>,
          %get3A_86 = arith.index_cast %add3A_47 : i32 to index
          %get3A_87 = arith.constant 16 : index
          %get3A_88 = tpu.vector_load %arg9[%get3A_86, %get3A_87] {strides = array<i32>} : memref<128x64xf32, #tpu.memory_space<vmem>>, vector<1x16xf32>,
          %get3A_89 = vector.shape_cast %get3A_88 : vector<1x16xf32> to vector<16xf32>
          %mul3A_90 = vector.broadcast %squeeze3A_63 : f32 to vector<16xf32>
          %mul3A_91 = arith.mulf %mul3A_90, %get3A_89 : vector<16xf32>
          %get3A_92 = arith.index_cast %add3A_47 : i32 to index
          %get3A_93 = arith.constant 16 : index
          %get3A_94 = tpu.vector_load %arg11[%get3A_92, %get3A_93] {strides = array<i32>} : memref<128x128xf32, #tpu.memory_space<vmem>>, vector<1x16xf32>,
          %get3A_95 = vector.shape_cast %get3A_94 : vector<1x16xf32> to vector<16xf32>
          %add3A_96 = arith.addf %mul3A_91, %get3A_95 : vector<16xf32>
          %max3A_97 = arith.constant 0.000000e+00 : f32
          %max3A_98 = vector.broadcast %max3A_97 : f32 to vector<16xf32>
          %max3A_99 = arith.maximumf %add3A_96, %max3A_98 : vector<16xf32>
          %get3A_100 = arith.index_cast %squeeze3A : i32 to index
          %get3A_101 = arith.constant 16 : index
          %get3A_102 = tpu.vector_load %arg12[%get3A_100, %get3A_101] {strides = array<i32>} : memref<256x128xf32, #tpu.memory_space<vmem>>, vector<1x16xf32>,
          %get3A_103 = vector.shape_cast %get3A_102 : vector<1x16xf32> to vector<16xf32>
          %max3A_104 = arith.maximumf %get3A_103, %max3A_99 : vector<16xf32>
          %swap3A_105 = arith.index_cast %squeeze3A : i32 to index
          %swap3A_106 = arith.constant 16 : index
          %swap3A_107 = tpu.vector_load %arg12[%swap3A_105, %swap3A_106] {strides = array<i32>} : memref<256x128xf32, #tpu.memory_space<vmem>>, vector<1x16xf32>,
          %swap3A_108 = vector.shape_cast %swap3A_107 : vector<1x16xf32> to vector<16xf32>
          %swap3A_109 = vector.shape_cast %max3A_104 : vector<16xf32> to vector<1x16xf32>
          tpu.vector_store %arg12[%swap3A_105, %swap3A_106], %swap3A_109 {strides = array<i32>} : memref<256x128xf32, #tpu.memory_space<vmem>>, vector<1x16xf32>,
          %get3A_110 = arith.index_cast %add3A_47 : i32 to index
          %get3A_111 = arith.constant 32 : index
          %get3A_112 = tpu.vector_load %arg9[%get3A_110, %get3A_111] {strides = array<i32>} : memref<128x64xf32, #tpu.memory_space<vmem>>, vector<1x16xf32>,
          %get3A_113 = vector.shape_cast %get3A_112 : vector<1x16xf32> to vector<16xf32>
          %mul3A_114 = vector.broadcast %squeeze3A_63 : f32 to vector<16xf32>
          %mul3A_115 = arith.mulf %mul3A_114, %get3A_113 : vector<16xf32>
          %get3A_116 = arith.index_cast %add3A_47 : i32 to index
          %get3A_117 = arith.constant 32 : index
          %get3A_118 = tpu.vector_load %arg11[%get3A_116, %get3A_117] {strides = array<i32>} : memref<128x128xf32, #tpu.memory_space<vmem>>, vector<1x16xf32>,
          %get3A_119 = vector.shape_cast %get3A_118 : vector<1x16xf32> to vector<16xf32>
          %add3A_120 = arith.addf %mul3A_115, %get3A_119 : vector<16xf32>
          %max3A_121 = arith.constant 0.000000e+00 : f32
          %max3A_122 = vector.broadcast %max3A_121 : f32 to vector<16xf32>
          %max3A_123 = arith.maximumf %add3A_120, %max3A_122 : vector<16xf32>
          %get3A_124 = arith.index_cast %squeeze3A : i32 to index
          %get3A_125 = arith.constant 32 : index
          %get3A_126 = tpu.vector_load %arg12[%get3A_124, %get3A_125] {strides = array<i32>} : memref<256x128xf32, #tpu.memory_space<vmem>>, vector<1x16xf32>,
          %get3A_127 = vector.shape_cast %get3A_126 : vector<1x16xf32> to vector<16xf32>
          %max3A_128 = arith.maximumf %get3A_127, %max3A_123 : vector<16xf32>
          %swap3A_129 = arith.index_cast %squeeze3A : i32 to index
          %swap3A_130 = arith.constant 32 : index
          %swap3A_131 = tpu.vector_load %arg12[%swap3A_129, %swap3A_130] {strides = array<i32>} : memref<256x128xf32, #tpu.memory_space<vmem>>, vector<1x16xf32>,
          %swap3A_132 = vector.shape_cast %swap3A_131 : vector<1x16xf32> to vector<16xf32>
          %swap3A_133 = vector.shape_cast %max3A_128 : vector<16xf32> to vector<1x16xf32>
          tpu.vector_store %arg12[%swap3A_129, %swap3A_130], %swap3A_133 {strides = array<i32>} : memref<256x128xf32, #tpu.memory_space<vmem>>, vector<1x16xf32>,
          %get3A_134 = arith.index_cast %add3A_47 : i32 to index
          %get3A_135 = arith.constant 48 : index
          %get3A_136 = tpu.vector_load %arg9[%get3A_134, %get3A_135] {strides = array<i32>} : memref<128x64xf32, #tpu.memory_space<vmem>>, vector<1x16xf32>,
          %get3A_137 = vector.shape_cast %get3A_136 : vector<1x16xf32> to vector<16xf32>
          %mul3A_138 = vector.broadcast %squeeze3A_63 : f32 to vector<16xf32>
          %mul3A_139 = arith.mulf %mul3A_138, %get3A_137 : vector<16xf32>
          %get3A_140 = arith.index_cast %add3A_47 : i32 to index
          %get3A_141 = arith.constant 48 : index
          %get3A_142 = tpu.vector_load %arg11[%get3A_140, %get3A_141] {strides = array<i32>} : memref<128x128xf32, #tpu.memory_space<vmem>>, vector<1x16xf32>,
          %get3A_143 = vector.shape_cast %get3A_142 : vector<1x16xf32> to vector<16xf32>
          %add3A_144 = arith.addf %mul3A_139, %get3A_143 : vector<16xf32>
          %max3A_145 = arith.constant 0.000000e+00 : f32
          %max3A_146 = vector.broadcast %max3A_145 : f32 to vector<16xf32>
          %max3A_147 = arith.maximumf %add3A_144, %max3A_146 : vector<16xf32>
          %get3A_148 = arith.index_cast %squeeze3A : i32 to index
          %get3A_149 = arith.constant 48 : index
          %get3A_150 = tpu.vector_load %arg12[%get3A_148, %get3A_149] {strides = array<i32>} : memref<256x128xf32, #tpu.memory_space<vmem>>, vector<1x16xf32>,
          %get3A_151 = vector.shape_cast %get3A_150 : vector<1x16xf32> to vector<16xf32>
          %max3A_152 = arith.maximumf %get3A_151, %max3A_147 : vector<16xf32>
          %swap3A_153 = arith.index_cast %squeeze3A : i32 to index
          %swap3A_154 = arith.constant 48 : index
          %swap3A_155 = tpu.vector_load %arg12[%swap3A_153, %swap3A_154] {strides = array<i32>} : memref<256x128xf32, #tpu.memory_space<vmem>>, vector<1x16xf32>,
          %swap3A_156 = vector.shape_cast %swap3A_155 : vector<1x16xf32> to vector<16xf32>
          %swap3A_157 = vector.shape_cast %max3A_152 : vector<16xf32> to vector<1x16xf32>
          tpu.vector_store %arg12[%swap3A_153, %swap3A_154], %swap3A_157 {strides = array<i32>} : memref<256x128xf32, #tpu.memory_space<vmem>>, vector<1x16xf32>,
          %get3A_158 = arith.index_cast %add3A_47 : i32 to index
          %get3A_159 = arith.constant 0 : index
          %get3A_160 = tpu.vector_load %arg10[%get3A_158, %get3A_159] {strides = array<i32>} : memref<128x64xf32, #tpu.memory_space<vmem>>, vector<1x16xf32>,
          %get3A_161 = vector.shape_cast %get3A_160 : vector<1x16xf32> to vector<16xf32>
          %mul3A_162 = vector.broadcast %squeeze3A_63 : f32 to vector<16xf32>
          %mul3A_163 = arith.mulf %mul3A_162, %get3A_161 : vector<16xf32>
          %get3A_164 = arith.index_cast %add3A_47 : i32 to index
          %get3A_165 = arith.constant 64 : index
          %get3A_166 = tpu.vector_load %arg11[%get3A_164, %get3A_165] {strides = array<i32>} : memref<128x128xf32, #tpu.memory_space<vmem>>, vector<1x16xf32>,
          %get3A_167 = vector.shape_cast %get3A_166 : vector<1x16xf32> to vector<16xf32>
          %add3A_168 = arith.addf %mul3A_163, %get3A_167 : vector<16xf32>
          %max3A_169 = arith.constant 0.000000e+00 : f32
          %max3A_170 = vector.broadcast %max3A_169 : f32 to vector<16xf32>
          %max3A_171 = arith.maximumf %add3A_168, %max3A_170 : vector<16xf32>
          %get3A_172 = arith.index_cast %squeeze3A : i32 to index
          %get3A_173 = arith.constant 64 : index
          %get3A_174 = tpu.vector_load %arg12[%get3A_172, %get3A_173] {strides = array<i32>} : memref<256x128xf32, #tpu.memory_space<vmem>>, vector<1x16xf32>,
          %get3A_175 = vector.shape_cast %get3A_174 : vector<1x16xf32> to vector<16xf32>
          %max3A_176 = arith.maximumf %get3A_175, %max3A_171 : vector<16xf32>
          %swap3A_177 = arith.index_cast %squeeze3A : i32 to index
          %swap3A_178 = arith.constant 64 : index
          %swap3A_179 = tpu.vector_load %arg12[%swap3A_177, %swap3A_178] {strides = array<i32>} : memref<256x128xf32, #tpu.memory_space<vmem>>, vector<1x16xf32>,
          %swap3A_180 = vector.shape_cast %swap3A_179 : vector<1x16xf32> to vector<16xf32>
          %swap3A_181 = vector.shape_cast %max3A_176 : vector<16xf32> to vector<1x16xf32>
          tpu.vector_store %arg12[%swap3A_177, %swap3A_178], %swap3A_181 {strides = array<i32>} : memref<256x128xf32, #tpu.memory_space<vmem>>, vector<1x16xf32>,
          %get3A_182 = arith.index_cast %add3A_47 : i32 to index
          %get3A_183 = arith.constant 16 : index
          %get3A_184 = tpu.vector_load %arg10[%get3A_182, %get3A_183] {strides = array<i32>} : memref<128x64xf32, #tpu.memory_space<vmem>>, vector<1x16xf32>,
          %get3A_185 = vector.shape_cast %get3A_184 : vector<1x16xf32> to vector<16xf32>
          %mul3A_186 = vector.broadcast %squeeze3A_63 : f32 to vector<16xf32>
          %mul3A_187 = arith.mulf %mul3A_186, %get3A_185 : vector<16xf32>
          %get3A_188 = arith.index_cast %add3A_47 : i32 to index
          %get3A_189 = arith.constant 80 : index
          %get3A_190 = tpu.vector_load %arg11[%get3A_188, %get3A_189] {strides = array<i32>} : memref<128x128xf32, #tpu.memory_space<vmem>>, vector<1x16xf32>,
          %get3A_191 = vector.shape_cast %get3A_190 : vector<1x16xf32> to vector<16xf32>
          %add3A_192 = arith.addf %mul3A_187, %get3A_191 : vector<16xf32>
          %max3A_193 = arith.constant 0.000000e+00 : f32
          %max3A_194 = vector.broadcast %max3A_193 : f32 to vector<16xf32>
          %max3A_195 = arith.maximumf %add3A_192, %max3A_194 : vector<16xf32>
          %get3A_196 = arith.index_cast %squeeze3A : i32 to index
          %get3A_197 = arith.constant 80 : index
          %get3A_198 = tpu.vector_load %arg12[%get3A_196, %get3A_197] {strides = array<i32>} : memref<256x128xf32, #tpu.memory_space<vmem>>, vector<1x16xf32>,
          %get3A_199 = vector.shape_cast %get3A_198 : vector<1x16xf32> to vector<16xf32>
          %max3A_200 = arith.maximumf %get3A_199, %max3A_195 : vector<16xf32>
          %swap3A_201 = arith.index_cast %squeeze3A : i32 to index
          %swap3A_202 = arith.constant 80 : index
          %swap3A_203 = tpu.vector_load %arg12[%swap3A_201, %swap3A_202] {strides = array<i32>} : memref<256x128xf32, #tpu.memory_space<vmem>>, vector<1x16xf32>,
          %swap3A_204 = vector.shape_cast %swap3A_203 : vector<1x16xf32> to vector<16xf32>
          %swap3A_205 = vector.shape_cast %max3A_200 : vector<16xf32> to vector<1x16xf32>
          tpu.vector_store %arg12[%swap3A_201, %swap3A_202], %swap3A_205 {strides = array<i32>} : memref<256x128xf32, #tpu.memory_space<vmem>>, vector<1x16xf32>,
          %get3A_206 = arith.index_cast %add3A_47 : i32 to index
          %get3A_207 = arith.constant 32 : index
          %get3A_208 = tpu.vector_load %arg10[%get3A_206, %get3A_207] {strides = array<i32>} : memref<128x64xf32, #tpu.memory_space<vmem>>, vector<1x16xf32>,
          %get3A_209 = vector.shape_cast %get3A_208 : vector<1x16xf32> to vector<16xf32>
          %mul3A_210 = vector.broadcast %squeeze3A_63 : f32 to vector<16xf32>
          %mul3A_211 = arith.mulf %mul3A_210, %get3A_209 : vector<16xf32>
          %get3A_212 = arith.index_cast %add3A_47 : i32 to index
          %get3A_213 = arith.constant 96 : index
          %get3A_214 = tpu.vector_load %arg11[%get3A_212, %get3A_213] {strides = array<i32>} : memref<128x128xf32, #tpu.memory_space<vmem>>, vector<1x16xf32>,
          %get3A_215 = vector.shape_cast %get3A_214 : vector<1x16xf32> to vector<16xf32>
          %add3A_216 = arith.addf %mul3A_211, %get3A_215 : vector<16xf32>
          %max3A_217 = arith.constant 0.000000e+00 : f32
          %max3A_218 = vector.broadcast %max3A_217 : f32 to vector<16xf32>
          %max3A_219 = arith.maximumf %add3A_216, %max3A_218 : vector<16xf32>
          %get3A_220 = arith.index_cast %squeeze3A : i32 to index
          %get3A_221 = arith.constant 96 : index
          %get3A_222 = tpu.vector_load %arg12[%get3A_220, %get3A_221] {strides = array<i32>} : memref<256x128xf32, #tpu.memory_space<vmem>>, vector<1x16xf32>,
          %get3A_223 = vector.shape_cast %get3A_222 : vector<1x16xf32> to vector<16xf32>
          %max3A_224 = arith.maximumf %get3A_223, %max3A_219 : vector<16xf32>
          %swap3A_225 = arith.index_cast %squeeze3A : i32 to index
          %swap3A_226 = arith.constant 96 : index
          %swap3A_227 = tpu.vector_load %arg12[%swap3A_225, %swap3A_226] {strides = array<i32>} : memref<256x128xf32, #tpu.memory_space<vmem>>, vector<1x16xf32>,
          %swap3A_228 = vector.shape_cast %swap3A_227 : vector<1x16xf32> to vector<16xf32>
          %swap3A_229 = vector.shape_cast %max3A_224 : vector<16xf32> to vector<1x16xf32>
          tpu.vector_store %arg12[%swap3A_225, %swap3A_226], %swap3A_229 {strides = array<i32>} : memref<256x128xf32, #tpu.memory_space<vmem>>, vector<1x16xf32>,
          %get3A_230 = arith.index_cast %add3A_47 : i32 to index
          %get3A_231 = arith.constant 48 : index
          %get3A_232 = tpu.vector_load %arg10[%get3A_230, %get3A_231] {strides = array<i32>} : memref<128x64xf32, #tpu.memory_space<vmem>>, vector<1x16xf32>,
          %get3A_233 = vector.shape_cast %get3A_232 : vector<1x16xf32> to vector<16xf32>
          %mul3A_234 = vector.broadcast %squeeze3A_63 : f32 to vector<16xf32>
          %mul3A_235 = arith.mulf %mul3A_234, %get3A_233 : vector<16xf32>
          %get3A_236 = arith.index_cast %add3A_47 : i32 to index
          %get3A_237 = arith.constant 112 : index
          %get3A_238 = tpu.vector_load %arg11[%get3A_236, %get3A_237] {strides = array<i32>} : memref<128x128xf32, #tpu.memory_space<vmem>>, vector<1x16xf32>,
          %get3A_239 = vector.shape_cast %get3A_238 : vector<1x16xf32> to vector<16xf32>
          %add3A_240 = arith.addf %mul3A_235, %get3A_239 : vector<16xf32>
          %max3A_241 = arith.constant 0.000000e+00 : f32
          %max3A_242 = vector.broadcast %max3A_241 : f32 to vector<16xf32>
          %max3A_243 = arith.maximumf %add3A_240, %max3A_242 : vector<16xf32>
          %get3A_244 = arith.index_cast %squeeze3A : i32 to index
          %get3A_245 = arith.constant 112 : index
          %get3A_246 = tpu.vector_load %arg12[%get3A_244, %get3A_245] {strides = array<i32>} : memref<256x128xf32, #tpu.memory_space<vmem>>, vector<1x16xf32>,
          %get3A_247 = vector.shape_cast %get3A_246 : vector<1x16xf32> to vector<16xf32>
          %max3A_248 = arith.maximumf %get3A_247, %max3A_243 : vector<16xf32>
          %swap3A_249 = arith.index_cast %squeeze3A : i32 to index
          %swap3A_250 = arith.constant 112 : index
          %swap3A_251 = tpu.vector_load %arg12[%swap3A_249, %swap3A_250] {strides = array<i32>} : memref<256x128xf32, #tpu.memory_space<vmem>>, vector<1x16xf32>,
          %swap3A_252 = vector.shape_cast %swap3A_251 : vector<1x16xf32> to vector<16xf32>
          %swap3A_253 = vector.shape_cast %max3A_248 : vector<16xf32> to vector<1x16xf32>
          tpu.vector_store %arg12[%swap3A_249, %swap3A_250], %swap3A_253 {strides = array<i32>} : memref<256x128xf32, #tpu.memory_space<vmem>>, vector<1x16xf32>,
        } else {
        }
      }
      %scan3A_42 = arith.constant 128 : i32
    }
    %scan3A_10 = arith.constant 5 : i32
    %mul3A_11 = arith.constant 256 : i32
    %mul3A_12 = arith.muli %add3A, %mul3A_11 : i32
    "tpu.region"() ({
      %run_scoped3A = tpu.sem_alloc : memref<!tpu.dma_semaphore, #tpu.memory_space<semaphore_mem>>
      %dma_start3A = arith.constant 0 : i32
      %dma_start3A_13 = tpu.memref_slice %arg6[%mul3A_12, %dma_start3A] : memref<8192x128xf32, #tpu.memory_space<hbm>> -> memref<256x128xf32, #tpu.memory_space<hbm>>
      %dma_start3A_14 = arith.constant 0 : i32
      %dma_start3A_15 = tpu.memref_slice %arg6[%mul3A_12, %dma_start3A_14] : memref<8192x128xf32, #tpu.memory_space<hbm>> -> memref<256x128xf32, #tpu.memory_space<hbm>>
      tpu.enqueue_dma source(%arg12 : memref<256x128xf32, #tpu.memory_space<vmem>>) target(%dma_start3A_15 : memref<256x128xf32, #tpu.memory_space<hbm>>) target_semaphore(%run_scoped3A : memref<!tpu.dma_semaphore, #tpu.memory_space<semaphore_mem>>)
      %dma_wait3A = arith.constant 0 : i32
      %dma_wait3A_16 = tpu.memref_slice %arg6[%mul3A_12, %dma_wait3A] : memref<8192x128xf32, #tpu.memory_space<hbm>> -> memref<256x128xf32, #tpu.memory_space<hbm>>
      %dma_wait3A_17 = arith.constant 0 : i32
      %dma_wait3A_18 = tpu.memref_slice %arg6[%mul3A_12, %dma_wait3A_17] : memref<8192x128xf32, #tpu.memory_space<hbm>> -> memref<256x128xf32, #tpu.memory_space<hbm>>
      tpu.wait_dma2 semaphore(%run_scoped3A : memref<!tpu.dma_semaphore, #tpu.memory_space<semaphore_mem>>) src(%arg12 : memref<256x128xf32, #tpu.memory_space<vmem>>) dst(%dma_wait3A_18 : memref<256x128xf32, #tpu.memory_space<hbm>>)
      tpu.yield
    }) : () -> ()
    return
  }
}

module attributes {stable_mosaic.version = 14 : i64} {
  func.func @_tc1_body(%arg0: memref<10000x128xf32, #tpu.memory_space<vmem>>, %arg1: memref<10000xi32, #tpu.memory_space<vmem>>, %arg2: memref<20480x16xf32, #tpu.memory_space<vmem>>, %arg3: memref<1xf32, #tpu.memory_space<vmem>>, %arg4: memref<1xf32, #tpu.memory_space<vmem>>, %arg5: memref<128x64xf32, #tpu.memory_space<vmem>>, %arg6: memref<64xf32, #tpu.memory_space<vmem>>, %arg7: memref<20480x32xf32, #tpu.memory_space<vmem>>, %arg8: memref<10000x64xf32, #tpu.memory_space<vmem>>, %arg9: memref<10000xf32, #tpu.memory_space<vmem>>) attributes {dimension_semantics = [], scalar_prefetch = 0 : i64, scratch_operands = 0 : i64, tpu.core_type = #tpu.core_type<tc>} {
    %get3A = arith.constant 0 : index
    %get3A_0 = arith.constant 0 : index
    %get3A_1 = vector.load %arg0[%get3A, %get3A_0] : memref<10000x128xf32, #tpu.memory_space<vmem>>, vector<10000x128xf32>
    %get3A_2 = arith.constant 0 : index
    %get3A_3 = arith.constant 0 : index
    %get3A_4 = vector.load %arg2[%get3A_2, %get3A_3] : memref<20480x16xf32, #tpu.memory_space<vmem>>, vector<10000x1xf32>
    %get3A_5 = vector.shape_cast %get3A_4 : vector<10000x1xf32> to vector<10000xf32>
    %add3A = arith.constant 1.000000e+00 : f32
    %add3A_6 = vector.broadcast %add3A : f32 to vector<10000xf32>
    %add3A_7 = arith.addf %add3A_6, %get3A_5 : vector<10000xf32>
    %get3A_8 = arith.constant 10240 : index
    %get3A_9 = arith.constant 0 : index
    %get3A_10 = vector.load %arg2[%get3A_8, %get3A_9] : memref<20480x16xf32, #tpu.memory_space<vmem>>, vector<10000x1xf32>
    %get3A_11 = vector.shape_cast %get3A_10 : vector<10000x1xf32> to vector<10000xf32>
    %add3A_12 = arith.addf %add3A_7, %get3A_11 : vector<10000xf32>
    %max3A = arith.constant 1.000000e+00 : f32
    %max3A_13 = vector.broadcast %max3A : f32 to vector<10000xf32>
    %max3A_14 = arith.maximumf %add3A_12, %max3A_13 : vector<10000xf32>
    %rsqrt3A = math.rsqrt %max3A_14 : vector<10000xf32>
    %swap3A = arith.constant 0 : index
    %swap3A_15 = vector.load %arg9[%swap3A] : memref<10000xf32, #tpu.memory_space<vmem>>, vector<10000xf32>
    tpu.vector_store %arg9[%swap3A], %rsqrt3A {strides = array<i32>} : memref<10000xf32, #tpu.memory_space<vmem>>, vector<10000xf32>,
    %get3A_16 = arith.constant 0 : index
    %get3A_17 = vector.load %arg1[%get3A_16] : memref<10000xi32, #tpu.memory_space<vmem>>, vector<10000xi32>
    %broadcast_in_dim3A = vector.shape_cast %get3A_17 : vector<10000xi32> to vector<10000x1xi32>
    %iota3A = tpu.iota {dimensions = array<i32: 1>} : vector<10000x256xi32>
    %eq3A = vector.broadcast %broadcast_in_dim3A : vector<10000x1xi32> to vector<10000x256xi32>
    %eq3A_18 = arith.cmpi eq, %eq3A, %iota3A : vector<10000x256xi32>
    %convert_element_type3A = arith.extui %eq3A_18 : vector<10000x256xi1> to vector<10000x256xi32>
    %convert_element_type3A_19 = arith.sitofp %convert_element_type3A : vector<10000x256xi32> to vector<10000x256xf32>
    %reduce_sum3A = arith.constant dense<0.000000e+00> : vector<256xf32>
    %reduce_sum3A_20 = vector.multi_reduction <add>, %convert_element_type3A_19, %reduce_sum3A [0] : vector<10000x256xf32> to vector<256xf32>
    %max3A_21 = arith.constant 1.000000e+00 : f32
    %max3A_22 = vector.broadcast %max3A_21 : f32 to vector<256xf32>
    %max3A_23 = arith.maximumf %reduce_sum3A_20, %max3A_22 : vector<256xf32>
    %dot_general3A = arith.constant dense<0.000000e+00> : vector<256x128xf32>
    %dot_general3A_24 = tpu.matmul %convert_element_type3A_19, %get3A_1, %dot_general3A {dimension_numbers = #tpu.dot_dimension_numbers<[0], [0], [1], [1], [0, 1, 1, 1], [], []>, transpose_lhs_hint = false} : vector<10000x256xf32>, vector<10000x128xf32>, vector<256x128xf32> -> vector<256x128xf32>
    %mul3A = arith.mulf %get3A_1, %get3A_1 : vector<10000x128xf32>
    %dot_general3A_25 = arith.constant dense<0.000000e+00> : vector<256x128xf32>
    %dot_general3A_26 = tpu.matmul %convert_element_type3A_19, %mul3A, %dot_general3A_25 {dimension_numbers = #tpu.dot_dimension_numbers<[0], [0], [1], [1], [0, 1, 1, 1], [], []>, transpose_lhs_hint = false} : vector<10000x256xf32>, vector<10000x128xf32>, vector<256x128xf32> -> vector<256x128xf32>
    %broadcast_in_dim3A_27 = vector.shape_cast %max3A_23 : vector<256xf32> to vector<256x1xf32>
    %div3A = vector.broadcast %broadcast_in_dim3A_27 : vector<256x1xf32> to vector<256x128xf32>
    %div3A_28 = arith.divf %dot_general3A_24, %div3A : vector<256x128xf32>
    %broadcast_in_dim3A_29 = vector.shape_cast %max3A_23 : vector<256xf32> to vector<256x1xf32>
    %div3A_30 = vector.broadcast %broadcast_in_dim3A_29 : vector<256x1xf32> to vector<256x128xf32>
    %div3A_31 = arith.divf %dot_general3A_26, %div3A_30 : vector<256x128xf32>
    %mul3A_32 = arith.mulf %div3A_28, %div3A_28 : vector<256x128xf32>
    %sub3A = arith.subf %div3A_31, %mul3A_32 : vector<256x128xf32>
    %add3A_33 = arith.constant 9.99999974E-6 : f32
    %add3A_34 = vector.broadcast %add3A_33 : f32 to vector<256x128xf32>
    %add3A_35 = arith.addf %sub3A, %add3A_34 : vector<256x128xf32>
    %rsqrt3A_36 = math.rsqrt %add3A_35 : vector<256x128xf32>
    %get3A_37 = arith.constant 0 : index
    %get3A_38 = vector.load %arg3[%get3A_37] : memref<1xf32, #tpu.memory_space<vmem>>, vector<1xf32>
    %get3A_39 = vector.extract %get3A_38[0] : f32 from vector<1xf32>
    %mul3A_40 = vector.broadcast %get3A_39 : f32 to vector<256x128xf32>
    %mul3A_41 = arith.mulf %rsqrt3A_36, %mul3A_40 : vector<256x128xf32>
    %get3A_42 = arith.constant 0 : index
    %get3A_43 = vector.load %arg4[%get3A_42] : memref<1xf32, #tpu.memory_space<vmem>>, vector<1xf32>
    %get3A_44 = vector.extract %get3A_43[0] : f32 from vector<1xf32>
    %mul3A_45 = arith.mulf %div3A_28, %mul3A_41 : vector<256x128xf32>
    %sub3A_46 = vector.broadcast %get3A_44 : f32 to vector<256x128xf32>
    %sub3A_47 = arith.subf %sub3A_46, %mul3A_45 : vector<256x128xf32>
    %dot_general3A_48 = arith.constant dense<0.000000e+00> : vector<10000x128xf32>
    %dot_general3A_49 = tpu.matmul %convert_element_type3A_19, %mul3A_41, %dot_general3A_48 {dimension_numbers = #tpu.dot_dimension_numbers<[1], [0], [0], [1], [0, 0, 1, 1], [], []>, transpose_lhs_hint = false} : vector<10000x256xf32>, vector<256x128xf32>, vector<10000x128xf32> -> vector<10000x128xf32>
    %dot_general3A_50 = arith.constant dense<0.000000e+00> : vector<10000x128xf32>
    %dot_general3A_51 = tpu.matmul %convert_element_type3A_19, %sub3A_47, %dot_general3A_50 {dimension_numbers = #tpu.dot_dimension_numbers<[1], [0], [0], [1], [0, 0, 1, 1], [], []>, transpose_lhs_hint = false} : vector<10000x256xf32>, vector<256x128xf32>, vector<10000x128xf32> -> vector<10000x128xf32>
    %mul3A_52 = arith.mulf %get3A_1, %dot_general3A_49 : vector<10000x128xf32>
    %add3A_53 = arith.addf %mul3A_52, %dot_general3A_51 : vector<10000x128xf32>
    %get3A_54 = arith.constant 0 : index
    %get3A_55 = arith.constant 0 : index
    %get3A_56 = vector.load %arg5[%get3A_54, %get3A_55] : memref<128x64xf32, #tpu.memory_space<vmem>>, vector<128x64xf32>
    %dot_general3A_57 = arith.constant dense<0.000000e+00> : vector<10000x64xf32>
    %dot_general3A_58 = tpu.matmul %add3A_53, %get3A_56, %dot_general3A_57 {dimension_numbers = #tpu.dot_dimension_numbers<[1], [0], [0], [1], [0, 0, 1, 1], [], []>, transpose_lhs_hint = false} : vector<10000x128xf32>, vector<128x64xf32>, vector<10000x64xf32> -> vector<10000x64xf32>
    %broadcast_in_dim3A_59 = vector.shape_cast %rsqrt3A : vector<10000xf32> to vector<10000x1xf32>
    %mul3A_60 = vector.broadcast %broadcast_in_dim3A_59 : vector<10000x1xf32> to vector<10000x64xf32>
    %mul3A_61 = arith.mulf %dot_general3A_58, %mul3A_60 : vector<10000x64xf32>
    %broadcast_in_dim3A_62 = arith.constant 0.000000e+00 : f32
    %broadcast_in_dim3A_63 = vector.broadcast %broadcast_in_dim3A_62 : f32 to vector<240x32xf32>
    %slice3A = vector.extract_strided_slice %mul3A_61 {offsets = [0, 0], sizes = [10000, 32], strides = [1, 1]} : vector<10000x64xf32> to vector<10000x32xf32>
    %swap3A_64 = arith.constant 0 : index
    %swap3A_65 = arith.constant 0 : index
    %swap3A_66 = vector.load %arg7[%swap3A_64, %swap3A_65] : memref<20480x32xf32, #tpu.memory_space<vmem>>, vector<10000x32xf32>
    tpu.vector_store %arg7[%swap3A_64, %swap3A_65], %slice3A {strides = array<i32>} : memref<20480x32xf32, #tpu.memory_space<vmem>>, vector<10000x32xf32>,
    %swap3A_67 = arith.constant 10000 : index
    %swap3A_68 = arith.constant 0 : index
    %swap3A_69 = vector.load %arg7[%swap3A_67, %swap3A_68] : memref<20480x32xf32, #tpu.memory_space<vmem>>, vector<240x32xf32>
    tpu.vector_store %arg7[%swap3A_67, %swap3A_68], %broadcast_in_dim3A_63 {strides = array<i32>} : memref<20480x32xf32, #tpu.memory_space<vmem>>, vector<240x32xf32>,
    %slice3A_70 = vector.extract_strided_slice %mul3A_61 {offsets = [0, 32], sizes = [10000, 32], strides = [1, 1]} : vector<10000x64xf32> to vector<10000x32xf32>
    %swap3A_71 = arith.constant 10240 : index
    %swap3A_72 = arith.constant 0 : index
    %swap3A_73 = vector.load %arg7[%swap3A_71, %swap3A_72] : memref<20480x32xf32, #tpu.memory_space<vmem>>, vector<10000x32xf32>
    tpu.vector_store %arg7[%swap3A_71, %swap3A_72], %slice3A_70 {strides = array<i32>} : memref<20480x32xf32, #tpu.memory_space<vmem>>, vector<10000x32xf32>,
    %swap3A_74 = arith.constant 20240 : index
    %swap3A_75 = arith.constant 0 : index
    %swap3A_76 = vector.load %arg7[%swap3A_74, %swap3A_75] : memref<20480x32xf32, #tpu.memory_space<vmem>>, vector<240x32xf32>
    tpu.vector_store %arg7[%swap3A_74, %swap3A_75], %broadcast_in_dim3A_63 {strides = array<i32>} : memref<20480x32xf32, #tpu.memory_space<vmem>>, vector<240x32xf32>,
    %mul3A_77 = arith.mulf %rsqrt3A, %rsqrt3A : vector<10000xf32>
    %broadcast_in_dim3A_78 = vector.shape_cast %mul3A_77 : vector<10000xf32> to vector<10000x1xf32>
    %mul3A_79 = vector.broadcast %broadcast_in_dim3A_78 : vector<10000x1xf32> to vector<10000x64xf32>
    %mul3A_80 = arith.mulf %dot_general3A_58, %mul3A_79 : vector<10000x64xf32>
    %get3A_81 = arith.constant 0 : index
    %get3A_82 = vector.load %arg6[%get3A_81] : memref<64xf32, #tpu.memory_space<vmem>>, vector<64xf32>
    %broadcast_in_dim3A_83 = vector.shape_cast %get3A_82 : vector<64xf32> to vector<1x64xf32>
    %add3A_84 = vector.broadcast %broadcast_in_dim3A_83 : vector<1x64xf32> to vector<10000x64xf32>
    %add3A_85 = arith.addf %mul3A_80, %add3A_84 : vector<10000x64xf32>
    %swap3A_86 = arith.constant 0 : index
    %swap3A_87 = arith.constant 0 : index
    %swap3A_88 = vector.load %arg8[%swap3A_86, %swap3A_87] : memref<10000x64xf32, #tpu.memory_space<vmem>>, vector<10000x64xf32>
    tpu.vector_store %arg8[%swap3A_86, %swap3A_87], %add3A_85 {strides = array<i32>} : memref<10000x64xf32, #tpu.memory_space<vmem>>, vector<10000x64xf32>,
    return
  }
}

module attributes {stable_mosaic.version = 14 : i64} {
  func.func @_tc_mid_body(%arg0: memref<20480x32xf32, #tpu.memory_space<vmem>>, %arg1: memref<10000x64xf32, #tpu.memory_space<vmem>>, %arg2: memref<10000xf32, #tpu.memory_space<vmem>>, %arg3: memref<64x128xf32, #tpu.memory_space<vmem>>, %arg4: memref<128xf32, #tpu.memory_space<vmem>>, %arg5: memref<20480x64xf32, #tpu.memory_space<vmem>>, %arg6: memref<10000x128xf32, #tpu.memory_space<vmem>>) attributes {dimension_semantics = [], scalar_prefetch = 0 : i64, scratch_operands = 0 : i64, tpu.core_type = #tpu.core_type<tc>} {
    %get3A = arith.constant 0 : index
    %get3A_0 = vector.load %arg2[%get3A] : memref<10000xf32, #tpu.memory_space<vmem>>, vector<10000xf32>
    %get3A_1 = arith.constant 0 : index
    %get3A_2 = arith.constant 0 : index
    %get3A_3 = vector.load %arg0[%get3A_1, %get3A_2] : memref<20480x32xf32, #tpu.memory_space<vmem>>, vector<10000x32xf32>
    %get3A_4 = arith.constant 10240 : index
    %get3A_5 = arith.constant 0 : index
    %get3A_6 = vector.load %arg0[%get3A_4, %get3A_5] : memref<20480x32xf32, #tpu.memory_space<vmem>>, vector<10000x32xf32>
    %concatenate3A = tpu.concatenate %get3A_3, %get3A_6 in 1 : vector<10000x32xf32>, vector<10000x32xf32> -> vector<10000x64xf32>
    %broadcast_in_dim3A = vector.shape_cast %get3A_0 : vector<10000xf32> to vector<10000x1xf32>
    %mul3A = vector.broadcast %broadcast_in_dim3A : vector<10000x1xf32> to vector<10000x64xf32>
    %mul3A_7 = arith.mulf %mul3A, %concatenate3A : vector<10000x64xf32>
    %get3A_8 = arith.constant 0 : index
    %get3A_9 = arith.constant 0 : index
    %get3A_10 = vector.load %arg1[%get3A_8, %get3A_9] : memref<10000x64xf32, #tpu.memory_space<vmem>>, vector<10000x64xf32>
    %add3A = arith.addf %mul3A_7, %get3A_10 : vector<10000x64xf32>
    %max3A = arith.constant 0.000000e+00 : f32
    %max3A_11 = vector.broadcast %max3A : f32 to vector<10000x64xf32>
    %max3A_12 = arith.maximumf %add3A, %max3A_11 : vector<10000x64xf32>
    %get3A_13 = arith.constant 0 : index
    %get3A_14 = arith.constant 0 : index
    %get3A_15 = vector.load %arg3[%get3A_13, %get3A_14] : memref<64x128xf32, #tpu.memory_space<vmem>>, vector<64x128xf32>
    %dot_general3A = arith.constant dense<0.000000e+00> : vector<10000x128xf32>
    %dot_general3A_16 = tpu.matmul %max3A_12, %get3A_15, %dot_general3A {dimension_numbers = #tpu.dot_dimension_numbers<[1], [0], [0], [1], [0, 0, 1, 1], [], []>, transpose_lhs_hint = false} : vector<10000x64xf32>, vector<64x128xf32>, vector<10000x128xf32> -> vector<10000x128xf32>
    %broadcast_in_dim3A_17 = vector.shape_cast %get3A_0 : vector<10000xf32> to vector<10000x1xf32>
    %mul3A_18 = vector.broadcast %broadcast_in_dim3A_17 : vector<10000x1xf32> to vector<10000x128xf32>
    %mul3A_19 = arith.mulf %dot_general3A_16, %mul3A_18 : vector<10000x128xf32>
    %broadcast_in_dim3A_20 = arith.constant 0.000000e+00 : f32
    %broadcast_in_dim3A_21 = vector.broadcast %broadcast_in_dim3A_20 : f32 to vector<240x64xf32>
    %slice3A = vector.extract_strided_slice %mul3A_19 {offsets = [0, 0], sizes = [10000, 64], strides = [1, 1]} : vector<10000x128xf32> to vector<10000x64xf32>
    %swap3A = arith.constant 0 : index
    %swap3A_22 = arith.constant 0 : index
    %swap3A_23 = vector.load %arg5[%swap3A, %swap3A_22] : memref<20480x64xf32, #tpu.memory_space<vmem>>, vector<10000x64xf32>
    tpu.vector_store %arg5[%swap3A, %swap3A_22], %slice3A {strides = array<i32>} : memref<20480x64xf32, #tpu.memory_space<vmem>>, vector<10000x64xf32>,
    %swap3A_24 = arith.constant 10000 : index
    %swap3A_25 = arith.constant 0 : index
    %swap3A_26 = vector.load %arg5[%swap3A_24, %swap3A_25] : memref<20480x64xf32, #tpu.memory_space<vmem>>, vector<240x64xf32>
    tpu.vector_store %arg5[%swap3A_24, %swap3A_25], %broadcast_in_dim3A_21 {strides = array<i32>} : memref<20480x64xf32, #tpu.memory_space<vmem>>, vector<240x64xf32>,
    %slice3A_27 = vector.extract_strided_slice %mul3A_19 {offsets = [0, 64], sizes = [10000, 64], strides = [1, 1]} : vector<10000x128xf32> to vector<10000x64xf32>
    %swap3A_28 = arith.constant 10240 : index
    %swap3A_29 = arith.constant 0 : index
    %swap3A_30 = vector.load %arg5[%swap3A_28, %swap3A_29] : memref<20480x64xf32, #tpu.memory_space<vmem>>, vector<10000x64xf32>
    tpu.vector_store %arg5[%swap3A_28, %swap3A_29], %slice3A_27 {strides = array<i32>} : memref<20480x64xf32, #tpu.memory_space<vmem>>, vector<10000x64xf32>,
    %swap3A_31 = arith.constant 20240 : index
    %swap3A_32 = arith.constant 0 : index
    %swap3A_33 = vector.load %arg5[%swap3A_31, %swap3A_32] : memref<20480x64xf32, #tpu.memory_space<vmem>>, vector<240x64xf32>
    tpu.vector_store %arg5[%swap3A_31, %swap3A_32], %broadcast_in_dim3A_21 {strides = array<i32>} : memref<20480x64xf32, #tpu.memory_space<vmem>>, vector<240x64xf32>,
    %mul3A_34 = arith.mulf %get3A_0, %get3A_0 : vector<10000xf32>
    %broadcast_in_dim3A_35 = vector.shape_cast %mul3A_34 : vector<10000xf32> to vector<10000x1xf32>
    %mul3A_36 = vector.broadcast %broadcast_in_dim3A_35 : vector<10000x1xf32> to vector<10000x128xf32>
    %mul3A_37 = arith.mulf %dot_general3A_16, %mul3A_36 : vector<10000x128xf32>
    %get3A_38 = arith.constant 0 : index
    %get3A_39 = vector.load %arg4[%get3A_38] : memref<128xf32, #tpu.memory_space<vmem>>, vector<128xf32>
    %broadcast_in_dim3A_40 = vector.shape_cast %get3A_39 : vector<128xf32> to vector<1x128xf32>
    %add3A_41 = vector.broadcast %broadcast_in_dim3A_40 : vector<1x128xf32> to vector<10000x128xf32>
    %add3A_42 = arith.addf %mul3A_37, %add3A_41 : vector<10000x128xf32>
    %swap3A_43 = arith.constant 0 : index
    %swap3A_44 = arith.constant 0 : index
    %swap3A_45 = vector.load %arg6[%swap3A_43, %swap3A_44] : memref<10000x128xf32, #tpu.memory_space<vmem>>, vector<10000x128xf32>
    tpu.vector_store %arg6[%swap3A_43, %swap3A_44], %add3A_42 {strides = array<i32>} : memref<10000x128xf32, #tpu.memory_space<vmem>>, vector<10000x128xf32>,
    return
  }
}

module attributes {stable_mosaic.version = 14 : i64} {
  func.func @_tc_mid_body(%arg0: memref<20480x64xf32, #tpu.memory_space<vmem>>, %arg1: memref<10000x128xf32, #tpu.memory_space<vmem>>, %arg2: memref<10000xf32, #tpu.memory_space<vmem>>, %arg3: memref<128x256xf32, #tpu.memory_space<vmem>>, %arg4: memref<256xf32, #tpu.memory_space<vmem>>, %arg5: memref<40960x64xf32, #tpu.memory_space<vmem>>, %arg6: memref<20480x128xf32, #tpu.memory_space<vmem>>) attributes {dimension_semantics = [], scalar_prefetch = 0 : i64, scratch_operands = 0 : i64, tpu.core_type = #tpu.core_type<tc>} {
    %get3A = arith.constant 0 : index
    %get3A_0 = vector.load %arg2[%get3A] : memref<10000xf32, #tpu.memory_space<vmem>>, vector<10000xf32>
    %get3A_1 = arith.constant 0 : index
    %get3A_2 = arith.constant 0 : index
    %get3A_3 = vector.load %arg0[%get3A_1, %get3A_2] : memref<20480x64xf32, #tpu.memory_space<vmem>>, vector<10000x64xf32>
    %get3A_4 = arith.constant 10240 : index
    %get3A_5 = arith.constant 0 : index
    %get3A_6 = vector.load %arg0[%get3A_4, %get3A_5] : memref<20480x64xf32, #tpu.memory_space<vmem>>, vector<10000x64xf32>
    %concatenate3A = tpu.concatenate %get3A_3, %get3A_6 in 1 : vector<10000x64xf32>, vector<10000x64xf32> -> vector<10000x128xf32>
    %broadcast_in_dim3A = vector.shape_cast %get3A_0 : vector<10000xf32> to vector<10000x1xf32>
    %mul3A = vector.broadcast %broadcast_in_dim3A : vector<10000x1xf32> to vector<10000x128xf32>
    %mul3A_7 = arith.mulf %mul3A, %concatenate3A : vector<10000x128xf32>
    %get3A_8 = arith.constant 0 : index
    %get3A_9 = arith.constant 0 : index
    %get3A_10 = vector.load %arg1[%get3A_8, %get3A_9] : memref<10000x128xf32, #tpu.memory_space<vmem>>, vector<10000x128xf32>
    %add3A = arith.addf %mul3A_7, %get3A_10 : vector<10000x128xf32>
    %max3A = arith.constant 0.000000e+00 : f32
    %max3A_11 = vector.broadcast %max3A : f32 to vector<10000x128xf32>
    %max3A_12 = arith.maximumf %add3A, %max3A_11 : vector<10000x128xf32>
    %get3A_13 = arith.constant 0 : index
    %get3A_14 = arith.constant 0 : index
    %get3A_15 = vector.load %arg3[%get3A_13, %get3A_14] : memref<128x256xf32, #tpu.memory_space<vmem>>, vector<128x256xf32>
    %dot_general3A = arith.constant dense<0.000000e+00> : vector<10000x256xf32>
    %dot_general3A_16 = tpu.matmul %max3A_12, %get3A_15, %dot_general3A {dimension_numbers = #tpu.dot_dimension_numbers<[1], [0], [0], [1], [0, 0, 1, 1], [], []>, transpose_lhs_hint = false} : vector<10000x128xf32>, vector<128x256xf32>, vector<10000x256xf32> -> vector<10000x256xf32>
    %broadcast_in_dim3A_17 = vector.shape_cast %get3A_0 : vector<10000xf32> to vector<10000x1xf32>
    %mul3A_18 = vector.broadcast %broadcast_in_dim3A_17 : vector<10000x1xf32> to vector<10000x256xf32>
    %mul3A_19 = arith.mulf %dot_general3A_16, %mul3A_18 : vector<10000x256xf32>
    %broadcast_in_dim3A_20 = arith.constant 0.000000e+00 : f32
    %broadcast_in_dim3A_21 = vector.broadcast %broadcast_in_dim3A_20 : f32 to vector<240x64xf32>
    %slice3A = vector.extract_strided_slice %mul3A_19 {offsets = [0, 0], sizes = [10000, 64], strides = [1, 1]} : vector<10000x256xf32> to vector<10000x64xf32>
    %swap3A = arith.constant 0 : index
    %swap3A_22 = arith.constant 0 : index
    %swap3A_23 = vector.load %arg5[%swap3A, %swap3A_22] : memref<40960x64xf32, #tpu.memory_space<vmem>>, vector<10000x64xf32>
    tpu.vector_store %arg5[%swap3A, %swap3A_22], %slice3A {strides = array<i32>} : memref<40960x64xf32, #tpu.memory_space<vmem>>, vector<10000x64xf32>,
    %swap3A_24 = arith.constant 10000 : index
    %swap3A_25 = arith.constant 0 : index
    %swap3A_26 = vector.load %arg5[%swap3A_24, %swap3A_25] : memref<40960x64xf32, #tpu.memory_space<vmem>>, vector<240x64xf32>
    tpu.vector_store %arg5[%swap3A_24, %swap3A_25], %broadcast_in_dim3A_21 {strides = array<i32>} : memref<40960x64xf32, #tpu.memory_space<vmem>>, vector<240x64xf32>,
    %slice3A_27 = vector.extract_strided_slice %mul3A_19 {offsets = [0, 64], sizes = [10000, 64], strides = [1, 1]} : vector<10000x256xf32> to vector<10000x64xf32>
    %swap3A_28 = arith.constant 10240 : index
    %swap3A_29 = arith.constant 0 : index
    %swap3A_30 = vector.load %arg5[%swap3A_28, %swap3A_29] : memref<40960x64xf32, #tpu.memory_space<vmem>>, vector<10000x64xf32>
    tpu.vector_store %arg5[%swap3A_28, %swap3A_29], %slice3A_27 {strides = array<i32>} : memref<40960x64xf32, #tpu.memory_space<vmem>>, vector<10000x64xf32>,
    %swap3A_31 = arith.constant 20240 : index
    %swap3A_32 = arith.constant 0 : index
    %swap3A_33 = vector.load %arg5[%swap3A_31, %swap3A_32] : memref<40960x64xf32, #tpu.memory_space<vmem>>, vector<240x64xf32>
    tpu.vector_store %arg5[%swap3A_31, %swap3A_32], %broadcast_in_dim3A_21 {strides = array<i32>} : memref<40960x64xf32, #tpu.memory_space<vmem>>, vector<240x64xf32>,
    %slice3A_34 = vector.extract_strided_slice %mul3A_19 {offsets = [0, 128], sizes = [10000, 64], strides = [1, 1]} : vector<10000x256xf32> to vector<10000x64xf32>
    %swap3A_35 = arith.constant 20480 : index
    %swap3A_36 = arith.constant 0 : index
    %swap3A_37 = vector.load %arg5[%swap3A_35, %swap3A_36] : memref<40960x64xf32, #tpu.memory_space<vmem>>, vector<10000x64xf32>
    tpu.vector_store %arg5[%swap3A_35, %swap3A_36], %slice3A_34 {strides = array<i32>} : memref<40960x64xf32, #tpu.memory_space<vmem>>, vector<10000x64xf32>,
    %swap3A_38 = arith.constant 30480 : index
    %swap3A_39 = arith.constant 0 : index
    %swap3A_40 = vector.load %arg5[%swap3A_38, %swap3A_39] : memref<40960x64xf32, #tpu.memory_space<vmem>>, vector<240x64xf32>
    tpu.vector_store %arg5[%swap3A_38, %swap3A_39], %broadcast_in_dim3A_21 {strides = array<i32>} : memref<40960x64xf32, #tpu.memory_space<vmem>>, vector<240x64xf32>,
    %slice3A_41 = vector.extract_strided_slice %mul3A_19 {offsets = [0, 192], sizes = [10000, 64], strides = [1, 1]} : vector<10000x256xf32> to vector<10000x64xf32>
    %swap3A_42 = arith.constant 30720 : index
    %swap3A_43 = arith.constant 0 : index
    %swap3A_44 = vector.load %arg5[%swap3A_42, %swap3A_43] : memref<40960x64xf32, #tpu.memory_space<vmem>>, vector<10000x64xf32>
    tpu.vector_store %arg5[%swap3A_42, %swap3A_43], %slice3A_41 {strides = array<i32>} : memref<40960x64xf32, #tpu.memory_space<vmem>>, vector<10000x64xf32>,
    %swap3A_45 = arith.constant 40720 : index
    %swap3A_46 = arith.constant 0 : index
    %swap3A_47 = vector.load %arg5[%swap3A_45, %swap3A_46] : memref<40960x64xf32, #tpu.memory_space<vmem>>, vector<240x64xf32>
    tpu.vector_store %arg5[%swap3A_45, %swap3A_46], %broadcast_in_dim3A_21 {strides = array<i32>} : memref<40960x64xf32, #tpu.memory_space<vmem>>, vector<240x64xf32>,
    %mul3A_48 = arith.mulf %get3A_0, %get3A_0 : vector<10000xf32>
    %broadcast_in_dim3A_49 = vector.shape_cast %mul3A_48 : vector<10000xf32> to vector<10000x1xf32>
    %mul3A_50 = vector.broadcast %broadcast_in_dim3A_49 : vector<10000x1xf32> to vector<10000x256xf32>
    %mul3A_51 = arith.mulf %dot_general3A_16, %mul3A_50 : vector<10000x256xf32>
    %get3A_52 = arith.constant 0 : index
    %get3A_53 = vector.load %arg4[%get3A_52] : memref<256xf32, #tpu.memory_space<vmem>>, vector<256xf32>
    %broadcast_in_dim3A_54 = vector.shape_cast %get3A_53 : vector<256xf32> to vector<1x256xf32>
    %add3A_55 = vector.broadcast %broadcast_in_dim3A_54 : vector<1x256xf32> to vector<10000x256xf32>
    %add3A_56 = arith.addf %mul3A_51, %add3A_55 : vector<10000x256xf32>
    %slice3A_57 = vector.extract_strided_slice %add3A_56 {offsets = [0, 0], sizes = [10000, 128], strides = [1, 1]} : vector<10000x256xf32> to vector<10000x128xf32>
    %swap3A_58 = arith.constant 0 : index
    %swap3A_59 = arith.constant 0 : index
    %swap3A_60 = vector.load %arg6[%swap3A_58, %swap3A_59] : memref<20480x128xf32, #tpu.memory_space<vmem>>, vector<10000x128xf32>
    tpu.vector_store %arg6[%swap3A_58, %swap3A_59], %slice3A_57 {strides = array<i32>} : memref<20480x128xf32, #tpu.memory_space<vmem>>, vector<10000x128xf32>,
    %slice3A_61 = vector.extract_strided_slice %add3A_56 {offsets = [0, 128], sizes = [10000, 128], strides = [1, 1]} : vector<10000x256xf32> to vector<10000x128xf32>
    %swap3A_62 = arith.constant 10240 : index
    %swap3A_63 = arith.constant 0 : index
    %swap3A_64 = vector.load %arg6[%swap3A_62, %swap3A_63] : memref<20480x128xf32, #tpu.memory_space<vmem>>, vector<10000x128xf32>
    tpu.vector_store %arg6[%swap3A_62, %swap3A_63], %slice3A_61 {strides = array<i32>} : memref<20480x128xf32, #tpu.memory_space<vmem>>, vector<10000x128xf32>,
    return
  }
}

module attributes {stable_mosaic.version = 14 : i64} {
  func.func @_tc5_body(%arg0: memref<8192x128xf32, #tpu.memory_space<vmem>>, %arg1: memref<256x256xf32, #tpu.memory_space<vmem>>, %arg2: memref<256xf32, #tpu.memory_space<vmem>>, %arg3: memref<256x128xf32, #tpu.memory_space<vmem>>, %arg4: memref<128xf32, #tpu.memory_space<vmem>>, %arg5: memref<256x128xf32, #tpu.memory_space<vmem>>) attributes {dimension_semantics = [], scalar_prefetch = 0 : i64, scratch_operands = 0 : i64, tpu.core_type = #tpu.core_type<tc>} {
    %get3A = arith.constant 0 : index
    %get3A_0 = arith.constant 0 : index
    %get3A_1 = vector.load %arg0[%get3A, %get3A_0] : memref<8192x128xf32, #tpu.memory_space<vmem>>, vector<8192x128xf32>
    %slice3A = vector.extract_strided_slice %get3A_1 {offsets = [0, 0], sizes = [4096, 128], strides = [1, 1]} : vector<8192x128xf32> to vector<4096x128xf32>
    %reshape3A = vector.shape_cast %slice3A : vector<4096x128xf32> to vector<16x256x128xf32>
    %reduce_max3A = arith.constant dense<0xFF800000> : vector<256x128xf32>
    %reduce_max3A_2 = vector.multi_reduction <maximumf>, %reshape3A, %reduce_max3A [0] : vector<16x256x128xf32> to vector<256x128xf32>
    %slice3A_3 = vector.extract_strided_slice %get3A_1 {offsets = [4096, 0], sizes = [4096, 128], strides = [1, 1]} : vector<8192x128xf32> to vector<4096x128xf32>
    %reshape3A_4 = vector.shape_cast %slice3A_3 : vector<4096x128xf32> to vector<16x256x128xf32>
    %reduce_max3A_5 = arith.constant dense<0xFF800000> : vector<256x128xf32>
    %reduce_max3A_6 = vector.multi_reduction <maximumf>, %reshape3A_4, %reduce_max3A_5 [0] : vector<16x256x128xf32> to vector<256x128xf32>
    %concatenate3A = tpu.concatenate %reduce_max3A_2, %reduce_max3A_6 in 1 : vector<256x128xf32>, vector<256x128xf32> -> vector<256x256xf32>
    %get3A_7 = arith.constant 0 : index
    %get3A_8 = arith.constant 0 : index
    %get3A_9 = vector.load %arg1[%get3A_7, %get3A_8] : memref<256x256xf32, #tpu.memory_space<vmem>>, vector<256x256xf32>
    %dot_general3A = arith.constant dense<0.000000e+00> : vector<256x256xf32>
    %dot_general3A_10 = tpu.matmul %concatenate3A, %get3A_9, %dot_general3A {dimension_numbers = #tpu.dot_dimension_numbers<[1], [0], [0], [1], [0, 0, 1, 1], [], []>, transpose_lhs_hint = false} : vector<256x256xf32>, vector<256x256xf32>, vector<256x256xf32> -> vector<256x256xf32>
    %get3A_11 = arith.constant 0 : index
    %get3A_12 = vector.load %arg2[%get3A_11] : memref<256xf32, #tpu.memory_space<vmem>>, vector<256xf32>
    %broadcast_in_dim3A = vector.shape_cast %get3A_12 : vector<256xf32> to vector<1x256xf32>
    %add3A = vector.broadcast %broadcast_in_dim3A : vector<1x256xf32> to vector<256x256xf32>
    %add3A_13 = arith.addf %dot_general3A_10, %add3A : vector<256x256xf32>
    %max3A = arith.constant 0.000000e+00 : f32
    %max3A_14 = vector.broadcast %max3A : f32 to vector<256x256xf32>
    %max3A_15 = arith.maximumf %add3A_13, %max3A_14 : vector<256x256xf32>
    %get3A_16 = arith.constant 0 : index
    %get3A_17 = arith.constant 0 : index
    %get3A_18 = vector.load %arg3[%get3A_16, %get3A_17] : memref<256x128xf32, #tpu.memory_space<vmem>>, vector<256x128xf32>
    %dot_general3A_19 = arith.constant dense<0.000000e+00> : vector<256x128xf32>
    %dot_general3A_20 = tpu.matmul %max3A_15, %get3A_18, %dot_general3A_19 {dimension_numbers = #tpu.dot_dimension_numbers<[1], [0], [0], [1], [0, 0, 1, 1], [], []>, transpose_lhs_hint = false} : vector<256x256xf32>, vector<256x128xf32>, vector<256x128xf32> -> vector<256x128xf32>
    %get3A_21 = arith.constant 0 : index
    %get3A_22 = vector.load %arg4[%get3A_21] : memref<128xf32, #tpu.memory_space<vmem>>, vector<128xf32>
    %broadcast_in_dim3A_23 = vector.shape_cast %get3A_22 : vector<128xf32> to vector<1x128xf32>
    %add3A_24 = vector.broadcast %broadcast_in_dim3A_23 : vector<1x128xf32> to vector<256x128xf32>
    %add3A_25 = arith.addf %dot_general3A_20, %add3A_24 : vector<256x128xf32>
    %swap3A = arith.constant 0 : index
    %swap3A_26 = arith.constant 0 : index
    %swap3A_27 = vector.load %arg5[%swap3A, %swap3A_26] : memref<256x128xf32, #tpu.memory_space<vmem>>, vector<256x128xf32>
    tpu.vector_store %arg5[%swap3A, %swap3A_26], %add3A_25 {strides = array<i32>} : memref<256x128xf32, #tpu.memory_space<vmem>>, vector<256x128xf32>,
    return
  }
}

</mosaic_0001>

<sc_bundles>
// kernel: kernel.11.cloned.1.call-start
scs
__scs_entry_jumppad:
0x0: {  	(pc) =	sbr.rel $0x88, $3  }
0x1: {  	(tag) =	ssettag $0x0;
	lr =	simm.s32 $0x1  }
0x2: {  	[smem:$0x3F92] =	sst lr;
	_ =	strace $0xD0000000  }
0x3: {  	_ = 	snop  }
0x4: {  	_ = 	snop  }
0x5: {  	_ = 	snop  }
0x6: {  	_ = 	snop  }
0x7: {  	_ = 	snop  }
__scs_overlays_trampoline_lowered:
0x8: {  	[smem:$0x3FA1] =	sst s0  }
0x9: {  	[smem:$0x3FA2] =	sst s1  }
0xa: {  	[smem:$0x3FA3] =	sst s2  }
0xb: {  	[smem:$0x3FA4] =	sst s3  }
0xc: {  	[smem:$0x3FA5] =	sst s4  }
0xd: {  	[smem:$0x3FA6] =	sst s5  }
0xe: {  	[smem:$0x3FA7] =	sst s6  }
0xf: {  	[smem:$0x3FA8] =	sst s7  }
0x10: {  	[smem:$0x3FA9] =	sst s8  }
0x11: {  	[smem:$0x3FAA] =	sst s9;
	s0 =	simm.s32 @!p0 $0x0  }
0x12: {  	s1 =	sld [smem:$0x3F90];
	s0 =	simm.s32 @p0 $0x1  }
0x13: {  	[smem:$0x3FAB] =	sst s0;
	s0 =	simm.s32 @!p1 $0x0  }
0x14: {  	s2 =	sld [smem:$0x3F8F];
	s0 =	simm.s32 @p1 $0x1  }
0x15: {  	[smem:$0x3FAC] =	sst s0;
	s0 =	simm.s32 @!p2 $0x0  }
0x16: {  	s3 =	sld [smem:$0x3FDB];
	s0 =	simm.s32 @p2 $0x1  }
0x17: {  	s4 =	simm.s32 $0x1BF5;
	[smem:$0x3FAE] =	sst s0  }
0x18: {  	s0 =	sld [smem:$0x3F91];
	_ =	swait.ge [sflag:s4], $0x0  }
0x19: {  	s7 =	sld [smem:$0x3F92]  }
0x1a: {  	s8 =	sadd.s32 $0xFFFFE003, lr  }
0x1b: {  	s9 =	sadd.s32 $0xFFFFFEF7, lr;
	s5 =	simm.s32 $0xFFFFFFFF;
	p2 =	slt.u32 s8, $0xFFFFF086  }
0x1c: {  	p1 =	slt.u32 s9, $0xF7A;
	s5 =	simm.s32 @!p2 $0x0  }
0x1d: {  	s5 =	simm.s32 @p1 $0x1;
	p0 =	seq.s32 s7, s2  }
0x1e: {  	s7 =	smul.u32 @!p0 $0xF7A, s2;
	p2 =	seq.s32 @!p0 s5, $0x0  }
0x1f: {  	s9 =	smul.u32 $0xF7A, s1;
	s8 =	simm.s32 @!p0 $0x1BF5;
	p2 =	por !p2, p0  }
0x20: {  	[sflag:s8] =	ssyncset.s32 @!p0 $0xFFFFF086;
	s6 =	sadd.s32 @!p0 s3, s7;
	s7 =	simm.s32 @!p0 $0x108  }
0x21: {  	s3 =	sadd.s32 s3, s9;
	s6 =	sadd.s32 @!p0 $0x88, s6;
	s7 =	simm.s32 @p2 $0x1082  }
0x22: {  	[simem:s7], [sflag:s8] =	dma.local @!p0 [hbm:s6], $0xF7A  }
0x23: {  	s9 =	sor.u32 $0xD0000000, s2;
	s6 =	simm.s32 $0x108;
	_ =	swait.ge @!p0 [sflag:s8], $0x0  }
0x24: {  	s3 =	sadd.s32 $0x88, s3;
	s6 =	simm.s32 @!p1 $0x1082;
	[sflag:s4] =	ssyncset.s32 $0xFFFFF086  }
0x25: {  	[simem:s6], [sflag:s4] =	dma.local [hbm:s3], $0xF7A  }
0x26: {  	[smem:$0x3F92] =	sst s1;
	(tag) =	ssettag s2;
	_ =	strace s9  }
0x27: {  	s1 =	sld [smem:$0x3FA2]  }
0x28: {  	s2 =	sld [smem:$0x3FA3]  }
0x29: {  	s4 =	sld [smem:$0x3FA5]  }
0x2a: {  	p0 =	seq.s32 s5, $0x0;
	s5 =	sld [smem:$0x3FA6]  }
0x2b: {  	s6 =	sld [smem:$0x3FA7]  }
0x2c: {  	s7 =	sld [smem:$0x3FA8]  }
0x2d: {  	s3 =	simm.s32 $0x108;
	s8 =	sld [smem:$0x3FA9]  }
0x2e: {  	s3 =	simm.s32 @!p0 $0x1082;
	s9 =	sld [smem:$0x3FAA]  }
0x2f: {  	lr =	sadd.s32 s0, s3;
	s0 =	sld [smem:$0x3FA1]  }
0x30: {  	s3 =	sld [smem:$0x3FA4]  }
0x31: {  	[smem:$0x3FAD] =	sst s10  }
0x32: {  	s10 =	sld [smem:$0x3FAB];
	_ =	sdelay $0x3  }
0x33: {  	p0 =	seq.s32 s10, $0x1;
	s10 =	sld [smem:$0x3FAD];
	_ =	sdelay $0x3  }
0x34: {  	[smem:$0x3FAD] =	sst s10  }
0x35: {  	s10 =	sld [smem:$0x3FAC];
	_ =	sdelay $0x3  }
0x36: {  	p1 =	seq.s32 s10, $0x1;
	s10 =	sld [smem:$0x3FAD];
	_ =	sdelay $0x3  }
0x37: {  	[smem:$0x3FAD] =	sst s10  }
0x38: {  	s10 =	sld [smem:$0x3FAE]  }
0x39: {  	_ = 	snop;
	(pc) =	sbr.ind lr, $3  }
0x3a: {  	_ = 	snop  }
0x3b: {  	_ = 	snop  }
0x3c: {  	p2 =	seq.s32 s10, $0x1;
	s10 =	sld [smem:$0x3FAD]  }
0x3d: {  	_ =	shalt  }
0x3e: {  	_ =	shalt  }
0x3f: {  	_ =	shalt  }
0x40: {  	_ =	shalt  }
0x41: {  	_ =	shalt  }
0x42: {  	_ =	shalt  }
0x43: {  	_ =	shalt  }
0x44: {  	_ =	shalt  }
0x45: {  	_ =	shalt  }
0x46: {  	_ =	shalt  }
0x47: {  	_ =	shalt  }
0x48: {  	_ =	shalt  }
0x49: {  	_ =	shalt  }
0x4a: {  	_ =	shalt  }
0x4b: {  	_ =	shalt  }
0x4c: {  	_ =	shalt  }
0x4d: {  	_ =	shalt  }
0x4e: {  	_ =	shalt  }
0x4f: {  	_ =	shalt  }
0x50: {  	_ =	shalt  }
0x51: {  	_ =	shalt  }
0x52: {  	_ =	shalt  }
0x53: {  	_ =	shalt  }
0x54: {  	_ =	shalt  }
0x55: {  	_ =	shalt  }
0x56: {  	_ =	shalt  }
0x57: {  	_ =	shalt  }
0x58: {  	_ =	shalt  }
0x59: {  	_ =	shalt  }
0x5a: {  	_ =	shalt  }
0x5b: {  	_ =	shalt  }
0x5c: {  	_ =	shalt  }
0x5d: {  	_ =	shalt  }
0x5e: {  	_ =	shalt  }
0x5f: {  	_ =	shalt  }
0x60: {  	_ =	shalt  }
0x61: {  	_ =	shalt  }
0x62: {  	_ =	shalt  }
0x63: {  	_ =	shalt  }
0x64: {  	_ =	shalt  }
0x65: {  	_ =	shalt  }
0x66: {  	_ =	shalt  }
0x67: {  	_ =	shalt  }
0x68: {  	_ =	shalt  }
0x69: {  	_ =	shalt  }
0x6a: {  	_ =	shalt  }
0x6b: {  	_ =	shalt  }
0x6c: {  	_ =	shalt  }
0x6d: {  	_ =	shalt  }
0x6e: {  	_ =	shalt  }
0x6f: {  	_ =	shalt  }
0x70: {  	_ =	shalt  }
0x71: {  	_ =	shalt  }
0x72: {  	_ =	shalt  }
0x73: {  	_ =	shalt  }
0x74: {  	_ =	shalt  }
0x75: {  	_ =	shalt  }
0x76: {  	_ =	shalt  }
0x77: {  	_ =	shalt  }
0x78: {  	_ =	shalt  }
0x79: {  	_ =	shalt  }
0x7a: {  	_ =	shalt  }
0x7b: {  	_ =	shalt  }
0x7c: {  	_ =	shalt  }
0x7d: {  	_ =	shalt  }
0x7e: {  	_ =	shalt  }
0x7f: {  	_ =	shalt  }
0x80: {  	_ =	shalt  }
0x81: {  	_ =	shalt  }
0x82: {  	_ =	shalt  }
0x83: {  	_ =	shalt  }
0x84: {  	_ =	shalt  }
0x85: {  	_ =	shalt  }
0x86: {  	_ =	shalt  }
0x87: {  	_ =	shalt  }
.Lfunc_end0:
.L_simem_size_0:
called_computation_lowered:
.L_overlay_start_0:
0x88: {  	s2 =	sld [smem:$0x3FD9]  }
0x89: {  	s3 =	sld [smem:$0x3FFE];
	_ =	sdelay $0x1  }
0x8a: {  	s1 =	srdreg.scid  }
0x8b: {  	s0 =	sand.u32 $0x1, s1  }
0x8c: {  	s16 =	sshll.u32 s0, $0xA;
	s2 =	sadd.s32 s3, s2  }
0x8d: {  	s2 =	sadd.s32 s2, s16  }
0x8e: {  	[smem:$0x3FB9] =	sst s2  }
0x8f: {  	_ = 	snop  }
0x90: {  	(tm) =	ssettm $0x1  }
0x91: {  	s17 =	sld [smem:$0x3FFB];
	_ =	sdelay $0x3  }
0x92: {  	_ =	strace s17  }
0x93: {  	s2 =	sld [smem:$0x3FFC];
	_ =	sdelay $0x3  }
0x94: {  	_ =	strace s2  }
0x95: {  	s2 =	sld [smem:$0x3FFD];
	_ =	sdelay $0x3  }
0x96: {  	_ =	strace s2  }
0x97: {  	_ =	strace $0x8FFFFFFF  }
0x98: {  	s18 =	sld [smem:$0x3FDB];
	_ =	sdelay $0x1  }
0x99: {  	s19 =	simm.s32 $_scs_section_size  }
0x9a: {  	s4 =	simm.s32 $_size__tile_overlayer_lowered;
	s5 =	simm.s32 $_tile_overlayer_lowered  }
0x9b: {  	s22 =	simm.s32 $0x1BFF;
	s21 =	sshll.u32 s5, $0x1;
	s2 =	sadd.s32 s19, s18  }
0x9c: {  	s6 =	simm.s32 $0x0;
	s20 =	sshll.u32 s4, $0x1;
	s4 =	sadd.s32 s21, s2  }
0x9d: {  	[timem:s6], [sflag:s22] =	dma.local [hbm:s4], s20  }
0x9e: {  	_ =	swait.ge [sflag:s22], s20  }
0x9f: {  	s3 =	ssub.s32 $0x0, s20;
	[sflag:s22] =	ssyncset.done $0x0  }
0xa0: {  	[sflag:s22] =	ssyncadd.s32 s3;
	_ =	sdelay $0x1  }
0xa1: {  	s23 =	simm.s32 $0x1B8B  }
0xa2: {  	_ =	swait.ge [sflag:s23], $0x1  }
0xa3: {  	[sflag:s23] =	ssyncset.done $0x0  }
0xa4: {  	s25 =	simm.s32 $0x1B8E;
	s24 =	sld [smem:$0x3FFE];
	[sflag:s23] =	ssyncadd.s32 $0xFFFFFFFF  }
0xa5: {  	s26 =	simm.s32 $execute0_lowered;
	[smem:$0x3FD2] =	sst s25  }
0xa6: {  	s4 =	sshll.u32 s26, $0x1;
	_ =	strace $0x80000046;
	[dreg:$0x1] =	wrdreg $0xFFFFFFFF  }
0xa7: {  	s28 =	simm.s32 $_size_execute0_lowered;
	s2 =	sadd.s32 s2, s4;
	[dreg:$0x0] =	wrdreg $0x0  }
0xa8: {  	s4 =	sshll.u32 s28, $0x1;
	[dreg:$0x2] =	wrdreg s2  }
0xa9: {  	[dreg:$0x3] =	wrdreg s4  }
0xaa: {  	[dreg:$0x4] =	wrdreg $0xC0  }
0xab: {  	_ =	task [dreg:s6], $0x5FFFF  }
0xac: {  	[dreg:$0x1] =	wrdreg $0xFFFFFFFF  }
0xad: {  	[dreg:$0x0] =	wrdreg $0x60  }
0xae: {  	[dreg:$0x2] =	wrdreg s24  }
0xaf: {  	[dreg:$0x3] =	wrdreg $0x37D00  }
0xb0: {  	[dreg:$0x4] =	wrdreg $0x9  }
0xb1: {  	_ =	task.clear_ibuf [dreg:s6], $0x5FFFF;
	_ =	strace $0x90000046  }
0xb2: {  	s29 =	simm.s32 $0x9;
	_ =	strace $0x80000048  }
0xb3: {  	_ =	swait.ge [sflag:s29], $0x1  }
0xb4: {  	[sflag:s29] =	ssyncadd.s32 $0xFFFFFFFF  }
0xb5: {  	_ =	strace $0x90000048  }
0xb6: {  	_ =	sfence  }
0xb7: {  	s30 =	sld [smem:$0x0];
	_ =	sdelay $0x2  }
0xb8: {  	s31 =	sshll.u32 s1, $0xD;
	s1 =	sshrl.u32 s1, $0x2  }
0xb9: {  	s3 =	sand.u32 $0x4000, s31;
	s1 =	sadd.s32 s1, s30  }
0xba: {  	s0 =	sor.u32 s3, s0;
	s1 =	sshll.u32 s1, $0x11  }
0xbb: {  	s0 =	sor.u32 s1, s0  }
0xbc: {  	s0 =	sadd.s32 $0x8F2B, s0  }
0xbd: {  	[sflag:s0] =	ssyncadd.remote.s32 $0x1  }
0xbe: {  	_ =	sfence.sel $0xFFFF  }
0xbf: {  	[dreg:$0x0] =	wrdreg $0xFFFFFFFF;
	(pc) =	sbr.abs _section_cstart, $3  }
0xc0: {  	[dreg:$0x1] =	wrdreg $0xFFFFFFFF  }
0xc1: {  	_ =	task.clear_ibuf [dreg:s6], $0x2FFFF;
	_ =	strace $0x9FFFFFFF  }
0xc2: {  	(tm) =	ssettm $0x7FFFFFFF  }
0xc3: {  	_ =	shalt  }
tec
execute0_lowered:
.L_overlay_start_1:
0x0: {  	(tag) =	ssettag $0x1  }
0x1: {  	s4 =	rddreg [dreg:$0x0];
	s0 =	srdreg.scid  }
0x2: {  	s2 =	rddreg [dreg:$0x1];
	s1 =	stileid.u32  }
0x3: {  	s3 =	simm.s32 $0x0;
	s16 =	simm.s32 $0x2FD0;
	s17 =	simm.s32 $0x1  }
0x4: {  	s18 =	simm.s32 $0x7D;
	s19 =	simm.s32 $0x2800;
	s20 =	simm.s32 $0x0  }
0x5: {  	s5 =	sand.u32 $0x1, s0;
	s0 =	rddreg [dreg:$0x2];
	s7 =	smul.u32 $0x280, s1  }
0x6: {  	[smem:$0x7FF] =	sst s3;
	s6 =	sshll.u32 s5, $0x4;
	s8 =	smul.u32 $0x2800, s5  }
0x7: {  	s28 =	smul.u32 $0xA000, s1;
	_ =	strace $0x80000047;
	s6 =	sor.u32 s1, s6  }
0x8: {  	s5 =	ssub.s32 $0x2, s5;
	s6 =	smul.u32 $0x500, s6;
	s7 =	sadd.s32 s8, s7  }
0x9: {  	s29 =	sshrl.u32 s5, $0x1;
	s30 =	sshrl.u32 s28, $0x2;
	s7 =	sshll.u32 s7, $0x1  }
0xa: {  	s31 =	ssub.s32 s5, s29;
	s6 =	sadd.s32 s6, s4;
	s15 =	sadd.s32 s7, s4  }
0xb: {  	s4 =	sadd.s32 s30, s2;
	s5 =	sadd.s32 $0x3800, s6;
	s6 =	smax.u32 s31, $0x1  }
0xc: {  	s7 =	sadd.s32 $0x800, s4;
	s8 =	sadd.s32 $0x1000, s4;
	s9 =	sadd.s32 $0x1800, s4  }
0xd: {  	s10 =	sadd.s32 $0x2000, s4;
	s11 =	sadd.s32 $0xD800, s15;
	s12 =	sadd.s32 $0xD900, s15  }
0xe: {  	v0 =	vimm.f32 $1.000000000e+00;
	v1 =	vimm.f32 $0.0e+00;
	s13 =	sadd.s32 $0xDA00, s15;
	s14 =	sadd.s32 $0xDB00, s15;
	s15 =	sadd.s32 $0xDC00, s15  }
.LBB2_1:
0xf: {  	s21 =	simm.s32 $0x0  }
.LBB2_2:
0x10: {  	p0 =	sne.s32 s21, $0x1F00  }
.Ltmp0:
0x11: {  	_ = 	snop;
	(pc) =	sbr.rel @p0 .LBB2_2-.Ltmp0, $3  }
0x12: {  	_ =	sdelay $0x1  }
0x13: {  	s22 =	sshra.s32 s21, $0x2  }
0x14: {  	s21 =	sadd.s32 $0x40, s21;
	[tilespmem:s22+$0x2800] =	vst v0  }
0x15: {  	s21 =	simm.s32 $0x40;
	s22 =	simm.s32 $0x0  }
.LBB2_4:
0x16: {  	p0 =	sne.s32 s21, $0x1FC0;
	[tilespmem:s22+$0x2FD0] =	vst v1;
	s22 =	smov.u32 s21;
	s21 =	sadd.s32 $0x40, s21  }
.Ltmp1:
0x17: {  	(pc) =	sbr.rel @p0 .LBB2_4-.Ltmp1, $2  }
0x18: {  	_ =	sdelay $0x2  }
0x19: {  	s22 =	sshra.s32 s22, $0x2  }
0x1a: {  	[tilespmem:s22+$0x2FD0] =	vst v1  }
0x1b: {  	[spmem:s4] =	stream.linear.scatter [tilespmem:s16], [sflag:$0x1], $0x800, $0x38;
	[tilespmem:$0x5FD0] =	vst v63  }
0x1c: {  	_ =	swait.ge [sflag:s17], $0x800  }
0x1d: {  	[sflag:s17] =	ssyncset.done $0x0  }
0x1e: {  	[sflag:s17] =	ssyncadd.s32 $0xFFFFF800  }
0x1f: {  	[spmem:s7] =	stream.linear.scatter [tilespmem:s16], [sflag:$0x1], $0x800, $0x38;
	[tilespmem:$0x5FD0] =	vst v63  }
0x20: {  	_ =	swait.ge [sflag:s17], $0x800  }
0x21: {  	[sflag:s17] =	ssyncset.done $0x0  }
0x22: {  	[sflag:s17] =	ssyncadd.s32 $0xFFFFF800  }
0x23: {  	[spmem:s8] =	stream.linear.scatter [tilespmem:s16], [sflag:$0x1], $0x800, $0x38;
	[tilespmem:$0x5FD0] =	vst v63  }
0x24: {  	_ =	swait.ge [sflag:s17], $0x800  }
0x25: {  	[sflag:s17] =	ssyncset.done $0x0  }
0x26: {  	[sflag:s17] =	ssyncadd.s32 $0xFFFFF800  }
0x27: {  	[spmem:s9] =	stream.linear.scatter [tilespmem:s16], [sflag:$0x1], $0x800, $0x38;
	[tilespmem:$0x5FD0] =	vst v63  }
0x28: {  	_ =	swait.ge [sflag:s17], $0x800  }
0x29: {  	[sflag:s17] =	ssyncset.done $0x0  }
0x2a: {  	[sflag:s17] =	ssyncadd.s32 $0xFFFFF800  }
0x2b: {  	[spmem:s10] =	stream.linear.scatter [tilespmem:s16], [sflag:$0x1], $0x800, $0x38;
	[tilespmem:$0x5FD0] =	vst v63  }
0x2c: {  	_ =	swait.ge [sflag:s17], $0x800  }
0x2d: {  	[sflag:s17] =	ssyncset.done $0x0  }
0x2e: {  	s21 =	simm.s32 $0x0;
	[sflag:s17] =	ssyncadd.s32 $0xFFFFF800  }
0x2f: {  	[tilespmem:s21], [sflag:$0x1] =	stream.linear.gather [hbm4b:s5+s21], $0x2800, $0x38;
	[tilespmem:$0x5FD0] =	vst v63  }
0x30: {  	_ =	swait.ge [sflag:s17], $0x2800  }
0x31: {  	[sflag:s17] =	ssyncset.done $0x0  }
0x32: {  	[sflag:s17] =	ssyncadd.s32 $0xFFFFD800  }
0x33: {  	s31 =	simm.s32 $0x0;
	[bflag:$0x0] =	sbarrier.arrive $0xFFFF  }
0x34: {  	[spmem:s2] =	stream.indirect.scatter.add.f32 [tilespmem:s19], [sflag:$0x1], $0x10, s31, s18, $0xb8;
	[tilespmem:$0x5FD0] =	vst v63  }
0x35: {  	_ =	swait.ge [sflag:s17], $0x7D0  }
0x36: {  	s21 =	simm.s32 $0x200;
	[sflag:s17] =	ssyncset.done $0x0  }
.LBB2_6:
0x37: {  	s22 =	sshra.s32 s21, $0x2;
	[sflag:s17] =	ssyncadd.s32 $0xFFFFF830;
	p0 =	sne.s32 s21, $0x9E00  }
0x38: {  	[spmem:s2] =	stream.indirect.scatter.add.f32 [tilespmem:s19], [sflag:$0x1], $0x10, s22, s18, $0xb8;
	[tilespmem:$0x5FD0] =	vst v63  }
.Ltmp2:
0x39: {  	_ = 	snop;
	(pc) =	sbr.rel @p0 .LBB2_6-.Ltmp2, $4  }
0x3a: {  	_ = 	snop  }
0x3b: {  	s21 =	sadd.s32 $0x200, s21  }
0x3c: {  	_ =	swait.ge [sflag:s17], $0x7D0  }
0x3d: {  	[sflag:s17] =	ssyncset.done $0x0  }
0x3e: {  	[sflag:s17] =	ssyncadd.s32 $0xFFFFF830  }
0x3f: {  	[bflag:$0x0] =	sbarrier.arrive $0xFFFF  }
0x40: {  	[tilespmem:s16], [sflag:$0x1] =	stream.linear.gather [spmem:s4], $0x800, $0x38;
	[tilespmem:$0x5FD0] =	vst v63  }
0x41: {  	_ =	swait.ge [sflag:s17], $0x800  }
0x42: {  	[sflag:s17] =	ssyncset.done $0x0  }
0x43: {  	[sflag:s17] =	ssyncadd.s32 $0xFFFFF800  }
0x44: {  	[hbm4b:s11+s3] =	stream.linear.scatter [tilespmem:s16], [sflag:$0x1], $0x800, $0x38;
	[tilespmem:$0x5FD0] =	vst v63  }
0x45: {  	_ =	swait.ge [sflag:s17], $0x800  }
0x46: {  	[sflag:s17] =	ssyncset.done $0x0  }
0x47: {  	[sflag:s17] =	ssyncadd.s32 $0xFFFFF800  }
0x48: {  	[tilespmem:s16], [sflag:$0x1] =	stream.linear.gather [spmem:s7], $0x800, $0x38;
	[tilespmem:$0x5FD0] =	vst v63  }
0x49: {  	_ =	swait.ge [sflag:s17], $0x800  }
0x4a: {  	[sflag:s17] =	ssyncset.done $0x0  }
0x4b: {  	[sflag:s17] =	ssyncadd.s32 $0xFFFFF800  }
0x4c: {  	[hbm4b:s12+s3] =	stream.linear.scatter [tilespmem:s16], [sflag:$0x1], $0x800, $0x38;
	[tilespmem:$0x5FD0] =	vst v63  }
0x4d: {  	_ =	swait.ge [sflag:s17], $0x800  }
0x4e: {  	[sflag:s17] =	ssyncset.done $0x0  }
0x4f: {  	[sflag:s17] =	ssyncadd.s32 $0xFFFFF800  }
0x50: {  	[tilespmem:s16], [sflag:$0x1] =	stream.linear.gather [spmem:s8], $0x800, $0x38;
	[tilespmem:$0x5FD0] =	vst v63  }
0x51: {  	_ =	swait.ge [sflag:s17], $0x800  }
0x52: {  	[sflag:s17] =	ssyncset.done $0x0  }
0x53: {  	[sflag:s17] =	ssyncadd.s32 $0xFFFFF800  }
0x54: {  	[hbm4b:s13+s3] =	stream.linear.scatter [tilespmem:s16], [sflag:$0x1], $0x800, $0x38;
	[tilespmem:$0x5FD0] =	vst v63  }
0x55: {  	_ =	swait.ge [sflag:s17], $0x800  }
0x56: {  	[sflag:s17] =	ssyncset.done $0x0  }
0x57: {  	[sflag:s17] =	ssyncadd.s32 $0xFFFFF800  }
0x58: {  	[tilespmem:s16], [sflag:$0x1] =	stream.linear.gather [spmem:s9], $0x800, $0x38;
	[tilespmem:$0x5FD0] =	vst v63  }
0x59: {  	_ =	swait.ge [sflag:s17], $0x800  }
0x5a: {  	[sflag:s17] =	ssyncset.done $0x0  }
0x5b: {  	[sflag:s17] =	ssyncadd.s32 $0xFFFFF800  }
0x5c: {  	[hbm4b:s14+s3] =	stream.linear.scatter [tilespmem:s16], [sflag:$0x1], $0x800, $0x38;
	[tilespmem:$0x5FD0] =	vst v63  }
0x5d: {  	_ =	swait.ge [sflag:s17], $0x800  }
0x5e: {  	[sflag:s17] =	ssyncset.done $0x0  }
0x5f: {  	[sflag:s17] =	ssyncadd.s32 $0xFFFFF800  }
0x60: {  	[tilespmem:s16], [sflag:$0x1] =	stream.linear.gather [spmem:s10], $0x800, $0x38;
	[tilespmem:$0x5FD0] =	vst v63  }
0x61: {  	s20 =	sadd.s32 $0x1, s20;
	_ =	swait.ge [sflag:s17], $0x800  }
0x62: {  	p0 =	sne.s32 s20, s6;
	[sflag:s17] =	ssyncset.done $0x0  }
.Ltmp3:
0x63: {  	[sflag:s17] =	ssyncadd.s32 $0xFFFFF800;
	(pc) =	sbr.rel @p0 .LBB2_1-.Ltmp3, $4  }
0x64: {  	[hbm4b:s15+s3] =	stream.linear.scatter [tilespmem:s16], [sflag:$0x1], $0x800, $0x38;
	[tilespmem:$0x5FD0] =	vst v63  }
0x65: {  	_ =	swait.ge [sflag:s17], $0x800  }
0x66: {  	[sflag:s17] =	ssyncset.done $0x0  }
0x67: {  	[sflag:s17] =	ssyncadd.s32 $0xFFFFF800  }
0x68: {  	_ =	sfence.sel $0x180000  }
0x69: {  	[bflag:$0x0] =	sbarrier.arrive $0xFFFF  }
0x6a: {  	p0 =	sne.s32 s1, $0x0;
	_ =	strace $0x90000047  }
0x6b: {  	s0 =	sadd.s32 @!p0 $0x100000, s0;
	[bflag:$0x2] =	sbarrier.arrive $0xFFFF  }
0x6c: {  	[sflag:s0] =	ssyncadd.tile.s32 @!p0 $0x1;
	_ =	shalt  }
.Lfunc_end2:
_tile_overlayer_lowered:
.L_overlay_start_2:
0x6d: {  	(tag) =	ssettag $0x2  }
0x6e: {  	s0 =	rddreg [dreg:$0x0];
	s2 =	stileid.u32  }
0x6f: {  	s1 =	rddreg [dreg:$0x1];
	p0 =	sne.s32 s2, $0x0  }
0x70: {  	s3 =	rddreg [dreg:$0x2];
	[bflag:$0x3] =	sbarrier.arrive $0xFFFF;
	s2 =	simm.s32 @!p0 $0x1C01  }
0x71: {  	[timem:s3], [sflag:s2] =	dma.local @!p0 [hbm:s0], s1  }
0x72: {  	s0 =	simm.s32 @!p0 $0x1  }
0x73: {  	_ =	swait.ge @!p0 [sflag:s0], s1  }
0x74: {  	s1 =	ssub.s32 @!p0 $0x0, s1;
	[sflag:s0] =	ssyncset.done @!p0 $0x0  }
0x75: {  	[sflag:s0] =	ssyncadd.s32 @!p0 s1  }
0x76: {  	[bflag:$0x3] =	sbarrier.arrive $0xFFFF  }
0x77: {  	_ =	shalt  }

// kernel: kernel.14.cloned.1.call-start
scs
__scs_entry_jumppad:
0x0: {  	(pc) =	sbr.rel $0x88, $3  }
0x1: {  	(tag) =	ssettag $0x0;
	lr =	simm.s32 $0x1  }
0x2: {  	[smem:$0x3F92] =	sst lr;
	_ =	strace $0xD0000000  }
0x3: {  	_ = 	snop  }
0x4: {  	_ = 	snop  }
0x5: {  	_ = 	snop  }
0x6: {  	_ = 	snop  }
0x7: {  	_ = 	snop  }
__scs_overlays_trampoline_lowered:
0x8: {  	[smem:$0x3FA1] =	sst s0  }
0x9: {  	[smem:$0x3FA2] =	sst s1  }
0xa: {  	[smem:$0x3FA3] =	sst s2  }
0xb: {  	[smem:$0x3FA4] =	sst s3  }
0xc: {  	[smem:$0x3FA5] =	sst s4  }
0xd: {  	[smem:$0x3FA6] =	sst s5  }
0xe: {  	[smem:$0x3FA7] =	sst s6  }
0xf: {  	[smem:$0x3FA8] =	sst s7  }
0x10: {  	[smem:$0x3FA9] =	sst s8  }
0x11: {  	[smem:$0x3FAA] =	sst s9;
	s0 =	simm.s32 @!p0 $0x0  }
0x12: {  	s1 =	sld [smem:$0x3F90];
	s0 =	simm.s32 @p0 $0x1  }
0x13: {  	[smem:$0x3FAB] =	sst s0;
	s0 =	simm.s32 @!p1 $0x0  }
0x14: {  	s2 =	sld [smem:$0x3F8F];
	s0 =	simm.s32 @p1 $0x1  }
0x15: {  	[smem:$0x3FAC] =	sst s0;
	s0 =	simm.s32 @!p2 $0x0  }
0x16: {  	s3 =	sld [smem:$0x3FDB];
	s0 =	simm.s32 @p2 $0x1  }
0x17: {  	s4 =	simm.s32 $0x1BF5;
	[smem:$0x3FAE] =	sst s0  }
0x18: {  	s0 =	sld [smem:$0x3F91];
	_ =	swait.ge [sflag:s4], $0x0  }
0x19: {  	s7 =	sld [smem:$0x3F92]  }
0x1a: {  	s8 =	sadd.s32 $0xFFFFE003, lr  }
0x1b: {  	s9 =	sadd.s32 $0xFFFFFEF7, lr;
	s5 =	simm.s32 $0xFFFFFFFF;
	p2 =	slt.u32 s8, $0xFFFFF086  }
0x1c: {  	p1 =	slt.u32 s9, $0xF7A;
	s5 =	simm.s32 @!p2 $0x0  }
0x1d: {  	s5 =	simm.s32 @p1 $0x1;
	p0 =	seq.s32 s7, s2  }
0x1e: {  	s7 =	smul.u32 @!p0 $0xF7A, s2;
	p2 =	seq.s32 @!p0 s5, $0x0  }
0x1f: {  	s9 =	smul.u32 $0xF7A, s1;
	s8 =	simm.s32 @!p0 $0x1BF5;
	p2 =	por !p2, p0  }
0x20: {  	[sflag:s8] =	ssyncset.s32 @!p0 $0xFFFFF086;
	s6 =	sadd.s32 @!p0 s3, s7;
	s7 =	simm.s32 @!p0 $0x108  }
0x21: {  	s3 =	sadd.s32 s3, s9;
	s6 =	sadd.s32 @!p0 $0x88, s6;
	s7 =	simm.s32 @p2 $0x1082  }
0x22: {  	[simem:s7], [sflag:s8] =	dma.local @!p0 [hbm:s6], $0xF7A  }
0x23: {  	s9 =	sor.u32 $0xD0000000, s2;
	s6 =	simm.s32 $0x108;
	_ =	swait.ge @!p0 [sflag:s8], $0x0  }
0x24: {  	s3 =	sadd.s32 $0x88, s3;
	s6 =	simm.s32 @!p1 $0x1082;
	[sflag:s4] =	ssyncset.s32 $0xFFFFF086  }
0x25: {  	[simem:s6], [sflag:s4] =	dma.local [hbm:s3], $0xF7A  }
0x26: {  	[smem:$0x3F92] =	sst s1;
	(tag) =	ssettag s2;
	_ =	strace s9  }
0x27: {  	s1 =	sld [smem:$0x3FA2]  }
0x28: {  	s2 =	sld [smem:$0x3FA3]  }
0x29: {  	s4 =	sld [smem:$0x3FA5]  }
0x2a: {  	p0 =	seq.s32 s5, $0x0;
	s5 =	sld [smem:$0x3FA6]  }
0x2b: {  	s6 =	sld [smem:$0x3FA7]  }
0x2c: {  	s7 =	sld [smem:$0x3FA8]  }
0x2d: {  	s3 =	simm.s32 $0x108;
	s8 =	sld [smem:$0x3FA9]  }
0x2e: {  	s3 =	simm.s32 @!p0 $0x1082;
	s9 =	sld [smem:$0x3FAA]  }
0x2f: {  	lr =	sadd.s32 s0, s3;
	s0 =	sld [smem:$0x3FA1]  }
0x30: {  	s3 =	sld [smem:$0x3FA4]  }
0x31: {  	[smem:$0x3FAD] =	sst s10  }
0x32: {  	s10 =	sld [smem:$0x3FAB];
	_ =	sdelay $0x3  }
0x33: {  	p0 =	seq.s32 s10, $0x1;
	s10 =	sld [smem:$0x3FAD];
	_ =	sdelay $0x3  }
0x34: {  	[smem:$0x3FAD] =	sst s10  }
0x35: {  	s10 =	sld [smem:$0x3FAC];
	_ =	sdelay $0x3  }
0x36: {  	p1 =	seq.s32 s10, $0x1;
	s10 =	sld [smem:$0x3FAD];
	_ =	sdelay $0x3  }
0x37: {  	[smem:$0x3FAD] =	sst s10  }
0x38: {  	s10 =	sld [smem:$0x3FAE]  }
0x39: {  	_ = 	snop;
	(pc) =	sbr.ind lr, $3  }
0x3a: {  	_ = 	snop  }
0x3b: {  	_ = 	snop  }
0x3c: {  	p2 =	seq.s32 s10, $0x1;
	s10 =	sld [smem:$0x3FAD]  }
0x3d: {  	_ =	shalt  }
0x3e: {  	_ =	shalt  }
0x3f: {  	_ =	shalt  }
0x40: {  	_ =	shalt  }
0x41: {  	_ =	shalt  }
0x42: {  	_ =	shalt  }
0x43: {  	_ =	shalt  }
0x44: {  	_ =	shalt  }
0x45: {  	_ =	shalt  }
0x46: {  	_ =	shalt  }
0x47: {  	_ =	shalt  }
0x48: {  	_ =	shalt  }
0x49: {  	_ =	shalt  }
0x4a: {  	_ =	shalt  }
0x4b: {  	_ =	shalt  }
0x4c: {  	_ =	shalt  }
0x4d: {  	_ =	shalt  }
0x4e: {  	_ =	shalt  }
0x4f: {  	_ =	shalt  }
0x50: {  	_ =	shalt  }
0x51: {  	_ =	shalt  }
0x52: {  	_ =	shalt  }
0x53: {  	_ =	shalt  }
0x54: {  	_ =	shalt  }
0x55: {  	_ =	shalt  }
0x56: {  	_ =	shalt  }
0x57: {  	_ =	shalt  }
0x58: {  	_ =	shalt  }
0x59: {  	_ =	shalt  }
0x5a: {  	_ =	shalt  }
0x5b: {  	_ =	shalt  }
0x5c: {  	_ =	shalt  }
0x5d: {  	_ =	shalt  }
0x5e: {  	_ =	shalt  }
0x5f: {  	_ =	shalt  }
0x60: {  	_ =	shalt  }
0x61: {  	_ =	shalt  }
0x62: {  	_ =	shalt  }
0x63: {  	_ =	shalt  }
0x64: {  	_ =	shalt  }
0x65: {  	_ =	shalt  }
0x66: {  	_ =	shalt  }
0x67: {  	_ =	shalt  }
0x68: {  	_ =	shalt  }
0x69: {  	_ =	shalt  }
0x6a: {  	_ =	shalt  }
0x6b: {  	_ =	shalt  }
0x6c: {  	_ =	shalt  }
0x6d: {  	_ =	shalt  }
0x6e: {  	_ =	shalt  }
0x6f: {  	_ =	shalt  }
0x70: {  	_ =	shalt  }
0x71: {  	_ =	shalt  }
0x72: {  	_ =	shalt  }
0x73: {  	_ =	shalt  }
0x74: {  	_ =	shalt  }
0x75: {  	_ =	shalt  }
0x76: {  	_ =	shalt  }
0x77: {  	_ =	shalt  }
0x78: {  	_ =	shalt  }
0x79: {  	_ =	shalt  }
0x7a: {  	_ =	shalt  }
0x7b: {  	_ =	shalt  }
0x7c: {  	_ =	shalt  }
0x7d: {  	_ =	shalt  }
0x7e: {  	_ =	shalt  }
0x7f: {  	_ =	shalt  }
0x80: {  	_ =	shalt  }
0x81: {  	_ =	shalt  }
0x82: {  	_ =	shalt  }
0x83: {  	_ =	shalt  }
0x84: {  	_ =	shalt  }
0x85: {  	_ =	shalt  }
0x86: {  	_ =	shalt  }
0x87: {  	_ =	shalt  }
.Lfunc_end0:
.L_simem_size_0:
called_computation.1_lowered:
.L_overlay_start_0:
0x88: {  	s2 =	sld [smem:$0x3FD9]  }
0x89: {  	s3 =	sld [smem:$0x3FFE];
	_ =	sdelay $0x1  }
0x8a: {  	s1 =	srdreg.scid  }
0x8b: {  	s0 =	sand.u32 $0x1, s1  }
0x8c: {  	s16 =	sshll.u32 s0, $0xA;
	s2 =	sadd.s32 s3, s2  }
0x8d: {  	s2 =	sadd.s32 s2, s16  }
0x8e: {  	[smem:$0x3FB9] =	sst s2  }
0x8f: {  	_ = 	snop  }
0x90: {  	(tm) =	ssettm $0x1  }
0x91: {  	s17 =	sld [smem:$0x3FFB];
	_ =	sdelay $0x3  }
0x92: {  	_ =	strace s17  }
0x93: {  	s2 =	sld [smem:$0x3FFC];
	_ =	sdelay $0x3  }
0x94: {  	_ =	strace s2  }
0x95: {  	s2 =	sld [smem:$0x3FFD];
	_ =	sdelay $0x3  }
0x96: {  	_ =	strace s2  }
0x97: {  	_ =	strace $0x8FFFFFFF  }
0x98: {  	s18 =	sld [smem:$0x3FDB];
	_ =	sdelay $0x1  }
0x99: {  	s19 =	simm.s32 $_scs_section_size  }
0x9a: {  	s4 =	simm.s32 $_size__tile_overlayer_lowered;
	s5 =	simm.s32 $_tile_overlayer_lowered  }
0x9b: {  	s22 =	simm.s32 $0x1BFF;
	s21 =	sshll.u32 s5, $0x1;
	s2 =	sadd.s32 s19, s18  }
0x9c: {  	s6 =	simm.s32 $0x0;
	s20 =	sshll.u32 s4, $0x1;
	s4 =	sadd.s32 s21, s2  }
0x9d: {  	[timem:s6], [sflag:s22] =	dma.local [hbm:s4], s20  }
0x9e: {  	_ =	swait.ge [sflag:s22], s20  }
0x9f: {  	s3 =	ssub.s32 $0x0, s20;
	[sflag:s22] =	ssyncset.done $0x0  }
0xa0: {  	[sflag:s22] =	ssyncadd.s32 s3;
	_ =	sdelay $0x1  }
0xa1: {  	s23 =	simm.s32 $0x1B8B  }
0xa2: {  	_ =	swait.ge [sflag:s23], $0x1  }
0xa3: {  	[sflag:s23] =	ssyncset.done $0x0  }
0xa4: {  	s25 =	simm.s32 $0x1B8E;
	s24 =	sld [smem:$0x3FFE];
	[sflag:s23] =	ssyncadd.s32 $0xFFFFFFFF  }
0xa5: {  	s26 =	simm.s32 $execute0_lowered;
	[smem:$0x3FD2] =	sst s25  }
0xa6: {  	s4 =	sshll.u32 s26, $0x1;
	_ =	strace $0x80000049;
	[dreg:$0x1] =	wrdreg $0xFFFFFFFF  }
0xa7: {  	s28 =	simm.s32 $_size_execute0_lowered;
	s2 =	sadd.s32 s2, s4;
	[dreg:$0x0] =	wrdreg $0x0  }
0xa8: {  	s4 =	sshll.u32 s28, $0x1;
	[dreg:$0x2] =	wrdreg s2  }
0xa9: {  	[dreg:$0x3] =	wrdreg s4  }
0xaa: {  	[dreg:$0x4] =	wrdreg $0xC0  }
0xab: {  	_ =	task [dreg:s6], $0x5FFFF  }
0xac: {  	[dreg:$0x1] =	wrdreg $0xFFFFFFFF  }
0xad: {  	[dreg:$0x0] =	wrdreg $0x60  }
0xae: {  	[dreg:$0x2] =	wrdreg s24  }
0xaf: {  	[dreg:$0x3] =	wrdreg $0xEE800  }
0xb0: {  	[dreg:$0x4] =	wrdreg $0x9  }
0xb1: {  	_ =	task.clear_ibuf [dreg:s6], $0x5FFFF;
	_ =	strace $0x90000049  }
0xb2: {  	s29 =	simm.s32 $0x9;
	_ =	strace $0x8000004B  }
0xb3: {  	_ =	swait.ge [sflag:s29], $0x1  }
0xb4: {  	[sflag:s29] =	ssyncadd.s32 $0xFFFFFFFF  }
0xb5: {  	_ =	strace $0x9000004B  }
0xb6: {  	_ =	sfence  }
0xb7: {  	s30 =	sld [smem:$0x0];
	_ =	sdelay $0x2  }
0xb8: {  	s31 =	sshll.u32 s1, $0xD;
	s1 =	sshrl.u32 s1, $0x2  }
0xb9: {  	s3 =	sand.u32 $0x4000, s31;
	s1 =	sadd.s32 s1, s30  }
0xba: {  	s0 =	sor.u32 s3, s0;
	s1 =	sshll.u32 s1, $0x11  }
0xbb: {  	s0 =	sor.u32 s1, s0  }
0xbc: {  	s0 =	sadd.s32 $0x8F2B, s0  }
0xbd: {  	[sflag:s0] =	ssyncadd.remote.s32 $0x1  }
0xbe: {  	_ =	sfence.sel $0xFFFF  }
0xbf: {  	[dreg:$0x0] =	wrdreg $0xFFFFFFFF;
	(pc) =	sbr.abs _section_cstart, $3  }
0xc0: {  	[dreg:$0x1] =	wrdreg $0xFFFFFFFF  }
0xc1: {  	_ =	task.clear_ibuf [dreg:s6], $0x2FFFF;
	_ =	strace $0x9FFFFFFF  }
0xc2: {  	(tm) =	ssettm $0x7FFFFFFF  }
0xc3: {  	_ =	shalt  }
tec
execute0_lowered:
.L_overlay_start_1:
0x0: {  	(tag) =	ssettag $0x1  }
0x1: {  	s0 =	srdreg.scid  }
0x2: {  	s1 =	rddreg [dreg:$0x0];
	s9 =	stileid.u32  }
0x3: {  	s2 =	rddreg [dreg:$0x1];
	s6 =	smul.u32 $0x280, s9  }
0x4: {  	s28 =	simm.s32 $0x1;
	s30 =	simm.s32 $0xCEE0;
	s15 =	smul.u32 $0xA00, s9  }
0x5: {  	s31 =	simm.s32 $0x2;
	s0 =	sand.u32 $0x1, s0;
	s16 =	smul.u32 $0x14000, s9  }
0x6: {  	s29 =	simm.s32 $0x4;
	s3 =	sshll.u32 s0, $0x4;
	s7 =	smul.u32 $0x2800, s0  }
0x7: {  	s0 =	ssub.s32 $0x2, s0;
	s4 =	sor.u32 s9, s3;
	s3 =	simm.s32 $0x0  }
0x8: {  	s17 =	sadd.s32 s15, s1;
	s19 =	sshrl.u32 s0, $0x1;
	s20 =	sshrl.u32 s16, $0x2  }
0x9: {  	s5 =	smul.u32 $0xA00, s4;
	[smem:$0x7FF] =	sst s3;
	s4 =	sadd.s32 $0x3800, s1  }
0xa: {  	s6 =	sadd.s32 s7, s6;
	s0 =	ssub.s32 s0, s19;
	s22 =	sadd.s32 $0x3F800, s17  }
0xb: {  	s19 =	simm.s32 $0x9;
	s7 =	simm.s32 $0x0;
	_ =	strace $0x8000004A  }
0xc: {  	s18 =	sshll.u32 s6, $0x2;
	[dreg:$0x4] =	wrdreg s22;
	s0 =	smax.u32 s0, $0x1  }
0xd: {  	s22 =	simm.s32 $0xA000;
	s6 =	simm.s32 $0x8;
	s8 =	sadd.s32 s5, s1  }
0xe: {  	s1 =	sadd.s32 s18, s1;
	s5 =	sadd.s32 s20, s2;
	[dreg:$0x5] =	wrdreg s0  }
0xf: {  	s18 =	simm.s32 $0xDE80;
	s0 =	simm.s32 $0x5;
	s21 =	sadd.s32 $0x2B800, s8  }
0x10: {  	s9 =	sadd.s32 $0x1000, s5;
	s10 =	sadd.s32 $0x2000, s5;
	s11 =	sadd.s32 $0x3000, s5  }
0x11: {  	s12 =	sadd.s32 $0x4000, s5;
	s23 =	sadd.s32 $0x70A00, s1;
	[dreg:$0x3] =	wrdreg s21  }
.Ltmp0:
0x12: {  	s24 =	sadd.s32 $0x70C00, s1;
	[dreg:$0x6] =	wrdreg s23;
	(pc) =	sbr.rel .LBB2_1-.Ltmp0, $4  }
0x13: {  	s25 =	sadd.s32 $0x70E00, s1;
	s26 =	sadd.s32 $0x71000, s1;
	[dreg:$0x7] =	wrdreg s24  }
0x14: {  	s17 =	sadd.s32 $0x71200, s1;
	s1 =	simm.s32 $0x6;
	[dreg:$0x8] =	wrdreg s25  }
0x15: {  	[dreg:$0x9] =	wrdreg s26;
	s21 =	simm.s32 $0x7D;
	s24 =	simm.s32 $0xAFA0  }
0x16: {  	v0 =	vimm.f32 $0.0e+00;
	s26 =	simm.s32 $0xBF40;
	s25 =	simm.s32 $0x3;
	s23 =	simm.s32 $0x7  }
.LBB2_6:
0x17: {  	_ =	swait.ge [sflag:s0], $0xFA0  }
0x18: {  	[sflag:s0] =	ssyncset.done $0x0  }
0x19: {  	[sflag:s0] =	ssyncadd.s32 $0xFFFFF060  }
0x1a: {  	_ =	swait.ge [sflag:s1], $0xFA0  }
0x1b: {  	[sflag:s1] =	ssyncset.done $0x0  }
0x1c: {  	[sflag:s1] =	ssyncadd.s32 $0xFFFFF060  }
0x1d: {  	_ =	swait.ge [sflag:s23], $0xFA0  }
0x1e: {  	[sflag:s23] =	ssyncset.done $0x0  }
0x1f: {  	[sflag:s23] =	ssyncadd.s32 $0xFFFFF060  }
0x20: {  	_ =	swait.ge [sflag:s6], $0xFA0  }
0x21: {  	[sflag:s6] =	ssyncset.done $0x0  }
0x22: {  	[sflag:s6] =	ssyncadd.s32 $0xFFFFF060  }
0x23: {  	[bflag:$0x0] =	sbarrier.arrive $0xFFFF  }
0x24: {  	[tilespmem:s18], [sflag:$0x9] =	stream.linear.gather [spmem:s5], $0x1000, $0x38;
	[tilespmem:$0x13E80] =	vst v63  }
0x25: {  	_ =	swait.ge [sflag:s19], $0x1000  }
0x26: {  	[sflag:s19] =	ssyncset.done $0x0  }
0x27: {  	s8 =	rddreg [dreg:$0x6];
	[sflag:s19] =	ssyncadd.s32 $0xFFFFF000  }
0x28: {  	[hbm4b:s8+s3] =	stream.linear.scatter [tilespmem:s18], [sflag:$0x9], $0x1000, $0x38;
	[tilespmem:$0x13E80] =	vst v63  }
0x29: {  	_ =	swait.ge [sflag:s19], $0x1000  }
0x2a: {  	[sflag:s19] =	ssyncset.done $0x0  }
0x2b: {  	[sflag:s19] =	ssyncadd.s32 $0xFFFFF000  }
0x2c: {  	[tilespmem:s18], [sflag:$0x9] =	stream.linear.gather [spmem:s9], $0x1000, $0x38;
	[tilespmem:$0x13E80] =	vst v63  }
0x2d: {  	_ =	swait.ge [sflag:s19], $0x1000  }
0x2e: {  	[sflag:s19] =	ssyncset.done $0x0  }
0x2f: {  	s14 =	rddreg [dreg:$0x7];
	[sflag:s19] =	ssyncadd.s32 $0xFFFFF000  }
0x30: {  	[hbm4b:s14+s3] =	stream.linear.scatter [tilespmem:s18], [sflag:$0x9], $0x1000, $0x38;
	[tilespmem:$0x13E80] =	vst v63  }
0x31: {  	_ =	swait.ge [sflag:s19], $0x1000  }
0x32: {  	[sflag:s19] =	ssyncset.done $0x0  }
0x33: {  	[sflag:s19] =	ssyncadd.s32 $0xFFFFF000  }
0x34: {  	[tilespmem:s18], [sflag:$0x9] =	stream.linear.gather [spmem:s10], $0x1000, $0x38;
	[tilespmem:$0x13E80] =	vst v63  }
0x35: {  	_ =	swait.ge [sflag:s19], $0x1000  }
0x36: {  	[sflag:s19] =	ssyncset.done $0x0  }
0x37: {  	s15 =	rddreg [dreg:$0x8];
	[sflag:s19] =	ssyncadd.s32 $0xFFFFF000  }
0x38: {  	[hbm4b:s15+s3] =	stream.linear.scatter [tilespmem:s18], [sflag:$0x9], $0x1000, $0x38;
	[tilespmem:$0x13E80] =	vst v63  }
0x39: {  	_ =	swait.ge [sflag:s19], $0x1000  }
0x3a: {  	[sflag:s19] =	ssyncset.done $0x0  }
0x3b: {  	[sflag:s19] =	ssyncadd.s32 $0xFFFFF000  }
0x3c: {  	[tilespmem:s18], [sflag:$0x9] =	stream.linear.gather [spmem:s11], $0x1000, $0x38;
	[tilespmem:$0x13E80] =	vst v63  }
0x3d: {  	_ =	swait.ge [sflag:s19], $0x1000  }
0x3e: {  	[sflag:s19] =	ssyncset.done $0x0  }
0x3f: {  	s16 =	rddreg [dreg:$0x9];
	[sflag:s19] =	ssyncadd.s32 $0xFFFFF000  }
0x40: {  	[hbm4b:s16+s3] =	stream.linear.scatter [tilespmem:s18], [sflag:$0x9], $0x1000, $0x38;
	[tilespmem:$0x13E80] =	vst v63  }
0x41: {  	_ =	swait.ge [sflag:s19], $0x1000  }
0x42: {  	[sflag:s19] =	ssyncset.done $0x0  }
0x43: {  	[sflag:s19] =	ssyncadd.s32 $0xFFFFF000  }
0x44: {  	[tilespmem:s18], [sflag:$0x9] =	stream.linear.gather [spmem:s12], $0x1000, $0x38;
	[tilespmem:$0x13E80] =	vst v63  }
0x45: {  	_ =	swait.ge [sflag:s19], $0x1000  }
0x46: {  	[sflag:s19] =	ssyncset.done $0x0  }
0x47: {  	[sflag:s19] =	ssyncadd.s32 $0xFFFFF000  }
0x48: {  	[hbm4b:s17+s3] =	stream.linear.scatter [tilespmem:s18], [sflag:$0x9], $0x1000, $0x38;
	[tilespmem:$0x13E80] =	vst v63  }
0x49: {  	_ =	swait.ge [sflag:s19], $0x1000  }
0x4a: {  	s7 =	sadd.s32 $0x1, s7;
	s20 =	rddreg [dreg:$0x5]  }
0x4b: {  	p0 =	sne.s32 s7, s20  }
.Ltmp1:
0x4c: {  	_ = 	snop;
	(pc) =	sbr.rel @!p0 .LBB2_7-.Ltmp1, $3  }
0x4d: {  	_ =	sdelay $0x1  }
0x4e: {  	[sflag:s19] =	ssyncset.done $0x0  }
0x4f: {  	[sflag:s19] =	ssyncadd.s32 $0xFFFFF000  }
.LBB2_1:
0x50: {  	s8 =	simm.s32 $0x80;
	s13 =	simm.s32 $0x0  }
.LBB2_2:
0x51: {  	p0 =	sne.s32 s8, $0x3F80;
	[tilespmem:s13+$0xDE80] =	vst v0;
	s14 =	smov.u32 s8;
	s8 =	sadd.s32 $0x80, s8  }
.Ltmp2:
0x52: {  	[tilespmem:s13+$0xDE90] =	vst v0;
	(pc) =	sbr.rel @p0 .LBB2_2-.Ltmp2, $2  }
0x53: {  	_ =	sdelay $0x2  }
0x54: {  	s13 =	sshra.s32 s14, $0x2  }
0x55: {  	[tilespmem:s13+$0xDE80] =	vst v0  }
0x56: {  	[tilespmem:s13+$0xDE90] =	vst v0  }
0x57: {  	[spmem:s5] =	stream.linear.scatter [tilespmem:s18], [sflag:$0x9], $0x1000, $0x38;
	[tilespmem:$0x13E80] =	vst v63  }
0x58: {  	_ =	swait.ge [sflag:s19], $0x1000  }
0x59: {  	[sflag:s19] =	ssyncset.done $0x0  }
0x5a: {  	[sflag:s19] =	ssyncadd.s32 $0xFFFFF000  }
0x5b: {  	[spmem:s9] =	stream.linear.scatter [tilespmem:s18], [sflag:$0x9], $0x1000, $0x38;
	[tilespmem:$0x13E80] =	vst v63  }
0x5c: {  	_ =	swait.ge [sflag:s19], $0x1000  }
0x5d: {  	[sflag:s19] =	ssyncset.done $0x0  }
0x5e: {  	[sflag:s19] =	ssyncadd.s32 $0xFFFFF000  }
0x5f: {  	[spmem:s10] =	stream.linear.scatter [tilespmem:s18], [sflag:$0x9], $0x1000, $0x38;
	[tilespmem:$0x13E80] =	vst v63  }
0x60: {  	_ =	swait.ge [sflag:s19], $0x1000  }
0x61: {  	[sflag:s19] =	ssyncset.done $0x0  }
0x62: {  	[sflag:s19] =	ssyncadd.s32 $0xFFFFF000  }
0x63: {  	[spmem:s11] =	stream.linear.scatter [tilespmem:s18], [sflag:$0x9], $0x1000, $0x38;
	[tilespmem:$0x13E80] =	vst v63  }
0x64: {  	_ =	swait.ge [sflag:s19], $0x1000  }
0x65: {  	[sflag:s19] =	ssyncset.done $0x0  }
0x66: {  	[sflag:s19] =	ssyncadd.s32 $0xFFFFF000  }
0x67: {  	[spmem:s12] =	stream.linear.scatter [tilespmem:s18], [sflag:$0x9], $0x1000, $0x38;
	[tilespmem:$0x13E80] =	vst v63  }
0x68: {  	_ =	swait.ge [sflag:s19], $0x1000  }
0x69: {  	[sflag:s19] =	ssyncset.done $0x0  }
0x6a: {  	s8 =	simm.s32 $0x0;
	s14 =	rddreg [dreg:$0x3];
	[sflag:s19] =	ssyncadd.s32 $0xFFFFF000  }
0x6b: {  	[tilespmem:s8], [sflag:$0x9] =	stream.linear.gather [hbm4b:s14+s8], $0x5000, $0x38;
	[tilespmem:$0x13E80] =	vst v63  }
0x6c: {  	_ =	swait.ge [sflag:s19], $0x5000  }
0x6d: {  	[sflag:s19] =	ssyncset.done $0x0  }
0x6e: {  	s14 =	simm.s32 $0x5000;
	s15 =	rddreg [dreg:$0x4];
	[sflag:s19] =	ssyncadd.s32 $0xFFFFB000  }
0x6f: {  	[tilespmem:s14], [sflag:$0x9] =	stream.linear.gather [hbm4b:s15+s8], $0x5000, $0x38;
	[tilespmem:$0x13E80] =	vst v63  }
0x70: {  	_ =	swait.ge [sflag:s19], $0x5000  }
0x71: {  	[sflag:s19] =	ssyncset.done $0x0  }
0x72: {  	[sflag:s19] =	ssyncadd.s32 $0xFFFFB000  }
0x73: {  	[bflag:$0x0] =	sbarrier.arrive $0xFFFF  }
0x74: {  	[tilespmem:s22], [sflag:$0x1] =	stream.indirect.gather [hbm4b:s4+s21], $0x20, s8, s21, $0xb8;
	[tilespmem:$0x13E80] =	vst v63  }
0x75: {  	s16 =	simm.s32 $0x80  }
0x76: {  	[tilespmem:s24], [sflag:$0x2] =	stream.indirect.gather [hbm4b:s4+s21], $0x20, s16, s21, $0xb8;
	[tilespmem:$0x13E80] =	vst v63  }
0x77: {  	s20 =	simm.s32 $0x100  }
0x78: {  	[tilespmem:s26], [sflag:$0x3] =	stream.indirect.gather [hbm4b:s4+s21], $0x20, s20, s21, $0xb8;
	[tilespmem:$0x13E80] =	vst v63  }
0x79: {  	_ =	swait.ge [sflag:s28], $0xFA0  }
0x7a: {  	[sflag:s28] =	ssyncset.done $0x0  }
0x7b: {  	[sflag:s28] =	ssyncadd.s32 $0xFFFFF060  }
0x7c: {  	[spmem:s2] =	stream.indirect.scatter.add.f32 [tilespmem:s22], [sflag:$0x5], $0x20, s14, s21, $0xb8;
	[tilespmem:$0x13E80] =	vst v63  }
0x7d: {  	s15 =	simm.s32 $0x180  }
0x7e: {  	[tilespmem:s30], [sflag:$0x4] =	stream.indirect.gather [hbm4b:s4+s21], $0x20, s15, s21, $0xb8;
	[tilespmem:$0x13E80] =	vst v63  }
0x7f: {  	_ =	swait.ge [sflag:s31], $0xFA0  }
0x80: {  	[sflag:s31] =	ssyncset.done $0x0  }
0x81: {  	s16 =	simm.s32 $0x5080;
	[sflag:s31] =	ssyncadd.s32 $0xFFFFF060  }
0x82: {  	[spmem:s2] =	stream.indirect.scatter.add.f32 [tilespmem:s24], [sflag:$0x6], $0x20, s16, s21, $0xb8;
	[tilespmem:$0x13E80] =	vst v63  }
0x83: {  	_ =	swait.ge [sflag:s0], $0xFA0  }
0x84: {  	[sflag:s0] =	ssyncset.done $0x0  }
0x85: {  	s20 =	simm.s32 $0x200;
	[sflag:s0] =	ssyncadd.s32 $0xFFFFF060  }
0x86: {  	[tilespmem:s22], [sflag:$0x1] =	stream.indirect.gather [hbm4b:s4+s21], $0x20, s20, s21, $0xb8;
	[tilespmem:$0x13E80] =	vst v63  }
0x87: {  	_ =	swait.ge [sflag:s25], $0xFA0  }
0x88: {  	[sflag:s25] =	ssyncset.done $0x0  }
0x89: {  	s14 =	simm.s32 $0x5100;
	[sflag:s25] =	ssyncadd.s32 $0xFFFFF060  }
0x8a: {  	[spmem:s2] =	stream.indirect.scatter.add.f32 [tilespmem:s26], [sflag:$0x7], $0x20, s14, s21, $0xb8;
	[tilespmem:$0x13E80] =	vst v63  }
0x8b: {  	_ =	swait.ge [sflag:s1], $0xFA0  }
0x8c: {  	[sflag:s1] =	ssyncset.done $0x0  }
0x8d: {  	s15 =	simm.s32 $0x280;
	[sflag:s1] =	ssyncadd.s32 $0xFFFFF060  }
0x8e: {  	[tilespmem:s24], [sflag:$0x2] =	stream.indirect.gather [hbm4b:s4+s21], $0x20, s15, s21, $0xb8;
	[tilespmem:$0x13E80] =	vst v63  }
0x8f: {  	_ =	swait.ge [sflag:s29], $0xFA0  }
0x90: {  	[sflag:s29] =	ssyncset.done $0x0  }
0x91: {  	s16 =	simm.s32 $0x5180;
	[sflag:s29] =	ssyncadd.s32 $0xFFFFF060  }
0x92: {  	[spmem:s2] =	stream.indirect.scatter.add.f32 [tilespmem:s30], [sflag:$0x8], $0x20, s16, s21, $0xb8;
	[tilespmem:$0x13E80] =	vst v63  }
0x93: {  	_ =	swait.ge [sflag:s23], $0xFA0  }
0x94: {  	[sflag:s23] =	ssyncset.done $0x0  }
0x95: {  	s20 =	simm.s32 $0x300;
	[sflag:s23] =	ssyncadd.s32 $0xFFFFF060  }
0x96: {  	[tilespmem:s26], [sflag:$0x3] =	stream.indirect.gather [hbm4b:s4+s21], $0x20, s20, s21, $0xb8;
	[tilespmem:$0x13E80] =	vst v63  }
.LBB2_4:
0x97: {  	_ =	swait.ge [sflag:s28], $0xFA0  }
0x98: {  	s13 =	sshra.s32 s8, $0x2;
	[sflag:s28] =	ssyncset.done $0x0  }
0x99: {  	s14 =	sadd.s32 $0x5200, s13;
	[sflag:s28] =	ssyncadd.s32 $0xFFFFF060  }
0x9a: {  	[spmem:s2] =	stream.indirect.scatter.add.f32 [tilespmem:s22], [sflag:$0x5], $0x20, s14, s21, $0xb8;
	[tilespmem:$0x13E80] =	vst v63  }
0x9b: {  	_ =	swait.ge [sflag:s6], $0xFA0  }
0x9c: {  	[sflag:s6] =	ssyncset.done $0x0  }
0x9d: {  	s15 =	sadd.s32 $0x380, s13;
	[sflag:s6] =	ssyncadd.s32 $0xFFFFF060  }
0x9e: {  	[tilespmem:s30], [sflag:$0x4] =	stream.indirect.gather [hbm4b:s4+s21], $0x20, s15, s21, $0xb8;
	[tilespmem:$0x13E80] =	vst v63  }
0x9f: {  	_ =	swait.ge [sflag:s31], $0xFA0  }
0xa0: {  	p0 =	seq.s32 s8, $0x13000;
	[sflag:s31] =	ssyncset.done $0x0  }
0xa1: {  	s16 =	sadd.s32 $0x5280, s13;
	s14 =	simm.s32 @p0 $0x3;
	[sflag:s31] =	ssyncadd.s32 $0xFFFFF060  }
0xa2: {  	[spmem:s2] =	stream.indirect.scatter.add.f32 [tilespmem:s24], [sflag:$0x6], $0x20, s16, s21, $0xb8;
	[tilespmem:$0x13E80] =	vst v63  }
0xa3: {  	_ =	swait.ge @p0 [sflag:s14], $0xFA0  }
0xa4: {  	[sflag:s14] =	ssyncset.done @p0 $0x0  }
0xa5: {  	[sflag:s14] =	ssyncadd.s32 @p0 $0xFFFFF060;
	s14 =	sshra.s32 @p0 s8, $0x2  }
0xa6: {  	s15 =	simm.s32 @p0 $0x7D;
	s16 =	simm.s32 @p0 $0xBF40;
	s14 =	sadd.s32 @p0 $0x5300, s14  }
0xa7: {  	[spmem:s2] =	stream.indirect.scatter.add.f32 @p0 [tilespmem:s16], [sflag:$0x7], $0x20, s14, s15, $0xb8;
	[tilespmem:$0x13E80] =	vst v63  }
0xa8: {  	s14 =	simm.s32 @!p0 $0x5  }
0xa9: {  	_ =	swait.ge @!p0 [sflag:s14], $0xFA0  }
0xaa: {  	[sflag:s14] =	ssyncset.done @!p0 $0x0  }
0xab: {  	[sflag:s14] =	ssyncadd.s32 @!p0 $0xFFFFF060;
	s14 =	sshra.s32 @!p0 s8, $0x2  }
0xac: {  	s20 =	simm.s32 @!p0 $0xA000;
	s16 =	simm.s32 @!p0 $0x7D;
	s15 =	sadd.s32 @!p0 $0x400, s14  }
0xad: {  	[tilespmem:s20], [sflag:$0x1] =	stream.indirect.gather @!p0 [hbm4b:s4+s16], $0x20, s15, s16, $0xb8;
	[tilespmem:$0x13E80] =	vst v63  }
0xae: {  	s15 =	simm.s32 @!p0 $0x3  }
0xaf: {  	_ =	swait.ge @!p0 [sflag:s15], $0xFA0  }
0xb0: {  	[sflag:s15] =	ssyncset.done @!p0 $0x0  }
0xb1: {  	s20 =	simm.s32 @!p0 $0xBF40;
	[sflag:s15] =	ssyncadd.s32 @!p0 $0xFFFFF060;
	s15 =	sadd.s32 @!p0 $0x5300, s14  }
0xb2: {  	[spmem:s2] =	stream.indirect.scatter.add.f32 @!p0 [tilespmem:s20], [sflag:$0x7], $0x20, s15, s16, $0xb8;
	[tilespmem:$0x13E80] =	vst v63  }
0xb3: {  	s15 =	simm.s32 @!p0 $0x6  }
0xb4: {  	_ =	swait.ge @!p0 [sflag:s15], $0xFA0  }
0xb5: {  	[sflag:s15] =	ssyncset.done @!p0 $0x0  }
0xb6: {  	s14 =	sadd.s32 @!p0 $0x480, s14;
	[sflag:s15] =	ssyncadd.s32 @!p0 $0xFFFFF060;
	s15 =	simm.s32 @!p0 $0xAFA0  }
0xb7: {  	[tilespmem:s15], [sflag:$0x2] =	stream.indirect.gather @!p0 [hbm4b:s4+s16], $0x20, s14, s16, $0xb8;
	[tilespmem:$0x13E80] =	vst v63  }
.Ltmp3:
0xb8: {  	_ = 	snop;
	(pc) =	sbr.rel @p0 .LBB2_6-.Ltmp3, $4  }
0xb9: {  	_ =	swait.ge [sflag:s29], $0xFA0  }
0xba: {  	[sflag:s29] =	ssyncset.done $0x0  }
0xbb: {  	s20 =	sadd.s32 $0x5380, s13;
	[sflag:s29] =	ssyncadd.s32 $0xFFFFF060  }
0xbc: {  	[spmem:s2] =	stream.indirect.scatter.add.f32 [tilespmem:s30], [sflag:$0x8], $0x20, s20, s21, $0xb8;
	[tilespmem:$0x13E80] =	vst v63  }
.Ltmp4:
0xbd: {  	(pc) =	sbr.rel .LBB2_4-.Ltmp4, $4  }
0xbe: {  	_ =	swait.ge [sflag:s23], $0xFA0  }
0xbf: {  	[sflag:s23] =	ssyncset.done $0x0  }
0xc0: {  	s13 =	sadd.s32 $0x500, s13;
	s8 =	sadd.s32 $0x800, s8;
	[sflag:s23] =	ssyncadd.s32 $0xFFFFF060  }
0xc1: {  	[tilespmem:s26], [sflag:$0x3] =	stream.indirect.gather [hbm4b:s4+s21], $0x20, s13, s21, $0xb8;
	[tilespmem:$0x13E80] =	vst v63  }
.LBB2_7:
0xc2: {  	_ =	sfence.sel $0x180000  }
0xc3: {  	[bflag:$0x0] =	sbarrier.arrive $0xFFFF  }
0xc4: {  	_ =	strace $0x9000004A  }
0xc5: {  	s0 =	stileid.u32;
	[bflag:$0x2] =	sbarrier.arrive $0xFFFF  }
0xc6: {  	p0 =	sne.s32 s0, $0x0;
	s0 =	rddreg [dreg:$0x2]  }
0xc7: {  	s0 =	sadd.s32 @!p0 $0x100000, s0  }
0xc8: {  	[sflag:s0] =	ssyncadd.tile.s32 @!p0 $0x1;
	_ =	shalt  }
.Lfunc_end2:
_tile_overlayer_lowered:
.L_overlay_start_2:
0xc9: {  	(tag) =	ssettag $0x2  }
0xca: {  	s0 =	rddreg [dreg:$0x0];
	s2 =	stileid.u32  }
0xcb: {  	s1 =	rddreg [dreg:$0x1];
	p0 =	sne.s32 s2, $0x0  }
0xcc: {  	s3 =	rddreg [dreg:$0x2];
	[bflag:$0x3] =	sbarrier.arrive $0xFFFF;
	s2 =	simm.s32 @!p0 $0x1C09  }
0xcd: {  	[timem:s3], [sflag:s2] =	dma.local @!p0 [hbm:s0], s1  }
0xce: {  	s0 =	simm.s32 @!p0 $0x9  }
0xcf: {  	_ =	swait.ge @!p0 [sflag:s0], s1  }
0xd0: {  	s1 =	ssub.s32 @!p0 $0x0, s1;
	[sflag:s0] =	ssyncset.done @!p0 $0x0  }
0xd1: {  	[sflag:s0] =	ssyncadd.s32 @!p0 s1  }
0xd2: {  	[bflag:$0x3] =	sbarrier.arrive $0xFFFF  }
0xd3: {  	_ =	shalt  }

// kernel: kernel.17.cloned.1.call-start
scs
__scs_entry_jumppad:
0x0: {  	(pc) =	sbr.rel $0x88, $3  }
0x1: {  	(tag) =	ssettag $0x0;
	lr =	simm.s32 $0x1  }
0x2: {  	[smem:$0x3F92] =	sst lr;
	_ =	strace $0xD0000000  }
0x3: {  	_ = 	snop  }
0x4: {  	_ = 	snop  }
0x5: {  	_ = 	snop  }
0x6: {  	_ = 	snop  }
0x7: {  	_ = 	snop  }
__scs_overlays_trampoline_lowered:
0x8: {  	[smem:$0x3FA1] =	sst s0  }
0x9: {  	[smem:$0x3FA2] =	sst s1  }
0xa: {  	[smem:$0x3FA3] =	sst s2  }
0xb: {  	[smem:$0x3FA4] =	sst s3  }
0xc: {  	[smem:$0x3FA5] =	sst s4  }
0xd: {  	[smem:$0x3FA6] =	sst s5  }
0xe: {  	[smem:$0x3FA7] =	sst s6  }
0xf: {  	[smem:$0x3FA8] =	sst s7  }
0x10: {  	[smem:$0x3FA9] =	sst s8  }
0x11: {  	[smem:$0x3FAA] =	sst s9;
	s0 =	simm.s32 @!p0 $0x0  }
0x12: {  	s1 =	sld [smem:$0x3F90];
	s0 =	simm.s32 @p0 $0x1  }
0x13: {  	[smem:$0x3FAB] =	sst s0;
	s0 =	simm.s32 @!p1 $0x0  }
0x14: {  	s2 =	sld [smem:$0x3F8F];
	s0 =	simm.s32 @p1 $0x1  }
0x15: {  	[smem:$0x3FAC] =	sst s0;
	s0 =	simm.s32 @!p2 $0x0  }
0x16: {  	s3 =	sld [smem:$0x3FDB];
	s0 =	simm.s32 @p2 $0x1  }
0x17: {  	s4 =	simm.s32 $0x1BF5;
	[smem:$0x3FAE] =	sst s0  }
0x18: {  	s0 =	sld [smem:$0x3F91];
	_ =	swait.ge [sflag:s4], $0x0  }
0x19: {  	s7 =	sld [smem:$0x3F92]  }
0x1a: {  	s8 =	sadd.s32 $0xFFFFE003, lr  }
0x1b: {  	s9 =	sadd.s32 $0xFFFFFEF7, lr;
	s5 =	simm.s32 $0xFFFFFFFF;
	p2 =	slt.u32 s8, $0xFFFFF086  }
0x1c: {  	p1 =	slt.u32 s9, $0xF7A;
	s5 =	simm.s32 @!p2 $0x0  }
0x1d: {  	s5 =	simm.s32 @p1 $0x1;
	p0 =	seq.s32 s7, s2  }
0x1e: {  	s7 =	smul.u32 @!p0 $0xF7A, s2;
	p2 =	seq.s32 @!p0 s5, $0x0  }
0x1f: {  	s9 =	smul.u32 $0xF7A, s1;
	s8 =	simm.s32 @!p0 $0x1BF5;
	p2 =	por !p2, p0  }
0x20: {  	[sflag:s8] =	ssyncset.s32 @!p0 $0xFFFFF086;
	s6 =	sadd.s32 @!p0 s3, s7;
	s7 =	simm.s32 @!p0 $0x108  }
0x21: {  	s3 =	sadd.s32 s3, s9;
	s6 =	sadd.s32 @!p0 $0x88, s6;
	s7 =	simm.s32 @p2 $0x1082  }
0x22: {  	[simem:s7], [sflag:s8] =	dma.local @!p0 [hbm:s6], $0xF7A  }
0x23: {  	s9 =	sor.u32 $0xD0000000, s2;
	s6 =	simm.s32 $0x108;
	_ =	swait.ge @!p0 [sflag:s8], $0x0  }
0x24: {  	s3 =	sadd.s32 $0x88, s3;
	s6 =	simm.s32 @!p1 $0x1082;
	[sflag:s4] =	ssyncset.s32 $0xFFFFF086  }
0x25: {  	[simem:s6], [sflag:s4] =	dma.local [hbm:s3], $0xF7A  }
0x26: {  	[smem:$0x3F92] =	sst s1;
	(tag) =	ssettag s2;
	_ =	strace s9  }
0x27: {  	s1 =	sld [smem:$0x3FA2]  }
0x28: {  	s2 =	sld [smem:$0x3FA3]  }
0x29: {  	s4 =	sld [smem:$0x3FA5]  }
0x2a: {  	p0 =	seq.s32 s5, $0x0;
	s5 =	sld [smem:$0x3FA6]  }
0x2b: {  	s6 =	sld [smem:$0x3FA7]  }
0x2c: {  	s7 =	sld [smem:$0x3FA8]  }
0x2d: {  	s3 =	simm.s32 $0x108;
	s8 =	sld [smem:$0x3FA9]  }
0x2e: {  	s3 =	simm.s32 @!p0 $0x1082;
	s9 =	sld [smem:$0x3FAA]  }
0x2f: {  	lr =	sadd.s32 s0, s3;
	s0 =	sld [smem:$0x3FA1]  }
0x30: {  	s3 =	sld [smem:$0x3FA4]  }
0x31: {  	[smem:$0x3FAD] =	sst s10  }
0x32: {  	s10 =	sld [smem:$0x3FAB];
	_ =	sdelay $0x3  }
0x33: {  	p0 =	seq.s32 s10, $0x1;
	s10 =	sld [smem:$0x3FAD];
	_ =	sdelay $0x3  }
0x34: {  	[smem:$0x3FAD] =	sst s10  }
0x35: {  	s10 =	sld [smem:$0x3FAC];
	_ =	sdelay $0x3  }
0x36: {  	p1 =	seq.s32 s10, $0x1;
	s10 =	sld [smem:$0x3FAD];
	_ =	sdelay $0x3  }
0x37: {  	[smem:$0x3FAD] =	sst s10  }
0x38: {  	s10 =	sld [smem:$0x3FAE]  }
0x39: {  	_ = 	snop;
	(pc) =	sbr.ind lr, $3  }
0x3a: {  	_ = 	snop  }
0x3b: {  	_ = 	snop  }
0x3c: {  	p2 =	seq.s32 s10, $0x1;
	s10 =	sld [smem:$0x3FAD]  }
0x3d: {  	_ =	shalt  }
0x3e: {  	_ =	shalt  }
0x3f: {  	_ =	shalt  }
0x40: {  	_ =	shalt  }
0x41: {  	_ =	shalt  }
0x42: {  	_ =	shalt  }
0x43: {  	_ =	shalt  }
0x44: {  	_ =	shalt  }
0x45: {  	_ =	shalt  }
0x46: {  	_ =	shalt  }
0x47: {  	_ =	shalt  }
0x48: {  	_ =	shalt  }
0x49: {  	_ =	shalt  }
0x4a: {  	_ =	shalt  }
0x4b: {  	_ =	shalt  }
0x4c: {  	_ =	shalt  }
0x4d: {  	_ =	shalt  }
0x4e: {  	_ =	shalt  }
0x4f: {  	_ =	shalt  }
0x50: {  	_ =	shalt  }
0x51: {  	_ =	shalt  }
0x52: {  	_ =	shalt  }
0x53: {  	_ =	shalt  }
0x54: {  	_ =	shalt  }
0x55: {  	_ =	shalt  }
0x56: {  	_ =	shalt  }
0x57: {  	_ =	shalt  }
0x58: {  	_ =	shalt  }
0x59: {  	_ =	shalt  }
0x5a: {  	_ =	shalt  }
0x5b: {  	_ =	shalt  }
0x5c: {  	_ =	shalt  }
0x5d: {  	_ =	shalt  }
0x5e: {  	_ =	shalt  }
0x5f: {  	_ =	shalt  }
0x60: {  	_ =	shalt  }
0x61: {  	_ =	shalt  }
0x62: {  	_ =	shalt  }
0x63: {  	_ =	shalt  }
0x64: {  	_ =	shalt  }
0x65: {  	_ =	shalt  }
0x66: {  	_ =	shalt  }
0x67: {  	_ =	shalt  }
0x68: {  	_ =	shalt  }
0x69: {  	_ =	shalt  }
0x6a: {  	_ =	shalt  }
0x6b: {  	_ =	shalt  }
0x6c: {  	_ =	shalt  }
0x6d: {  	_ =	shalt  }
0x6e: {  	_ =	shalt  }
0x6f: {  	_ =	shalt  }
0x70: {  	_ =	shalt  }
0x71: {  	_ =	shalt  }
0x72: {  	_ =	shalt  }
0x73: {  	_ =	shalt  }
0x74: {  	_ =	shalt  }
0x75: {  	_ =	shalt  }
0x76: {  	_ =	shalt  }
0x77: {  	_ =	shalt  }
0x78: {  	_ =	shalt  }
0x79: {  	_ =	shalt  }
0x7a: {  	_ =	shalt  }
0x7b: {  	_ =	shalt  }
0x7c: {  	_ =	shalt  }
0x7d: {  	_ =	shalt  }
0x7e: {  	_ =	shalt  }
0x7f: {  	_ =	shalt  }
0x80: {  	_ =	shalt  }
0x81: {  	_ =	shalt  }
0x82: {  	_ =	shalt  }
0x83: {  	_ =	shalt  }
0x84: {  	_ =	shalt  }
0x85: {  	_ =	shalt  }
0x86: {  	_ =	shalt  }
0x87: {  	_ =	shalt  }
.Lfunc_end0:
.L_simem_size_0:
called_computation.2_lowered:
.L_overlay_start_0:
0x88: {  	s2 =	sld [smem:$0x3FD9]  }
0x89: {  	s3 =	sld [smem:$0x3FFE];
	_ =	sdelay $0x1  }
0x8a: {  	s1 =	srdreg.scid  }
0x8b: {  	s0 =	sand.u32 $0x1, s1  }
0x8c: {  	s16 =	sshll.u32 s0, $0xA;
	s2 =	sadd.s32 s3, s2  }
0x8d: {  	s2 =	sadd.s32 s2, s16  }
0x8e: {  	[smem:$0x3FB9] =	sst s2  }
0x8f: {  	_ = 	snop  }
0x90: {  	(tm) =	ssettm $0x1  }
0x91: {  	s17 =	sld [smem:$0x3FFB];
	_ =	sdelay $0x3  }
0x92: {  	_ =	strace s17  }
0x93: {  	s2 =	sld [smem:$0x3FFC];
	_ =	sdelay $0x3  }
0x94: {  	_ =	strace s2  }
0x95: {  	s2 =	sld [smem:$0x3FFD];
	_ =	sdelay $0x3  }
0x96: {  	_ =	strace s2  }
0x97: {  	_ =	strace $0x8FFFFFFF  }
0x98: {  	s18 =	sld [smem:$0x3FDB];
	_ =	sdelay $0x1  }
0x99: {  	s19 =	simm.s32 $_scs_section_size  }
0x9a: {  	s4 =	simm.s32 $_size__tile_overlayer_lowered;
	s5 =	simm.s32 $_tile_overlayer_lowered  }
0x9b: {  	s22 =	simm.s32 $0x1BFF;
	s21 =	sshll.u32 s5, $0x1;
	s2 =	sadd.s32 s19, s18  }
0x9c: {  	s6 =	simm.s32 $0x0;
	s20 =	sshll.u32 s4, $0x1;
	s4 =	sadd.s32 s21, s2  }
0x9d: {  	[timem:s6], [sflag:s22] =	dma.local [hbm:s4], s20  }
0x9e: {  	_ =	swait.ge [sflag:s22], s20  }
0x9f: {  	s3 =	ssub.s32 $0x0, s20;
	[sflag:s22] =	ssyncset.done $0x0  }
0xa0: {  	[sflag:s22] =	ssyncadd.s32 s3;
	_ =	sdelay $0x1  }
0xa1: {  	s23 =	simm.s32 $0x1B8B  }
0xa2: {  	_ =	swait.ge [sflag:s23], $0x1  }
0xa3: {  	[sflag:s23] =	ssyncset.done $0x0  }
0xa4: {  	s25 =	simm.s32 $0x1B8E;
	s24 =	sld [smem:$0x3FFE];
	[sflag:s23] =	ssyncadd.s32 $0xFFFFFFFF  }
0xa5: {  	s26 =	simm.s32 $execute0_lowered;
	[smem:$0x3FD2] =	sst s25  }
0xa6: {  	s4 =	sshll.u32 s26, $0x1;
	_ =	strace $0x8000004C;
	[dreg:$0x1] =	wrdreg $0xFFFFFFFF  }
0xa7: {  	s28 =	simm.s32 $_size_execute0_lowered;
	s2 =	sadd.s32 s2, s4;
	[dreg:$0x0] =	wrdreg $0x0  }
0xa8: {  	s4 =	sshll.u32 s28, $0x1;
	[dreg:$0x2] =	wrdreg s2  }
0xa9: {  	[dreg:$0x3] =	wrdreg s4  }
0xaa: {  	[dreg:$0x4] =	wrdreg $0xC0  }
0xab: {  	_ =	task [dreg:s6], $0x5FFFF  }
0xac: {  	[dreg:$0x1] =	wrdreg $0xFFFFFFFF  }
0xad: {  	[dreg:$0x0] =	wrdreg $0x60  }
0xae: {  	[dreg:$0x2] =	wrdreg s24  }
0xaf: {  	[dreg:$0x3] =	wrdreg $0x13D000  }
0xb0: {  	[dreg:$0x4] =	wrdreg $0x9  }
0xb1: {  	_ =	task.clear_ibuf [dreg:s6], $0x5FFFF;
	_ =	strace $0x9000004C  }
0xb2: {  	s29 =	simm.s32 $0x9;
	_ =	strace $0x8000004E  }
0xb3: {  	_ =	swait.ge [sflag:s29], $0x1  }
0xb4: {  	[sflag:s29] =	ssyncadd.s32 $0xFFFFFFFF  }
0xb5: {  	_ =	strace $0x9000004E  }
0xb6: {  	_ =	sfence  }
0xb7: {  	s30 =	sld [smem:$0x0];
	_ =	sdelay $0x2  }
0xb8: {  	s31 =	sshll.u32 s1, $0xD;
	s1 =	sshrl.u32 s1, $0x2  }
0xb9: {  	s3 =	sand.u32 $0x4000, s31;
	s1 =	sadd.s32 s1, s30  }
0xba: {  	s0 =	sor.u32 s3, s0;
	s1 =	sshll.u32 s1, $0x11  }
0xbb: {  	s0 =	sor.u32 s1, s0  }
0xbc: {  	s0 =	sadd.s32 $0x8F2B, s0  }
0xbd: {  	[sflag:s0] =	ssyncadd.remote.s32 $0x1  }
0xbe: {  	_ =	sfence.sel $0xFFFF  }
0xbf: {  	[dreg:$0x0] =	wrdreg $0xFFFFFFFF;
	(pc) =	sbr.abs _section_cstart, $3  }
0xc0: {  	[dreg:$0x1] =	wrdreg $0xFFFFFFFF  }
0xc1: {  	_ =	task.clear_ibuf [dreg:s6], $0x2FFFF;
	_ =	strace $0x9FFFFFFF  }
0xc2: {  	(tm) =	ssettm $0x7FFFFFFF  }
0xc3: {  	_ =	shalt  }
tec
execute0_lowered:
.L_overlay_start_1:
0x0: {  	(tag) =	ssettag $0x1  }
0x1: {  	s0 =	srdreg.scid  }
0x2: {  	s1 =	rddreg [dreg:$0x0];
	s9 =	stileid.u32  }
0x3: {  	s2 =	rddreg [dreg:$0x1];
	s6 =	smul.u32 $0x280, s9  }
0x4: {  	s28 =	simm.s32 $0x1;
	s30 =	simm.s32 $0xFDC0;
	s15 =	smul.u32 $0xA00, s9  }
0x5: {  	s31 =	simm.s32 $0x2;
	s0 =	sand.u32 $0x1, s0;
	s16 =	smul.u32 $0x28000, s9  }
0x6: {  	s29 =	simm.s32 $0x4;
	s3 =	sshll.u32 s0, $0x4;
	s7 =	smul.u32 $0x2800, s0  }
0x7: {  	s0 =	ssub.s32 $0x2, s0;
	s4 =	sor.u32 s9, s3;
	s3 =	simm.s32 $0x0  }
0x8: {  	s17 =	sadd.s32 s15, s1;
	s19 =	sshrl.u32 s0, $0x1;
	s20 =	sshrl.u32 s16, $0x2  }
0x9: {  	s5 =	smul.u32 $0xA00, s4;
	[smem:$0x7FF] =	sst s3;
	s4 =	sadd.s32 $0x49800, s1  }
0xa: {  	s6 =	sadd.s32 s7, s6;
	s0 =	ssub.s32 s0, s19;
	s22 =	sadd.s32 $0x3F800, s17  }
0xb: {  	s19 =	simm.s32 $0x9;
	s7 =	simm.s32 $0x0;
	_ =	strace $0x8000004D  }
0xc: {  	s18 =	sshll.u32 s6, $0x3;
	[dreg:$0x4] =	wrdreg s22;
	s0 =	smax.u32 s0, $0x1  }
0xd: {  	s22 =	simm.s32 $0xA000;
	s6 =	simm.s32 $0x8;
	s8 =	sadd.s32 s5, s1  }
0xe: {  	s1 =	sadd.s32 s18, s1;
	s5 =	sadd.s32 s20, s2;
	[dreg:$0x5] =	wrdreg s0  }
0xf: {  	s18 =	simm.s32 $0x11D00;
	s0 =	simm.s32 $0x5;
	s21 =	sadd.s32 $0x2B800, s8  }
0x10: {  	s9 =	sadd.s32 $0x2000, s5;
	s10 =	sadd.s32 $0x4000, s5;
	s11 =	sadd.s32 $0x6000, s5  }
0x11: {  	s12 =	sadd.s32 $0x8000, s5;
	s23 =	sadd.s32 $0x71800, s1;
	[dreg:$0x3] =	wrdreg s21  }
.Ltmp0:
0x12: {  	s24 =	sadd.s32 $0x71C00, s1;
	[dreg:$0x6] =	wrdreg s23;
	(pc) =	sbr.rel .LBB2_1-.Ltmp0, $4  }
0x13: {  	s25 =	sadd.s32 $0x72000, s1;
	s26 =	sadd.s32 $0x72400, s1;
	[dreg:$0x7] =	wrdreg s24  }
0x14: {  	s17 =	sadd.s32 $0x72800, s1;
	s1 =	simm.s32 $0x6;
	[dreg:$0x8] =	wrdreg s25  }
0x15: {  	[dreg:$0x9] =	wrdreg s26;
	s21 =	simm.s32 $0x7D;
	s24 =	simm.s32 $0xBF40  }
0x16: {  	v0 =	vimm.f32 $0.0e+00;
	s26 =	simm.s32 $0xDE80;
	s25 =	simm.s32 $0x3;
	s23 =	simm.s32 $0x7  }
.LBB2_6:
0x17: {  	_ =	swait.ge [sflag:s0], $0x1F40  }
0x18: {  	[sflag:s0] =	ssyncset.done $0x0  }
0x19: {  	[sflag:s0] =	ssyncadd.s32 $0xFFFFE0C0  }
0x1a: {  	_ =	swait.ge [sflag:s1], $0x1F40  }
0x1b: {  	[sflag:s1] =	ssyncset.done $0x0  }
0x1c: {  	[sflag:s1] =	ssyncadd.s32 $0xFFFFE0C0  }
0x1d: {  	_ =	swait.ge [sflag:s23], $0x1F40  }
0x1e: {  	[sflag:s23] =	ssyncset.done $0x0  }
0x1f: {  	[sflag:s23] =	ssyncadd.s32 $0xFFFFE0C0  }
0x20: {  	_ =	swait.ge [sflag:s6], $0x1F40  }
0x21: {  	[sflag:s6] =	ssyncset.done $0x0  }
0x22: {  	[sflag:s6] =	ssyncadd.s32 $0xFFFFE0C0  }
0x23: {  	[bflag:$0x0] =	sbarrier.arrive $0xFFFF  }
0x24: {  	[tilespmem:s18], [sflag:$0x9] =	stream.linear.gather [spmem:s5], $0x2000, $0x38;
	[tilespmem:$0x1DD00] =	vst v63  }
0x25: {  	_ =	swait.ge [sflag:s19], $0x2000  }
0x26: {  	[sflag:s19] =	ssyncset.done $0x0  }
0x27: {  	s8 =	rddreg [dreg:$0x6];
	[sflag:s19] =	ssyncadd.s32 $0xFFFFE000  }
0x28: {  	[hbm4b:s8+s3] =	stream.linear.scatter [tilespmem:s18], [sflag:$0x9], $0x2000, $0x38;
	[tilespmem:$0x1DD00] =	vst v63  }
0x29: {  	_ =	swait.ge [sflag:s19], $0x2000  }
0x2a: {  	[sflag:s19] =	ssyncset.done $0x0  }
0x2b: {  	[sflag:s19] =	ssyncadd.s32 $0xFFFFE000  }
0x2c: {  	[tilespmem:s18], [sflag:$0x9] =	stream.linear.gather [spmem:s9], $0x2000, $0x38;
	[tilespmem:$0x1DD00] =	vst v63  }
0x2d: {  	_ =	swait.ge [sflag:s19], $0x2000  }
0x2e: {  	[sflag:s19] =	ssyncset.done $0x0  }
0x2f: {  	s14 =	rddreg [dreg:$0x7];
	[sflag:s19] =	ssyncadd.s32 $0xFFFFE000  }
0x30: {  	[hbm4b:s14+s3] =	stream.linear.scatter [tilespmem:s18], [sflag:$0x9], $0x2000, $0x38;
	[tilespmem:$0x1DD00] =	vst v63  }
0x31: {  	_ =	swait.ge [sflag:s19], $0x2000  }
0x32: {  	[sflag:s19] =	ssyncset.done $0x0  }
0x33: {  	[sflag:s19] =	ssyncadd.s32 $0xFFFFE000  }
0x34: {  	[tilespmem:s18], [sflag:$0x9] =	stream.linear.gather [spmem:s10], $0x2000, $0x38;
	[tilespmem:$0x1DD00] =	vst v63  }
0x35: {  	_ =	swait.ge [sflag:s19], $0x2000  }
0x36: {  	[sflag:s19] =	ssyncset.done $0x0  }
0x37: {  	s15 =	rddreg [dreg:$0x8];
	[sflag:s19] =	ssyncadd.s32 $0xFFFFE000  }
0x38: {  	[hbm4b:s15+s3] =	stream.linear.scatter [tilespmem:s18], [sflag:$0x9], $0x2000, $0x38;
	[tilespmem:$0x1DD00] =	vst v63  }
0x39: {  	_ =	swait.ge [sflag:s19], $0x2000  }
0x3a: {  	[sflag:s19] =	ssyncset.done $0x0  }
0x3b: {  	[sflag:s19] =	ssyncadd.s32 $0xFFFFE000  }
0x3c: {  	[tilespmem:s18], [sflag:$0x9] =	stream.linear.gather [spmem:s11], $0x2000, $0x38;
	[tilespmem:$0x1DD00] =	vst v63  }
0x3d: {  	_ =	swait.ge [sflag:s19], $0x2000  }
0x3e: {  	[sflag:s19] =	ssyncset.done $0x0  }
0x3f: {  	s16 =	rddreg [dreg:$0x9];
	[sflag:s19] =	ssyncadd.s32 $0xFFFFE000  }
0x40: {  	[hbm4b:s16+s3] =	stream.linear.scatter [tilespmem:s18], [sflag:$0x9], $0x2000, $0x38;
	[tilespmem:$0x1DD00] =	vst v63  }
0x41: {  	_ =	swait.ge [sflag:s19], $0x2000  }
0x42: {  	[sflag:s19] =	ssyncset.done $0x0  }
0x43: {  	[sflag:s19] =	ssyncadd.s32 $0xFFFFE000  }
0x44: {  	[tilespmem:s18], [sflag:$0x9] =	stream.linear.gather [spmem:s12], $0x2000, $0x38;
	[tilespmem:$0x1DD00] =	vst v63  }
0x45: {  	_ =	swait.ge [sflag:s19], $0x2000  }
0x46: {  	[sflag:s19] =	ssyncset.done $0x0  }
0x47: {  	[sflag:s19] =	ssyncadd.s32 $0xFFFFE000  }
0x48: {  	[hbm4b:s17+s3] =	stream.linear.scatter [tilespmem:s18], [sflag:$0x9], $0x2000, $0x38;
	[tilespmem:$0x1DD00] =	vst v63  }
0x49: {  	_ =	swait.ge [sflag:s19], $0x2000  }
0x4a: {  	s7 =	sadd.s32 $0x1, s7;
	s20 =	rddreg [dreg:$0x5]  }
0x4b: {  	p0 =	sne.s32 s7, s20  }
.Ltmp1:
0x4c: {  	_ = 	snop;
	(pc) =	sbr.rel @!p0 .LBB2_7-.Ltmp1, $3  }
0x4d: {  	_ =	sdelay $0x1  }
0x4e: {  	[sflag:s19] =	ssyncset.done $0x0  }
0x4f: {  	[sflag:s19] =	ssyncadd.s32 $0xFFFFE000  }
.LBB2_1:
0x50: {  	s13 =	simm.s32 $0x100;
	s8 =	simm.s32 $0x0  }
.LBB2_2:
0x51: {  	p0 =	sne.s32 s13, $0x7F00;
	[tilespmem:s8+$0x11D30] =	vst v0;
	s14 =	smov.u32 s13;
	s13 =	sadd.s32 $0x100, s13  }
.Ltmp2:
0x52: {  	[tilespmem:s8+$0x11D20] =	vst v0;
	(pc) =	sbr.rel @p0 .LBB2_2-.Ltmp2, $3  }
0x53: {  	[tilespmem:s8+$0x11D00] =	vst v0  }
0x54: {  	[tilespmem:s8+$0x11D10] =	vst v0;
	_ =	sdelay $0x1  }
0x55: {  	s8 =	sshra.s32 s14, $0x2  }
0x56: {  	[tilespmem:s8+$0x11D30] =	vst v0  }
0x57: {  	[tilespmem:s8+$0x11D20] =	vst v0  }
0x58: {  	[tilespmem:s8+$0x11D00] =	vst v0  }
0x59: {  	[tilespmem:s8+$0x11D10] =	vst v0  }
0x5a: {  	[spmem:s5] =	stream.linear.scatter [tilespmem:s18], [sflag:$0x9], $0x2000, $0x38;
	[tilespmem:$0x1DD00] =	vst v63  }
0x5b: {  	_ =	swait.ge [sflag:s19], $0x2000  }
0x5c: {  	[sflag:s19] =	ssyncset.done $0x0  }
0x5d: {  	[sflag:s19] =	ssyncadd.s32 $0xFFFFE000  }
0x5e: {  	[spmem:s9] =	stream.linear.scatter [tilespmem:s18], [sflag:$0x9], $0x2000, $0x38;
	[tilespmem:$0x1DD00] =	vst v63  }
0x5f: {  	_ =	swait.ge [sflag:s19], $0x2000  }
0x60: {  	[sflag:s19] =	ssyncset.done $0x0  }
0x61: {  	[sflag:s19] =	ssyncadd.s32 $0xFFFFE000  }
0x62: {  	[spmem:s10] =	stream.linear.scatter [tilespmem:s18], [sflag:$0x9], $0x2000, $0x38;
	[tilespmem:$0x1DD00] =	vst v63  }
0x63: {  	_ =	swait.ge [sflag:s19], $0x2000  }
0x64: {  	[sflag:s19] =	ssyncset.done $0x0  }
0x65: {  	[sflag:s19] =	ssyncadd.s32 $0xFFFFE000  }
0x66: {  	[spmem:s11] =	stream.linear.scatter [tilespmem:s18], [sflag:$0x9], $0x2000, $0x38;
	[tilespmem:$0x1DD00] =	vst v63  }
0x67: {  	_ =	swait.ge [sflag:s19], $0x2000  }
0x68: {  	[sflag:s19] =	ssyncset.done $0x0  }
0x69: {  	[sflag:s19] =	ssyncadd.s32 $0xFFFFE000  }
0x6a: {  	[spmem:s12] =	stream.linear.scatter [tilespmem:s18], [sflag:$0x9], $0x2000, $0x38;
	[tilespmem:$0x1DD00] =	vst v63  }
0x6b: {  	_ =	swait.ge [sflag:s19], $0x2000  }
0x6c: {  	[sflag:s19] =	ssyncset.done $0x0  }
0x6d: {  	s8 =	simm.s32 $0x0;
	s13 =	rddreg [dreg:$0x3];
	[sflag:s19] =	ssyncadd.s32 $0xFFFFE000  }
0x6e: {  	[tilespmem:s8], [sflag:$0x9] =	stream.linear.gather [hbm4b:s13+s8], $0x5000, $0x38;
	[tilespmem:$0x1DD00] =	vst v63  }
0x6f: {  	_ =	swait.ge [sflag:s19], $0x5000  }
0x70: {  	[sflag:s19] =	ssyncset.done $0x0  }
0x71: {  	s14 =	simm.s32 $0x5000;
	s15 =	rddreg [dreg:$0x4];
	[sflag:s19] =	ssyncadd.s32 $0xFFFFB000  }
0x72: {  	[tilespmem:s14], [sflag:$0x9] =	stream.linear.gather [hbm4b:s15+s8], $0x5000, $0x38;
	[tilespmem:$0x1DD00] =	vst v63  }
0x73: {  	_ =	swait.ge [sflag:s19], $0x5000  }
0x74: {  	[sflag:s19] =	ssyncset.done $0x0  }
0x75: {  	[sflag:s19] =	ssyncadd.s32 $0xFFFFB000  }
0x76: {  	[bflag:$0x0] =	sbarrier.arrive $0xFFFF  }
0x77: {  	[tilespmem:s22], [sflag:$0x1] =	stream.indirect.gather [hbm4b:s4+s21], $0x40, s8, s21, $0xb8;
	[tilespmem:$0x1DD00] =	vst v63  }
0x78: {  	s16 =	simm.s32 $0x80  }
0x79: {  	[tilespmem:s24], [sflag:$0x2] =	stream.indirect.gather [hbm4b:s4+s21], $0x40, s16, s21, $0xb8;
	[tilespmem:$0x1DD00] =	vst v63  }
0x7a: {  	s20 =	simm.s32 $0x100  }
0x7b: {  	[tilespmem:s26], [sflag:$0x3] =	stream.indirect.gather [hbm4b:s4+s21], $0x40, s20, s21, $0xb8;
	[tilespmem:$0x1DD00] =	vst v63  }
0x7c: {  	_ =	swait.ge [sflag:s28], $0x1F40  }
0x7d: {  	[sflag:s28] =	ssyncset.done $0x0  }
0x7e: {  	[sflag:s28] =	ssyncadd.s32 $0xFFFFE0C0  }
0x7f: {  	[spmem:s2] =	stream.indirect.scatter.add.f32 [tilespmem:s22], [sflag:$0x5], $0x40, s14, s21, $0xb8;
	[tilespmem:$0x1DD00] =	vst v63  }
0x80: {  	s15 =	simm.s32 $0x180  }
0x81: {  	[tilespmem:s30], [sflag:$0x4] =	stream.indirect.gather [hbm4b:s4+s21], $0x40, s15, s21, $0xb8;
	[tilespmem:$0x1DD00] =	vst v63  }
0x82: {  	_ =	swait.ge [sflag:s31], $0x1F40  }
0x83: {  	[sflag:s31] =	ssyncset.done $0x0  }
0x84: {  	s16 =	simm.s32 $0x5080;
	[sflag:s31] =	ssyncadd.s32 $0xFFFFE0C0  }
0x85: {  	[spmem:s2] =	stream.indirect.scatter.add.f32 [tilespmem:s24], [sflag:$0x6], $0x40, s16, s21, $0xb8;
	[tilespmem:$0x1DD00] =	vst v63  }
0x86: {  	_ =	swait.ge [sflag:s0], $0x1F40  }
0x87: {  	[sflag:s0] =	ssyncset.done $0x0  }
0x88: {  	s20 =	simm.s32 $0x200;
	[sflag:s0] =	ssyncadd.s32 $0xFFFFE0C0  }
0x89: {  	[tilespmem:s22], [sflag:$0x1] =	stream.indirect.gather [hbm4b:s4+s21], $0x40, s20, s21, $0xb8;
	[tilespmem:$0x1DD00] =	vst v63  }
0x8a: {  	_ =	swait.ge [sflag:s25], $0x1F40  }
0x8b: {  	[sflag:s25] =	ssyncset.done $0x0  }
0x8c: {  	s14 =	simm.s32 $0x5100;
	[sflag:s25] =	ssyncadd.s32 $0xFFFFE0C0  }
0x8d: {  	[spmem:s2] =	stream.indirect.scatter.add.f32 [tilespmem:s26], [sflag:$0x7], $0x40, s14, s21, $0xb8;
	[tilespmem:$0x1DD00] =	vst v63  }
0x8e: {  	_ =	swait.ge [sflag:s1], $0x1F40  }
0x8f: {  	[sflag:s1] =	ssyncset.done $0x0  }
0x90: {  	s15 =	simm.s32 $0x280;
	[sflag:s1] =	ssyncadd.s32 $0xFFFFE0C0  }
0x91: {  	[tilespmem:s24], [sflag:$0x2] =	stream.indirect.gather [hbm4b:s4+s21], $0x40, s15, s21, $0xb8;
	[tilespmem:$0x1DD00] =	vst v63  }
0x92: {  	_ =	swait.ge [sflag:s29], $0x1F40  }
0x93: {  	[sflag:s29] =	ssyncset.done $0x0  }
0x94: {  	s16 =	simm.s32 $0x5180;
	[sflag:s29] =	ssyncadd.s32 $0xFFFFE0C0  }
0x95: {  	[spmem:s2] =	stream.indirect.scatter.add.f32 [tilespmem:s30], [sflag:$0x8], $0x40, s16, s21, $0xb8;
	[tilespmem:$0x1DD00] =	vst v63  }
0x96: {  	_ =	swait.ge [sflag:s23], $0x1F40  }
0x97: {  	[sflag:s23] =	ssyncset.done $0x0  }
0x98: {  	s20 =	simm.s32 $0x300;
	[sflag:s23] =	ssyncadd.s32 $0xFFFFE0C0  }
0x99: {  	[tilespmem:s26], [sflag:$0x3] =	stream.indirect.gather [hbm4b:s4+s21], $0x40, s20, s21, $0xb8;
	[tilespmem:$0x1DD00] =	vst v63  }
.LBB2_4:
0x9a: {  	_ =	swait.ge [sflag:s28], $0x1F40  }
0x9b: {  	s13 =	sshra.s32 s8, $0x2;
	[sflag:s28] =	ssyncset.done $0x0  }
0x9c: {  	s14 =	sadd.s32 $0x5200, s13;
	[sflag:s28] =	ssyncadd.s32 $0xFFFFE0C0  }
0x9d: {  	[spmem:s2] =	stream.indirect.scatter.add.f32 [tilespmem:s22], [sflag:$0x5], $0x40, s14, s21, $0xb8;
	[tilespmem:$0x1DD00] =	vst v63  }
0x9e: {  	_ =	swait.ge [sflag:s6], $0x1F40  }
0x9f: {  	[sflag:s6] =	ssyncset.done $0x0  }
0xa0: {  	s15 =	sadd.s32 $0x380, s13;
	[sflag:s6] =	ssyncadd.s32 $0xFFFFE0C0  }
0xa1: {  	[tilespmem:s30], [sflag:$0x4] =	stream.indirect.gather [hbm4b:s4+s21], $0x40, s15, s21, $0xb8;
	[tilespmem:$0x1DD00] =	vst v63  }
0xa2: {  	_ =	swait.ge [sflag:s31], $0x1F40  }
0xa3: {  	p0 =	seq.s32 s8, $0x13000;
	[sflag:s31] =	ssyncset.done $0x0  }
0xa4: {  	s16 =	sadd.s32 $0x5280, s13;
	s14 =	simm.s32 @p0 $0x3;
	[sflag:s31] =	ssyncadd.s32 $0xFFFFE0C0  }
0xa5: {  	[spmem:s2] =	stream.indirect.scatter.add.f32 [tilespmem:s24], [sflag:$0x6], $0x40, s16, s21, $0xb8;
	[tilespmem:$0x1DD00] =	vst v63  }
0xa6: {  	_ =	swait.ge @p0 [sflag:s14], $0x1F40  }
0xa7: {  	[sflag:s14] =	ssyncset.done @p0 $0x0  }
0xa8: {  	[sflag:s14] =	ssyncadd.s32 @p0 $0xFFFFE0C0;
	s14 =	sshra.s32 @p0 s8, $0x2  }
0xa9: {  	s15 =	simm.s32 @p0 $0x7D;
	s16 =	simm.s32 @p0 $0xDE80;
	s14 =	sadd.s32 @p0 $0x5300, s14  }
0xaa: {  	[spmem:s2] =	stream.indirect.scatter.add.f32 @p0 [tilespmem:s16], [sflag:$0x7], $0x40, s14, s15, $0xb8;
	[tilespmem:$0x1DD00] =	vst v63  }
0xab: {  	s14 =	simm.s32 @!p0 $0x5  }
0xac: {  	_ =	swait.ge @!p0 [sflag:s14], $0x1F40  }
0xad: {  	[sflag:s14] =	ssyncset.done @!p0 $0x0  }
0xae: {  	[sflag:s14] =	ssyncadd.s32 @!p0 $0xFFFFE0C0;
	s14 =	sshra.s32 @!p0 s8, $0x2  }
0xaf: {  	s20 =	simm.s32 @!p0 $0xA000;
	s16 =	simm.s32 @!p0 $0x7D;
	s15 =	sadd.s32 @!p0 $0x400, s14  }
0xb0: {  	[tilespmem:s20], [sflag:$0x1] =	stream.indirect.gather @!p0 [hbm4b:s4+s16], $0x40, s15, s16, $0xb8;
	[tilespmem:$0x1DD00] =	vst v63  }
0xb1: {  	s15 =	simm.s32 @!p0 $0x3  }
0xb2: {  	_ =	swait.ge @!p0 [sflag:s15], $0x1F40  }
0xb3: {  	[sflag:s15] =	ssyncset.done @!p0 $0x0  }
0xb4: {  	s20 =	simm.s32 @!p0 $0xDE80;
	[sflag:s15] =	ssyncadd.s32 @!p0 $0xFFFFE0C0;
	s15 =	sadd.s32 @!p0 $0x5300, s14  }
0xb5: {  	[spmem:s2] =	stream.indirect.scatter.add.f32 @!p0 [tilespmem:s20], [sflag:$0x7], $0x40, s15, s16, $0xb8;
	[tilespmem:$0x1DD00] =	vst v63  }
0xb6: {  	s15 =	simm.s32 @!p0 $0x6  }
0xb7: {  	_ =	swait.ge @!p0 [sflag:s15], $0x1F40  }
0xb8: {  	[sflag:s15] =	ssyncset.done @!p0 $0x0  }
0xb9: {  	s14 =	sadd.s32 @!p0 $0x480, s14;
	[sflag:s15] =	ssyncadd.s32 @!p0 $0xFFFFE0C0;
	s15 =	simm.s32 @!p0 $0xBF40  }
0xba: {  	[tilespmem:s15], [sflag:$0x2] =	stream.indirect.gather @!p0 [hbm4b:s4+s16], $0x40, s14, s16, $0xb8;
	[tilespmem:$0x1DD00] =	vst v63  }
.Ltmp3:
0xbb: {  	_ = 	snop;
	(pc) =	sbr.rel @p0 .LBB2_6-.Ltmp3, $4  }
0xbc: {  	_ =	swait.ge [sflag:s29], $0x1F40  }
0xbd: {  	[sflag:s29] =	ssyncset.done $0x0  }
0xbe: {  	s20 =	sadd.s32 $0x5380, s13;
	[sflag:s29] =	ssyncadd.s32 $0xFFFFE0C0  }
0xbf: {  	[spmem:s2] =	stream.indirect.scatter.add.f32 [tilespmem:s30], [sflag:$0x8], $0x40, s20, s21, $0xb8;
	[tilespmem:$0x1DD00] =	vst v63  }
.Ltmp4:
0xc0: {  	(pc) =	sbr.rel .LBB2_4-.Ltmp4, $4  }
0xc1: {  	_ =	swait.ge [sflag:s23], $0x1F40  }
0xc2: {  	[sflag:s23] =	ssyncset.done $0x0  }
0xc3: {  	s13 =	sadd.s32 $0x500, s13;
	s8 =	sadd.s32 $0x800, s8;
	[sflag:s23] =	ssyncadd.s32 $0xFFFFE0C0  }
0xc4: {  	[tilespmem:s26], [sflag:$0x3] =	stream.indirect.gather [hbm4b:s4+s21], $0x40, s13, s21, $0xb8;
	[tilespmem:$0x1DD00] =	vst v63  }
.LBB2_7:
0xc5: {  	_ =	sfence.sel $0x180000  }
0xc6: {  	[bflag:$0x0] =	sbarrier.arrive $0xFFFF  }
0xc7: {  	_ =	strace $0x9000004D  }
0xc8: {  	s0 =	stileid.u32;
	[bflag:$0x2] =	sbarrier.arrive $0xFFFF  }
0xc9: {  	p0 =	sne.s32 s0, $0x0;
	s0 =	rddreg [dreg:$0x2]  }
0xca: {  	s0 =	sadd.s32 @!p0 $0x100000, s0  }
0xcb: {  	[sflag:s0] =	ssyncadd.tile.s32 @!p0 $0x1;
	_ =	shalt  }
.Lfunc_end2:
_tile_overlayer_lowered:
.L_overlay_start_2:
0xcc: {  	(tag) =	ssettag $0x2  }
0xcd: {  	s0 =	rddreg [dreg:$0x0];
	s2 =	stileid.u32  }
0xce: {  	s1 =	rddreg [dreg:$0x1];
	p0 =	sne.s32 s2, $0x0  }
0xcf: {  	s3 =	rddreg [dreg:$0x2];
	[bflag:$0x3] =	sbarrier.arrive $0xFFFF;
	s2 =	simm.s32 @!p0 $0x1C09  }
0xd0: {  	[timem:s3], [sflag:s2] =	dma.local @!p0 [hbm:s0], s1  }
0xd1: {  	s0 =	simm.s32 @!p0 $0x9  }
0xd2: {  	_ =	swait.ge @!p0 [sflag:s0], s1  }
0xd3: {  	s1 =	ssub.s32 @!p0 $0x0, s1;
	[sflag:s0] =	ssyncset.done @!p0 $0x0  }
0xd4: {  	[sflag:s0] =	ssyncadd.s32 @!p0 s1  }
0xd5: {  	[bflag:$0x3] =	sbarrier.arrive $0xFFFF  }
0xd6: {  	_ =	shalt  }

// kernel: kernel.20.cloned.1.call-start
scs
__scs_entry_jumppad:
0x0: {  	(pc) =	sbr.rel $0x88, $3  }
0x1: {  	(tag) =	ssettag $0x0;
	lr =	simm.s32 $0x1  }
0x2: {  	[smem:$0x3F92] =	sst lr;
	_ =	strace $0xD0000000  }
0x3: {  	_ = 	snop  }
0x4: {  	_ = 	snop  }
0x5: {  	_ = 	snop  }
0x6: {  	_ = 	snop  }
0x7: {  	_ = 	snop  }
__scs_overlays_trampoline_lowered:
0x8: {  	[smem:$0x3FA1] =	sst s0  }
0x9: {  	[smem:$0x3FA2] =	sst s1  }
0xa: {  	[smem:$0x3FA3] =	sst s2  }
0xb: {  	[smem:$0x3FA4] =	sst s3  }
0xc: {  	[smem:$0x3FA5] =	sst s4  }
0xd: {  	[smem:$0x3FA6] =	sst s5  }
0xe: {  	[smem:$0x3FA7] =	sst s6  }
0xf: {  	[smem:$0x3FA8] =	sst s7  }
0x10: {  	[smem:$0x3FA9] =	sst s8  }
0x11: {  	[smem:$0x3FAA] =	sst s9;
	s0 =	simm.s32 @!p0 $0x0  }
0x12: {  	s1 =	sld [smem:$0x3F90];
	s0 =	simm.s32 @p0 $0x1  }
0x13: {  	[smem:$0x3FAB] =	sst s0;
	s0 =	simm.s32 @!p1 $0x0  }
0x14: {  	s2 =	sld [smem:$0x3F8F];
	s0 =	simm.s32 @p1 $0x1  }
0x15: {  	[smem:$0x3FAC] =	sst s0;
	s0 =	simm.s32 @!p2 $0x0  }
0x16: {  	s3 =	sld [smem:$0x3FDB];
	s0 =	simm.s32 @p2 $0x1  }
0x17: {  	s4 =	simm.s32 $0x1BF5;
	[smem:$0x3FAE] =	sst s0  }
0x18: {  	s0 =	sld [smem:$0x3F91];
	_ =	swait.ge [sflag:s4], $0x0  }
0x19: {  	s7 =	sld [smem:$0x3F92]  }
0x1a: {  	s8 =	sadd.s32 $0xFFFFE003, lr  }
0x1b: {  	s9 =	sadd.s32 $0xFFFFFEF7, lr;
	s5 =	simm.s32 $0xFFFFFFFF;
	p2 =	slt.u32 s8, $0xFFFFF086  }
0x1c: {  	p1 =	slt.u32 s9, $0xF7A;
	s5 =	simm.s32 @!p2 $0x0  }
0x1d: {  	s5 =	simm.s32 @p1 $0x1;
	p0 =	seq.s32 s7, s2  }
0x1e: {  	s7 =	smul.u32 @!p0 $0xF7A, s2;
	p2 =	seq.s32 @!p0 s5, $0x0  }
0x1f: {  	s9 =	smul.u32 $0xF7A, s1;
	s8 =	simm.s32 @!p0 $0x1BF5;
	p2 =	por !p2, p0  }
0x20: {  	[sflag:s8] =	ssyncset.s32 @!p0 $0xFFFFF086;
	s6 =	sadd.s32 @!p0 s3, s7;
	s7 =	simm.s32 @!p0 $0x108  }
0x21: {  	s3 =	sadd.s32 s3, s9;
	s6 =	sadd.s32 @!p0 $0x88, s6;
	s7 =	simm.s32 @p2 $0x1082  }
0x22: {  	[simem:s7], [sflag:s8] =	dma.local @!p0 [hbm:s6], $0xF7A  }
0x23: {  	s9 =	sor.u32 $0xD0000000, s2;
	s6 =	simm.s32 $0x108;
	_ =	swait.ge @!p0 [sflag:s8], $0x0  }
0x24: {  	s3 =	sadd.s32 $0x88, s3;
	s6 =	simm.s32 @!p1 $0x1082;
	[sflag:s4] =	ssyncset.s32 $0xFFFFF086  }
0x25: {  	[simem:s6], [sflag:s4] =	dma.local [hbm:s3], $0xF7A  }
0x26: {  	[smem:$0x3F92] =	sst s1;
	(tag) =	ssettag s2;
	_ =	strace s9  }
0x27: {  	s1 =	sld [smem:$0x3FA2]  }
0x28: {  	s2 =	sld [smem:$0x3FA3]  }
0x29: {  	s4 =	sld [smem:$0x3FA5]  }
0x2a: {  	p0 =	seq.s32 s5, $0x0;
	s5 =	sld [smem:$0x3FA6]  }
0x2b: {  	s6 =	sld [smem:$0x3FA7]  }
0x2c: {  	s7 =	sld [smem:$0x3FA8]  }
0x2d: {  	s3 =	simm.s32 $0x108;
	s8 =	sld [smem:$0x3FA9]  }
0x2e: {  	s3 =	simm.s32 @!p0 $0x1082;
	s9 =	sld [smem:$0x3FAA]  }
0x2f: {  	lr =	sadd.s32 s0, s3;
	s0 =	sld [smem:$0x3FA1]  }
0x30: {  	s3 =	sld [smem:$0x3FA4]  }
0x31: {  	[smem:$0x3FAD] =	sst s10  }
0x32: {  	s10 =	sld [smem:$0x3FAB];
	_ =	sdelay $0x3  }
0x33: {  	p0 =	seq.s32 s10, $0x1;
	s10 =	sld [smem:$0x3FAD];
	_ =	sdelay $0x3  }
0x34: {  	[smem:$0x3FAD] =	sst s10  }
0x35: {  	s10 =	sld [smem:$0x3FAC];
	_ =	sdelay $0x3  }
0x36: {  	p1 =	seq.s32 s10, $0x1;
	s10 =	sld [smem:$0x3FAD];
	_ =	sdelay $0x3  }
0x37: {  	[smem:$0x3FAD] =	sst s10  }
0x38: {  	s10 =	sld [smem:$0x3FAE]  }
0x39: {  	_ = 	snop;
	(pc) =	sbr.ind lr, $3  }
0x3a: {  	_ = 	snop  }
0x3b: {  	_ = 	snop  }
0x3c: {  	p2 =	seq.s32 s10, $0x1;
	s10 =	sld [smem:$0x3FAD]  }
0x3d: {  	_ =	shalt  }
0x3e: {  	_ =	shalt  }
0x3f: {  	_ =	shalt  }
0x40: {  	_ =	shalt  }
0x41: {  	_ =	shalt  }
0x42: {  	_ =	shalt  }
0x43: {  	_ =	shalt  }
0x44: {  	_ =	shalt  }
0x45: {  	_ =	shalt  }
0x46: {  	_ =	shalt  }
0x47: {  	_ =	shalt  }
0x48: {  	_ =	shalt  }
0x49: {  	_ =	shalt  }
0x4a: {  	_ =	shalt  }
0x4b: {  	_ =	shalt  }
0x4c: {  	_ =	shalt  }
0x4d: {  	_ =	shalt  }
0x4e: {  	_ =	shalt  }
0x4f: {  	_ =	shalt  }
0x50: {  	_ =	shalt  }
0x51: {  	_ =	shalt  }
0x52: {  	_ =	shalt  }
0x53: {  	_ =	shalt  }
0x54: {  	_ =	shalt  }
0x55: {  	_ =	shalt  }
0x56: {  	_ =	shalt  }
0x57: {  	_ =	shalt  }
0x58: {  	_ =	shalt  }
0x59: {  	_ =	shalt  }
0x5a: {  	_ =	shalt  }
0x5b: {  	_ =	shalt  }
0x5c: {  	_ =	shalt  }
0x5d: {  	_ =	shalt  }
0x5e: {  	_ =	shalt  }
0x5f: {  	_ =	shalt  }
0x60: {  	_ =	shalt  }
0x61: {  	_ =	shalt  }
0x62: {  	_ =	shalt  }
0x63: {  	_ =	shalt  }
0x64: {  	_ =	shalt  }
0x65: {  	_ =	shalt  }
0x66: {  	_ =	shalt  }
0x67: {  	_ =	shalt  }
0x68: {  	_ =	shalt  }
0x69: {  	_ =	shalt  }
0x6a: {  	_ =	shalt  }
0x6b: {  	_ =	shalt  }
0x6c: {  	_ =	shalt  }
0x6d: {  	_ =	shalt  }
0x6e: {  	_ =	shalt  }
0x6f: {  	_ =	shalt  }
0x70: {  	_ =	shalt  }
0x71: {  	_ =	shalt  }
0x72: {  	_ =	shalt  }
0x73: {  	_ =	shalt  }
0x74: {  	_ =	shalt  }
0x75: {  	_ =	shalt  }
0x76: {  	_ =	shalt  }
0x77: {  	_ =	shalt  }
0x78: {  	_ =	shalt  }
0x79: {  	_ =	shalt  }
0x7a: {  	_ =	shalt  }
0x7b: {  	_ =	shalt  }
0x7c: {  	_ =	shalt  }
0x7d: {  	_ =	shalt  }
0x7e: {  	_ =	shalt  }
0x7f: {  	_ =	shalt  }
0x80: {  	_ =	shalt  }
0x81: {  	_ =	shalt  }
0x82: {  	_ =	shalt  }
0x83: {  	_ =	shalt  }
0x84: {  	_ =	shalt  }
0x85: {  	_ =	shalt  }
0x86: {  	_ =	shalt  }
0x87: {  	_ =	shalt  }
.Lfunc_end0:
.L_simem_size_0:
called_computation.3_lowered:
.L_overlay_start_0:
0x88: {  	s2 =	sld [smem:$0x3FD9]  }
0x89: {  	s3 =	sld [smem:$0x3FFE];
	_ =	sdelay $0x1  }
0x8a: {  	s1 =	srdreg.scid  }
0x8b: {  	s0 =	sand.u32 $0x1, s1  }
0x8c: {  	s16 =	sshll.u32 s0, $0xA;
	s2 =	sadd.s32 s3, s2  }
0x8d: {  	s2 =	sadd.s32 s2, s16  }
0x8e: {  	[smem:$0x3FB9] =	sst s2  }
0x8f: {  	_ = 	snop  }
0x90: {  	(tm) =	ssettm $0x1  }
0x91: {  	s17 =	sld [smem:$0x3FFB];
	_ =	sdelay $0x3  }
0x92: {  	_ =	strace s17  }
0x93: {  	s2 =	sld [smem:$0x3FFC];
	_ =	sdelay $0x3  }
0x94: {  	_ =	strace s2  }
0x95: {  	s2 =	sld [smem:$0x3FFD];
	_ =	sdelay $0x3  }
0x96: {  	_ =	strace s2  }
0x97: {  	_ =	strace $0x8FFFFFFF  }
0x98: {  	s18 =	sld [smem:$0x3FDB];
	_ =	sdelay $0x1  }
0x99: {  	s19 =	simm.s32 $_scs_section_size  }
0x9a: {  	s4 =	simm.s32 $_size__tile_overlayer_lowered;
	s5 =	simm.s32 $_tile_overlayer_lowered  }
0x9b: {  	s22 =	simm.s32 $0x1BFF;
	s21 =	sshll.u32 s5, $0x1;
	s2 =	sadd.s32 s19, s18  }
0x9c: {  	s6 =	simm.s32 $0x0;
	s20 =	sshll.u32 s4, $0x1;
	s4 =	sadd.s32 s21, s2  }
0x9d: {  	[timem:s6], [sflag:s22] =	dma.local [hbm:s4], s20  }
0x9e: {  	_ =	swait.ge [sflag:s22], s20  }
0x9f: {  	s3 =	ssub.s32 $0x0, s20;
	[sflag:s22] =	ssyncset.done $0x0  }
0xa0: {  	[sflag:s22] =	ssyncadd.s32 s3;
	_ =	sdelay $0x1  }
0xa1: {  	s23 =	simm.s32 $0x1B8B  }
0xa2: {  	_ =	swait.ge [sflag:s23], $0x1  }
0xa3: {  	[sflag:s23] =	ssyncset.done $0x0  }
0xa4: {  	s25 =	simm.s32 $0x1B8E;
	s24 =	sld [smem:$0x3FFE];
	[sflag:s23] =	ssyncadd.s32 $0xFFFFFFFF  }
0xa5: {  	s26 =	simm.s32 $execute0_lowered;
	[smem:$0x3FD2] =	sst s25  }
0xa6: {  	s4 =	sshll.u32 s26, $0x1;
	_ =	strace $0x8000004F;
	[dreg:$0x1] =	wrdreg $0xFFFFFFFF  }
0xa7: {  	s28 =	simm.s32 $_size_execute0_lowered;
	s2 =	sadd.s32 s2, s4;
	[dreg:$0x0] =	wrdreg $0x0  }
0xa8: {  	s4 =	sshll.u32 s28, $0x1;
	[dreg:$0x2] =	wrdreg s2  }
0xa9: {  	[dreg:$0x3] =	wrdreg s4  }
0xaa: {  	[dreg:$0x4] =	wrdreg $0xC0  }
0xab: {  	_ =	task [dreg:s6], $0x5FFFF  }
0xac: {  	[dreg:$0x1] =	wrdreg $0xFFFFFFFF  }
0xad: {  	[dreg:$0x0] =	wrdreg $0x60  }
0xae: {  	[dreg:$0x2] =	wrdreg s24  }
0xaf: {  	[dreg:$0x3] =	wrdreg $0x13D000  }
0xb0: {  	[dreg:$0x4] =	wrdreg $0x9  }
0xb1: {  	_ =	task.clear_ibuf [dreg:s6], $0x5FFFF;
	_ =	strace $0x9000004F  }
0xb2: {  	s29 =	simm.s32 $0x9;
	_ =	strace $0x80000051  }
0xb3: {  	_ =	swait.ge [sflag:s29], $0x1  }
0xb4: {  	[sflag:s29] =	ssyncadd.s32 $0xFFFFFFFF  }
0xb5: {  	_ =	strace $0x90000051  }
0xb6: {  	_ =	sfence  }
0xb7: {  	s30 =	sld [smem:$0x0];
	_ =	sdelay $0x2  }
0xb8: {  	s31 =	sshll.u32 s1, $0xD;
	s1 =	sshrl.u32 s1, $0x2  }
0xb9: {  	s3 =	sand.u32 $0x4000, s31;
	s1 =	sadd.s32 s1, s30  }
0xba: {  	s0 =	sor.u32 s3, s0;
	s1 =	sshll.u32 s1, $0x11  }
0xbb: {  	s0 =	sor.u32 s1, s0  }
0xbc: {  	s0 =	sadd.s32 $0x8F2B, s0  }
0xbd: {  	[sflag:s0] =	ssyncadd.remote.s32 $0x1  }
0xbe: {  	_ =	sfence.sel $0xFFFF  }
0xbf: {  	[dreg:$0x0] =	wrdreg $0xFFFFFFFF;
	(pc) =	sbr.abs _section_cstart, $3  }
0xc0: {  	[dreg:$0x1] =	wrdreg $0xFFFFFFFF  }
0xc1: {  	_ =	task.clear_ibuf [dreg:s6], $0x2FFFF;
	_ =	strace $0x9FFFFFFF  }
0xc2: {  	(tm) =	ssettm $0x7FFFFFFF  }
0xc3: {  	_ =	shalt  }
tec
execute0_lowered:
.L_overlay_start_1:
0x0: {  	(tag) =	ssettag $0x1  }
0x1: {  	s0 =	srdreg.scid;
	s9 =	stileid.u32  }
0x2: {  	s1 =	rddreg [dreg:$0x0];
	s6 =	smul.u32 $0x280, s9  }
0x3: {  	s2 =	rddreg [dreg:$0x1];
	s28 =	simm.s32 $0x7D;
	s8 =	smul.u32 $0xA00, s9  }
0x4: {  	s29 =	simm.s32 $0xA000;
	s0 =	sand.u32 $0x1, s0;
	s13 =	smul.u32 $0x28000, s9  }
0x5: {  	s31 =	simm.s32 $0xBF40;
	s3 =	sshll.u32 s0, $0x4;
	s7 =	smul.u32 $0x2800, s0  }
0x6: {  	s0 =	ssub.s32 $0x2, s0;
	s4 =	sor.u32 s9, s3;
	s3 =	simm.s32 $0x0  }
0x7: {  	s8 =	sadd.s32 s8, s1;
	s14 =	sshrl.u32 s0, $0x1;
	s15 =	sshrl.u32 s13, $0x2  }
0x8: {  	s13 =	simm.s32 $0x2;
	s5 =	smul.u32 $0xA00, s4;
	[smem:$0x7FF] =	sst s3  }
0x9: {  	s4 =	sadd.s32 $0x99800, s1;
	s6 =	sadd.s32 s7, s6;
	s0 =	ssub.s32 s0, s14  }
0xa: {  	s16 =	sadd.s32 $0x3F800, s8;
	s8 =	simm.s32 $0xFDC0;
	_ =	strace $0x80000050  }
0xb: {  	[dreg:$0x3] =	wrdreg s16;
	s0 =	smax.u32 s0, $0x1;
	s5 =	sadd.s32 s5, s1  }
0xc: {  	s6 =	sshll.u32 s6, $0x3;
	[dreg:$0xa] =	wrdreg s0;
	s17 =	sadd.s32 $0x2B800, s5  }
0xd: {  	s1 =	sadd.s32 s6, s1;
	s5 =	sadd.s32 $0x3800, s5;
	[dreg:$0x4] =	wrdreg s17  }
0xe: {  	s7 =	simm.s32 $0x0;
	s18 =	sadd.s32 $0xE9800, s1;
	[dreg:$0x5] =	wrdreg s5  }
0xf: {  	s6 =	sadd.s32 s15, s2;
	s19 =	sadd.s32 $0xE9C00, s1;
	[dreg:$0x6] =	wrdreg s18  }
0x10: {  	s0 =	simm.s32 $0xDE80;
	s20 =	sadd.s32 $0xEA000, s1;
	[dreg:$0x7] =	wrdreg s19  }
0x11: {  	s15 =	simm.s32 $0x5;
	s21 =	sadd.s32 $0xEA400, s1;
	[dreg:$0x8] =	wrdreg s20  }
0x12: {  	s9 =	sadd.s32 $0x2000, s6;
	s22 =	sadd.s32 $0x111800, s1;
	[dreg:$0x9] =	wrdreg s21  }
0x13: {  	s10 =	sadd.s32 $0x4000, s6;
	s23 =	sadd.s32 $0x111C00, s1;
	[dreg:$0xb] =	wrdreg s22  }
0x14: {  	s11 =	sadd.s32 $0x6000, s6;
	s24 =	sadd.s32 $0xEA800, s1;
	[dreg:$0xc] =	wrdreg s23  }
0x15: {  	s12 =	sadd.s32 $0x8000, s6;
	s25 =	sadd.s32 $0x112000, s1;
	[dreg:$0xd] =	wrdreg s24  }
.Ltmp0:
0x16: {  	s26 =	sadd.s32 $0x112400, s1;
	[dreg:$0xe] =	wrdreg s25;
	(pc) =	sbr.rel .LBB2_1-.Ltmp0, $4  }
0x17: {  	s30 =	sadd.s32 $0x112800, s1;
	s1 =	simm.s32 $0x8;
	[dreg:$0xf] =	wrdreg s26  }
0x18: {  	[dreg:$0x10] =	wrdreg s30;
	s24 =	simm.s32 $0x5000;
	s25 =	simm.s32 $0x9  }
0x19: {  	s26 =	simm.s32 $0x11D00;
	s5 =	simm.s32 $0x1;
	s17 =	simm.s32 $0x3  }
0x1a: {  	v0 =	vimm.f32 $0.0e+00;
	s19 =	simm.s32 $0x6;
	s21 =	simm.s32 $0x4;
	s22 =	simm.s32 $0x7  }
.LBB2_11:
0x1b: {  	_ =	swait.ge [sflag:s15], $0x1F40  }
0x1c: {  	[sflag:s15] =	ssyncset.done $0x0  }
0x1d: {  	[sflag:s15] =	ssyncadd.s32 $0xFFFFE0C0  }
0x1e: {  	_ =	swait.ge [sflag:s19], $0x1F40  }
0x1f: {  	[sflag:s19] =	ssyncset.done $0x0  }
0x20: {  	[sflag:s19] =	ssyncadd.s32 $0xFFFFE0C0  }
0x21: {  	_ =	swait.ge [sflag:s22], $0x1F40  }
0x22: {  	[sflag:s22] =	ssyncset.done $0x0  }
0x23: {  	[sflag:s22] =	ssyncadd.s32 $0xFFFFE0C0  }
0x24: {  	_ =	swait.ge [sflag:s1], $0x1F40  }
0x25: {  	[sflag:s1] =	ssyncset.done $0x0  }
0x26: {  	[sflag:s1] =	ssyncadd.s32 $0xFFFFE0C0  }
0x27: {  	[bflag:$0x0] =	sbarrier.arrive $0xFFFF  }
0x28: {  	[tilespmem:s26], [sflag:$0x9] =	stream.linear.gather [spmem:s6], $0x2000, $0x38;
	[tilespmem:$0x1DD00] =	vst v63  }
0x29: {  	_ =	swait.ge [sflag:s25], $0x2000  }
0x2a: {  	[sflag:s25] =	ssyncset.done $0x0  }
0x2b: {  	s14 =	rddreg [dreg:$0xb];
	[sflag:s25] =	ssyncadd.s32 $0xFFFFE000  }
0x2c: {  	[hbm4b:s14+s3] =	stream.linear.scatter [tilespmem:s26], [sflag:$0x9], $0x2000, $0x38;
	[tilespmem:$0x1DD00] =	vst v63  }
0x2d: {  	_ =	swait.ge [sflag:s25], $0x2000  }
0x2e: {  	[sflag:s25] =	ssyncset.done $0x0  }
0x2f: {  	[sflag:s25] =	ssyncadd.s32 $0xFFFFE000  }
0x30: {  	[tilespmem:s26], [sflag:$0x9] =	stream.linear.gather [spmem:s9], $0x2000, $0x38;
	[tilespmem:$0x1DD00] =	vst v63  }
0x31: {  	_ =	swait.ge [sflag:s25], $0x2000  }
0x32: {  	[sflag:s25] =	ssyncset.done $0x0  }
0x33: {  	s16 =	rddreg [dreg:$0xc];
	[sflag:s25] =	ssyncadd.s32 $0xFFFFE000  }
0x34: {  	[hbm4b:s16+s3] =	stream.linear.scatter [tilespmem:s26], [sflag:$0x9], $0x2000, $0x38;
	[tilespmem:$0x1DD00] =	vst v63  }
0x35: {  	_ =	swait.ge [sflag:s25], $0x2000  }
0x36: {  	[sflag:s25] =	ssyncset.done $0x0  }
0x37: {  	[sflag:s25] =	ssyncadd.s32 $0xFFFFE000  }
0x38: {  	[tilespmem:s26], [sflag:$0x9] =	stream.linear.gather [spmem:s10], $0x2000, $0x38;
	[tilespmem:$0x1DD00] =	vst v63  }
0x39: {  	_ =	swait.ge [sflag:s25], $0x2000  }
0x3a: {  	[sflag:s25] =	ssyncset.done $0x0  }
0x3b: {  	s18 =	rddreg [dreg:$0xe];
	[sflag:s25] =	ssyncadd.s32 $0xFFFFE000  }
0x3c: {  	[hbm4b:s18+s3] =	stream.linear.scatter [tilespmem:s26], [sflag:$0x9], $0x2000, $0x38;
	[tilespmem:$0x1DD00] =	vst v63  }
0x3d: {  	_ =	swait.ge [sflag:s25], $0x2000  }
0x3e: {  	[sflag:s25] =	ssyncset.done $0x0  }
0x3f: {  	[sflag:s25] =	ssyncadd.s32 $0xFFFFE000  }
0x40: {  	[tilespmem:s26], [sflag:$0x9] =	stream.linear.gather [spmem:s11], $0x2000, $0x38;
	[tilespmem:$0x1DD00] =	vst v63  }
0x41: {  	_ =	swait.ge [sflag:s25], $0x2000  }
0x42: {  	[sflag:s25] =	ssyncset.done $0x0  }
0x43: {  	s20 =	rddreg [dreg:$0xf];
	[sflag:s25] =	ssyncadd.s32 $0xFFFFE000  }
0x44: {  	[hbm4b:s20+s3] =	stream.linear.scatter [tilespmem:s26], [sflag:$0x9], $0x2000, $0x38;
	[tilespmem:$0x1DD00] =	vst v63  }
0x45: {  	_ =	swait.ge [sflag:s25], $0x2000  }
0x46: {  	[sflag:s25] =	ssyncset.done $0x0  }
0x47: {  	[sflag:s25] =	ssyncadd.s32 $0xFFFFE000  }
0x48: {  	[tilespmem:s26], [sflag:$0x9] =	stream.linear.gather [spmem:s12], $0x2000, $0x38;
	[tilespmem:$0x1DD00] =	vst v63  }
0x49: {  	_ =	swait.ge [sflag:s25], $0x2000  }
0x4a: {  	[sflag:s25] =	ssyncset.done $0x0  }
0x4b: {  	s23 =	rddreg [dreg:$0x10];
	[sflag:s25] =	ssyncadd.s32 $0xFFFFE000  }
0x4c: {  	[hbm4b:s23+s3] =	stream.linear.scatter [tilespmem:s26], [sflag:$0x9], $0x2000, $0x38;
	[tilespmem:$0x1DD00] =	vst v63  }
0x4d: {  	_ =	swait.ge [sflag:s25], $0x2000  }
0x4e: {  	s7 =	sadd.s32 $0x1, s7;
	s30 =	rddreg [dreg:$0xa]  }
0x4f: {  	p0 =	sne.s32 s7, s30  }
.Ltmp1:
0x50: {  	_ = 	snop;
	(pc) =	sbr.rel @!p0 .LBB2_12-.Ltmp1, $3  }
0x51: {  	_ =	sdelay $0x1  }
0x52: {  	[sflag:s25] =	ssyncset.done $0x0  }
0x53: {  	[sflag:s25] =	ssyncadd.s32 $0xFFFFE000  }
.LBB2_1:
0x54: {  	s14 =	rddreg [dreg:$0x3]  }
0x55: {  	[tilespmem:s24], [sflag:$0x9] =	stream.linear.gather [hbm4b:s14+s3], $0x5000, $0x38;
	[tilespmem:$0x1DD00] =	vst v63  }
0x56: {  	_ =	swait.ge [sflag:s25], $0x5000  }
0x57: {  	[sflag:s25] =	ssyncset.done $0x0  }
0x58: {  	s16 =	simm.s32 $0x100;
	s14 =	simm.s32 $0x0;
	[sflag:s25] =	ssyncadd.s32 $0xFFFFB000  }
.LBB2_2:
0x59: {  	p0 =	sne.s32 s16, $0x7F00;
	[tilespmem:s14+$0x11D30] =	vst v0;
	s18 =	smov.u32 s16;
	s16 =	sadd.s32 $0x100, s16  }
.Ltmp2:
0x5a: {  	[tilespmem:s14+$0x11D20] =	vst v0;
	(pc) =	sbr.rel @p0 .LBB2_2-.Ltmp2, $3  }
0x5b: {  	[tilespmem:s14+$0x11D00] =	vst v0  }
0x5c: {  	[tilespmem:s14+$0x11D10] =	vst v0;
	_ =	sdelay $0x1  }
0x5d: {  	s14 =	sshra.s32 s18, $0x2  }
0x5e: {  	[tilespmem:s14+$0x11D30] =	vst v0  }
0x5f: {  	[tilespmem:s14+$0x11D20] =	vst v0  }
0x60: {  	[tilespmem:s14+$0x11D00] =	vst v0  }
0x61: {  	[tilespmem:s14+$0x11D10] =	vst v0  }
0x62: {  	[spmem:s6] =	stream.linear.scatter [tilespmem:s26], [sflag:$0x9], $0x2000, $0x38;
	[tilespmem:$0x1DD00] =	vst v63  }
0x63: {  	_ =	swait.ge [sflag:s25], $0x2000  }
0x64: {  	[sflag:s25] =	ssyncset.done $0x0  }
0x65: {  	[sflag:s25] =	ssyncadd.s32 $0xFFFFE000  }
0x66: {  	[spmem:s9] =	stream.linear.scatter [tilespmem:s26], [sflag:$0x9], $0x2000, $0x38;
	[tilespmem:$0x1DD00] =	vst v63  }
0x67: {  	_ =	swait.ge [sflag:s25], $0x2000  }
0x68: {  	[sflag:s25] =	ssyncset.done $0x0  }
0x69: {  	[sflag:s25] =	ssyncadd.s32 $0xFFFFE000  }
0x6a: {  	[spmem:s10] =	stream.linear.scatter [tilespmem:s26], [sflag:$0x9], $0x2000, $0x38;
	[tilespmem:$0x1DD00] =	vst v63  }
0x6b: {  	_ =	swait.ge [sflag:s25], $0x2000  }
0x6c: {  	[sflag:s25] =	ssyncset.done $0x0  }
0x6d: {  	[sflag:s25] =	ssyncadd.s32 $0xFFFFE000  }
0x6e: {  	[spmem:s11] =	stream.linear.scatter [tilespmem:s26], [sflag:$0x9], $0x2000, $0x38;
	[tilespmem:$0x1DD00] =	vst v63  }
0x6f: {  	_ =	swait.ge [sflag:s25], $0x2000  }
0x70: {  	[sflag:s25] =	ssyncset.done $0x0  }
0x71: {  	[sflag:s25] =	ssyncadd.s32 $0xFFFFE000  }
0x72: {  	[spmem:s12] =	stream.linear.scatter [tilespmem:s26], [sflag:$0x9], $0x2000, $0x38;
	[tilespmem:$0x1DD00] =	vst v63  }
0x73: {  	_ =	swait.ge [sflag:s25], $0x2000  }
0x74: {  	[sflag:s25] =	ssyncset.done $0x0  }
0x75: {  	s14 =	simm.s32 $0x0;
	s16 =	rddreg [dreg:$0x4];
	[sflag:s25] =	ssyncadd.s32 $0xFFFFE000  }
0x76: {  	[tilespmem:s14], [sflag:$0x9] =	stream.linear.gather [hbm4b:s16+s14], $0x5000, $0x38;
	[tilespmem:$0x1DD00] =	vst v63  }
0x77: {  	_ =	swait.ge [sflag:s25], $0x5000  }
0x78: {  	[sflag:s25] =	ssyncset.done $0x0  }
0x79: {  	[sflag:s25] =	ssyncadd.s32 $0xFFFFB000  }
0x7a: {  	[bflag:$0x0] =	sbarrier.arrive $0xFFFF  }
0x7b: {  	[tilespmem:s29], [sflag:$0x1] =	stream.indirect.gather [hbm4b:s4+s28], $0x40, s14, s28, $0xb8;
	[tilespmem:$0x1DD00] =	vst v63  }
0x7c: {  	s30 =	simm.s32 $0x80  }
0x7d: {  	[tilespmem:s31], [sflag:$0x2] =	stream.indirect.gather [hbm4b:s4+s28], $0x40, s30, s28, $0xb8;
	[tilespmem:$0x1DD00] =	vst v63  }
0x7e: {  	s18 =	simm.s32 $0x100  }
0x7f: {  	[tilespmem:s0], [sflag:$0x3] =	stream.indirect.gather [hbm4b:s4+s28], $0x40, s18, s28, $0xb8;
	[tilespmem:$0x1DD00] =	vst v63  }
0x80: {  	_ =	swait.ge [sflag:s5], $0x1F40  }
0x81: {  	[sflag:s5] =	ssyncset.done $0x0  }
0x82: {  	[sflag:s5] =	ssyncadd.s32 $0xFFFFE0C0  }
0x83: {  	[spmem:s2] =	stream.indirect.scatter.add.f32 [tilespmem:s29], [sflag:$0x5], $0x40, s24, s28, $0xb8;
	[tilespmem:$0x1DD00] =	vst v63  }
0x84: {  	s20 =	simm.s32 $0x180  }
0x85: {  	[tilespmem:s8], [sflag:$0x4] =	stream.indirect.gather [hbm4b:s4+s28], $0x40, s20, s28, $0xb8;
	[tilespmem:$0x1DD00] =	vst v63  }
0x86: {  	_ =	swait.ge [sflag:s13], $0x1F40  }
0x87: {  	[sflag:s13] =	ssyncset.done $0x0  }
0x88: {  	s23 =	simm.s32 $0x5080;
	[sflag:s13] =	ssyncadd.s32 $0xFFFFE0C0  }
0x89: {  	[spmem:s2] =	stream.indirect.scatter.add.f32 [tilespmem:s31], [sflag:$0x6], $0x40, s23, s28, $0xb8;
	[tilespmem:$0x1DD00] =	vst v63  }
0x8a: {  	_ =	swait.ge [sflag:s15], $0x1F40  }
0x8b: {  	[sflag:s15] =	ssyncset.done $0x0  }
0x8c: {  	s30 =	simm.s32 $0x200;
	[sflag:s15] =	ssyncadd.s32 $0xFFFFE0C0  }
0x8d: {  	[tilespmem:s29], [sflag:$0x1] =	stream.indirect.gather [hbm4b:s4+s28], $0x40, s30, s28, $0xb8;
	[tilespmem:$0x1DD00] =	vst v63  }
0x8e: {  	_ =	swait.ge [sflag:s17], $0x1F40  }
0x8f: {  	[sflag:s17] =	ssyncset.done $0x0  }
0x90: {  	s18 =	simm.s32 $0x5100;
	[sflag:s17] =	ssyncadd.s32 $0xFFFFE0C0  }
0x91: {  	[spmem:s2] =	stream.indirect.scatter.add.f32 [tilespmem:s0], [sflag:$0x7], $0x40, s18, s28, $0xb8;
	[tilespmem:$0x1DD00] =	vst v63  }
0x92: {  	_ =	swait.ge [sflag:s19], $0x1F40  }
0x93: {  	[sflag:s19] =	ssyncset.done $0x0  }
0x94: {  	s20 =	simm.s32 $0x280;
	[sflag:s19] =	ssyncadd.s32 $0xFFFFE0C0  }
0x95: {  	[tilespmem:s31], [sflag:$0x2] =	stream.indirect.gather [hbm4b:s4+s28], $0x40, s20, s28, $0xb8;
	[tilespmem:$0x1DD00] =	vst v63  }
0x96: {  	_ =	swait.ge [sflag:s21], $0x1F40  }
0x97: {  	[sflag:s21] =	ssyncset.done $0x0  }
0x98: {  	s23 =	simm.s32 $0x5180;
	[sflag:s21] =	ssyncadd.s32 $0xFFFFE0C0  }
0x99: {  	[spmem:s2] =	stream.indirect.scatter.add.f32 [tilespmem:s8], [sflag:$0x8], $0x40, s23, s28, $0xb8;
	[tilespmem:$0x1DD00] =	vst v63  }
0x9a: {  	_ =	swait.ge [sflag:s22], $0x1F40  }
0x9b: {  	[sflag:s22] =	ssyncset.done $0x0  }
0x9c: {  	s30 =	simm.s32 $0x300;
	[sflag:s22] =	ssyncadd.s32 $0xFFFFE0C0  }
0x9d: {  	[tilespmem:s0], [sflag:$0x3] =	stream.indirect.gather [hbm4b:s4+s28], $0x40, s30, s28, $0xb8;
	[tilespmem:$0x1DD00] =	vst v63  }
.LBB2_4:
0x9e: {  	_ =	swait.ge [sflag:s5], $0x1F40  }
0x9f: {  	s16 =	sshra.s32 s14, $0x2;
	[sflag:s5] =	ssyncset.done $0x0  }
0xa0: {  	s18 =	sadd.s32 $0x5200, s16;
	[sflag:s5] =	ssyncadd.s32 $0xFFFFE0C0  }
0xa1: {  	[spmem:s2] =	stream.indirect.scatter.add.f32 [tilespmem:s29], [sflag:$0x5], $0x40, s18, s28, $0xb8;
	[tilespmem:$0x1DD00] =	vst v63  }
0xa2: {  	_ =	swait.ge [sflag:s1], $0x1F40  }
0xa3: {  	[sflag:s1] =	ssyncset.done $0x0  }
0xa4: {  	s20 =	sadd.s32 $0x380, s16;
	[sflag:s1] =	ssyncadd.s32 $0xFFFFE0C0  }
0xa5: {  	[tilespmem:s8], [sflag:$0x4] =	stream.indirect.gather [hbm4b:s4+s28], $0x40, s20, s28, $0xb8;
	[tilespmem:$0x1DD00] =	vst v63  }
0xa6: {  	_ =	swait.ge [sflag:s13], $0x1F40  }
0xa7: {  	p0 =	seq.s32 s14, $0x13000;
	[sflag:s13] =	ssyncset.done $0x0  }
0xa8: {  	s23 =	sadd.s32 $0x5280, s16;
	s18 =	simm.s32 @p0 $0x3;
	[sflag:s13] =	ssyncadd.s32 $0xFFFFE0C0  }
0xa9: {  	[spmem:s2] =	stream.indirect.scatter.add.f32 [tilespmem:s31], [sflag:$0x6], $0x40, s23, s28, $0xb8;
	[tilespmem:$0x1DD00] =	vst v63  }
0xaa: {  	_ =	swait.ge @p0 [sflag:s18], $0x1F40  }
0xab: {  	[sflag:s18] =	ssyncset.done @p0 $0x0  }
0xac: {  	[sflag:s18] =	ssyncadd.s32 @p0 $0xFFFFE0C0;
	s18 =	sshra.s32 @p0 s14, $0x2  }
0xad: {  	s30 =	simm.s32 @p0 $0xDE80;
	s20 =	simm.s32 @p0 $0x7D;
	s18 =	sadd.s32 @p0 $0x5300, s18  }
0xae: {  	[spmem:s2] =	stream.indirect.scatter.add.f32 @p0 [tilespmem:s30], [sflag:$0x7], $0x40, s18, s20, $0xb8;
	[tilespmem:$0x1DD00] =	vst v63  }
0xaf: {  	s18 =	simm.s32 @!p0 $0x5  }
0xb0: {  	_ =	swait.ge @!p0 [sflag:s18], $0x1F40  }
0xb1: {  	[sflag:s18] =	ssyncset.done @!p0 $0x0  }
0xb2: {  	[sflag:s18] =	ssyncadd.s32 @!p0 $0xFFFFE0C0;
	s18 =	sshra.s32 @!p0 s14, $0x2  }
0xb3: {  	s23 =	simm.s32 @!p0 $0xA000;
	s30 =	simm.s32 @!p0 $0x7D;
	s20 =	sadd.s32 @!p0 $0x400, s18  }
0xb4: {  	[tilespmem:s23], [sflag:$0x1] =	stream.indirect.gather @!p0 [hbm4b:s4+s30], $0x40, s20, s30, $0xb8;
	[tilespmem:$0x1DD00] =	vst v63  }
0xb5: {  	s20 =	simm.s32 @!p0 $0x3  }
0xb6: {  	_ =	swait.ge @!p0 [sflag:s20], $0x1F40  }
0xb7: {  	[sflag:s20] =	ssyncset.done @!p0 $0x0  }
0xb8: {  	s23 =	simm.s32 @!p0 $0xDE80;
	[sflag:s20] =	ssyncadd.s32 @!p0 $0xFFFFE0C0;
	s20 =	sadd.s32 @!p0 $0x5300, s18  }
0xb9: {  	[spmem:s2] =	stream.indirect.scatter.add.f32 @!p0 [tilespmem:s23], [sflag:$0x7], $0x40, s20, s30, $0xb8;
	[tilespmem:$0x1DD00] =	vst v63  }
0xba: {  	s20 =	simm.s32 @!p0 $0x6  }
0xbb: {  	_ =	swait.ge @!p0 [sflag:s20], $0x1F40  }
0xbc: {  	[sflag:s20] =	ssyncset.done @!p0 $0x0  }
0xbd: {  	s18 =	sadd.s32 @!p0 $0x480, s18;
	[sflag:s20] =	ssyncadd.s32 @!p0 $0xFFFFE0C0;
	s20 =	simm.s32 @!p0 $0xBF40  }
0xbe: {  	[tilespmem:s20], [sflag:$0x2] =	stream.indirect.gather @!p0 [hbm4b:s4+s30], $0x40, s18, s30, $0xb8;
	[tilespmem:$0x1DD00] =	vst v63  }
.Ltmp3:
0xbf: {  	_ = 	snop;
	(pc) =	sbr.rel @p0 .LBB2_6-.Ltmp3, $4  }
0xc0: {  	_ =	swait.ge [sflag:s21], $0x1F40  }
0xc1: {  	[sflag:s21] =	ssyncset.done $0x0  }
0xc2: {  	s30 =	sadd.s32 $0x5380, s16;
	[sflag:s21] =	ssyncadd.s32 $0xFFFFE0C0  }
0xc3: {  	[spmem:s2] =	stream.indirect.scatter.add.f32 [tilespmem:s8], [sflag:$0x8], $0x40, s30, s28, $0xb8;
	[tilespmem:$0x1DD00] =	vst v63  }
.Ltmp4:
0xc4: {  	(pc) =	sbr.rel .LBB2_4-.Ltmp4, $4  }
0xc5: {  	_ =	swait.ge [sflag:s22], $0x1F40  }
0xc6: {  	[sflag:s22] =	ssyncset.done $0x0  }
0xc7: {  	s16 =	sadd.s32 $0x500, s16;
	s14 =	sadd.s32 $0x800, s14;
	[sflag:s22] =	ssyncadd.s32 $0xFFFFE0C0  }
0xc8: {  	[tilespmem:s0], [sflag:$0x3] =	stream.indirect.gather [hbm4b:s4+s28], $0x40, s16, s28, $0xb8;
	[tilespmem:$0x1DD00] =	vst v63  }
.LBB2_6:
0xc9: {  	_ =	swait.ge [sflag:s15], $0x1F40  }
0xca: {  	[sflag:s15] =	ssyncset.done $0x0  }
0xcb: {  	[sflag:s15] =	ssyncadd.s32 $0xFFFFE0C0  }
0xcc: {  	_ =	swait.ge [sflag:s19], $0x1F40  }
0xcd: {  	[sflag:s19] =	ssyncset.done $0x0  }
0xce: {  	[sflag:s19] =	ssyncadd.s32 $0xFFFFE0C0  }
0xcf: {  	_ =	swait.ge [sflag:s22], $0x1F40  }
0xd0: {  	[sflag:s22] =	ssyncset.done $0x0  }
0xd1: {  	[sflag:s22] =	ssyncadd.s32 $0xFFFFE0C0  }
0xd2: {  	_ =	swait.ge [sflag:s1], $0x1F40  }
0xd3: {  	[sflag:s1] =	ssyncset.done $0x0  }
0xd4: {  	[sflag:s1] =	ssyncadd.s32 $0xFFFFE0C0  }
0xd5: {  	[bflag:$0x0] =	sbarrier.arrive $0xFFFF  }
0xd6: {  	[tilespmem:s26], [sflag:$0x9] =	stream.linear.gather [spmem:s6], $0x2000, $0x38;
	[tilespmem:$0x1DD00] =	vst v63  }
0xd7: {  	_ =	swait.ge [sflag:s25], $0x2000  }
0xd8: {  	[sflag:s25] =	ssyncset.done $0x0  }
0xd9: {  	s14 =	simm.s32 $0x0;
	s16 =	rddreg [dreg:$0x6];
	[sflag:s25] =	ssyncadd.s32 $0xFFFFE000  }
0xda: {  	[hbm4b:s16+s14] =	stream.linear.scatter [tilespmem:s26], [sflag:$0x9], $0x2000, $0x38;
	[tilespmem:$0x1DD00] =	vst v63  }
0xdb: {  	_ =	swait.ge [sflag:s25], $0x2000  }
0xdc: {  	[sflag:s25] =	ssyncset.done $0x0  }
0xdd: {  	[sflag:s25] =	ssyncadd.s32 $0xFFFFE000  }
0xde: {  	[tilespmem:s26], [sflag:$0x9] =	stream.linear.gather [spmem:s9], $0x2000, $0x38;
	[tilespmem:$0x1DD00] =	vst v63  }
0xdf: {  	_ =	swait.ge [sflag:s25], $0x2000  }
0xe0: {  	[sflag:s25] =	ssyncset.done $0x0  }
0xe1: {  	s18 =	rddreg [dreg:$0x7];
	[sflag:s25] =	ssyncadd.s32 $0xFFFFE000  }
0xe2: {  	[hbm4b:s18+s14] =	stream.linear.scatter [tilespmem:s26], [sflag:$0x9], $0x2000, $0x38;
	[tilespmem:$0x1DD00] =	vst v63  }
0xe3: {  	_ =	swait.ge [sflag:s25], $0x2000  }
0xe4: {  	[sflag:s25] =	ssyncset.done $0x0  }
0xe5: {  	[sflag:s25] =	ssyncadd.s32 $0xFFFFE000  }
0xe6: {  	[tilespmem:s26], [sflag:$0x9] =	stream.linear.gather [spmem:s10], $0x2000, $0x38;
	[tilespmem:$0x1DD00] =	vst v63  }
0xe7: {  	_ =	swait.ge [sflag:s25], $0x2000  }
0xe8: {  	[sflag:s25] =	ssyncset.done $0x0  }
0xe9: {  	s20 =	rddreg [dreg:$0x8];
	[sflag:s25] =	ssyncadd.s32 $0xFFFFE000  }
0xea: {  	[hbm4b:s20+s14] =	stream.linear.scatter [tilespmem:s26], [sflag:$0x9], $0x2000, $0x38;
	[tilespmem:$0x1DD00] =	vst v63  }
0xeb: {  	_ =	swait.ge [sflag:s25], $0x2000  }
0xec: {  	[sflag:s25] =	ssyncset.done $0x0  }
0xed: {  	[sflag:s25] =	ssyncadd.s32 $0xFFFFE000  }
0xee: {  	[tilespmem:s26], [sflag:$0x9] =	stream.linear.gather [spmem:s11], $0x2000, $0x38;
	[tilespmem:$0x1DD00] =	vst v63  }
0xef: {  	_ =	swait.ge [sflag:s25], $0x2000  }
0xf0: {  	[sflag:s25] =	ssyncset.done $0x0  }
0xf1: {  	s23 =	rddreg [dreg:$0x9];
	[sflag:s25] =	ssyncadd.s32 $0xFFFFE000  }
0xf2: {  	[hbm4b:s23+s14] =	stream.linear.scatter [tilespmem:s26], [sflag:$0x9], $0x2000, $0x38;
	[tilespmem:$0x1DD00] =	vst v63  }
0xf3: {  	_ =	swait.ge [sflag:s25], $0x2000  }
0xf4: {  	[sflag:s25] =	ssyncset.done $0x0  }
0xf5: {  	[sflag:s25] =	ssyncadd.s32 $0xFFFFE000  }
0xf6: {  	[tilespmem:s26], [sflag:$0x9] =	stream.linear.gather [spmem:s12], $0x2000, $0x38;
	[tilespmem:$0x1DD00] =	vst v63  }
0xf7: {  	_ =	swait.ge [sflag:s25], $0x2000  }
0xf8: {  	[sflag:s25] =	ssyncset.done $0x0  }
0xf9: {  	s30 =	rddreg [dreg:$0xd];
	[sflag:s25] =	ssyncadd.s32 $0xFFFFE000  }
0xfa: {  	[hbm4b:s30+s14] =	stream.linear.scatter [tilespmem:s26], [sflag:$0x9], $0x2000, $0x38;
	[tilespmem:$0x1DD00] =	vst v63  }
0xfb: {  	_ =	swait.ge [sflag:s25], $0x2000  }
0xfc: {  	[sflag:s25] =	ssyncset.done $0x0  }
0xfd: {  	s16 =	simm.s32 $0x100;
	s14 =	simm.s32 $0x0;
	[sflag:s25] =	ssyncadd.s32 $0xFFFFE000  }
.LBB2_7:
0xfe: {  	p0 =	sne.s32 s16, $0x7F00;
	[tilespmem:s14+$0x11D30] =	vst v0;
	s18 =	smov.u32 s16;
	s16 =	sadd.s32 $0x100, s16  }
.Ltmp5:
0xff: {  	[tilespmem:s14+$0x11D20] =	vst v0;
	(pc) =	sbr.rel @p0 .LBB2_7-.Ltmp5, $3  }
0x100: {  	[tilespmem:s14+$0x11D00] =	vst v0  }
0x101: {  	[tilespmem:s14+$0x11D10] =	vst v0;
	_ =	sdelay $0x1  }
0x102: {  	s14 =	sshra.s32 s18, $0x2  }
0x103: {  	[tilespmem:s14+$0x11D30] =	vst v0  }
0x104: {  	[tilespmem:s14+$0x11D20] =	vst v0  }
0x105: {  	[tilespmem:s14+$0x11D00] =	vst v0  }
0x106: {  	[tilespmem:s14+$0x11D10] =	vst v0  }
0x107: {  	[spmem:s6] =	stream.linear.scatter [tilespmem:s26], [sflag:$0x9], $0x2000, $0x38;
	[tilespmem:$0x1DD00] =	vst v63  }
0x108: {  	_ =	swait.ge [sflag:s25], $0x2000  }
0x109: {  	[sflag:s25] =	ssyncset.done $0x0  }
0x10a: {  	[sflag:s25] =	ssyncadd.s32 $0xFFFFE000  }
0x10b: {  	[spmem:s9] =	stream.linear.scatter [tilespmem:s26], [sflag:$0x9], $0x2000, $0x38;
	[tilespmem:$0x1DD00] =	vst v63  }
0x10c: {  	_ =	swait.ge [sflag:s25], $0x2000  }
0x10d: {  	[sflag:s25] =	ssyncset.done $0x0  }
0x10e: {  	[sflag:s25] =	ssyncadd.s32 $0xFFFFE000  }
0x10f: {  	[spmem:s10] =	stream.linear.scatter [tilespmem:s26], [sflag:$0x9], $0x2000, $0x38;
	[tilespmem:$0x1DD00] =	vst v63  }
0x110: {  	_ =	swait.ge [sflag:s25], $0x2000  }
0x111: {  	[sflag:s25] =	ssyncset.done $0x0  }
0x112: {  	[sflag:s25] =	ssyncadd.s32 $0xFFFFE000  }
0x113: {  	[spmem:s11] =	stream.linear.scatter [tilespmem:s26], [sflag:$0x9], $0x2000, $0x38;
	[tilespmem:$0x1DD00] =	vst v63  }
0x114: {  	_ =	swait.ge [sflag:s25], $0x2000  }
0x115: {  	[sflag:s25] =	ssyncset.done $0x0  }
0x116: {  	[sflag:s25] =	ssyncadd.s32 $0xFFFFE000  }
0x117: {  	[spmem:s12] =	stream.linear.scatter [tilespmem:s26], [sflag:$0x9], $0x2000, $0x38;
	[tilespmem:$0x1DD00] =	vst v63  }
0x118: {  	_ =	swait.ge [sflag:s25], $0x2000  }
0x119: {  	[sflag:s25] =	ssyncset.done $0x0  }
0x11a: {  	s14 =	simm.s32 $0x0;
	s16 =	rddreg [dreg:$0x5];
	[sflag:s25] =	ssyncadd.s32 $0xFFFFE000  }
0x11b: {  	[tilespmem:s14], [sflag:$0x9] =	stream.linear.gather [hbm4b:s16+s14], $0x5000, $0x38;
	[tilespmem:$0x1DD00] =	vst v63  }
0x11c: {  	_ =	swait.ge [sflag:s25], $0x5000  }
0x11d: {  	[sflag:s25] =	ssyncset.done $0x0  }
0x11e: {  	[sflag:s25] =	ssyncadd.s32 $0xFFFFB000  }
0x11f: {  	[bflag:$0x0] =	sbarrier.arrive $0xFFFF  }
0x120: {  	[tilespmem:s29], [sflag:$0x1] =	stream.indirect.gather [hbm4b:s4+s28], $0x40, s14, s28, $0xb8;
	[tilespmem:$0x1DD00] =	vst v63  }
0x121: {  	s30 =	simm.s32 $0x80  }
0x122: {  	[tilespmem:s31], [sflag:$0x2] =	stream.indirect.gather [hbm4b:s4+s28], $0x40, s30, s28, $0xb8;
	[tilespmem:$0x1DD00] =	vst v63  }
0x123: {  	s18 =	simm.s32 $0x100  }
0x124: {  	[tilespmem:s0], [sflag:$0x3] =	stream.indirect.gather [hbm4b:s4+s28], $0x40, s18, s28, $0xb8;
	[tilespmem:$0x1DD00] =	vst v63  }
0x125: {  	_ =	swait.ge [sflag:s5], $0x1F40  }
0x126: {  	[sflag:s5] =	ssyncset.done $0x0  }
0x127: {  	[sflag:s5] =	ssyncadd.s32 $0xFFFFE0C0  }
0x128: {  	[spmem:s2] =	stream.indirect.scatter.add.f32 [tilespmem:s29], [sflag:$0x5], $0x40, s24, s28, $0xb8;
	[tilespmem:$0x1DD00] =	vst v63  }
0x129: {  	s20 =	simm.s32 $0x180  }
0x12a: {  	[tilespmem:s8], [sflag:$0x4] =	stream.indirect.gather [hbm4b:s4+s28], $0x40, s20, s28, $0xb8;
	[tilespmem:$0x1DD00] =	vst v63  }
0x12b: {  	_ =	swait.ge [sflag:s13], $0x1F40  }
0x12c: {  	[sflag:s13] =	ssyncset.done $0x0  }
0x12d: {  	s23 =	simm.s32 $0x5080;
	[sflag:s13] =	ssyncadd.s32 $0xFFFFE0C0  }
0x12e: {  	[spmem:s2] =	stream.indirect.scatter.add.f32 [tilespmem:s31], [sflag:$0x6], $0x40, s23, s28, $0xb8;
	[tilespmem:$0x1DD00] =	vst v63  }
0x12f: {  	_ =	swait.ge [sflag:s15], $0x1F40  }
0x130: {  	[sflag:s15] =	ssyncset.done $0x0  }
0x131: {  	s30 =	simm.s32 $0x200;
	[sflag:s15] =	ssyncadd.s32 $0xFFFFE0C0  }
0x132: {  	[tilespmem:s29], [sflag:$0x1] =	stream.indirect.gather [hbm4b:s4+s28], $0x40, s30, s28, $0xb8;
	[tilespmem:$0x1DD00] =	vst v63  }
0x133: {  	_ =	swait.ge [sflag:s17], $0x1F40  }
0x134: {  	[sflag:s17] =	ssyncset.done $0x0  }
0x135: {  	s18 =	simm.s32 $0x5100;
	[sflag:s17] =	ssyncadd.s32 $0xFFFFE0C0  }
0x136: {  	[spmem:s2] =	stream.indirect.scatter.add.f32 [tilespmem:s0], [sflag:$0x7], $0x40, s18, s28, $0xb8;
	[tilespmem:$0x1DD00] =	vst v63  }
0x137: {  	_ =	swait.ge [sflag:s19], $0x1F40  }
0x138: {  	[sflag:s19] =	ssyncset.done $0x0  }
0x139: {  	s20 =	simm.s32 $0x280;
	[sflag:s19] =	ssyncadd.s32 $0xFFFFE0C0  }
0x13a: {  	[tilespmem:s31], [sflag:$0x2] =	stream.indirect.gather [hbm4b:s4+s28], $0x40, s20, s28, $0xb8;
	[tilespmem:$0x1DD00] =	vst v63  }
0x13b: {  	_ =	swait.ge [sflag:s21], $0x1F40  }
0x13c: {  	[sflag:s21] =	ssyncset.done $0x0  }
0x13d: {  	s23 =	simm.s32 $0x5180;
	[sflag:s21] =	ssyncadd.s32 $0xFFFFE0C0  }
0x13e: {  	[spmem:s2] =	stream.indirect.scatter.add.f32 [tilespmem:s8], [sflag:$0x8], $0x40, s23, s28, $0xb8;
	[tilespmem:$0x1DD00] =	vst v63  }
0x13f: {  	_ =	swait.ge [sflag:s22], $0x1F40  }
0x140: {  	[sflag:s22] =	ssyncset.done $0x0  }
0x141: {  	s30 =	simm.s32 $0x300;
	[sflag:s22] =	ssyncadd.s32 $0xFFFFE0C0  }
0x142: {  	[tilespmem:s0], [sflag:$0x3] =	stream.indirect.gather [hbm4b:s4+s28], $0x40, s30, s28, $0xb8;
	[tilespmem:$0x1DD00] =	vst v63  }
.LBB2_9:
0x143: {  	_ =	swait.ge [sflag:s5], $0x1F40  }
0x144: {  	s16 =	sshra.s32 s14, $0x2;
	[sflag:s5] =	ssyncset.done $0x0  }
0x145: {  	s18 =	sadd.s32 $0x5200, s16;
	[sflag:s5] =	ssyncadd.s32 $0xFFFFE0C0  }
0x146: {  	[spmem:s2] =	stream.indirect.scatter.add.f32 [tilespmem:s29], [sflag:$0x5], $0x40, s18, s28, $0xb8;
	[tilespmem:$0x1DD00] =	vst v63  }
0x147: {  	_ =	swait.ge [sflag:s1], $0x1F40  }
0x148: {  	[sflag:s1] =	ssyncset.done $0x0  }
0x149: {  	s20 =	sadd.s32 $0x380, s16;
	[sflag:s1] =	ssyncadd.s32 $0xFFFFE0C0  }
0x14a: {  	[tilespmem:s8], [sflag:$0x4] =	stream.indirect.gather [hbm4b:s4+s28], $0x40, s20, s28, $0xb8;
	[tilespmem:$0x1DD00] =	vst v63  }
0x14b: {  	_ =	swait.ge [sflag:s13], $0x1F40  }
0x14c: {  	p0 =	seq.s32 s14, $0x13000;
	[sflag:s13] =	ssyncset.done $0x0  }
0x14d: {  	s23 =	sadd.s32 $0x5280, s16;
	s18 =	simm.s32 @p0 $0x3;
	[sflag:s13] =	ssyncadd.s32 $0xFFFFE0C0  }
0x14e: {  	[spmem:s2] =	stream.indirect.scatter.add.f32 [tilespmem:s31], [sflag:$0x6], $0x40, s23, s28, $0xb8;
	[tilespmem:$0x1DD00] =	vst v63  }
0x14f: {  	_ =	swait.ge @p0 [sflag:s18], $0x1F40  }
0x150: {  	[sflag:s18] =	ssyncset.done @p0 $0x0  }
0x151: {  	[sflag:s18] =	ssyncadd.s32 @p0 $0xFFFFE0C0;
	s18 =	sshra.s32 @p0 s14, $0x2  }
0x152: {  	s20 =	simm.s32 @p0 $0x7D;
	s23 =	simm.s32 @p0 $0xDE80;
	s18 =	sadd.s32 @p0 $0x5300, s18  }
0x153: {  	[spmem:s2] =	stream.indirect.scatter.add.f32 @p0 [tilespmem:s23], [sflag:$0x7], $0x40, s18, s20, $0xb8;
	[tilespmem:$0x1DD00] =	vst v63  }
0x154: {  	s18 =	simm.s32 @!p0 $0x5  }
0x155: {  	_ =	swait.ge @!p0 [sflag:s18], $0x1F40  }
0x156: {  	[sflag:s18] =	ssyncset.done @!p0 $0x0  }
0x157: {  	[sflag:s18] =	ssyncadd.s32 @!p0 $0xFFFFE0C0;
	s18 =	sshra.s32 @!p0 s14, $0x2  }
0x158: {  	s30 =	simm.s32 @!p0 $0xA000;
	s23 =	simm.s32 @!p0 $0x7D;
	s20 =	sadd.s32 @!p0 $0x400, s18  }
0x159: {  	[tilespmem:s30], [sflag:$0x1] =	stream.indirect.gather @!p0 [hbm4b:s4+s23], $0x40, s20, s23, $0xb8;
	[tilespmem:$0x1DD00] =	vst v63  }
0x15a: {  	s20 =	simm.s32 @!p0 $0x3  }
0x15b: {  	_ =	swait.ge @!p0 [sflag:s20], $0x1F40  }
0x15c: {  	[sflag:s20] =	ssyncset.done @!p0 $0x0  }
0x15d: {  	s30 =	simm.s32 @!p0 $0xDE80;
	[sflag:s20] =	ssyncadd.s32 @!p0 $0xFFFFE0C0;
	s20 =	sadd.s32 @!p0 $0x5300, s18  }
0x15e: {  	[spmem:s2] =	stream.indirect.scatter.add.f32 @!p0 [tilespmem:s30], [sflag:$0x7], $0x40, s20, s23, $0xb8;
	[tilespmem:$0x1DD00] =	vst v63  }
0x15f: {  	s20 =	simm.s32 @!p0 $0x6  }
0x160: {  	_ =	swait.ge @!p0 [sflag:s20], $0x1F40  }
0x161: {  	[sflag:s20] =	ssyncset.done @!p0 $0x0  }
0x162: {  	s18 =	sadd.s32 @!p0 $0x480, s18;
	[sflag:s20] =	ssyncadd.s32 @!p0 $0xFFFFE0C0;
	s20 =	simm.s32 @!p0 $0xBF40  }
0x163: {  	[tilespmem:s20], [sflag:$0x2] =	stream.indirect.gather @!p0 [hbm4b:s4+s23], $0x40, s18, s23, $0xb8;
	[tilespmem:$0x1DD00] =	vst v63  }
.Ltmp6:
0x164: {  	_ = 	snop;
	(pc) =	sbr.rel @p0 .LBB2_11-.Ltmp6, $4  }
0x165: {  	_ =	swait.ge [sflag:s21], $0x1F40  }
0x166: {  	[sflag:s21] =	ssyncset.done $0x0  }
0x167: {  	s30 =	sadd.s32 $0x5380, s16;
	[sflag:s21] =	ssyncadd.s32 $0xFFFFE0C0  }
0x168: {  	[spmem:s2] =	stream.indirect.scatter.add.f32 [tilespmem:s8], [sflag:$0x8], $0x40, s30, s28, $0xb8;
	[tilespmem:$0x1DD00] =	vst v63  }
.Ltmp7:
0x169: {  	(pc) =	sbr.rel .LBB2_9-.Ltmp7, $4  }
0x16a: {  	_ =	swait.ge [sflag:s22], $0x1F40  }
0x16b: {  	[sflag:s22] =	ssyncset.done $0x0  }
0x16c: {  	s16 =	sadd.s32 $0x500, s16;
	s14 =	sadd.s32 $0x800, s14;
	[sflag:s22] =	ssyncadd.s32 $0xFFFFE0C0  }
0x16d: {  	[tilespmem:s0], [sflag:$0x3] =	stream.indirect.gather [hbm4b:s4+s28], $0x40, s16, s28, $0xb8;
	[tilespmem:$0x1DD00] =	vst v63  }
.LBB2_12:
0x16e: {  	_ =	sfence.sel $0x180000  }
0x16f: {  	[bflag:$0x0] =	sbarrier.arrive $0xFFFF  }
0x170: {  	_ =	strace $0x90000050  }
0x171: {  	s0 =	stileid.u32;
	[bflag:$0x2] =	sbarrier.arrive $0xFFFF  }
0x172: {  	p0 =	sne.s32 s0, $0x0;
	s0 =	rddreg [dreg:$0x2]  }
0x173: {  	s0 =	sadd.s32 @!p0 $0x100000, s0  }
0x174: {  	[sflag:s0] =	ssyncadd.tile.s32 @!p0 $0x1;
	_ =	shalt  }
.Lfunc_end2:
_tile_overlayer_lowered:
.L_overlay_start_2:
0x175: {  	(tag) =	ssettag $0x2  }
0x176: {  	s0 =	rddreg [dreg:$0x0];
	s2 =	stileid.u32  }
0x177: {  	s1 =	rddreg [dreg:$0x1];
	p0 =	sne.s32 s2, $0x0  }
0x178: {  	s3 =	rddreg [dreg:$0x2];
	[bflag:$0x3] =	sbarrier.arrive $0xFFFF;
	s2 =	simm.s32 @!p0 $0x1C09  }
0x179: {  	[timem:s3], [sflag:s2] =	dma.local @!p0 [hbm:s0], s1  }
0x17a: {  	s0 =	simm.s32 @!p0 $0x9  }
0x17b: {  	_ =	swait.ge @!p0 [sflag:s0], s1  }
0x17c: {  	s1 =	ssub.s32 @!p0 $0x0, s1;
	[sflag:s0] =	ssyncset.done @!p0 $0x0  }
0x17d: {  	[sflag:s0] =	ssyncadd.s32 @!p0 s1  }
0x17e: {  	[bflag:$0x3] =	sbarrier.arrive $0xFFFF  }
0x17f: {  	_ =	shalt  }

// kernel: kernel.23.cloned.1.call-start
scs
__scs_entry_jumppad:
0x0: {  	(pc) =	sbr.rel $0x88, $3  }
0x1: {  	(tag) =	ssettag $0x0;
	lr =	simm.s32 $0x1  }
0x2: {  	[smem:$0x3F92] =	sst lr;
	_ =	strace $0xD0000000  }
0x3: {  	_ = 	snop  }
0x4: {  	_ = 	snop  }
0x5: {  	_ = 	snop  }
0x6: {  	_ = 	snop  }
0x7: {  	_ = 	snop  }
__scs_overlays_trampoline_lowered:
0x8: {  	[smem:$0x3FA1] =	sst s0  }
0x9: {  	[smem:$0x3FA2] =	sst s1  }
0xa: {  	[smem:$0x3FA3] =	sst s2  }
0xb: {  	[smem:$0x3FA4] =	sst s3  }
0xc: {  	[smem:$0x3FA5] =	sst s4  }
0xd: {  	[smem:$0x3FA6] =	sst s5  }
0xe: {  	[smem:$0x3FA7] =	sst s6  }
0xf: {  	[smem:$0x3FA8] =	sst s7  }
0x10: {  	[smem:$0x3FA9] =	sst s8  }
0x11: {  	[smem:$0x3FAA] =	sst s9;
	s0 =	simm.s32 @!p0 $0x0  }
0x12: {  	s1 =	sld [smem:$0x3F90];
	s0 =	simm.s32 @p0 $0x1  }
0x13: {  	[smem:$0x3FAB] =	sst s0;
	s0 =	simm.s32 @!p1 $0x0  }
0x14: {  	s2 =	sld [smem:$0x3F8F];
	s0 =	simm.s32 @p1 $0x1  }
0x15: {  	[smem:$0x3FAC] =	sst s0;
	s0 =	simm.s32 @!p2 $0x0  }
0x16: {  	s3 =	sld [smem:$0x3FDB];
	s0 =	simm.s32 @p2 $0x1  }
0x17: {  	s4 =	simm.s32 $0x1BF5;
	[smem:$0x3FAE] =	sst s0  }
0x18: {  	s0 =	sld [smem:$0x3F91];
	_ =	swait.ge [sflag:s4], $0x0  }
0x19: {  	s7 =	sld [smem:$0x3F92]  }
0x1a: {  	s8 =	sadd.s32 $0xFFFFE003, lr  }
0x1b: {  	s9 =	sadd.s32 $0xFFFFFEF7, lr;
	s5 =	simm.s32 $0xFFFFFFFF;
	p2 =	slt.u32 s8, $0xFFFFF086  }
0x1c: {  	p1 =	slt.u32 s9, $0xF7A;
	s5 =	simm.s32 @!p2 $0x0  }
0x1d: {  	s5 =	simm.s32 @p1 $0x1;
	p0 =	seq.s32 s7, s2  }
0x1e: {  	s7 =	smul.u32 @!p0 $0xF7A, s2;
	p2 =	seq.s32 @!p0 s5, $0x0  }
0x1f: {  	s9 =	smul.u32 $0xF7A, s1;
	s8 =	simm.s32 @!p0 $0x1BF5;
	p2 =	por !p2, p0  }
0x20: {  	[sflag:s8] =	ssyncset.s32 @!p0 $0xFFFFF086;
	s6 =	sadd.s32 @!p0 s3, s7;
	s7 =	simm.s32 @!p0 $0x108  }
0x21: {  	s3 =	sadd.s32 s3, s9;
	s6 =	sadd.s32 @!p0 $0x88, s6;
	s7 =	simm.s32 @p2 $0x1082  }
0x22: {  	[simem:s7], [sflag:s8] =	dma.local @!p0 [hbm:s6], $0xF7A  }
0x23: {  	s9 =	sor.u32 $0xD0000000, s2;
	s6 =	simm.s32 $0x108;
	_ =	swait.ge @!p0 [sflag:s8], $0x0  }
0x24: {  	s3 =	sadd.s32 $0x88, s3;
	s6 =	simm.s32 @!p1 $0x1082;
	[sflag:s4] =	ssyncset.s32 $0xFFFFF086  }
0x25: {  	[simem:s6], [sflag:s4] =	dma.local [hbm:s3], $0xF7A  }
0x26: {  	[smem:$0x3F92] =	sst s1;
	(tag) =	ssettag s2;
	_ =	strace s9  }
0x27: {  	s1 =	sld [smem:$0x3FA2]  }
0x28: {  	s2 =	sld [smem:$0x3FA3]  }
0x29: {  	s4 =	sld [smem:$0x3FA5]  }
0x2a: {  	p0 =	seq.s32 s5, $0x0;
	s5 =	sld [smem:$0x3FA6]  }
0x2b: {  	s6 =	sld [smem:$0x3FA7]  }
0x2c: {  	s7 =	sld [smem:$0x3FA8]  }
0x2d: {  	s3 =	simm.s32 $0x108;
	s8 =	sld [smem:$0x3FA9]  }
0x2e: {  	s3 =	simm.s32 @!p0 $0x1082;
	s9 =	sld [smem:$0x3FAA]  }
0x2f: {  	lr =	sadd.s32 s0, s3;
	s0 =	sld [smem:$0x3FA1]  }
0x30: {  	s3 =	sld [smem:$0x3FA4]  }
0x31: {  	[smem:$0x3FAD] =	sst s10  }
0x32: {  	s10 =	sld [smem:$0x3FAB];
	_ =	sdelay $0x3  }
0x33: {  	p0 =	seq.s32 s10, $0x1;
	s10 =	sld [smem:$0x3FAD];
	_ =	sdelay $0x3  }
0x34: {  	[smem:$0x3FAD] =	sst s10  }
0x35: {  	s10 =	sld [smem:$0x3FAC];
	_ =	sdelay $0x3  }
0x36: {  	p1 =	seq.s32 s10, $0x1;
	s10 =	sld [smem:$0x3FAD];
	_ =	sdelay $0x3  }
0x37: {  	[smem:$0x3FAD] =	sst s10  }
0x38: {  	s10 =	sld [smem:$0x3FAE]  }
0x39: {  	_ = 	snop;
	(pc) =	sbr.ind lr, $3  }
0x3a: {  	_ = 	snop  }
0x3b: {  	_ = 	snop  }
0x3c: {  	p2 =	seq.s32 s10, $0x1;
	s10 =	sld [smem:$0x3FAD]  }
0x3d: {  	_ =	shalt  }
0x3e: {  	_ =	shalt  }
0x3f: {  	_ =	shalt  }
0x40: {  	_ =	shalt  }
0x41: {  	_ =	shalt  }
0x42: {  	_ =	shalt  }
0x43: {  	_ =	shalt  }
0x44: {  	_ =	shalt  }
0x45: {  	_ =	shalt  }
0x46: {  	_ =	shalt  }
0x47: {  	_ =	shalt  }
0x48: {  	_ =	shalt  }
0x49: {  	_ =	shalt  }
0x4a: {  	_ =	shalt  }
0x4b: {  	_ =	shalt  }
0x4c: {  	_ =	shalt  }
0x4d: {  	_ =	shalt  }
0x4e: {  	_ =	shalt  }
0x4f: {  	_ =	shalt  }
0x50: {  	_ =	shalt  }
0x51: {  	_ =	shalt  }
0x52: {  	_ =	shalt  }
0x53: {  	_ =	shalt  }
0x54: {  	_ =	shalt  }
0x55: {  	_ =	shalt  }
0x56: {  	_ =	shalt  }
0x57: {  	_ =	shalt  }
0x58: {  	_ =	shalt  }
0x59: {  	_ =	shalt  }
0x5a: {  	_ =	shalt  }
0x5b: {  	_ =	shalt  }
0x5c: {  	_ =	shalt  }
0x5d: {  	_ =	shalt  }
0x5e: {  	_ =	shalt  }
0x5f: {  	_ =	shalt  }
0x60: {  	_ =	shalt  }
0x61: {  	_ =	shalt  }
0x62: {  	_ =	shalt  }
0x63: {  	_ =	shalt  }
0x64: {  	_ =	shalt  }
0x65: {  	_ =	shalt  }
0x66: {  	_ =	shalt  }
0x67: {  	_ =	shalt  }
0x68: {  	_ =	shalt  }
0x69: {  	_ =	shalt  }
0x6a: {  	_ =	shalt  }
0x6b: {  	_ =	shalt  }
0x6c: {  	_ =	shalt  }
0x6d: {  	_ =	shalt  }
0x6e: {  	_ =	shalt  }
0x6f: {  	_ =	shalt  }
0x70: {  	_ =	shalt  }
0x71: {  	_ =	shalt  }
0x72: {  	_ =	shalt  }
0x73: {  	_ =	shalt  }
0x74: {  	_ =	shalt  }
0x75: {  	_ =	shalt  }
0x76: {  	_ =	shalt  }
0x77: {  	_ =	shalt  }
0x78: {  	_ =	shalt  }
0x79: {  	_ =	shalt  }
0x7a: {  	_ =	shalt  }
0x7b: {  	_ =	shalt  }
0x7c: {  	_ =	shalt  }
0x7d: {  	_ =	shalt  }
0x7e: {  	_ =	shalt  }
0x7f: {  	_ =	shalt  }
0x80: {  	_ =	shalt  }
0x81: {  	_ =	shalt  }
0x82: {  	_ =	shalt  }
0x83: {  	_ =	shalt  }
0x84: {  	_ =	shalt  }
0x85: {  	_ =	shalt  }
0x86: {  	_ =	shalt  }
0x87: {  	_ =	shalt  }
.Lfunc_end0:
.L_simem_size_0:
called_computation.4_lowered:
.L_overlay_start_0:
0x88: {  	s2 =	sld [smem:$0x3FD9]  }
0x89: {  	s3 =	sld [smem:$0x3FFE];
	_ =	sdelay $0x1  }
0x8a: {  	s1 =	srdreg.scid  }
0x8b: {  	s0 =	sand.u32 $0x1, s1  }
0x8c: {  	s17 =	sshll.u32 s0, $0xA;
	s2 =	sadd.s32 s3, s2  }
0x8d: {  	s2 =	sadd.s32 s2, s17  }
0x8e: {  	[smem:$0x3FB9] =	sst s2  }
0x8f: {  	_ = 	snop  }
0x90: {  	s2 =	sld [smem:$0x3FD0];
	(tm) =	ssettm $0x1  }
0x91: {  	s18 =	sld [smem:$0x3FFB];
	_ =	sdelay $0x3  }
0x92: {  	_ =	strace s18  }
0x93: {  	s3 =	sld [smem:$0x3FFC];
	_ =	sdelay $0x3  }
0x94: {  	_ =	strace s3  }
0x95: {  	s3 =	sld [smem:$0x3FFD];
	_ =	sdelay $0x3  }
0x96: {  	_ =	strace s3  }
0x97: {  	_ =	strace $0x8FFFFFFF  }
0x98: {  	s19 =	sld [smem:$0x3FDB];
	_ =	sdelay $0x1  }
0x99: {  	s4 =	simm.s32 $_scs_section_size  }
0x9a: {  	s5 =	simm.s32 $_size__tile_overlayer_lowered;
	s6 =	simm.s32 $_tile_overlayer_lowered  }
0x9b: {  	s22 =	simm.s32 $0x1BFF;
	s21 =	sshll.u32 s6, $0x1;
	s3 =	sadd.s32 s4, s19  }
0x9c: {  	s7 =	simm.s32 $0x0;
	s20 =	sshll.u32 s5, $0x1;
	s5 =	sadd.s32 s21, s3  }
0x9d: {  	[timem:s7], [sflag:s22] =	dma.local [hbm:s5], s20  }
0x9e: {  	_ =	swait.ge [sflag:s22], s20  }
0x9f: {  	s4 =	ssub.s32 $0x0, s20;
	[sflag:s22] =	ssyncset.done $0x0  }
0xa0: {  	[sflag:s22] =	ssyncadd.s32 s4;
	_ =	sdelay $0x1  }
0xa1: {  	s23 =	simm.s32 $0x1B8B  }
0xa2: {  	_ =	swait.ge [sflag:s23], $0x1  }
0xa3: {  	[sflag:s23] =	ssyncset.done $0x0  }
0xa4: {  	s25 =	simm.s32 $0x1B8E;
	s24 =	sld [smem:$0x3FFE];
	[sflag:s23] =	ssyncadd.s32 $0xFFFFFFFF  }
0xa5: {  	s26 =	simm.s32 $execute0_lowered;
	[smem:$0x3FD2] =	sst s25  }
0xa6: {  	s5 =	sshll.u32 s26, $0x1;
	_ =	strace $0x80000052;
	[dreg:$0x1] =	wrdreg $0xFFFFFFFF  }
0xa7: {  	s28 =	simm.s32 $_size_execute0_lowered;
	s3 =	sadd.s32 s3, s5;
	[dreg:$0x0] =	wrdreg $0x0  }
0xa8: {  	s5 =	sshll.u32 s28, $0x1;
	[dreg:$0x2] =	wrdreg s3  }
0xa9: {  	[dreg:$0x3] =	wrdreg s5  }
0xaa: {  	[dreg:$0x4] =	wrdreg $0xC0  }
0xab: {  	_ =	task [dreg:s7], $0x5FFFF  }
0xac: {  	[dreg:$0x1] =	wrdreg $0xFFFFFFFF  }
0xad: {  	[dreg:$0x0] =	wrdreg $0x60  }
0xae: {  	[dreg:$0x2] =	wrdreg s24  }
0xaf: {  	[dreg:$0x3] =	wrdreg s2  }
0xb0: {  	[dreg:$0x4] =	wrdreg $0x9  }
0xb1: {  	_ =	task.clear_ibuf [dreg:s7], $0x5FFFF;
	_ =	strace $0x90000052  }
0xb2: {  	s29 =	simm.s32 $0x9;
	_ =	strace $0x80000054  }
0xb3: {  	_ =	swait.ge [sflag:s29], $0x1  }
0xb4: {  	[sflag:s29] =	ssyncadd.s32 $0xFFFFFFFF  }
0xb5: {  	_ =	strace $0x90000054  }
0xb6: {  	_ =	sfence  }
0xb7: {  	s30 =	sld [smem:$0x0];
	_ =	sdelay $0x2  }
0xb8: {  	s31 =	sshll.u32 s1, $0xD;
	s1 =	sshrl.u32 s1, $0x2  }
0xb9: {  	s3 =	sand.u32 $0x4000, s31;
	s1 =	sadd.s32 s1, s30  }
0xba: {  	s0 =	sor.u32 s3, s0;
	s1 =	sshll.u32 s1, $0x11  }
0xbb: {  	s0 =	sor.u32 s1, s0  }
0xbc: {  	s0 =	sadd.s32 $0x8F2B, s0  }
0xbd: {  	[sflag:s0] =	ssyncadd.remote.s32 $0x1  }
0xbe: {  	_ =	sfence.sel $0xFFFF  }
0xbf: {  	[dreg:$0x0] =	wrdreg $0xFFFFFFFF;
	(pc) =	sbr.abs _section_cstart, $3  }
0xc0: {  	[dreg:$0x1] =	wrdreg $0xFFFFFFFF  }
0xc1: {  	_ =	task.clear_ibuf [dreg:s7], $0x2FFFF;
	_ =	strace $0x9FFFFFFF  }
0xc2: {  	(tm) =	ssettm $0x7FFFFFFF  }
0xc3: {  	_ =	shalt  }
tec
execute0_lowered:
.L_overlay_start_1:
0x0: {  	(tag) =	ssettag $0x1  }
0x1: {  	s6 =	rddreg [dreg:$0x0]  }
0x2: {  	s8 =	rddreg [dreg:$0x1]  }
0x3: {  	s0 =	rddreg [dreg:$0x2];
	s2 =	simm.s32 $0x0;
	s1 =	stileid.u32  }
0x4: {  	s7 =	srdreg.scid;
	s14 =	simm.s32 $0x520;
	s15 =	simm.s32 $0x2520  }
0x5: {  	s16 =	simm.s32 $0x4520;
	s17 =	simm.s32 $0x8520;
	s18 =	simm.s32 $0x0  }
0x6: {  	[smem:$0x7FF] =	sst s2;
	s3 =	smul.u32 $0x280, s1;
	s4 =	sadd.s32 $0xE9800, s6  }
0x7: {  	s5 =	sadd.s32 $0x49800, s6;
	s10 =	sand.u32 $0x1, s7;
	s11 =	sshll.u32 s1, $0xC  }
0x8: {  	_ =	strace $0x80000053;
	s12 =	ssub.s32 $0x2, s10;
	s11 =	sadd.s32 s11, s6  }
.Ltmp0:
0x9: {  	s31 =	sshll.u32 s10, $0x10;
	s9 =	sshrl.u32 s3, $0x3;
	(pc) =	sbr.rel .LBB2_1-.Ltmp0, $4  }
0xa: {  	s13 =	sshrl.u32 s12, $0x1;
	s11 =	sadd.s32 s31, s11;
	s30 =	sadd.s32 s9, s6  }
0xb: {  	s6 =	smul.u32 $0x5000, s10;
	s12 =	ssub.s32 s12, s13;
	s8 =	sadd.s32 s8, s9  }
0xc: {  	s10 =	smul.u32 $0x2800, s10;
	s11 =	sadd.s32 $0x17E00, s11;
	s13 =	simm.s32 $0x1  }
0xd: {  	v0 =	vimm.f32 $-Inf;
	s7 =	sadd.s32 $0x17800, s30;
	s12 =	smax.u32 s12, $0x1;
	s9 =	sadd.s32 $0x2800, s6  }
.LBB2_9:
0xe: {  	s18 =	sadd.s32 $0x1, s18  }
0xf: {  	p0 =	sne.s32 s18, s12  }
.Ltmp1:
0x10: {  	_ = 	snop;
	(pc) =	sbr.rel @!p0 .LBB2_10-.Ltmp1, $4  }
0x11: {  	[hbm4b:s11+s2] =	stream.linear.scatter [tilespmem:s17], [sflag:$0x1], $0x8000, $0x38;
	[tilespmem:$0x10520] =	vst v63  }
0x12: {  	_ =	swait.ge [sflag:s13], $0x8000  }
0x13: {  	[sflag:s13] =	ssyncset.done $0x0  }
0x14: {  	[sflag:s13] =	ssyncadd.s32 $0xFFFF8000  }
.LBB2_1:
0x15: {  	s19 =	simm.s32 $0x0;
	s20 =	simm.s32 $0x200  }
.LBB2_2:
0x16: {  	p0 =	sne.s32 s20, $0x1FE00;
	[tilespmem:s19+$0x8590] =	vst v0  }
0x17: {  	[tilespmem:s19+$0x8520] =	vst v0  }
0x18: {  	[tilespmem:s19+$0x8530] =	vst v0  }
.Ltmp2:
0x19: {  	[tilespmem:s19+$0x8540] =	vst v0;
	(pc) =	sbr.rel @p0 .LBB2_2-.Ltmp2, $4  }
0x1a: {  	[tilespmem:s19+$0x8550] =	vst v0  }
0x1b: {  	[tilespmem:s19+$0x8560] =	vst v0  }
0x1c: {  	[tilespmem:s19+$0x8570] =	vst v0  }
0x1d: {  	[tilespmem:s19+$0x8580] =	vst v0;
	s19 =	sshra.s32 s20, $0x2;
	s20 =	sadd.s32 $0x200, s20  }
0x1e: {  	[tilespmem:s19+$0x8590] =	vst v0  }
0x1f: {  	[tilespmem:s19+$0x8520] =	vst v0  }
0x20: {  	[tilespmem:s19+$0x8530] =	vst v0  }
0x21: {  	[tilespmem:s19+$0x8540] =	vst v0  }
0x22: {  	[tilespmem:s19+$0x8550] =	vst v0  }
0x23: {  	[tilespmem:s19+$0x8560] =	vst v0  }
0x24: {  	[tilespmem:s19+$0x8570] =	vst v0  }
0x25: {  	[tilespmem:s19+$0x8580] =	vst v0;
	s19 =	simm.s32 $0x0  }
0x26: {  	[tilespmem:s19], [sflag:$0x1] =	stream.linear.gather [hbm4b:s7+s19], $0x280, $0x38;
	[tilespmem:$0x10520] =	vst v63  }
0x27: {  	_ =	swait.ge [sflag:s13], $0x280  }
0x28: {  	[sflag:s13] =	ssyncset.done $0x0  }
.Ltmp3:
0x29: {  	s20 =	simm.s32 $0x290;
	[sflag:s13] =	ssyncadd.s32 $0xFFFFFD80;
	(pc) =	sbr.rel .LBB2_4-.Ltmp3, $4  }
0x2a: {  	[tilespmem:s20], [sflag:$0x1] =	stream.linear.gather [hbm4b:s8+s19], $0x280, $0x38;
	[tilespmem:$0x10520] =	vst v63  }
0x2b: {  	_ =	swait.ge [sflag:s13], $0x280  }
0x2c: {  	s21 =	smov.u32 s3;
	[sflag:s13] =	ssyncset.done $0x0  }
0x2d: {  	s22 =	simm.s32 $0x0;
	s23 =	simm.s32 $0x0;
	[sflag:s13] =	ssyncadd.s32 $0xFFFFFD80  }
.LBB2_8:
0x2e: {  	s23 =	sadd.s32 $0x1, s23  }
0x2f: {  	p0 =	sne.s32 s23, $0x5  }
.Ltmp4:
0x30: {  	_ = 	snop;
	(pc) =	sbr.rel @!p0 .LBB2_9-.Ltmp4, $2  }
0x31: {  	_ =	sdelay $0x2  }
0x32: {  	s20 =	sadd.s32 $0x80, s20;
	s22 =	sadd.s32 $0x80, s22;
	s21 =	sadd.s32 $0x80, s21  }
.LBB2_4:
0x33: {  	s24 =	sshll.u32 s23, $0x7  }
0x34: {  	s24 =	sadd.s32 s3, s24  }
0x35: {  	s25 =	sadd.s32 s6, s24  }
0x36: {  	s25 =	sshll.u32 s25, $0x3  }
0x37: {  	s25 =	sadd.s32 s4, s25  }
0x38: {  	[tilespmem:s14], [sflag:$0x1] =	stream.linear.gather [hbm4b:s25+s19], $0x2000, $0x38;
	[tilespmem:$0x10520] =	vst v63  }
0x39: {  	s31 =	sadd.s32 s9, s24;
	_ =	swait.ge [sflag:s13], $0x2000  }
0x3a: {  	s25 =	sshll.u32 s31, $0x3;
	[sflag:s13] =	ssyncset.done $0x0  }
0x3b: {  	s25 =	sadd.s32 s4, s25;
	[sflag:s13] =	ssyncadd.s32 $0xFFFFE000  }
0x3c: {  	[tilespmem:s15], [sflag:$0x1] =	stream.linear.gather [hbm4b:s25+s19], $0x2000, $0x38;
	[tilespmem:$0x10520] =	vst v63  }
0x3d: {  	s24 =	sadd.s32 s10, s24;
	_ =	swait.ge [sflag:s13], $0x2000  }
0x3e: {  	s24 =	sshll.u32 s24, $0x4;
	[sflag:s13] =	ssyncset.done $0x0  }
.Ltmp5:
0x3f: {  	s24 =	sadd.s32 s5, s24;
	[sflag:s13] =	ssyncadd.s32 $0xFFFFE000;
	(pc) =	sbr.rel .LBB2_5-.Ltmp5, $4  }
0x40: {  	[tilespmem:s16], [sflag:$0x1] =	stream.linear.gather [hbm4b:s24+s19], $0x4000, $0x38;
	[tilespmem:$0x10520] =	vst v63  }
0x41: {  	s26 =	simm.s32 $0x540;
	_ =	swait.ge [sflag:s13], $0x4000  }
0x42: {  	s28 =	smov.u32 s21;
	s29 =	simm.s32 $0x0;
	[sflag:s13] =	ssyncset.done $0x0  }
0x43: {  	v1 =	vmov s22;
	s25 =	simm.s32 $0x2540;
	s24 =	simm.s32 $0x4560;
	[sflag:s13] =	ssyncadd.s32 $0xFFFFC000  }
.LBB2_7:
0x44: {  	s29 =	sadd.s32 $0x4, s29  }
0x45: {  	p0 =	sne.s32 s29, $0x200  }
.Ltmp6:
0x46: {  	_ = 	snop;
	(pc) =	sbr.rel @!p0 .LBB2_8-.Ltmp6, $3  }
0x47: {  	_ =	sdelay $0x1  }
0x48: {  	s24 =	sadd.s32 $0x80, s24  }
0x49: {  	s28 =	sadd.s32 $0x1, s28;
	s25 =	sadd.s32 $0x40, s25;
	s26 =	sadd.s32 $0x40, s26  }
.LBB2_5:
0x4a: {  	p0 =	sgt.u32 s28, $0x270F  }
.Ltmp7:
0x4b: {  	_ = 	snop;
	(pc) =	sbr.rel @p0 .LBB2_7-.Ltmp7, $1  }
0x4c: {  	_ =	sdelay $0x3  }
0x4d: {  	_ =	sdelay $0x2  }
0x4e: {  	s30 =	sshra.s32 s29, $0x2  }
0x4f: {  	v2 =	vld.idx.msk [tilespmem:v1+s30+$0x0 ss:$0x1], $0xffff;
	_ =	sdelay $0x4  }
0x50: {  	(v2sf) =	vpush v2, $0x0;
	_ =	sdelay $0xa  }
0x51: {  	s30 =	sadd.s32 s30, s20  }
0x52: {  	v3 =	vld.msk [tilespmem:s30+$0x0 ss:$0x0], $0xffff  }
0x53: {  	v2 =	vld [tilespmem:s26+$0xFFFFFFE0];
	_ =	sdelay $0x1  }
0x54: {  	v4 =	vld [tilespmem:s24+$0xFFFFFFC0];
	s31 =	spop (v2sf)  }
0x55: {  	s30 =	sshll.u32 s31, $0x9  }
0x56: {  	s30 =	sshra.s32 s30, $0x2  }
0x57: {  	v2 =	vmul.f32 v2, v3;
	v5 =	vld [tilespmem:s30+$0x8520];
	_ =	sdelay $0x1  }
0x58: {  	v2 =	vadd.f32 v4, v2;
	_ =	sdelay $0x1  }
0x59: {  	v2 =	vmax.f32 v2, $0.0e+00  }
0x5a: {  	v2 =	vmax.f32 v5, v2  }
0x5b: {  	[tilespmem:s30+$0x8520] =	vst v2  }
0x5c: {  	v2 =	vld [tilespmem:s26+$0xFFFFFFF0];
	_ =	sdelay $0x1  }
0x5d: {  	v51 =	vld [tilespmem:s24+$0xFFFFFFD0];
	_ =	sdelay $0x2  }
0x5e: {  	v52 =	vld [tilespmem:s30+$0x8530];
	v2 =	vmul.f32 v2, v3;
	_ =	sdelay $0x1  }
0x5f: {  	v2 =	vadd.f32 v51, v2;
	_ =	sdelay $0x1  }
0x60: {  	v2 =	vmax.f32 v2, $0.0e+00  }
0x61: {  	v2 =	vmax.f32 v52, v2  }
0x62: {  	[tilespmem:s30+$0x8530] =	vst v2  }
0x63: {  	v2 =	vld [tilespmem:s26+$0x0];
	_ =	sdelay $0x1  }
0x64: {  	v53 =	vld [tilespmem:s24+$0xFFFFFFE0];
	_ =	sdelay $0x2  }
0x65: {  	v54 =	vld [tilespmem:s30+$0x8540];
	v2 =	vmul.f32 v2, v3;
	_ =	sdelay $0x1  }
0x66: {  	v2 =	vadd.f32 v53, v2;
	_ =	sdelay $0x1  }
0x67: {  	v2 =	vmax.f32 v2, $0.0e+00  }
0x68: {  	v2 =	vmax.f32 v54, v2  }
0x69: {  	[tilespmem:s30+$0x8540] =	vst v2  }
0x6a: {  	v2 =	vld [tilespmem:s26+$0x10];
	_ =	sdelay $0x1  }
0x6b: {  	v55 =	vld [tilespmem:s24+$0xFFFFFFF0];
	_ =	sdelay $0x2  }
0x6c: {  	v56 =	vld [tilespmem:s30+$0x8550];
	v2 =	vmul.f32 v2, v3;
	_ =	sdelay $0x1  }
0x6d: {  	v2 =	vadd.f32 v55, v2;
	_ =	sdelay $0x1  }
0x6e: {  	v2 =	vmax.f32 v2, $0.0e+00  }
0x6f: {  	v2 =	vmax.f32 v56, v2  }
0x70: {  	[tilespmem:s30+$0x8550] =	vst v2  }
0x71: {  	v2 =	vld [tilespmem:s25+$0xFFFFFFE0];
	_ =	sdelay $0x1  }
0x72: {  	v57 =	vld [tilespmem:s24+$0x0];
	_ =	sdelay $0x2  }
0x73: {  	v58 =	vld [tilespmem:s30+$0x8560];
	v2 =	vmul.f32 v2, v3;
	_ =	sdelay $0x1  }
0x74: {  	v2 =	vadd.f32 v57, v2;
	_ =	sdelay $0x1  }
0x75: {  	v2 =	vmax.f32 v2, $0.0e+00  }
0x76: {  	v2 =	vmax.f32 v58, v2  }
0x77: {  	[tilespmem:s30+$0x8560] =	vst v2  }
0x78: {  	v2 =	vld [tilespmem:s25+$0xFFFFFFF0];
	_ =	sdelay $0x1  }
0x79: {  	v59 =	vld [tilespmem:s24+$0x10];
	_ =	sdelay $0x2  }
0x7a: {  	v60 =	vld [tilespmem:s30+$0x8570];
	v2 =	vmul.f32 v2, v3;
	_ =	sdelay $0x1  }
0x7b: {  	v2 =	vadd.f32 v59, v2;
	_ =	sdelay $0x1  }
0x7c: {  	v2 =	vmax.f32 v2, $0.0e+00  }
0x7d: {  	v2 =	vmax.f32 v60, v2  }
0x7e: {  	[tilespmem:s30+$0x8570] =	vst v2  }
0x7f: {  	v2 =	vld [tilespmem:s25+$0x0];
	_ =	sdelay $0x1  }
0x80: {  	v61 =	vld [tilespmem:s24+$0x20];
	_ =	sdelay $0x2  }
0x81: {  	v62 =	vld [tilespmem:s30+$0x8580];
	v2 =	vmul.f32 v2, v3;
	_ =	sdelay $0x1  }
0x82: {  	v2 =	vadd.f32 v61, v2;
	_ =	sdelay $0x1  }
0x83: {  	v2 =	vmax.f32 v2, $0.0e+00  }
0x84: {  	v2 =	vmax.f32 v62, v2  }
0x85: {  	[tilespmem:s30+$0x8580] =	vst v2  }
0x86: {  	v2 =	vld [tilespmem:s25+$0x10];
	_ =	sdelay $0x1  }
0x87: {  	v63 =	vld [tilespmem:s24+$0x30];
	_ =	sdelay $0x2  }
0x88: {  	v2 =	vmul.f32 v2, v3;
	v3 =	vld [tilespmem:s30+$0x8590];
	_ =	sdelay $0x1  }
.Ltmp8:
0x89: {  	v2 =	vadd.f32 v63, v2;
	(pc) =	sbr.rel .LBB2_7-.Ltmp8, $4  }
0x8a: {  	_ = 	snop  }
0x8b: {  	v2 =	vmax.f32 v2, $0.0e+00  }
0x8c: {  	v2 =	vmax.f32 v3, v2  }
0x8d: {  	[tilespmem:s30+$0x8590] =	vst v2  }
.LBB2_10:
0x8e: {  	_ =	sfence.sel $0x180000  }
0x8f: {  	[bflag:$0x0] =	sbarrier.arrive $0xFFFF  }
0x90: {  	p0 =	sne.s32 s1, $0x0;
	_ =	strace $0x90000053  }
0x91: {  	s0 =	sadd.s32 @!p0 $0x100000, s0;
	[bflag:$0x2] =	sbarrier.arrive $0xFFFF  }
0x92: {  	[sflag:s0] =	ssyncadd.tile.s32 @!p0 $0x1;
	_ =	shalt  }
.Lfunc_end2:
_tile_overlayer_lowered:
.L_overlay_start_2:
0x93: {  	(tag) =	ssettag $0x2  }
0x94: {  	s0 =	rddreg [dreg:$0x0];
	s2 =	stileid.u32  }
0x95: {  	s1 =	rddreg [dreg:$0x1];
	p0 =	sne.s32 s2, $0x0  }
0x96: {  	s3 =	rddreg [dreg:$0x2];
	[bflag:$0x3] =	sbarrier.arrive $0xFFFF;
	s2 =	simm.s32 @!p0 $0x1C01  }
0x97: {  	[timem:s3], [sflag:s2] =	dma.local @!p0 [hbm:s0], s1  }
0x98: {  	s0 =	simm.s32 @!p0 $0x1  }
0x99: {  	_ =	swait.ge @!p0 [sflag:s0], s1  }
0x9a: {  	s1 =	ssub.s32 @!p0 $0x0, s1;
	[sflag:s0] =	ssyncset.done @!p0 $0x0  }
0x9b: {  	[sflag:s0] =	ssyncadd.s32 @!p0 s1  }
0x9c: {  	[bflag:$0x3] =	sbarrier.arrive $0xFFFF  }
0x9d: {  	_ =	shalt  }

</sc_bundles>
